<compile_context>
chip_gen: v7x
topology: tpu7x:2x2x1
jax: 0.10.2.dev20260603
libtpu: 0.0.44.dev20260713+nightly
codegen_flags: <defaults>
</compile_context>

<pallas_src>
import functools
import jax
import jax.numpy as jnp
from jax import lax
from jax.experimental import pallas as pl
from jax.experimental.pallas import tpu as pltpu
from jax.experimental.pallas import tpu_sc as plsc

N = 10000
E = 320000
D = 128
D_OUT = 40

NC = 2
NS = 16
NW = NC * NS
EPW = E // NW
CHUNK = 80
NCHUNK = EPW // CHUNK
NPAD = 10240
RPT = NPAD // NS
WCHUNK = 80
DR = NPAD // D


@functools.lru_cache(maxsize=None)
def _sc_agg(with_deg: bool):
  mesh = plsc.VectorSubcoreMesh(core_axis_name="c", subcore_axis_name="s",
                                num_cores=NC, num_subcores=NS)

  out_type = jax.ShapeDtypeStruct((NC, NPAD, D), jnp.float32)
  scratch = [
      pltpu.VMEM((CHUNK,), jnp.int32),
      pltpu.VMEM((CHUNK,), jnp.int32),
      pltpu.VMEM((CHUNK,), jnp.int32),
      pltpu.VMEM((CHUNK,), jnp.int32),
      pltpu.VMEM((CHUNK,), jnp.int32),
      pltpu.VMEM((CHUNK,), jnp.int32),
      pltpu.VMEM((CHUNK, D), jnp.float32),
      pltpu.VMEM((CHUNK, D), jnp.float32),
      pltpu.VMEM((CHUNK, D), jnp.float32),
      pltpu.VMEM_SHARED((NPAD, D), jnp.float32),
      pltpu.SemaphoreType.DMA,
      pltpu.SemaphoreType.DMA,
      pltpu.SemaphoreType.DMA,
      pltpu.SemaphoreType.DMA,
      pltpu.SemaphoreType.DMA,
      pltpu.SemaphoreType.DMA,
  ]
  if with_deg:
    out_type = [out_type, jax.ShapeDtypeStruct((NC, DR, D), jnp.float32)]
    scratch.append(pltpu.VMEM((NPAD,), jnp.float32))
    scratch.append(pltpu.VMEM_SHARED((DR, D), jnp.float32))
    scratch.append(pltpu.VMEM((DR,), jnp.int32))

  @functools.partial(
      pl.kernel, out_type=out_type, mesh=mesh, scratch_types=scratch,
      compiler_params=pltpu.CompilerParams(needs_layout_passes=False))
  def agg(h_hbm, src_hbm, dst_hbm, out_hbm, *rest):
    if with_deg:
      (deg_hbm, src0_v, src1_v, src2_v, dst0_v, dst1_v, dst2_v,
       rows0_v, rows1_v, rows2_v, acc_sh,
       semr0, semr1, semr2, semi0, semi1, semi2,
       deg_v, deg_sh, iota_v) = rest
    else:
      (src0_v, src1_v, src2_v, dst0_v, dst1_v, dst2_v,
       rows0_v, rows1_v, rows2_v, acc_sh,
       semr0, semr1, semr2, semi0, semi1, semi2) = rest
    c = lax.axis_index("c")
    s = lax.axis_index("s")
    wid = s * NC + c
    base = wid * EPW

    zeros16 = jnp.zeros((16,), jnp.float32)
    ones16 = jnp.ones((16,), jnp.float32)

    def load_idx(t, sv, dv, semi):
      pltpu.async_copy(src_hbm.at[pl.ds(base + t * CHUNK, CHUNK)], sv, semi)
      pltpu.async_copy(dst_hbm.at[pl.ds(base + t * CHUNK, CHUNK)], dv, semi)

    def wait_idx(sv, dv, semi):
      pltpu.make_async_copy(src_hbm.at[pl.ds(base, CHUNK)], sv, semi).wait()
      pltpu.make_async_copy(dst_hbm.at[pl.ds(base, CHUNK)], dv, semi).wait()

    def gather(sv, rows, semr):
      pltpu.async_copy(h_hbm.at[sv], rows, semr)

    def drain(rows, semr):
      pltpu.make_async_copy(h_hbm.at[src0_v], rows, semr).wait()

    def scatter(dv, rows):
      if with_deg:
        for j in range(CHUNK // 16):
          idx = dv[pl.ds(j * 16, 16)]
          plsc.addupdate_scatter(deg_v, [idx], ones16)
      pltpu.sync_copy(rows, acc_sh.at[dv], add=True)

    load_idx(0, src0_v, dst0_v, semi0)

    def zrow(r, _):
      for j in range(D // 16):
        rows0_v[r, pl.ds(j * 16, 16)] = zeros16
      return 0

    lax.fori_loop(0, WCHUNK, zrow, 0)
    row0 = s * RPT
    for k in range(RPT // WCHUNK):
      pltpu.sync_copy(rows0_v, acc_sh.at[pl.ds(row0 + k * WCHUNK, WCHUNK)])
    if with_deg:
      def zdeg(i, _):
        deg_v[pl.ds(i * 16, 16)] = zeros16
        return 0
      lax.fori_loop(0, NPAD // 16, zdeg, 0)
      iota16 = lax.iota(jnp.int32, 16)
      for i in range(DR // 16):
        iota_v[pl.ds(i * 16, 16)] = iota16 + (i * 16)
      @pl.when(s < DR // 8)
      def _():
        pltpu.sync_copy(rows0_v.at[pl.ds(0, 8)], deg_sh.at[pl.ds(s * 8, 8)])
    plsc.subcore_barrier()

    slot0 = (src0_v, dst0_v, rows0_v, semr0, semi0)
    slot1 = (src1_v, dst1_v, rows1_v, semr1, semi1)
    slot2 = (src2_v, dst2_v, rows2_v, semr2, semi2)

    wait_idx(src0_v, dst0_v, semi0)
    gather(src0_v, rows0_v, semr0)
    load_idx(1, src1_v, dst1_v, semi1)
    wait_idx(src1_v, dst1_v, semi1)
    gather(src1_v, rows1_v, semr1)
    load_idx(2, src2_v, dst2_v, semi2)

    def phase(t, A, B, C):
      del B
      sC, dC, rC, semrC, semiC = C
      sA, dA, rA, semrA, semiA = A
      wait_idx(sC, dC, semiC)
      gather(sC, rC, semrC)
      drain(rA, semrA)
      scatter(dA, rA)
      load_idx(t + 3, sA, dA, semiA)

    def triple(p, _):
      t0 = p * 3
      phase(t0, slot0, slot1, slot2)
      phase(t0 + 1, slot1, slot2, slot0)
      phase(t0 + 2, slot2, slot0, slot1)
      return 0

    lax.fori_loop(0, (NCHUNK - 5) // 3, triple, 0)
    wait_idx(src2_v, dst2_v, semi2)
    gather(src2_v, rows2_v, semr2)
    drain(rows0_v, semr0)
    scatter(dst0_v, rows0_v)
    load_idx(NCHUNK - 2, src0_v, dst0_v, semi0)
    wait_idx(src0_v, dst0_v, semi0)
    gather(src0_v, rows0_v, semr0)
    drain(rows1_v, semr1)
    scatter(dst1_v, rows1_v)
    load_idx(NCHUNK - 1, src1_v, dst1_v, semi1)
    wait_idx(src1_v, dst1_v, semi1)
    gather(src1_v, rows1_v, semr1)
    drain(rows2_v, semr2)
    scatter(dst2_v, rows2_v)
    drain(rows0_v, semr0)
    scatter(dst0_v, rows0_v)
    drain(rows1_v, semr1)
    scatter(dst1_v, rows1_v)
    plsc.subcore_barrier()

    if with_deg:
      def stage(r, _):
        for j in range(D // 16):
          rows1_v[r, pl.ds(j * 16, 16)] = deg_v[pl.ds(r * D + j * 16, 16)]
        return 0
      lax.fori_loop(0, DR, stage, 0)
      pltpu.sync_copy(rows1_v, deg_sh.at[iota_v], add=True)
      plsc.subcore_barrier()

    for k in range(RPT // WCHUNK):
      r0 = row0 + k * WCHUNK
      pltpu.sync_copy(acc_sh.at[pl.ds(r0, WCHUNK)], rows0_v)
      pltpu.sync_copy(rows0_v, out_hbm.at[c, pl.ds(r0, WCHUNK)])
    if with_deg:
      @pl.when(s < DR // 8)
      def _():
        pltpu.sync_copy(deg_sh.at[pl.ds(s * 8, 8)], rows1_v.at[pl.ds(0, 8)])
        pltpu.sync_copy(rows1_v.at[pl.ds(0, 8)],
                        deg_hbm.at[c, pl.ds(s * 8, 8)])

  return agg



BR = 2000


def _make_comb_body(relu: bool):
  def body(h_ref, s0_ref, s1_ref, d0_ref, d1_ref, ws_ref, wn_ref, b_ref,
           o_ref):
    inv = 1.0 / jnp.maximum(d0_ref[...] + d1_ref[...], 1.0)
    hn = (s0_ref[...] + s1_ref[...]) * inv
    h = h_ref[...]
    o = (jnp.dot(h, ws_ref[...], preferred_element_type=jnp.float32)
         + jnp.dot(hn, wn_ref[...], preferred_element_type=jnp.float32)
         + b_ref[...])
    o_ref[...] = jnp.maximum(o, 0.0) if relu else o
  return body


def _tc_comb(h, s0, s1, d0, d1, ws, wn, b, relu):
  n, d = h.shape
  do = ws.shape[1]
  return pl.pallas_call(
      _make_comb_body(relu),
      grid=(n // BR,),
      in_specs=[
          pl.BlockSpec((BR, d), lambda i: (i, 0)),
          pl.BlockSpec((BR, d), lambda i: (i, 0)),
          pl.BlockSpec((BR, d), lambda i: (i, 0)),
          pl.BlockSpec((BR, 1), lambda i: (i, 0)),
          pl.BlockSpec((BR, 1), lambda i: (i, 0)),
          pl.BlockSpec((d, do), lambda i: (0, 0)),
          pl.BlockSpec((d, do), lambda i: (0, 0)),
          pl.BlockSpec((1, do), lambda i: (0, 0)),
      ],
      out_specs=pl.BlockSpec((BR, do), lambda i: (i, 0)),
      out_shape=jax.ShapeDtypeStruct((n, do), jnp.float32),
  )(h, s0, s1, d0, d1, ws, wn, b)


def kernel(x, edge_index, edge_weight,
           W_self1, W_neigh1, b1,
           W_self2, W_neigh2, b2,
           W_self3, W_neigh3, b3):
  src = edge_index[0].astype(jnp.int32)
  dst = edge_index[1].astype(jnp.int32)

  p1, degp = _sc_agg(True)(x, src, dst)
  degf = degp.reshape(NC, NPAD)
  d0 = degf[0, :N].reshape(N, 1)
  d1 = degf[1, :N].reshape(N, 1)

  h1 = _tc_comb(x, p1[0, :N], p1[1, :N], d0, d1,
                W_self1, W_neigh1, b1.reshape(1, -1), relu=True)
  p2 = _sc_agg(False)(h1, src, dst)
  h2 = _tc_comb(h1, p2[0, :N], p2[1, :N], d0, d1,
                W_self2, W_neigh2, b2.reshape(1, -1), relu=True)
  p3 = _sc_agg(False)(h2, src, dst)
  out = _tc_comb(h2, p3[0, :N], p3[1, :N], d0, d1,
                 W_self3, W_neigh3, b3.reshape(1, -1), relu=False)
  return out

# --- scband reference (transcript-rebuilt; emitter-appended) ---
"""Pipeline reference for scband-sage-20383914787326 (READ-ONLY COPY).

The authoritative reference and input builder live on the scoring server;
editing this copy changes nothing except your own understanding.
"""

import jax, jax.numpy as jnp
import numpy as np

N = 10000
E = 320000
D_IN = 128
D_H = 128
D_OUT = 40


def setup_inputs(seed: int = 0) -> dict:
    key = jax.random.key(seed)
    ks = jax.random.split(key, 13)
    x = jax.random.normal(ks[0], (N, D_IN), dtype=jnp.float32)
    edge_index = jax.random.randint(ks[1], (2, E), 0, N)
    edge_weight = jax.random.uniform(ks[2], (E,), dtype=jnp.float32)
    # SAGEConv params (mean aggregator): fc_self and fc_neigh per layer + bias
    W_self1 = jax.random.normal(ks[3], (D_IN, D_H), dtype=jnp.float32) * 0.05
    W_neigh1 = jax.random.normal(ks[4], (D_IN, D_H), dtype=jnp.float32) * 0.05
    b1 = jnp.zeros((D_H,), dtype=jnp.float32)
    W_self2 = jax.random.normal(ks[5], (D_H, D_H), dtype=jnp.float32) * 0.05
    W_neigh2 = jax.random.normal(ks[6], (D_H, D_H), dtype=jnp.float32) * 0.05
    b2 = jnp.zeros((D_H,), dtype=jnp.float32)
    W_self3 = jax.random.normal(ks[7], (D_H, D_OUT), dtype=jnp.float32) * 0.05
    W_neigh3 = jax.random.normal(ks[8], (D_H, D_OUT), dtype=jnp.float32) * 0.05
    b3 = jnp.zeros((D_OUT,), dtype=jnp.float32)
    return {"x": x, "edge_index": edge_index, "edge_weight": edge_weight,
            "W_self1": W_self1, "W_neigh1": W_neigh1, "b1": b1,
            "W_self2": W_self2, "W_neigh2": W_neigh2, "b2": b2,
            "W_self3": W_self3, "W_neigh3": W_neigh3, "b3": b3}


def _sage_layer(h, src, dst, W_self, W_neigh, b):
    # DGL SAGEConv, aggregator_type='mean':
    # h_neigh = mean_{j in N(i)} h_j ; out = h @ W_self + h_neigh @ W_neigh + b
    m = jnp.take(h, src, axis=0)                       # gather source features per edge
    s = jax.ops.segment_sum(m, dst, num_segments=N)    # scatter-add to dst nodes
    ones = jnp.ones((src.shape[0], 1), dtype=h.dtype)
    deg = jax.ops.segment_sum(ones, dst, num_segments=N)
    h_neigh = s / jnp.clip(deg, 1.0)
    return h @ W_self + h_neigh @ W_neigh + b


def reference(x, edge_index, edge_weight,
              W_self1, W_neigh1, b1,
              W_self2, W_neigh2, b2,
              W_self3, W_neigh3, b3):
    src = edge_index[0]
    dst = edge_index[1]
    # dropout is identity in eval; edge_weight is accepted but unused by layer(g, h)
    h = _sage_layer(x, src, dst, W_self1, W_neigh1, b1)
    h = jax.nn.relu(h)
    h = _sage_layer(h, src, dst, W_self2, W_neigh2, b2)
    h = jax.nn.relu(h)
    h = _sage_layer(h, src, dst, W_self3, W_neigh3, b3)
    return h

if __name__ == "__main__":
    import jax
    _d = setup_inputs()
    print(jax.jit(kernel)(*tuple(_d.values())))

</pallas_src>

<mosaic_0001>
#map = affine_map<(d0, d1) -> (0, 0)>
#map1 = affine_map<(d0, d1) -> (0)>
#map2 = affine_map<(d0, d1) -> (0, 0, 0)>
module attributes {stable_mosaic.version = 14 : i64} {
  func.func @agg(%arg0: i32, %arg1: i32, %arg2: memref<10000x128xf32, #tpu.memory_space<hbm>>, %arg3: memref<320000xi32, #tpu.memory_space<hbm>>, %arg4: memref<320000xi32, #tpu.memory_space<hbm>>, %arg5: memref<2x10240x128xf32, #tpu.memory_space<hbm>>, %arg6: memref<80xi32, #tpu.memory_space<vmem>>, %arg7: memref<80xi32, #tpu.memory_space<vmem>>, %arg8: memref<80xi32, #tpu.memory_space<vmem>>, %arg9: memref<80xi32, #tpu.memory_space<vmem>>, %arg10: memref<80xi32, #tpu.memory_space<vmem>>, %arg11: memref<80xi32, #tpu.memory_space<vmem>>, %arg12: memref<80x128xf32, #tpu.memory_space<vmem>>, %arg13: memref<80x128xf32, #tpu.memory_space<vmem>>, %arg14: memref<80x128xf32, #tpu.memory_space<vmem>>, %arg15: memref<10240x128xf32, #tpu.memory_space<vmem_shared>>, %arg16: memref<!tpu.dma_semaphore, #tpu.memory_space<semaphore_mem>>, %arg17: memref<!tpu.dma_semaphore, #tpu.memory_space<semaphore_mem>>, %arg18: memref<!tpu.dma_semaphore, #tpu.memory_space<semaphore_mem>>, %arg19: memref<!tpu.dma_semaphore, #tpu.memory_space<semaphore_mem>>, %arg20: memref<!tpu.dma_semaphore, #tpu.memory_space<semaphore_mem>>, %arg21: memref<!tpu.dma_semaphore, #tpu.memory_space<semaphore_mem>>) attributes {dimension_semantics = [#tpu.dimension_semantics<core_parallel>, #tpu.dimension_semantics<subcore_parallel>], iteration_bounds = array<i64: 2, 16>, scalar_prefetch = 0 : i64, scratch_operands = 16 : i64, tpu.core_type = #tpu.core_type<sc_vector_subcore>, window_params = [{transform_indices = #map}, {transform_indices = #map1}, {transform_indices = #map1}, {transform_indices = #map2}]} {
    %mul3A = arith.constant 2 : i32
    %mul3A_0 = arith.muli %arg1, %mul3A : i32
    %add3A = arith.addi %mul3A_0, %arg0 : i32
    %mul3A_1 = arith.constant 10000 : i32
    %mul3A_2 = arith.muli %add3A, %mul3A_1 : i32
    %broadcast_in_dim3A = arith.constant 0.000000e+00 : f32
    %broadcast_in_dim3A_3 = vector.broadcast %broadcast_in_dim3A : f32 to vector<16xf32>
    %broadcast_in_dim3A_4 = arith.constant 1.000000e+00 : f32
    %broadcast_in_dim3A_5 = vector.broadcast %broadcast_in_dim3A_4 : f32 to vector<16xf32>
    %add3A_6 = arith.constant 0 : i32
    %add3A_7 = arith.addi %mul3A_2, %add3A_6 : i32
    %dma_start3A = tpu.memref_slice %arg3[%add3A_7] : memref<320000xi32, #tpu.memory_space<hbm>> -> memref<80xi32, #tpu.memory_space<hbm>>
    %dma_start3A_8 = tpu.memref_slice %arg3[%add3A_7] : memref<320000xi32, #tpu.memory_space<hbm>> -> memref<80xi32, #tpu.memory_space<hbm>>
    tpu.enqueue_dma source(%dma_start3A_8 : memref<80xi32, #tpu.memory_space<hbm>>) target(%arg6 : memref<80xi32, #tpu.memory_space<vmem>>) target_semaphore(%arg19 : memref<!tpu.dma_semaphore, #tpu.memory_space<semaphore_mem>>)
    %add3A_9 = arith.constant 0 : i32
    %add3A_10 = arith.addi %mul3A_2, %add3A_9 : i32
    %dma_start3A_11 = tpu.memref_slice %arg4[%add3A_10] : memref<320000xi32, #tpu.memory_space<hbm>> -> memref<80xi32, #tpu.memory_space<hbm>>
    %dma_start3A_12 = tpu.memref_slice %arg4[%add3A_10] : memref<320000xi32, #tpu.memory_space<hbm>> -> memref<80xi32, #tpu.memory_space<hbm>>
    tpu.enqueue_dma source(%dma_start3A_12 : memref<80xi32, #tpu.memory_space<hbm>>) target(%arg9 : memref<80xi32, #tpu.memory_space<vmem>>) target_semaphore(%arg19 : memref<!tpu.dma_semaphore, #tpu.memory_space<semaphore_mem>>)
    %scan3A = arith.constant 0 : i32
    %scan3A_13 = arith.constant 0 : i32
    %scan3A_14 = arith.constant 80 : i32
    %scan3A_15 = arith.addi %scan3A_13, %scan3A_14 : i32
    %scan3A_16 = arith.constant 1 : i32
    %scan3A_17 = scf.for %scan3A_142 = %scan3A_13 to %scan3A_15 step %scan3A_16 iter_args(%scan3A_143 = %scan3A) -> (i32)  : i32 {
      %swap3A = arith.index_cast %scan3A_142 : i32 to index
      %swap3A_144 = arith.constant 0 : index
      %swap3A_145 = tpu.vector_load %arg12[%swap3A, %swap3A_144] {strides = array<i32>} : memref<80x128xf32, #tpu.memory_space<vmem>>, vector<16xf32>,
      tpu.vector_store %arg12[%swap3A, %swap3A_144], %broadcast_in_dim3A_3 {strides = array<i32>} : memref<80x128xf32, #tpu.memory_space<vmem>>, vector<16xf32>,
      %swap3A_146 = arith.index_cast %scan3A_142 : i32 to index
      %swap3A_147 = arith.constant 16 : index
      %swap3A_148 = tpu.vector_load %arg12[%swap3A_146, %swap3A_147] {strides = array<i32>} : memref<80x128xf32, #tpu.memory_space<vmem>>, vector<16xf32>,
      tpu.vector_store %arg12[%swap3A_146, %swap3A_147], %broadcast_in_dim3A_3 {strides = array<i32>} : memref<80x128xf32, #tpu.memory_space<vmem>>, vector<16xf32>,
      %swap3A_149 = arith.index_cast %scan3A_142 : i32 to index
      %swap3A_150 = arith.constant 32 : index
      %swap3A_151 = tpu.vector_load %arg12[%swap3A_149, %swap3A_150] {strides = array<i32>} : memref<80x128xf32, #tpu.memory_space<vmem>>, vector<16xf32>,
      tpu.vector_store %arg12[%swap3A_149, %swap3A_150], %broadcast_in_dim3A_3 {strides = array<i32>} : memref<80x128xf32, #tpu.memory_space<vmem>>, vector<16xf32>,
      %swap3A_152 = arith.index_cast %scan3A_142 : i32 to index
      %swap3A_153 = arith.constant 48 : index
      %swap3A_154 = tpu.vector_load %arg12[%swap3A_152, %swap3A_153] {strides = array<i32>} : memref<80x128xf32, #tpu.memory_space<vmem>>, vector<16xf32>,
      tpu.vector_store %arg12[%swap3A_152, %swap3A_153], %broadcast_in_dim3A_3 {strides = array<i32>} : memref<80x128xf32, #tpu.memory_space<vmem>>, vector<16xf32>,
      %swap3A_155 = arith.index_cast %scan3A_142 : i32 to index
      %swap3A_156 = arith.constant 64 : index
      %swap3A_157 = tpu.vector_load %arg12[%swap3A_155, %swap3A_156] {strides = array<i32>} : memref<80x128xf32, #tpu.memory_space<vmem>>, vector<16xf32>,
      tpu.vector_store %arg12[%swap3A_155, %swap3A_156], %broadcast_in_dim3A_3 {strides = array<i32>} : memref<80x128xf32, #tpu.memory_space<vmem>>, vector<16xf32>,
      %swap3A_158 = arith.index_cast %scan3A_142 : i32 to index
      %swap3A_159 = arith.constant 80 : index
      %swap3A_160 = tpu.vector_load %arg12[%swap3A_158, %swap3A_159] {strides = array<i32>} : memref<80x128xf32, #tpu.memory_space<vmem>>, vector<16xf32>,
      tpu.vector_store %arg12[%swap3A_158, %swap3A_159], %broadcast_in_dim3A_3 {strides = array<i32>} : memref<80x128xf32, #tpu.memory_space<vmem>>, vector<16xf32>,
      %swap3A_161 = arith.index_cast %scan3A_142 : i32 to index
      %swap3A_162 = arith.constant 96 : index
      %swap3A_163 = tpu.vector_load %arg12[%swap3A_161, %swap3A_162] {strides = array<i32>} : memref<80x128xf32, #tpu.memory_space<vmem>>, vector<16xf32>,
      tpu.vector_store %arg12[%swap3A_161, %swap3A_162], %broadcast_in_dim3A_3 {strides = array<i32>} : memref<80x128xf32, #tpu.memory_space<vmem>>, vector<16xf32>,
      %swap3A_164 = arith.index_cast %scan3A_142 : i32 to index
      %swap3A_165 = arith.constant 112 : index
      %swap3A_166 = tpu.vector_load %arg12[%swap3A_164, %swap3A_165] {strides = array<i32>} : memref<80x128xf32, #tpu.memory_space<vmem>>, vector<16xf32>,
      tpu.vector_store %arg12[%swap3A_164, %swap3A_165], %broadcast_in_dim3A_3 {strides = array<i32>} : memref<80x128xf32, #tpu.memory_space<vmem>>, vector<16xf32>,
      %scan3A_167 = arith.constant 0 : i32
      scf.yield %scan3A_167 : i32
    }
    %scan3A_18 = arith.constant 80 : i32
    %mul3A_19 = arith.constant 640 : i32
    %mul3A_20 = arith.muli %arg1, %mul3A_19 : i32
    %add3A_21 = arith.constant 0 : i32
    %add3A_22 = arith.addi %mul3A_20, %add3A_21 : i32
    "tpu.region"() ({
      %run_scoped3A = tpu.sem_alloc : memref<!tpu.dma_semaphore, #tpu.memory_space<semaphore_mem>>
      %dma_start3A_142 = arith.constant 0 : i32
      %dma_start3A_143 = tpu.memref_slice %arg15[%add3A_22, %dma_start3A_142] : memref<10240x128xf32, #tpu.memory_space<vmem_shared>> -> memref<80x128xf32, #tpu.memory_space<vmem_shared>>
      %dma_start3A_144 = arith.constant 0 : i32
      %dma_start3A_145 = tpu.memref_slice %arg15[%add3A_22, %dma_start3A_144] : memref<10240x128xf32, #tpu.memory_space<vmem_shared>> -> memref<80x128xf32, #tpu.memory_space<vmem_shared>>
      tpu.enqueue_dma source(%arg12 : memref<80x128xf32, #tpu.memory_space<vmem>>) target(%dma_start3A_145 : memref<80x128xf32, #tpu.memory_space<vmem_shared>>) target_semaphore(%run_scoped3A : memref<!tpu.dma_semaphore, #tpu.memory_space<semaphore_mem>>)
      %dma_wait3A_146 = arith.constant 0 : i32
      %dma_wait3A_147 = tpu.memref_slice %arg15[%add3A_22, %dma_wait3A_146] : memref<10240x128xf32, #tpu.memory_space<vmem_shared>> -> memref<80x128xf32, #tpu.memory_space<vmem_shared>>
      %dma_wait3A_148 = arith.constant 0 : i32
      %dma_wait3A_149 = tpu.memref_slice %arg15[%add3A_22, %dma_wait3A_148] : memref<10240x128xf32, #tpu.memory_space<vmem_shared>> -> memref<80x128xf32, #tpu.memory_space<vmem_shared>>
      tpu.wait_dma2 semaphore(%run_scoped3A : memref<!tpu.dma_semaphore, #tpu.memory_space<semaphore_mem>>) src(%arg12 : memref<80x128xf32, #tpu.memory_space<vmem>>) dst(%dma_wait3A_149 : memref<80x128xf32, #tpu.memory_space<vmem_shared>>)
      tpu.yield
    }) : () -> ()
    %add3A_23 = arith.constant 80 : i32
    %add3A_24 = arith.addi %mul3A_20, %add3A_23 : i32
    "tpu.region"() ({
      %run_scoped3A = tpu.sem_alloc : memref<!tpu.dma_semaphore, #tpu.memory_space<semaphore_mem>>
      %dma_start3A_142 = arith.constant 0 : i32
      %dma_start3A_143 = tpu.memref_slice %arg15[%add3A_24, %dma_start3A_142] : memref<10240x128xf32, #tpu.memory_space<vmem_shared>> -> memref<80x128xf32, #tpu.memory_space<vmem_shared>>
      %dma_start3A_144 = arith.constant 0 : i32
      %dma_start3A_145 = tpu.memref_slice %arg15[%add3A_24, %dma_start3A_144] : memref<10240x128xf32, #tpu.memory_space<vmem_shared>> -> memref<80x128xf32, #tpu.memory_space<vmem_shared>>
      tpu.enqueue_dma source(%arg12 : memref<80x128xf32, #tpu.memory_space<vmem>>) target(%dma_start3A_145 : memref<80x128xf32, #tpu.memory_space<vmem_shared>>) target_semaphore(%run_scoped3A : memref<!tpu.dma_semaphore, #tpu.memory_space<semaphore_mem>>)
      %dma_wait3A_146 = arith.constant 0 : i32
      %dma_wait3A_147 = tpu.memref_slice %arg15[%add3A_24, %dma_wait3A_146] : memref<10240x128xf32, #tpu.memory_space<vmem_shared>> -> memref<80x128xf32, #tpu.memory_space<vmem_shared>>
      %dma_wait3A_148 = arith.constant 0 : i32
      %dma_wait3A_149 = tpu.memref_slice %arg15[%add3A_24, %dma_wait3A_148] : memref<10240x128xf32, #tpu.memory_space<vmem_shared>> -> memref<80x128xf32, #tpu.memory_space<vmem_shared>>
      tpu.wait_dma2 semaphore(%run_scoped3A : memref<!tpu.dma_semaphore, #tpu.memory_space<semaphore_mem>>) src(%arg12 : memref<80x128xf32, #tpu.memory_space<vmem>>) dst(%dma_wait3A_149 : memref<80x128xf32, #tpu.memory_space<vmem_shared>>)
      tpu.yield
    }) : () -> ()
    %add3A_25 = arith.constant 160 : i32
    %add3A_26 = arith.addi %mul3A_20, %add3A_25 : i32
    "tpu.region"() ({
      %run_scoped3A = tpu.sem_alloc : memref<!tpu.dma_semaphore, #tpu.memory_space<semaphore_mem>>
      %dma_start3A_142 = arith.constant 0 : i32
      %dma_start3A_143 = tpu.memref_slice %arg15[%add3A_26, %dma_start3A_142] : memref<10240x128xf32, #tpu.memory_space<vmem_shared>> -> memref<80x128xf32, #tpu.memory_space<vmem_shared>>
      %dma_start3A_144 = arith.constant 0 : i32
      %dma_start3A_145 = tpu.memref_slice %arg15[%add3A_26, %dma_start3A_144] : memref<10240x128xf32, #tpu.memory_space<vmem_shared>> -> memref<80x128xf32, #tpu.memory_space<vmem_shared>>
      tpu.enqueue_dma source(%arg12 : memref<80x128xf32, #tpu.memory_space<vmem>>) target(%dma_start3A_145 : memref<80x128xf32, #tpu.memory_space<vmem_shared>>) target_semaphore(%run_scoped3A : memref<!tpu.dma_semaphore, #tpu.memory_space<semaphore_mem>>)
      %dma_wait3A_146 = arith.constant 0 : i32
      %dma_wait3A_147 = tpu.memref_slice %arg15[%add3A_26, %dma_wait3A_146] : memref<10240x128xf32, #tpu.memory_space<vmem_shared>> -> memref<80x128xf32, #tpu.memory_space<vmem_shared>>
      %dma_wait3A_148 = arith.constant 0 : i32
      %dma_wait3A_149 = tpu.memref_slice %arg15[%add3A_26, %dma_wait3A_148] : memref<10240x128xf32, #tpu.memory_space<vmem_shared>> -> memref<80x128xf32, #tpu.memory_space<vmem_shared>>
      tpu.wait_dma2 semaphore(%run_scoped3A : memref<!tpu.dma_semaphore, #tpu.memory_space<semaphore_mem>>) src(%arg12 : memref<80x128xf32, #tpu.memory_space<vmem>>) dst(%dma_wait3A_149 : memref<80x128xf32, #tpu.memory_space<vmem_shared>>)
      tpu.yield
    }) : () -> ()
    %add3A_27 = arith.constant 240 : i32
    %add3A_28 = arith.addi %mul3A_20, %add3A_27 : i32
    "tpu.region"() ({
      %run_scoped3A = tpu.sem_alloc : memref<!tpu.dma_semaphore, #tpu.memory_space<semaphore_mem>>
      %dma_start3A_142 = arith.constant 0 : i32
      %dma_start3A_143 = tpu.memref_slice %arg15[%add3A_28, %dma_start3A_142] : memref<10240x128xf32, #tpu.memory_space<vmem_shared>> -> memref<80x128xf32, #tpu.memory_space<vmem_shared>>
      %dma_start3A_144 = arith.constant 0 : i32
      %dma_start3A_145 = tpu.memref_slice %arg15[%add3A_28, %dma_start3A_144] : memref<10240x128xf32, #tpu.memory_space<vmem_shared>> -> memref<80x128xf32, #tpu.memory_space<vmem_shared>>
      tpu.enqueue_dma source(%arg12 : memref<80x128xf32, #tpu.memory_space<vmem>>) target(%dma_start3A_145 : memref<80x128xf32, #tpu.memory_space<vmem_shared>>) target_semaphore(%run_scoped3A : memref<!tpu.dma_semaphore, #tpu.memory_space<semaphore_mem>>)
      %dma_wait3A_146 = arith.constant 0 : i32
      %dma_wait3A_147 = tpu.memref_slice %arg15[%add3A_28, %dma_wait3A_146] : memref<10240x128xf32, #tpu.memory_space<vmem_shared>> -> memref<80x128xf32, #tpu.memory_space<vmem_shared>>
      %dma_wait3A_148 = arith.constant 0 : i32
      %dma_wait3A_149 = tpu.memref_slice %arg15[%add3A_28, %dma_wait3A_148] : memref<10240x128xf32, #tpu.memory_space<vmem_shared>> -> memref<80x128xf32, #tpu.memory_space<vmem_shared>>
      tpu.wait_dma2 semaphore(%run_scoped3A : memref<!tpu.dma_semaphore, #tpu.memory_space<semaphore_mem>>) src(%arg12 : memref<80x128xf32, #tpu.memory_space<vmem>>) dst(%dma_wait3A_149 : memref<80x128xf32, #tpu.memory_space<vmem_shared>>)
      tpu.yield
    }) : () -> ()
    %add3A_29 = arith.constant 320 : i32
    %add3A_30 = arith.addi %mul3A_20, %add3A_29 : i32
    "tpu.region"() ({
      %run_scoped3A = tpu.sem_alloc : memref<!tpu.dma_semaphore, #tpu.memory_space<semaphore_mem>>
      %dma_start3A_142 = arith.constant 0 : i32
      %dma_start3A_143 = tpu.memref_slice %arg15[%add3A_30, %dma_start3A_142] : memref<10240x128xf32, #tpu.memory_space<vmem_shared>> -> memref<80x128xf32, #tpu.memory_space<vmem_shared>>
      %dma_start3A_144 = arith.constant 0 : i32
      %dma_start3A_145 = tpu.memref_slice %arg15[%add3A_30, %dma_start3A_144] : memref<10240x128xf32, #tpu.memory_space<vmem_shared>> -> memref<80x128xf32, #tpu.memory_space<vmem_shared>>
      tpu.enqueue_dma source(%arg12 : memref<80x128xf32, #tpu.memory_space<vmem>>) target(%dma_start3A_145 : memref<80x128xf32, #tpu.memory_space<vmem_shared>>) target_semaphore(%run_scoped3A : memref<!tpu.dma_semaphore, #tpu.memory_space<semaphore_mem>>)
      %dma_wait3A_146 = arith.constant 0 : i32
      %dma_wait3A_147 = tpu.memref_slice %arg15[%add3A_30, %dma_wait3A_146] : memref<10240x128xf32, #tpu.memory_space<vmem_shared>> -> memref<80x128xf32, #tpu.memory_space<vmem_shared>>
      %dma_wait3A_148 = arith.constant 0 : i32
      %dma_wait3A_149 = tpu.memref_slice %arg15[%add3A_30, %dma_wait3A_148] : memref<10240x128xf32, #tpu.memory_space<vmem_shared>> -> memref<80x128xf32, #tpu.memory_space<vmem_shared>>
      tpu.wait_dma2 semaphore(%run_scoped3A : memref<!tpu.dma_semaphore, #tpu.memory_space<semaphore_mem>>) src(%arg12 : memref<80x128xf32, #tpu.memory_space<vmem>>) dst(%dma_wait3A_149 : memref<80x128xf32, #tpu.memory_space<vmem_shared>>)
      tpu.yield
    }) : () -> ()
    %add3A_31 = arith.constant 400 : i32
    %add3A_32 = arith.addi %mul3A_20, %add3A_31 : i32
    "tpu.region"() ({
      %run_scoped3A = tpu.sem_alloc : memref<!tpu.dma_semaphore, #tpu.memory_space<semaphore_mem>>
      %dma_start3A_142 = arith.constant 0 : i32
      %dma_start3A_143 = tpu.memref_slice %arg15[%add3A_32, %dma_start3A_142] : memref<10240x128xf32, #tpu.memory_space<vmem_shared>> -> memref<80x128xf32, #tpu.memory_space<vmem_shared>>
      %dma_start3A_144 = arith.constant 0 : i32
      %dma_start3A_145 = tpu.memref_slice %arg15[%add3A_32, %dma_start3A_144] : memref<10240x128xf32, #tpu.memory_space<vmem_shared>> -> memref<80x128xf32, #tpu.memory_space<vmem_shared>>
      tpu.enqueue_dma source(%arg12 : memref<80x128xf32, #tpu.memory_space<vmem>>) target(%dma_start3A_145 : memref<80x128xf32, #tpu.memory_space<vmem_shared>>) target_semaphore(%run_scoped3A : memref<!tpu.dma_semaphore, #tpu.memory_space<semaphore_mem>>)
      %dma_wait3A_146 = arith.constant 0 : i32
      %dma_wait3A_147 = tpu.memref_slice %arg15[%add3A_32, %dma_wait3A_146] : memref<10240x128xf32, #tpu.memory_space<vmem_shared>> -> memref<80x128xf32, #tpu.memory_space<vmem_shared>>
      %dma_wait3A_148 = arith.constant 0 : i32
      %dma_wait3A_149 = tpu.memref_slice %arg15[%add3A_32, %dma_wait3A_148] : memref<10240x128xf32, #tpu.memory_space<vmem_shared>> -> memref<80x128xf32, #tpu.memory_space<vmem_shared>>
      tpu.wait_dma2 semaphore(%run_scoped3A : memref<!tpu.dma_semaphore, #tpu.memory_space<semaphore_mem>>) src(%arg12 : memref<80x128xf32, #tpu.memory_space<vmem>>) dst(%dma_wait3A_149 : memref<80x128xf32, #tpu.memory_space<vmem_shared>>)
      tpu.yield
    }) : () -> ()
    %add3A_33 = arith.constant 480 : i32
    %add3A_34 = arith.addi %mul3A_20, %add3A_33 : i32
    "tpu.region"() ({
      %run_scoped3A = tpu.sem_alloc : memref<!tpu.dma_semaphore, #tpu.memory_space<semaphore_mem>>
      %dma_start3A_142 = arith.constant 0 : i32
      %dma_start3A_143 = tpu.memref_slice %arg15[%add3A_34, %dma_start3A_142] : memref<10240x128xf32, #tpu.memory_space<vmem_shared>> -> memref<80x128xf32, #tpu.memory_space<vmem_shared>>
      %dma_start3A_144 = arith.constant 0 : i32
      %dma_start3A_145 = tpu.memref_slice %arg15[%add3A_34, %dma_start3A_144] : memref<10240x128xf32, #tpu.memory_space<vmem_shared>> -> memref<80x128xf32, #tpu.memory_space<vmem_shared>>
      tpu.enqueue_dma source(%arg12 : memref<80x128xf32, #tpu.memory_space<vmem>>) target(%dma_start3A_145 : memref<80x128xf32, #tpu.memory_space<vmem_shared>>) target_semaphore(%run_scoped3A : memref<!tpu.dma_semaphore, #tpu.memory_space<semaphore_mem>>)
      %dma_wait3A_146 = arith.constant 0 : i32
      %dma_wait3A_147 = tpu.memref_slice %arg15[%add3A_34, %dma_wait3A_146] : memref<10240x128xf32, #tpu.memory_space<vmem_shared>> -> memref<80x128xf32, #tpu.memory_space<vmem_shared>>
      %dma_wait3A_148 = arith.constant 0 : i32
      %dma_wait3A_149 = tpu.memref_slice %arg15[%add3A_34, %dma_wait3A_148] : memref<10240x128xf32, #tpu.memory_space<vmem_shared>> -> memref<80x128xf32, #tpu.memory_space<vmem_shared>>
      tpu.wait_dma2 semaphore(%run_scoped3A : memref<!tpu.dma_semaphore, #tpu.memory_space<semaphore_mem>>) src(%arg12 : memref<80x128xf32, #tpu.memory_space<vmem>>) dst(%dma_wait3A_149 : memref<80x128xf32, #tpu.memory_space<vmem_shared>>)
      tpu.yield
    }) : () -> ()
    %add3A_35 = arith.constant 560 : i32
    %add3A_36 = arith.addi %mul3A_20, %add3A_35 : i32
    "tpu.region"() ({
      %run_scoped3A = tpu.sem_alloc : memref<!tpu.dma_semaphore, #tpu.memory_space<semaphore_mem>>
      %dma_start3A_142 = arith.constant 0 : i32
      %dma_start3A_143 = tpu.memref_slice %arg15[%add3A_36, %dma_start3A_142] : memref<10240x128xf32, #tpu.memory_space<vmem_shared>> -> memref<80x128xf32, #tpu.memory_space<vmem_shared>>
      %dma_start3A_144 = arith.constant 0 : i32
      %dma_start3A_145 = tpu.memref_slice %arg15[%add3A_36, %dma_start3A_144] : memref<10240x128xf32, #tpu.memory_space<vmem_shared>> -> memref<80x128xf32, #tpu.memory_space<vmem_shared>>
      tpu.enqueue_dma source(%arg12 : memref<80x128xf32, #tpu.memory_space<vmem>>) target(%dma_start3A_145 : memref<80x128xf32, #tpu.memory_space<vmem_shared>>) target_semaphore(%run_scoped3A : memref<!tpu.dma_semaphore, #tpu.memory_space<semaphore_mem>>)
      %dma_wait3A_146 = arith.constant 0 : i32
      %dma_wait3A_147 = tpu.memref_slice %arg15[%add3A_36, %dma_wait3A_146] : memref<10240x128xf32, #tpu.memory_space<vmem_shared>> -> memref<80x128xf32, #tpu.memory_space<vmem_shared>>
      %dma_wait3A_148 = arith.constant 0 : i32
      %dma_wait3A_149 = tpu.memref_slice %arg15[%add3A_36, %dma_wait3A_148] : memref<10240x128xf32, #tpu.memory_space<vmem_shared>> -> memref<80x128xf32, #tpu.memory_space<vmem_shared>>
      tpu.wait_dma2 semaphore(%run_scoped3A : memref<!tpu.dma_semaphore, #tpu.memory_space<semaphore_mem>>) src(%arg12 : memref<80x128xf32, #tpu.memory_space<vmem>>) dst(%dma_wait3A_149 : memref<80x128xf32, #tpu.memory_space<vmem_shared>>)
      tpu.yield
    }) : () -> ()
    %barrier3A = arith.constant 0 : index
    tpu.barrier barrier_id(%barrier3A)
    %dma_wait3A = tpu.memref_slice %arg3[%mul3A_2] : memref<320000xi32, #tpu.memory_space<hbm>> -> memref<80xi32, #tpu.memory_space<hbm>>
    %dma_wait3A_37 = tpu.memref_slice %arg3[%mul3A_2] : memref<320000xi32, #tpu.memory_space<hbm>> -> memref<80xi32, #tpu.memory_space<hbm>>
    tpu.wait_dma2 semaphore(%arg19 : memref<!tpu.dma_semaphore, #tpu.memory_space<semaphore_mem>>) src(%dma_wait3A_37 : memref<80xi32, #tpu.memory_space<hbm>>) dst(%arg6 : memref<80xi32, #tpu.memory_space<vmem>>)
    %dma_wait3A_38 = tpu.memref_slice %arg4[%mul3A_2] : memref<320000xi32, #tpu.memory_space<hbm>> -> memref<80xi32, #tpu.memory_space<hbm>>
    %dma_wait3A_39 = tpu.memref_slice %arg4[%mul3A_2] : memref<320000xi32, #tpu.memory_space<hbm>> -> memref<80xi32, #tpu.memory_space<hbm>>
    tpu.wait_dma2 semaphore(%arg19 : memref<!tpu.dma_semaphore, #tpu.memory_space<semaphore_mem>>) src(%dma_wait3A_39 : memref<80xi32, #tpu.memory_space<hbm>>) dst(%arg9 : memref<80xi32, #tpu.memory_space<vmem>>)
    %dma_start3A_40 = arith.constant 0 : i32
    %dma_start3A_41 = arith.constant 0 : i32
    %dma_start3A_42 = tpu.memref_slice %arg2[%dma_start3A_40, %dma_start3A_41] : memref<10000x128xf32, #tpu.memory_space<hbm>> -> memref<10000x128xf32, #tpu.memory_space<hbm>>
    tpu.enqueue_indirect_dma source(%dma_start3A_42 : memref<10000x128xf32, #tpu.memory_space<hbm>>) target(%arg12 : memref<80x128xf32, #tpu.memory_space<vmem>>) offsets(%arg6 : memref<80xi32, #tpu.memory_space<vmem>>) semaphore(%arg16 : memref<!tpu.dma_semaphore, #tpu.memory_space<semaphore_mem>>)
    %add3A_43 = arith.constant 80 : i32
    %add3A_44 = arith.addi %mul3A_2, %add3A_43 : i32
    %dma_start3A_45 = tpu.memref_slice %arg3[%add3A_44] : memref<320000xi32, #tpu.memory_space<hbm>> -> memref<80xi32, #tpu.memory_space<hbm>>
    %dma_start3A_46 = tpu.memref_slice %arg3[%add3A_44] : memref<320000xi32, #tpu.memory_space<hbm>> -> memref<80xi32, #tpu.memory_space<hbm>>
    tpu.enqueue_dma source(%dma_start3A_46 : memref<80xi32, #tpu.memory_space<hbm>>) target(%arg7 : memref<80xi32, #tpu.memory_space<vmem>>) target_semaphore(%arg20 : memref<!tpu.dma_semaphore, #tpu.memory_space<semaphore_mem>>)
    %add3A_47 = arith.constant 80 : i32
    %add3A_48 = arith.addi %mul3A_2, %add3A_47 : i32
    %dma_start3A_49 = tpu.memref_slice %arg4[%add3A_48] : memref<320000xi32, #tpu.memory_space<hbm>> -> memref<80xi32, #tpu.memory_space<hbm>>
    %dma_start3A_50 = tpu.memref_slice %arg4[%add3A_48] : memref<320000xi32, #tpu.memory_space<hbm>> -> memref<80xi32, #tpu.memory_space<hbm>>
    tpu.enqueue_dma source(%dma_start3A_50 : memref<80xi32, #tpu.memory_space<hbm>>) target(%arg10 : memref<80xi32, #tpu.memory_space<vmem>>) target_semaphore(%arg20 : memref<!tpu.dma_semaphore, #tpu.memory_space<semaphore_mem>>)
    %dma_wait3A_51 = tpu.memref_slice %arg3[%mul3A_2] : memref<320000xi32, #tpu.memory_space<hbm>> -> memref<80xi32, #tpu.memory_space<hbm>>
    %dma_wait3A_52 = tpu.memref_slice %arg3[%mul3A_2] : memref<320000xi32, #tpu.memory_space<hbm>> -> memref<80xi32, #tpu.memory_space<hbm>>
    tpu.wait_dma2 semaphore(%arg20 : memref<!tpu.dma_semaphore, #tpu.memory_space<semaphore_mem>>) src(%dma_wait3A_52 : memref<80xi32, #tpu.memory_space<hbm>>) dst(%arg7 : memref<80xi32, #tpu.memory_space<vmem>>)
    %dma_wait3A_53 = tpu.memref_slice %arg4[%mul3A_2] : memref<320000xi32, #tpu.memory_space<hbm>> -> memref<80xi32, #tpu.memory_space<hbm>>
    %dma_wait3A_54 = tpu.memref_slice %arg4[%mul3A_2] : memref<320000xi32, #tpu.memory_space<hbm>> -> memref<80xi32, #tpu.memory_space<hbm>>
    tpu.wait_dma2 semaphore(%arg20 : memref<!tpu.dma_semaphore, #tpu.memory_space<semaphore_mem>>) src(%dma_wait3A_54 : memref<80xi32, #tpu.memory_space<hbm>>) dst(%arg10 : memref<80xi32, #tpu.memory_space<vmem>>)
    %dma_start3A_55 = arith.constant 0 : i32
    %dma_start3A_56 = arith.constant 0 : i32
    %dma_start3A_57 = tpu.memref_slice %arg2[%dma_start3A_55, %dma_start3A_56] : memref<10000x128xf32, #tpu.memory_space<hbm>> -> memref<10000x128xf32, #tpu.memory_space<hbm>>
    tpu.enqueue_indirect_dma source(%dma_start3A_57 : memref<10000x128xf32, #tpu.memory_space<hbm>>) target(%arg13 : memref<80x128xf32, #tpu.memory_space<vmem>>) offsets(%arg7 : memref<80xi32, #tpu.memory_space<vmem>>) semaphore(%arg17 : memref<!tpu.dma_semaphore, #tpu.memory_space<semaphore_mem>>)
    %add3A_58 = arith.constant 160 : i32
    %add3A_59 = arith.addi %mul3A_2, %add3A_58 : i32
    %dma_start3A_60 = tpu.memref_slice %arg3[%add3A_59] : memref<320000xi32, #tpu.memory_space<hbm>> -> memref<80xi32, #tpu.memory_space<hbm>>
    %dma_start3A_61 = tpu.memref_slice %arg3[%add3A_59] : memref<320000xi32, #tpu.memory_space<hbm>> -> memref<80xi32, #tpu.memory_space<hbm>>
    tpu.enqueue_dma source(%dma_start3A_61 : memref<80xi32, #tpu.memory_space<hbm>>) target(%arg8 : memref<80xi32, #tpu.memory_space<vmem>>) target_semaphore(%arg21 : memref<!tpu.dma_semaphore, #tpu.memory_space<semaphore_mem>>)
    %add3A_62 = arith.constant 160 : i32
    %add3A_63 = arith.addi %mul3A_2, %add3A_62 : i32
    %dma_start3A_64 = tpu.memref_slice %arg4[%add3A_63] : memref<320000xi32, #tpu.memory_space<hbm>> -> memref<80xi32, #tpu.memory_space<hbm>>
    %dma_start3A_65 = tpu.memref_slice %arg4[%add3A_63] : memref<320000xi32, #tpu.memory_space<hbm>> -> memref<80xi32, #tpu.memory_space<hbm>>
    tpu.enqueue_dma source(%dma_start3A_65 : memref<80xi32, #tpu.memory_space<hbm>>) target(%arg11 : memref<80xi32, #tpu.memory_space<vmem>>) target_semaphore(%arg21 : memref<!tpu.dma_semaphore, #tpu.memory_space<semaphore_mem>>)
    %scan3A_66 = arith.constant 0 : i32
    %scan3A_67 = arith.constant 0 : i32
    %scan3A_68 = arith.constant 40 : i32
    %scan3A_69 = arith.addi %scan3A_67, %scan3A_68 : i32
    %scan3A_70 = arith.constant 1 : i32
    %scan3A_71 = scf.for %scan3A_142 = %scan3A_67 to %scan3A_69 step %scan3A_70 iter_args(%scan3A_143 = %scan3A_66) -> (i32)  : i32 {
      %mul3A_144 = arith.constant 3 : i32
      %mul3A_145 = arith.muli %scan3A_142, %mul3A_144 : i32
      %dma_wait3A_146 = tpu.memref_slice %arg3[%mul3A_2] : memref<320000xi32, #tpu.memory_space<hbm>> -> memref<80xi32, #tpu.memory_space<hbm>>
      %dma_wait3A_147 = tpu.memref_slice %arg3[%mul3A_2] : memref<320000xi32, #tpu.memory_space<hbm>> -> memref<80xi32, #tpu.memory_space<hbm>>
      tpu.wait_dma2 semaphore(%arg21 : memref<!tpu.dma_semaphore, #tpu.memory_space<semaphore_mem>>) src(%dma_wait3A_147 : memref<80xi32, #tpu.memory_space<hbm>>) dst(%arg8 : memref<80xi32, #tpu.memory_space<vmem>>)
      %dma_wait3A_148 = tpu.memref_slice %arg4[%mul3A_2] : memref<320000xi32, #tpu.memory_space<hbm>> -> memref<80xi32, #tpu.memory_space<hbm>>
      %dma_wait3A_149 = tpu.memref_slice %arg4[%mul3A_2] : memref<320000xi32, #tpu.memory_space<hbm>> -> memref<80xi32, #tpu.memory_space<hbm>>
      tpu.wait_dma2 semaphore(%arg21 : memref<!tpu.dma_semaphore, #tpu.memory_space<semaphore_mem>>) src(%dma_wait3A_149 : memref<80xi32, #tpu.memory_space<hbm>>) dst(%arg11 : memref<80xi32, #tpu.memory_space<vmem>>)
      %dma_start3A_150 = arith.constant 0 : i32
      %dma_start3A_151 = arith.constant 0 : i32
      %dma_start3A_152 = tpu.memref_slice %arg2[%dma_start3A_150, %dma_start3A_151] : memref<10000x128xf32, #tpu.memory_space<hbm>> -> memref<10000x128xf32, #tpu.memory_space<hbm>>
      tpu.enqueue_indirect_dma source(%dma_start3A_152 : memref<10000x128xf32, #tpu.memory_space<hbm>>) target(%arg14 : memref<80x128xf32, #tpu.memory_space<vmem>>) offsets(%arg8 : memref<80xi32, #tpu.memory_space<vmem>>) semaphore(%arg18 : memref<!tpu.dma_semaphore, #tpu.memory_space<semaphore_mem>>)
      %dma_wait3A_153 = arith.constant 0 : i32
      %dma_wait3A_154 = arith.constant 0 : i32
      %dma_wait3A_155 = tpu.memref_slice %arg2[%dma_wait3A_153, %dma_wait3A_154] : memref<10000x128xf32, #tpu.memory_space<hbm>> -> memref<10000x128xf32, #tpu.memory_space<hbm>>
      tpu.wait_indirect_dma semaphore(%arg16 : memref<!tpu.dma_semaphore, #tpu.memory_space<semaphore_mem>>) src(%dma_wait3A_155 : memref<10000x128xf32, #tpu.memory_space<hbm>>) dst(%arg12 : memref<80x128xf32, #tpu.memory_space<vmem>>)
      "tpu.region"() ({
        %run_scoped3A = tpu.sem_alloc : memref<!tpu.dma_semaphore, #tpu.memory_space<semaphore_mem>>
        %dma_start3A_217 = arith.constant 0 : i32
        %dma_start3A_218 = arith.constant 0 : i32
        %dma_start3A_219 = tpu.memref_slice %arg15[%dma_start3A_217, %dma_start3A_218] : memref<10240x128xf32, #tpu.memory_space<vmem_shared>> -> memref<10240x128xf32, #tpu.memory_space<vmem_shared>>
        tpu.enqueue_indirect_dma source(%arg12 : memref<80x128xf32, #tpu.memory_space<vmem>>) target(%dma_start3A_219 : memref<10240x128xf32, #tpu.memory_space<vmem_shared>>) offsets(%arg9 : memref<80xi32, #tpu.memory_space<vmem>>) semaphore(%run_scoped3A : memref<!tpu.dma_semaphore, #tpu.memory_space<semaphore_mem>>) {add = true}
        %dma_wait3A_220 = arith.constant 0 : i32
        %dma_wait3A_221 = arith.constant 0 : i32
        %dma_wait3A_222 = tpu.memref_slice %arg15[%dma_wait3A_220, %dma_wait3A_221] : memref<10240x128xf32, #tpu.memory_space<vmem_shared>> -> memref<10240x128xf32, #tpu.memory_space<vmem_shared>>
        tpu.wait_indirect_dma semaphore(%run_scoped3A : memref<!tpu.dma_semaphore, #tpu.memory_space<semaphore_mem>>) src(%arg12 : memref<80x128xf32, #tpu.memory_space<vmem>>) dst(%dma_wait3A_222 : memref<10240x128xf32, #tpu.memory_space<vmem_shared>>)
        tpu.yield
      }) : () -> ()
      %add3A_156 = arith.constant 3 : i32
      %add3A_157 = arith.addi %mul3A_145, %add3A_156 : i32
      %mul3A_158 = arith.constant 80 : i32
      %mul3A_159 = arith.muli %add3A_157, %mul3A_158 : i32
      %add3A_160 = arith.addi %mul3A_2, %mul3A_159 : i32
      %dma_start3A_161 = tpu.memref_slice %arg3[%add3A_160] : memref<320000xi32, #tpu.memory_space<hbm>> -> memref<80xi32, #tpu.memory_space<hbm>>
      %dma_start3A_162 = tpu.memref_slice %arg3[%add3A_160] : memref<320000xi32, #tpu.memory_space<hbm>> -> memref<80xi32, #tpu.memory_space<hbm>>
      tpu.enqueue_dma source(%dma_start3A_162 : memref<80xi32, #tpu.memory_space<hbm>>) target(%arg6 : memref<80xi32, #tpu.memory_space<vmem>>) target_semaphore(%arg19 : memref<!tpu.dma_semaphore, #tpu.memory_space<semaphore_mem>>)
      %mul3A_163 = arith.constant 80 : i32
      %mul3A_164 = arith.muli %add3A_157, %mul3A_163 : i32
      %add3A_165 = arith.addi %mul3A_2, %mul3A_164 : i32
      %dma_start3A_166 = tpu.memref_slice %arg4[%add3A_165] : memref<320000xi32, #tpu.memory_space<hbm>> -> memref<80xi32, #tpu.memory_space<hbm>>
      %dma_start3A_167 = tpu.memref_slice %arg4[%add3A_165] : memref<320000xi32, #tpu.memory_space<hbm>> -> memref<80xi32, #tpu.memory_space<hbm>>
      tpu.enqueue_dma source(%dma_start3A_167 : memref<80xi32, #tpu.memory_space<hbm>>) target(%arg9 : memref<80xi32, #tpu.memory_space<vmem>>) target_semaphore(%arg19 : memref<!tpu.dma_semaphore, #tpu.memory_space<semaphore_mem>>)
      %add3A_168 = arith.constant 1 : i32
      %add3A_169 = arith.addi %mul3A_145, %add3A_168 : i32
      %dma_wait3A_170 = tpu.memref_slice %arg3[%mul3A_2] : memref<320000xi32, #tpu.memory_space<hbm>> -> memref<80xi32, #tpu.memory_space<hbm>>
      %dma_wait3A_171 = tpu.memref_slice %arg3[%mul3A_2] : memref<320000xi32, #tpu.memory_space<hbm>> -> memref<80xi32, #tpu.memory_space<hbm>>
      tpu.wait_dma2 semaphore(%arg19 : memref<!tpu.dma_semaphore, #tpu.memory_space<semaphore_mem>>) src(%dma_wait3A_171 : memref<80xi32, #tpu.memory_space<hbm>>) dst(%arg6 : memref<80xi32, #tpu.memory_space<vmem>>)
      %dma_wait3A_172 = tpu.memref_slice %arg4[%mul3A_2] : memref<320000xi32, #tpu.memory_space<hbm>> -> memref<80xi32, #tpu.memory_space<hbm>>
      %dma_wait3A_173 = tpu.memref_slice %arg4[%mul3A_2] : memref<320000xi32, #tpu.memory_space<hbm>> -> memref<80xi32, #tpu.memory_space<hbm>>
      tpu.wait_dma2 semaphore(%arg19 : memref<!tpu.dma_semaphore, #tpu.memory_space<semaphore_mem>>) src(%dma_wait3A_173 : memref<80xi32, #tpu.memory_space<hbm>>) dst(%arg9 : memref<80xi32, #tpu.memory_space<vmem>>)
      %dma_start3A_174 = arith.constant 0 : i32
      %dma_start3A_175 = arith.constant 0 : i32
      %dma_start3A_176 = tpu.memref_slice %arg2[%dma_start3A_174, %dma_start3A_175] : memref<10000x128xf32, #tpu.memory_space<hbm>> -> memref<10000x128xf32, #tpu.memory_space<hbm>>
      tpu.enqueue_indirect_dma source(%dma_start3A_176 : memref<10000x128xf32, #tpu.memory_space<hbm>>) target(%arg12 : memref<80x128xf32, #tpu.memory_space<vmem>>) offsets(%arg6 : memref<80xi32, #tpu.memory_space<vmem>>) semaphore(%arg16 : memref<!tpu.dma_semaphore, #tpu.memory_space<semaphore_mem>>)
      %dma_wait3A_177 = arith.constant 0 : i32
      %dma_wait3A_178 = arith.constant 0 : i32
      %dma_wait3A_179 = tpu.memref_slice %arg2[%dma_wait3A_177, %dma_wait3A_178] : memref<10000x128xf32, #tpu.memory_space<hbm>> -> memref<10000x128xf32, #tpu.memory_space<hbm>>
      tpu.wait_indirect_dma semaphore(%arg17 : memref<!tpu.dma_semaphore, #tpu.memory_space<semaphore_mem>>) src(%dma_wait3A_179 : memref<10000x128xf32, #tpu.memory_space<hbm>>) dst(%arg13 : memref<80x128xf32, #tpu.memory_space<vmem>>)
      "tpu.region"() ({
        %run_scoped3A = tpu.sem_alloc : memref<!tpu.dma_semaphore, #tpu.memory_space<semaphore_mem>>
        %dma_start3A_217 = arith.constant 0 : i32
        %dma_start3A_218 = arith.constant 0 : i32
        %dma_start3A_219 = tpu.memref_slice %arg15[%dma_start3A_217, %dma_start3A_218] : memref<10240x128xf32, #tpu.memory_space<vmem_shared>> -> memref<10240x128xf32, #tpu.memory_space<vmem_shared>>
        tpu.enqueue_indirect_dma source(%arg13 : memref<80x128xf32, #tpu.memory_space<vmem>>) target(%dma_start3A_219 : memref<10240x128xf32, #tpu.memory_space<vmem_shared>>) offsets(%arg10 : memref<80xi32, #tpu.memory_space<vmem>>) semaphore(%run_scoped3A : memref<!tpu.dma_semaphore, #tpu.memory_space<semaphore_mem>>) {add = true}
        %dma_wait3A_220 = arith.constant 0 : i32
        %dma_wait3A_221 = arith.constant 0 : i32
        %dma_wait3A_222 = tpu.memref_slice %arg15[%dma_wait3A_220, %dma_wait3A_221] : memref<10240x128xf32, #tpu.memory_space<vmem_shared>> -> memref<10240x128xf32, #tpu.memory_space<vmem_shared>>
        tpu.wait_indirect_dma semaphore(%run_scoped3A : memref<!tpu.dma_semaphore, #tpu.memory_space<semaphore_mem>>) src(%arg13 : memref<80x128xf32, #tpu.memory_space<vmem>>) dst(%dma_wait3A_222 : memref<10240x128xf32, #tpu.memory_space<vmem_shared>>)
        tpu.yield
      }) : () -> ()
      %add3A_180 = arith.constant 3 : i32
      %add3A_181 = arith.addi %add3A_169, %add3A_180 : i32
      %mul3A_182 = arith.constant 80 : i32
      %mul3A_183 = arith.muli %add3A_181, %mul3A_182 : i32
      %add3A_184 = arith.addi %mul3A_2, %mul3A_183 : i32
      %dma_start3A_185 = tpu.memref_slice %arg3[%add3A_184] : memref<320000xi32, #tpu.memory_space<hbm>> -> memref<80xi32, #tpu.memory_space<hbm>>
      %dma_start3A_186 = tpu.memref_slice %arg3[%add3A_184] : memref<320000xi32, #tpu.memory_space<hbm>> -> memref<80xi32, #tpu.memory_space<hbm>>
      tpu.enqueue_dma source(%dma_start3A_186 : memref<80xi32, #tpu.memory_space<hbm>>) target(%arg7 : memref<80xi32, #tpu.memory_space<vmem>>) target_semaphore(%arg20 : memref<!tpu.dma_semaphore, #tpu.memory_space<semaphore_mem>>)
      %mul3A_187 = arith.constant 80 : i32
      %mul3A_188 = arith.muli %add3A_181, %mul3A_187 : i32
      %add3A_189 = arith.addi %mul3A_2, %mul3A_188 : i32
      %dma_start3A_190 = tpu.memref_slice %arg4[%add3A_189] : memref<320000xi32, #tpu.memory_space<hbm>> -> memref<80xi32, #tpu.memory_space<hbm>>
      %dma_start3A_191 = tpu.memref_slice %arg4[%add3A_189] : memref<320000xi32, #tpu.memory_space<hbm>> -> memref<80xi32, #tpu.memory_space<hbm>>
      tpu.enqueue_dma source(%dma_start3A_191 : memref<80xi32, #tpu.memory_space<hbm>>) target(%arg10 : memref<80xi32, #tpu.memory_space<vmem>>) target_semaphore(%arg20 : memref<!tpu.dma_semaphore, #tpu.memory_space<semaphore_mem>>)
      %add3A_192 = arith.constant 2 : i32
      %add3A_193 = arith.addi %mul3A_145, %add3A_192 : i32
      %dma_wait3A_194 = tpu.memref_slice %arg3[%mul3A_2] : memref<320000xi32, #tpu.memory_space<hbm>> -> memref<80xi32, #tpu.memory_space<hbm>>
      %dma_wait3A_195 = tpu.memref_slice %arg3[%mul3A_2] : memref<320000xi32, #tpu.memory_space<hbm>> -> memref<80xi32, #tpu.memory_space<hbm>>
      tpu.wait_dma2 semaphore(%arg20 : memref<!tpu.dma_semaphore, #tpu.memory_space<semaphore_mem>>) src(%dma_wait3A_195 : memref<80xi32, #tpu.memory_space<hbm>>) dst(%arg7 : memref<80xi32, #tpu.memory_space<vmem>>)
      %dma_wait3A_196 = tpu.memref_slice %arg4[%mul3A_2] : memref<320000xi32, #tpu.memory_space<hbm>> -> memref<80xi32, #tpu.memory_space<hbm>>
      %dma_wait3A_197 = tpu.memref_slice %arg4[%mul3A_2] : memref<320000xi32, #tpu.memory_space<hbm>> -> memref<80xi32, #tpu.memory_space<hbm>>
      tpu.wait_dma2 semaphore(%arg20 : memref<!tpu.dma_semaphore, #tpu.memory_space<semaphore_mem>>) src(%dma_wait3A_197 : memref<80xi32, #tpu.memory_space<hbm>>) dst(%arg10 : memref<80xi32, #tpu.memory_space<vmem>>)
      %dma_start3A_198 = arith.constant 0 : i32
      %dma_start3A_199 = arith.constant 0 : i32
      %dma_start3A_200 = tpu.memref_slice %arg2[%dma_start3A_198, %dma_start3A_199] : memref<10000x128xf32, #tpu.memory_space<hbm>> -> memref<10000x128xf32, #tpu.memory_space<hbm>>
      tpu.enqueue_indirect_dma source(%dma_start3A_200 : memref<10000x128xf32, #tpu.memory_space<hbm>>) target(%arg13 : memref<80x128xf32, #tpu.memory_space<vmem>>) offsets(%arg7 : memref<80xi32, #tpu.memory_space<vmem>>) semaphore(%arg17 : memref<!tpu.dma_semaphore, #tpu.memory_space<semaphore_mem>>)
      %dma_wait3A_201 = arith.constant 0 : i32
      %dma_wait3A_202 = arith.constant 0 : i32
      %dma_wait3A_203 = tpu.memref_slice %arg2[%dma_wait3A_201, %dma_wait3A_202] : memref<10000x128xf32, #tpu.memory_space<hbm>> -> memref<10000x128xf32, #tpu.memory_space<hbm>>
      tpu.wait_indirect_dma semaphore(%arg18 : memref<!tpu.dma_semaphore, #tpu.memory_space<semaphore_mem>>) src(%dma_wait3A_203 : memref<10000x128xf32, #tpu.memory_space<hbm>>) dst(%arg14 : memref<80x128xf32, #tpu.memory_space<vmem>>)
      "tpu.region"() ({
        %run_scoped3A = tpu.sem_alloc : memref<!tpu.dma_semaphore, #tpu.memory_space<semaphore_mem>>
        %dma_start3A_217 = arith.constant 0 : i32
        %dma_start3A_218 = arith.constant 0 : i32
        %dma_start3A_219 = tpu.memref_slice %arg15[%dma_start3A_217, %dma_start3A_218] : memref<10240x128xf32, #tpu.memory_space<vmem_shared>> -> memref<10240x128xf32, #tpu.memory_space<vmem_shared>>
        tpu.enqueue_indirect_dma source(%arg14 : memref<80x128xf32, #tpu.memory_space<vmem>>) target(%dma_start3A_219 : memref<10240x128xf32, #tpu.memory_space<vmem_shared>>) offsets(%arg11 : memref<80xi32, #tpu.memory_space<vmem>>) semaphore(%run_scoped3A : memref<!tpu.dma_semaphore, #tpu.memory_space<semaphore_mem>>) {add = true}
        %dma_wait3A_220 = arith.constant 0 : i32
        %dma_wait3A_221 = arith.constant 0 : i32
        %dma_wait3A_222 = tpu.memref_slice %arg15[%dma_wait3A_220, %dma_wait3A_221] : memref<10240x128xf32, #tpu.memory_space<vmem_shared>> -> memref<10240x128xf32, #tpu.memory_space<vmem_shared>>
        tpu.wait_indirect_dma semaphore(%run_scoped3A : memref<!tpu.dma_semaphore, #tpu.memory_space<semaphore_mem>>) src(%arg14 : memref<80x128xf32, #tpu.memory_space<vmem>>) dst(%dma_wait3A_222 : memref<10240x128xf32, #tpu.memory_space<vmem_shared>>)
        tpu.yield
      }) : () -> ()
      %add3A_204 = arith.constant 3 : i32
      %add3A_205 = arith.addi %add3A_193, %add3A_204 : i32
      %mul3A_206 = arith.constant 80 : i32
      %mul3A_207 = arith.muli %add3A_205, %mul3A_206 : i32
      %add3A_208 = arith.addi %mul3A_2, %mul3A_207 : i32
      %dma_start3A_209 = tpu.memref_slice %arg3[%add3A_208] : memref<320000xi32, #tpu.memory_space<hbm>> -> memref<80xi32, #tpu.memory_space<hbm>>
      %dma_start3A_210 = tpu.memref_slice %arg3[%add3A_208] : memref<320000xi32, #tpu.memory_space<hbm>> -> memref<80xi32, #tpu.memory_space<hbm>>
      tpu.enqueue_dma source(%dma_start3A_210 : memref<80xi32, #tpu.memory_space<hbm>>) target(%arg8 : memref<80xi32, #tpu.memory_space<vmem>>) target_semaphore(%arg21 : memref<!tpu.dma_semaphore, #tpu.memory_space<semaphore_mem>>)
      %mul3A_211 = arith.constant 80 : i32
      %mul3A_212 = arith.muli %add3A_205, %mul3A_211 : i32
      %add3A_213 = arith.addi %mul3A_2, %mul3A_212 : i32
      %dma_start3A_214 = tpu.memref_slice %arg4[%add3A_213] : memref<320000xi32, #tpu.memory_space<hbm>> -> memref<80xi32, #tpu.memory_space<hbm>>
      %dma_start3A_215 = tpu.memref_slice %arg4[%add3A_213] : memref<320000xi32, #tpu.memory_space<hbm>> -> memref<80xi32, #tpu.memory_space<hbm>>
      tpu.enqueue_dma source(%dma_start3A_215 : memref<80xi32, #tpu.memory_space<hbm>>) target(%arg11 : memref<80xi32, #tpu.memory_space<vmem>>) target_semaphore(%arg21 : memref<!tpu.dma_semaphore, #tpu.memory_space<semaphore_mem>>)
      %scan3A_216 = arith.constant 0 : i32
      scf.yield %scan3A_216 : i32
    }
    %scan3A_72 = arith.constant 40 : i32
    %dma_wait3A_73 = tpu.memref_slice %arg3[%mul3A_2] : memref<320000xi32, #tpu.memory_space<hbm>> -> memref<80xi32, #tpu.memory_space<hbm>>
    %dma_wait3A_74 = tpu.memref_slice %arg3[%mul3A_2] : memref<320000xi32, #tpu.memory_space<hbm>> -> memref<80xi32, #tpu.memory_space<hbm>>
    tpu.wait_dma2 semaphore(%arg21 : memref<!tpu.dma_semaphore, #tpu.memory_space<semaphore_mem>>) src(%dma_wait3A_74 : memref<80xi32, #tpu.memory_space<hbm>>) dst(%arg8 : memref<80xi32, #tpu.memory_space<vmem>>)
    %dma_wait3A_75 = tpu.memref_slice %arg4[%mul3A_2] : memref<320000xi32, #tpu.memory_space<hbm>> -> memref<80xi32, #tpu.memory_space<hbm>>
    %dma_wait3A_76 = tpu.memref_slice %arg4[%mul3A_2] : memref<320000xi32, #tpu.memory_space<hbm>> -> memref<80xi32, #tpu.memory_space<hbm>>
    tpu.wait_dma2 semaphore(%arg21 : memref<!tpu.dma_semaphore, #tpu.memory_space<semaphore_mem>>) src(%dma_wait3A_76 : memref<80xi32, #tpu.memory_space<hbm>>) dst(%arg11 : memref<80xi32, #tpu.memory_space<vmem>>)
    %dma_start3A_77 = arith.constant 0 : i32
    %dma_start3A_78 = arith.constant 0 : i32
    %dma_start3A_79 = tpu.memref_slice %arg2[%dma_start3A_77, %dma_start3A_78] : memref<10000x128xf32, #tpu.memory_space<hbm>> -> memref<10000x128xf32, #tpu.memory_space<hbm>>
    tpu.enqueue_indirect_dma source(%dma_start3A_79 : memref<10000x128xf32, #tpu.memory_space<hbm>>) target(%arg14 : memref<80x128xf32, #tpu.memory_space<vmem>>) offsets(%arg8 : memref<80xi32, #tpu.memory_space<vmem>>) semaphore(%arg18 : memref<!tpu.dma_semaphore, #tpu.memory_space<semaphore_mem>>)
    %dma_wait3A_80 = arith.constant 0 : i32
    %dma_wait3A_81 = arith.constant 0 : i32
    %dma_wait3A_82 = tpu.memref_slice %arg2[%dma_wait3A_80, %dma_wait3A_81] : memref<10000x128xf32, #tpu.memory_space<hbm>> -> memref<10000x128xf32, #tpu.memory_space<hbm>>
    tpu.wait_indirect_dma semaphore(%arg16 : memref<!tpu.dma_semaphore, #tpu.memory_space<semaphore_mem>>) src(%dma_wait3A_82 : memref<10000x128xf32, #tpu.memory_space<hbm>>) dst(%arg12 : memref<80x128xf32, #tpu.memory_space<vmem>>)
    "tpu.region"() ({
      %run_scoped3A = tpu.sem_alloc : memref<!tpu.dma_semaphore, #tpu.memory_space<semaphore_mem>>
      %dma_start3A_142 = arith.constant 0 : i32
      %dma_start3A_143 = arith.constant 0 : i32
      %dma_start3A_144 = tpu.memref_slice %arg15[%dma_start3A_142, %dma_start3A_143] : memref<10240x128xf32, #tpu.memory_space<vmem_shared>> -> memref<10240x128xf32, #tpu.memory_space<vmem_shared>>
      tpu.enqueue_indirect_dma source(%arg12 : memref<80x128xf32, #tpu.memory_space<vmem>>) target(%dma_start3A_144 : memref<10240x128xf32, #tpu.memory_space<vmem_shared>>) offsets(%arg9 : memref<80xi32, #tpu.memory_space<vmem>>) semaphore(%run_scoped3A : memref<!tpu.dma_semaphore, #tpu.memory_space<semaphore_mem>>) {add = true}
      %dma_wait3A_145 = arith.constant 0 : i32
      %dma_wait3A_146 = arith.constant 0 : i32
      %dma_wait3A_147 = tpu.memref_slice %arg15[%dma_wait3A_145, %dma_wait3A_146] : memref<10240x128xf32, #tpu.memory_space<vmem_shared>> -> memref<10240x128xf32, #tpu.memory_space<vmem_shared>>
      tpu.wait_indirect_dma semaphore(%run_scoped3A : memref<!tpu.dma_semaphore, #tpu.memory_space<semaphore_mem>>) src(%arg12 : memref<80x128xf32, #tpu.memory_space<vmem>>) dst(%dma_wait3A_147 : memref<10240x128xf32, #tpu.memory_space<vmem_shared>>)
      tpu.yield
    }) : () -> ()
    %add3A_83 = arith.constant 9840 : i32
    %add3A_84 = arith.addi %mul3A_2, %add3A_83 : i32
    %dma_start3A_85 = tpu.memref_slice %arg3[%add3A_84] : memref<320000xi32, #tpu.memory_space<hbm>> -> memref<80xi32, #tpu.memory_space<hbm>>
    %dma_start3A_86 = tpu.memref_slice %arg3[%add3A_84] : memref<320000xi32, #tpu.memory_space<hbm>> -> memref<80xi32, #tpu.memory_space<hbm>>
    tpu.enqueue_dma source(%dma_start3A_86 : memref<80xi32, #tpu.memory_space<hbm>>) target(%arg6 : memref<80xi32, #tpu.memory_space<vmem>>) target_semaphore(%arg19 : memref<!tpu.dma_semaphore, #tpu.memory_space<semaphore_mem>>)
    %add3A_87 = arith.constant 9840 : i32
    %add3A_88 = arith.addi %mul3A_2, %add3A_87 : i32
    %dma_start3A_89 = tpu.memref_slice %arg4[%add3A_88] : memref<320000xi32, #tpu.memory_space<hbm>> -> memref<80xi32, #tpu.memory_space<hbm>>
    %dma_start3A_90 = tpu.memref_slice %arg4[%add3A_88] : memref<320000xi32, #tpu.memory_space<hbm>> -> memref<80xi32, #tpu.memory_space<hbm>>
    tpu.enqueue_dma source(%dma_start3A_90 : memref<80xi32, #tpu.memory_space<hbm>>) target(%arg9 : memref<80xi32, #tpu.memory_space<vmem>>) target_semaphore(%arg19 : memref<!tpu.dma_semaphore, #tpu.memory_space<semaphore_mem>>)
    %dma_wait3A_91 = tpu.memref_slice %arg3[%mul3A_2] : memref<320000xi32, #tpu.memory_space<hbm>> -> memref<80xi32, #tpu.memory_space<hbm>>
    %dma_wait3A_92 = tpu.memref_slice %arg3[%mul3A_2] : memref<320000xi32, #tpu.memory_space<hbm>> -> memref<80xi32, #tpu.memory_space<hbm>>
    tpu.wait_dma2 semaphore(%arg19 : memref<!tpu.dma_semaphore, #tpu.memory_space<semaphore_mem>>) src(%dma_wait3A_92 : memref<80xi32, #tpu.memory_space<hbm>>) dst(%arg6 : memref<80xi32, #tpu.memory_space<vmem>>)
    %dma_wait3A_93 = tpu.memref_slice %arg4[%mul3A_2] : memref<320000xi32, #tpu.memory_space<hbm>> -> memref<80xi32, #tpu.memory_space<hbm>>
    %dma_wait3A_94 = tpu.memref_slice %arg4[%mul3A_2] : memref<320000xi32, #tpu.memory_space<hbm>> -> memref<80xi32, #tpu.memory_space<hbm>>
    tpu.wait_dma2 semaphore(%arg19 : memref<!tpu.dma_semaphore, #tpu.memory_space<semaphore_mem>>) src(%dma_wait3A_94 : memref<80xi32, #tpu.memory_space<hbm>>) dst(%arg9 : memref<80xi32, #tpu.memory_space<vmem>>)
    %dma_start3A_95 = arith.constant 0 : i32
    %dma_start3A_96 = arith.constant 0 : i32
    %dma_start3A_97 = tpu.memref_slice %arg2[%dma_start3A_95, %dma_start3A_96] : memref<10000x128xf32, #tpu.memory_space<hbm>> -> memref<10000x128xf32, #tpu.memory_space<hbm>>
    tpu.enqueue_indirect_dma source(%dma_start3A_97 : memref<10000x128xf32, #tpu.memory_space<hbm>>) target(%arg12 : memref<80x128xf32, #tpu.memory_space<vmem>>) offsets(%arg6 : memref<80xi32, #tpu.memory_space<vmem>>) semaphore(%arg16 : memref<!tpu.dma_semaphore, #tpu.memory_space<semaphore_mem>>)
    %dma_wait3A_98 = arith.constant 0 : i32
    %dma_wait3A_99 = arith.constant 0 : i32
    %dma_wait3A_100 = tpu.memref_slice %arg2[%dma_wait3A_98, %dma_wait3A_99] : memref<10000x128xf32, #tpu.memory_space<hbm>> -> memref<10000x128xf32, #tpu.memory_space<hbm>>
    tpu.wait_indirect_dma semaphore(%arg17 : memref<!tpu.dma_semaphore, #tpu.memory_space<semaphore_mem>>) src(%dma_wait3A_100 : memref<10000x128xf32, #tpu.memory_space<hbm>>) dst(%arg13 : memref<80x128xf32, #tpu.memory_space<vmem>>)
    "tpu.region"() ({
      %run_scoped3A = tpu.sem_alloc : memref<!tpu.dma_semaphore, #tpu.memory_space<semaphore_mem>>
      %dma_start3A_142 = arith.constant 0 : i32
      %dma_start3A_143 = arith.constant 0 : i32
      %dma_start3A_144 = tpu.memref_slice %arg15[%dma_start3A_142, %dma_start3A_143] : memref<10240x128xf32, #tpu.memory_space<vmem_shared>> -> memref<10240x128xf32, #tpu.memory_space<vmem_shared>>
      tpu.enqueue_indirect_dma source(%arg13 : memref<80x128xf32, #tpu.memory_space<vmem>>) target(%dma_start3A_144 : memref<10240x128xf32, #tpu.memory_space<vmem_shared>>) offsets(%arg10 : memref<80xi32, #tpu.memory_space<vmem>>) semaphore(%run_scoped3A : memref<!tpu.dma_semaphore, #tpu.memory_space<semaphore_mem>>) {add = true}
      %dma_wait3A_145 = arith.constant 0 : i32
      %dma_wait3A_146 = arith.constant 0 : i32
      %dma_wait3A_147 = tpu.memref_slice %arg15[%dma_wait3A_145, %dma_wait3A_146] : memref<10240x128xf32, #tpu.memory_space<vmem_shared>> -> memref<10240x128xf32, #tpu.memory_space<vmem_shared>>
      tpu.wait_indirect_dma semaphore(%run_scoped3A : memref<!tpu.dma_semaphore, #tpu.memory_space<semaphore_mem>>) src(%arg13 : memref<80x128xf32, #tpu.memory_space<vmem>>) dst(%dma_wait3A_147 : memref<10240x128xf32, #tpu.memory_space<vmem_shared>>)
      tpu.yield
    }) : () -> ()
    %add3A_101 = arith.constant 9920 : i32
    %add3A_102 = arith.addi %mul3A_2, %add3A_101 : i32
    %dma_start3A_103 = tpu.memref_slice %arg3[%add3A_102] : memref<320000xi32, #tpu.memory_space<hbm>> -> memref<80xi32, #tpu.memory_space<hbm>>
    %dma_start3A_104 = tpu.memref_slice %arg3[%add3A_102] : memref<320000xi32, #tpu.memory_space<hbm>> -> memref<80xi32, #tpu.memory_space<hbm>>
    tpu.enqueue_dma source(%dma_start3A_104 : memref<80xi32, #tpu.memory_space<hbm>>) target(%arg7 : memref<80xi32, #tpu.memory_space<vmem>>) target_semaphore(%arg20 : memref<!tpu.dma_semaphore, #tpu.memory_space<semaphore_mem>>)
    %add3A_105 = arith.constant 9920 : i32
    %add3A_106 = arith.addi %mul3A_2, %add3A_105 : i32
    %dma_start3A_107 = tpu.memref_slice %arg4[%add3A_106] : memref<320000xi32, #tpu.memory_space<hbm>> -> memref<80xi32, #tpu.memory_space<hbm>>
    %dma_start3A_108 = tpu.memref_slice %arg4[%add3A_106] : memref<320000xi32, #tpu.memory_space<hbm>> -> memref<80xi32, #tpu.memory_space<hbm>>
    tpu.enqueue_dma source(%dma_start3A_108 : memref<80xi32, #tpu.memory_space<hbm>>) target(%arg10 : memref<80xi32, #tpu.memory_space<vmem>>) target_semaphore(%arg20 : memref<!tpu.dma_semaphore, #tpu.memory_space<semaphore_mem>>)
    %dma_wait3A_109 = tpu.memref_slice %arg3[%mul3A_2] : memref<320000xi32, #tpu.memory_space<hbm>> -> memref<80xi32, #tpu.memory_space<hbm>>
    %dma_wait3A_110 = tpu.memref_slice %arg3[%mul3A_2] : memref<320000xi32, #tpu.memory_space<hbm>> -> memref<80xi32, #tpu.memory_space<hbm>>
    tpu.wait_dma2 semaphore(%arg20 : memref<!tpu.dma_semaphore, #tpu.memory_space<semaphore_mem>>) src(%dma_wait3A_110 : memref<80xi32, #tpu.memory_space<hbm>>) dst(%arg7 : memref<80xi32, #tpu.memory_space<vmem>>)
    %dma_wait3A_111 = tpu.memref_slice %arg4[%mul3A_2] : memref<320000xi32, #tpu.memory_space<hbm>> -> memref<80xi32, #tpu.memory_space<hbm>>
    %dma_wait3A_112 = tpu.memref_slice %arg4[%mul3A_2] : memref<320000xi32, #tpu.memory_space<hbm>> -> memref<80xi32, #tpu.memory_space<hbm>>
    tpu.wait_dma2 semaphore(%arg20 : memref<!tpu.dma_semaphore, #tpu.memory_space<semaphore_mem>>) src(%dma_wait3A_112 : memref<80xi32, #tpu.memory_space<hbm>>) dst(%arg10 : memref<80xi32, #tpu.memory_space<vmem>>)
    %dma_start3A_113 = arith.constant 0 : i32
    %dma_start3A_114 = arith.constant 0 : i32
    %dma_start3A_115 = tpu.memref_slice %arg2[%dma_start3A_113, %dma_start3A_114] : memref<10000x128xf32, #tpu.memory_space<hbm>> -> memref<10000x128xf32, #tpu.memory_space<hbm>>
    tpu.enqueue_indirect_dma source(%dma_start3A_115 : memref<10000x128xf32, #tpu.memory_space<hbm>>) target(%arg13 : memref<80x128xf32, #tpu.memory_space<vmem>>) offsets(%arg7 : memref<80xi32, #tpu.memory_space<vmem>>) semaphore(%arg17 : memref<!tpu.dma_semaphore, #tpu.memory_space<semaphore_mem>>)
    %dma_wait3A_116 = arith.constant 0 : i32
    %dma_wait3A_117 = arith.constant 0 : i32
    %dma_wait3A_118 = tpu.memref_slice %arg2[%dma_wait3A_116, %dma_wait3A_117] : memref<10000x128xf32, #tpu.memory_space<hbm>> -> memref<10000x128xf32, #tpu.memory_space<hbm>>
    tpu.wait_indirect_dma semaphore(%arg18 : memref<!tpu.dma_semaphore, #tpu.memory_space<semaphore_mem>>) src(%dma_wait3A_118 : memref<10000x128xf32, #tpu.memory_space<hbm>>) dst(%arg14 : memref<80x128xf32, #tpu.memory_space<vmem>>)
    "tpu.region"() ({
      %run_scoped3A = tpu.sem_alloc : memref<!tpu.dma_semaphore, #tpu.memory_space<semaphore_mem>>
      %dma_start3A_142 = arith.constant 0 : i32
      %dma_start3A_143 = arith.constant 0 : i32
      %dma_start3A_144 = tpu.memref_slice %arg15[%dma_start3A_142, %dma_start3A_143] : memref<10240x128xf32, #tpu.memory_space<vmem_shared>> -> memref<10240x128xf32, #tpu.memory_space<vmem_shared>>
      tpu.enqueue_indirect_dma source(%arg14 : memref<80x128xf32, #tpu.memory_space<vmem>>) target(%dma_start3A_144 : memref<10240x128xf32, #tpu.memory_space<vmem_shared>>) offsets(%arg11 : memref<80xi32, #tpu.memory_space<vmem>>) semaphore(%run_scoped3A : memref<!tpu.dma_semaphore, #tpu.memory_space<semaphore_mem>>) {add = true}
      %dma_wait3A_145 = arith.constant 0 : i32
      %dma_wait3A_146 = arith.constant 0 : i32
      %dma_wait3A_147 = tpu.memref_slice %arg15[%dma_wait3A_145, %dma_wait3A_146] : memref<10240x128xf32, #tpu.memory_space<vmem_shared>> -> memref<10240x128xf32, #tpu.memory_space<vmem_shared>>
      tpu.wait_indirect_dma semaphore(%run_scoped3A : memref<!tpu.dma_semaphore, #tpu.memory_space<semaphore_mem>>) src(%arg14 : memref<80x128xf32, #tpu.memory_space<vmem>>) dst(%dma_wait3A_147 : memref<10240x128xf32, #tpu.memory_space<vmem_shared>>)
      tpu.yield
    }) : () -> ()
    %dma_wait3A_119 = arith.constant 0 : i32
    %dma_wait3A_120 = arith.constant 0 : i32
    %dma_wait3A_121 = tpu.memref_slice %arg2[%dma_wait3A_119, %dma_wait3A_120] : memref<10000x128xf32, #tpu.memory_space<hbm>> -> memref<10000x128xf32, #tpu.memory_space<hbm>>
    tpu.wait_indirect_dma semaphore(%arg16 : memref<!tpu.dma_semaphore, #tpu.memory_space<semaphore_mem>>) src(%dma_wait3A_121 : memref<10000x128xf32, #tpu.memory_space<hbm>>) dst(%arg12 : memref<80x128xf32, #tpu.memory_space<vmem>>)
    "tpu.region"() ({
      %run_scoped3A = tpu.sem_alloc : memref<!tpu.dma_semaphore, #tpu.memory_space<semaphore_mem>>
      %dma_start3A_142 = arith.constant 0 : i32
      %dma_start3A_143 = arith.constant 0 : i32
      %dma_start3A_144 = tpu.memref_slice %arg15[%dma_start3A_142, %dma_start3A_143] : memref<10240x128xf32, #tpu.memory_space<vmem_shared>> -> memref<10240x128xf32, #tpu.memory_space<vmem_shared>>
      tpu.enqueue_indirect_dma source(%arg12 : memref<80x128xf32, #tpu.memory_space<vmem>>) target(%dma_start3A_144 : memref<10240x128xf32, #tpu.memory_space<vmem_shared>>) offsets(%arg9 : memref<80xi32, #tpu.memory_space<vmem>>) semaphore(%run_scoped3A : memref<!tpu.dma_semaphore, #tpu.memory_space<semaphore_mem>>) {add = true}
      %dma_wait3A_145 = arith.constant 0 : i32
      %dma_wait3A_146 = arith.constant 0 : i32
      %dma_wait3A_147 = tpu.memref_slice %arg15[%dma_wait3A_145, %dma_wait3A_146] : memref<10240x128xf32, #tpu.memory_space<vmem_shared>> -> memref<10240x128xf32, #tpu.memory_space<vmem_shared>>
      tpu.wait_indirect_dma semaphore(%run_scoped3A : memref<!tpu.dma_semaphore, #tpu.memory_space<semaphore_mem>>) src(%arg12 : memref<80x128xf32, #tpu.memory_space<vmem>>) dst(%dma_wait3A_147 : memref<10240x128xf32, #tpu.memory_space<vmem_shared>>)
      tpu.yield
    }) : () -> ()
    %dma_wait3A_122 = arith.constant 0 : i32
    %dma_wait3A_123 = arith.constant 0 : i32
    %dma_wait3A_124 = tpu.memref_slice %arg2[%dma_wait3A_122, %dma_wait3A_123] : memref<10000x128xf32, #tpu.memory_space<hbm>> -> memref<10000x128xf32, #tpu.memory_space<hbm>>
    tpu.wait_indirect_dma semaphore(%arg17 : memref<!tpu.dma_semaphore, #tpu.memory_space<semaphore_mem>>) src(%dma_wait3A_124 : memref<10000x128xf32, #tpu.memory_space<hbm>>) dst(%arg13 : memref<80x128xf32, #tpu.memory_space<vmem>>)
    "tpu.region"() ({
      %run_scoped3A = tpu.sem_alloc : memref<!tpu.dma_semaphore, #tpu.memory_space<semaphore_mem>>
      %dma_start3A_142 = arith.constant 0 : i32
      %dma_start3A_143 = arith.constant 0 : i32
      %dma_start3A_144 = tpu.memref_slice %arg15[%dma_start3A_142, %dma_start3A_143] : memref<10240x128xf32, #tpu.memory_space<vmem_shared>> -> memref<10240x128xf32, #tpu.memory_space<vmem_shared>>
      tpu.enqueue_indirect_dma source(%arg13 : memref<80x128xf32, #tpu.memory_space<vmem>>) target(%dma_start3A_144 : memref<10240x128xf32, #tpu.memory_space<vmem_shared>>) offsets(%arg10 : memref<80xi32, #tpu.memory_space<vmem>>) semaphore(%run_scoped3A : memref<!tpu.dma_semaphore, #tpu.memory_space<semaphore_mem>>) {add = true}
      %dma_wait3A_145 = arith.constant 0 : i32
      %dma_wait3A_146 = arith.constant 0 : i32
      %dma_wait3A_147 = tpu.memref_slice %arg15[%dma_wait3A_145, %dma_wait3A_146] : memref<10240x128xf32, #tpu.memory_space<vmem_shared>> -> memref<10240x128xf32, #tpu.memory_space<vmem_shared>>
      tpu.wait_indirect_dma semaphore(%run_scoped3A : memref<!tpu.dma_semaphore, #tpu.memory_space<semaphore_mem>>) src(%arg13 : memref<80x128xf32, #tpu.memory_space<vmem>>) dst(%dma_wait3A_147 : memref<10240x128xf32, #tpu.memory_space<vmem_shared>>)
      tpu.yield
    }) : () -> ()
    %barrier3A_125 = arith.constant 0 : index
    tpu.barrier barrier_id(%barrier3A_125)
    %add3A_126 = arith.constant 0 : i32
    %add3A_127 = arith.addi %mul3A_20, %add3A_126 : i32
    "tpu.region"() ({
      %run_scoped3A = tpu.sem_alloc : memref<!tpu.dma_semaphore, #tpu.memory_space<semaphore_mem>>
      %dma_start3A_142 = arith.constant 0 : i32
      %dma_start3A_143 = tpu.memref_slice %arg15[%add3A_127, %dma_start3A_142] : memref<10240x128xf32, #tpu.memory_space<vmem_shared>> -> memref<80x128xf32, #tpu.memory_space<vmem_shared>>
      %dma_start3A_144 = arith.constant 0 : i32
      %dma_start3A_145 = tpu.memref_slice %arg15[%add3A_127, %dma_start3A_144] : memref<10240x128xf32, #tpu.memory_space<vmem_shared>> -> memref<80x128xf32, #tpu.memory_space<vmem_shared>>
      tpu.enqueue_dma source(%dma_start3A_145 : memref<80x128xf32, #tpu.memory_space<vmem_shared>>) target(%arg12 : memref<80x128xf32, #tpu.memory_space<vmem>>) target_semaphore(%run_scoped3A : memref<!tpu.dma_semaphore, #tpu.memory_space<semaphore_mem>>)
      %dma_wait3A_146 = arith.constant 0 : i32
      %dma_wait3A_147 = tpu.memref_slice %arg15[%add3A_127, %dma_wait3A_146] : memref<10240x128xf32, #tpu.memory_space<vmem_shared>> -> memref<80x128xf32, #tpu.memory_space<vmem_shared>>
      %dma_wait3A_148 = arith.constant 0 : i32
      %dma_wait3A_149 = tpu.memref_slice %arg15[%add3A_127, %dma_wait3A_148] : memref<10240x128xf32, #tpu.memory_space<vmem_shared>> -> memref<80x128xf32, #tpu.memory_space<vmem_shared>>
      tpu.wait_dma2 semaphore(%run_scoped3A : memref<!tpu.dma_semaphore, #tpu.memory_space<semaphore_mem>>) src(%dma_wait3A_149 : memref<80x128xf32, #tpu.memory_space<vmem_shared>>) dst(%arg12 : memref<80x128xf32, #tpu.memory_space<vmem>>)
      tpu.yield
    }) : () -> ()
    "tpu.region"() ({
      %run_scoped3A = tpu.sem_alloc : memref<!tpu.dma_semaphore, #tpu.memory_space<semaphore_mem>>
      %dma_start3A_142 = arith.constant 0 : i32
      %dma_start3A_143 = tpu.memref_slice %arg5[%arg0, %add3A_127, %dma_start3A_142] : memref<2x10240x128xf32, #tpu.memory_space<hbm>> -> memref<1x80x128xf32, #tpu.memory_space<hbm>>
      %dma_start3A_144 = tpu.memref_squeeze %dma_start3A_143 : memref<1x80x128xf32, #tpu.memory_space<hbm>> -> memref<80x128xf32, #tpu.memory_space<hbm>>
      %dma_start3A_145 = arith.constant 0 : i32
      %dma_start3A_146 = tpu.memref_slice %arg5[%arg0, %add3A_127, %dma_start3A_145] : memref<2x10240x128xf32, #tpu.memory_space<hbm>> -> memref<1x80x128xf32, #tpu.memory_space<hbm>>
      %dma_start3A_147 = tpu.memref_squeeze %dma_start3A_146 : memref<1x80x128xf32, #tpu.memory_space<hbm>> -> memref<80x128xf32, #tpu.memory_space<hbm>>
      tpu.enqueue_dma source(%arg12 : memref<80x128xf32, #tpu.memory_space<vmem>>) target(%dma_start3A_147 : memref<80x128xf32, #tpu.memory_space<hbm>>) target_semaphore(%run_scoped3A : memref<!tpu.dma_semaphore, #tpu.memory_space<semaphore_mem>>)
      %dma_wait3A_148 = arith.constant 0 : i32
      %dma_wait3A_149 = tpu.memref_slice %arg5[%arg0, %add3A_127, %dma_wait3A_148] : memref<2x10240x128xf32, #tpu.memory_space<hbm>> -> memref<1x80x128xf32, #tpu.memory_space<hbm>>
      %dma_wait3A_150 = tpu.memref_squeeze %dma_wait3A_149 : memref<1x80x128xf32, #tpu.memory_space<hbm>> -> memref<80x128xf32, #tpu.memory_space<hbm>>
      %dma_wait3A_151 = arith.constant 0 : i32
      %dma_wait3A_152 = tpu.memref_slice %arg5[%arg0, %add3A_127, %dma_wait3A_151] : memref<2x10240x128xf32, #tpu.memory_space<hbm>> -> memref<1x80x128xf32, #tpu.memory_space<hbm>>
      %dma_wait3A_153 = tpu.memref_squeeze %dma_wait3A_152 : memref<1x80x128xf32, #tpu.memory_space<hbm>> -> memref<80x128xf32, #tpu.memory_space<hbm>>
      tpu.wait_dma2 semaphore(%run_scoped3A : memref<!tpu.dma_semaphore, #tpu.memory_space<semaphore_mem>>) src(%arg12 : memref<80x128xf32, #tpu.memory_space<vmem>>) dst(%dma_wait3A_153 : memref<80x128xf32, #tpu.memory_space<hbm>>)
      tpu.yield
    }) : () -> ()
    %add3A_128 = arith.constant 80 : i32
    %add3A_129 = arith.addi %mul3A_20, %add3A_128 : i32
    "tpu.region"() ({
      %run_scoped3A = tpu.sem_alloc : memref<!tpu.dma_semaphore, #tpu.memory_space<semaphore_mem>>
      %dma_start3A_142 = arith.constant 0 : i32
      %dma_start3A_143 = tpu.memref_slice %arg15[%add3A_129, %dma_start3A_142] : memref<10240x128xf32, #tpu.memory_space<vmem_shared>> -> memref<80x128xf32, #tpu.memory_space<vmem_shared>>
      %dma_start3A_144 = arith.constant 0 : i32
      %dma_start3A_145 = tpu.memref_slice %arg15[%add3A_129, %dma_start3A_144] : memref<10240x128xf32, #tpu.memory_space<vmem_shared>> -> memref<80x128xf32, #tpu.memory_space<vmem_shared>>
      tpu.enqueue_dma source(%dma_start3A_145 : memref<80x128xf32, #tpu.memory_space<vmem_shared>>) target(%arg12 : memref<80x128xf32, #tpu.memory_space<vmem>>) target_semaphore(%run_scoped3A : memref<!tpu.dma_semaphore, #tpu.memory_space<semaphore_mem>>)
      %dma_wait3A_146 = arith.constant 0 : i32
      %dma_wait3A_147 = tpu.memref_slice %arg15[%add3A_129, %dma_wait3A_146] : memref<10240x128xf32, #tpu.memory_space<vmem_shared>> -> memref<80x128xf32, #tpu.memory_space<vmem_shared>>
      %dma_wait3A_148 = arith.constant 0 : i32
      %dma_wait3A_149 = tpu.memref_slice %arg15[%add3A_129, %dma_wait3A_148] : memref<10240x128xf32, #tpu.memory_space<vmem_shared>> -> memref<80x128xf32, #tpu.memory_space<vmem_shared>>
      tpu.wait_dma2 semaphore(%run_scoped3A : memref<!tpu.dma_semaphore, #tpu.memory_space<semaphore_mem>>) src(%dma_wait3A_149 : memref<80x128xf32, #tpu.memory_space<vmem_shared>>) dst(%arg12 : memref<80x128xf32, #tpu.memory_space<vmem>>)
      tpu.yield
    }) : () -> ()
    "tpu.region"() ({
      %run_scoped3A = tpu.sem_alloc : memref<!tpu.dma_semaphore, #tpu.memory_space<semaphore_mem>>
      %dma_start3A_142 = arith.constant 0 : i32
      %dma_start3A_143 = tpu.memref_slice %arg5[%arg0, %add3A_129, %dma_start3A_142] : memref<2x10240x128xf32, #tpu.memory_space<hbm>> -> memref<1x80x128xf32, #tpu.memory_space<hbm>>
      %dma_start3A_144 = tpu.memref_squeeze %dma_start3A_143 : memref<1x80x128xf32, #tpu.memory_space<hbm>> -> memref<80x128xf32, #tpu.memory_space<hbm>>
      %dma_start3A_145 = arith.constant 0 : i32
      %dma_start3A_146 = tpu.memref_slice %arg5[%arg0, %add3A_129, %dma_start3A_145] : memref<2x10240x128xf32, #tpu.memory_space<hbm>> -> memref<1x80x128xf32, #tpu.memory_space<hbm>>
      %dma_start3A_147 = tpu.memref_squeeze %dma_start3A_146 : memref<1x80x128xf32, #tpu.memory_space<hbm>> -> memref<80x128xf32, #tpu.memory_space<hbm>>
      tpu.enqueue_dma source(%arg12 : memref<80x128xf32, #tpu.memory_space<vmem>>) target(%dma_start3A_147 : memref<80x128xf32, #tpu.memory_space<hbm>>) target_semaphore(%run_scoped3A : memref<!tpu.dma_semaphore, #tpu.memory_space<semaphore_mem>>)
      %dma_wait3A_148 = arith.constant 0 : i32
      %dma_wait3A_149 = tpu.memref_slice %arg5[%arg0, %add3A_129, %dma_wait3A_148] : memref<2x10240x128xf32, #tpu.memory_space<hbm>> -> memref<1x80x128xf32, #tpu.memory_space<hbm>>
      %dma_wait3A_150 = tpu.memref_squeeze %dma_wait3A_149 : memref<1x80x128xf32, #tpu.memory_space<hbm>> -> memref<80x128xf32, #tpu.memory_space<hbm>>
      %dma_wait3A_151 = arith.constant 0 : i32
      %dma_wait3A_152 = tpu.memref_slice %arg5[%arg0, %add3A_129, %dma_wait3A_151] : memref<2x10240x128xf32, #tpu.memory_space<hbm>> -> memref<1x80x128xf32, #tpu.memory_space<hbm>>
      %dma_wait3A_153 = tpu.memref_squeeze %dma_wait3A_152 : memref<1x80x128xf32, #tpu.memory_space<hbm>> -> memref<80x128xf32, #tpu.memory_space<hbm>>
      tpu.wait_dma2 semaphore(%run_scoped3A : memref<!tpu.dma_semaphore, #tpu.memory_space<semaphore_mem>>) src(%arg12 : memref<80x128xf32, #tpu.memory_space<vmem>>) dst(%dma_wait3A_153 : memref<80x128xf32, #tpu.memory_space<hbm>>)
      tpu.yield
    }) : () -> ()
    %add3A_130 = arith.constant 160 : i32
    %add3A_131 = arith.addi %mul3A_20, %add3A_130 : i32
    "tpu.region"() ({
      %run_scoped3A = tpu.sem_alloc : memref<!tpu.dma_semaphore, #tpu.memory_space<semaphore_mem>>
      %dma_start3A_142 = arith.constant 0 : i32
      %dma_start3A_143 = tpu.memref_slice %arg15[%add3A_131, %dma_start3A_142] : memref<10240x128xf32, #tpu.memory_space<vmem_shared>> -> memref<80x128xf32, #tpu.memory_space<vmem_shared>>
      %dma_start3A_144 = arith.constant 0 : i32
      %dma_start3A_145 = tpu.memref_slice %arg15[%add3A_131, %dma_start3A_144] : memref<10240x128xf32, #tpu.memory_space<vmem_shared>> -> memref<80x128xf32, #tpu.memory_space<vmem_shared>>
      tpu.enqueue_dma source(%dma_start3A_145 : memref<80x128xf32, #tpu.memory_space<vmem_shared>>) target(%arg12 : memref<80x128xf32, #tpu.memory_space<vmem>>) target_semaphore(%run_scoped3A : memref<!tpu.dma_semaphore, #tpu.memory_space<semaphore_mem>>)
      %dma_wait3A_146 = arith.constant 0 : i32
      %dma_wait3A_147 = tpu.memref_slice %arg15[%add3A_131, %dma_wait3A_146] : memref<10240x128xf32, #tpu.memory_space<vmem_shared>> -> memref<80x128xf32, #tpu.memory_space<vmem_shared>>
      %dma_wait3A_148 = arith.constant 0 : i32
      %dma_wait3A_149 = tpu.memref_slice %arg15[%add3A_131, %dma_wait3A_148] : memref<10240x128xf32, #tpu.memory_space<vmem_shared>> -> memref<80x128xf32, #tpu.memory_space<vmem_shared>>
      tpu.wait_dma2 semaphore(%run_scoped3A : memref<!tpu.dma_semaphore, #tpu.memory_space<semaphore_mem>>) src(%dma_wait3A_149 : memref<80x128xf32, #tpu.memory_space<vmem_shared>>) dst(%arg12 : memref<80x128xf32, #tpu.memory_space<vmem>>)
      tpu.yield
    }) : () -> ()
    "tpu.region"() ({
      %run_scoped3A = tpu.sem_alloc : memref<!tpu.dma_semaphore, #tpu.memory_space<semaphore_mem>>
      %dma_start3A_142 = arith.constant 0 : i32
      %dma_start3A_143 = tpu.memref_slice %arg5[%arg0, %add3A_131, %dma_start3A_142] : memref<2x10240x128xf32, #tpu.memory_space<hbm>> -> memref<1x80x128xf32, #tpu.memory_space<hbm>>
      %dma_start3A_144 = tpu.memref_squeeze %dma_start3A_143 : memref<1x80x128xf32, #tpu.memory_space<hbm>> -> memref<80x128xf32, #tpu.memory_space<hbm>>
      %dma_start3A_145 = arith.constant 0 : i32
      %dma_start3A_146 = tpu.memref_slice %arg5[%arg0, %add3A_131, %dma_start3A_145] : memref<2x10240x128xf32, #tpu.memory_space<hbm>> -> memref<1x80x128xf32, #tpu.memory_space<hbm>>
      %dma_start3A_147 = tpu.memref_squeeze %dma_start3A_146 : memref<1x80x128xf32, #tpu.memory_space<hbm>> -> memref<80x128xf32, #tpu.memory_space<hbm>>
      tpu.enqueue_dma source(%arg12 : memref<80x128xf32, #tpu.memory_space<vmem>>) target(%dma_start3A_147 : memref<80x128xf32, #tpu.memory_space<hbm>>) target_semaphore(%run_scoped3A : memref<!tpu.dma_semaphore, #tpu.memory_space<semaphore_mem>>)
      %dma_wait3A_148 = arith.constant 0 : i32
      %dma_wait3A_149 = tpu.memref_slice %arg5[%arg0, %add3A_131, %dma_wait3A_148] : memref<2x10240x128xf32, #tpu.memory_space<hbm>> -> memref<1x80x128xf32, #tpu.memory_space<hbm>>
      %dma_wait3A_150 = tpu.memref_squeeze %dma_wait3A_149 : memref<1x80x128xf32, #tpu.memory_space<hbm>> -> memref<80x128xf32, #tpu.memory_space<hbm>>
      %dma_wait3A_151 = arith.constant 0 : i32
      %dma_wait3A_152 = tpu.memref_slice %arg5[%arg0, %add3A_131, %dma_wait3A_151] : memref<2x10240x128xf32, #tpu.memory_space<hbm>> -> memref<1x80x128xf32, #tpu.memory_space<hbm>>
      %dma_wait3A_153 = tpu.memref_squeeze %dma_wait3A_152 : memref<1x80x128xf32, #tpu.memory_space<hbm>> -> memref<80x128xf32, #tpu.memory_space<hbm>>
      tpu.wait_dma2 semaphore(%run_scoped3A : memref<!tpu.dma_semaphore, #tpu.memory_space<semaphore_mem>>) src(%arg12 : memref<80x128xf32, #tpu.memory_space<vmem>>) dst(%dma_wait3A_153 : memref<80x128xf32, #tpu.memory_space<hbm>>)
      tpu.yield
    }) : () -> ()
    %add3A_132 = arith.constant 240 : i32
    %add3A_133 = arith.addi %mul3A_20, %add3A_132 : i32
    "tpu.region"() ({
      %run_scoped3A = tpu.sem_alloc : memref<!tpu.dma_semaphore, #tpu.memory_space<semaphore_mem>>
      %dma_start3A_142 = arith.constant 0 : i32
      %dma_start3A_143 = tpu.memref_slice %arg15[%add3A_133, %dma_start3A_142] : memref<10240x128xf32, #tpu.memory_space<vmem_shared>> -> memref<80x128xf32, #tpu.memory_space<vmem_shared>>
      %dma_start3A_144 = arith.constant 0 : i32
      %dma_start3A_145 = tpu.memref_slice %arg15[%add3A_133, %dma_start3A_144] : memref<10240x128xf32, #tpu.memory_space<vmem_shared>> -> memref<80x128xf32, #tpu.memory_space<vmem_shared>>
      tpu.enqueue_dma source(%dma_start3A_145 : memref<80x128xf32, #tpu.memory_space<vmem_shared>>) target(%arg12 : memref<80x128xf32, #tpu.memory_space<vmem>>) target_semaphore(%run_scoped3A : memref<!tpu.dma_semaphore, #tpu.memory_space<semaphore_mem>>)
      %dma_wait3A_146 = arith.constant 0 : i32
      %dma_wait3A_147 = tpu.memref_slice %arg15[%add3A_133, %dma_wait3A_146] : memref<10240x128xf32, #tpu.memory_space<vmem_shared>> -> memref<80x128xf32, #tpu.memory_space<vmem_shared>>
      %dma_wait3A_148 = arith.constant 0 : i32
      %dma_wait3A_149 = tpu.memref_slice %arg15[%add3A_133, %dma_wait3A_148] : memref<10240x128xf32, #tpu.memory_space<vmem_shared>> -> memref<80x128xf32, #tpu.memory_space<vmem_shared>>
      tpu.wait_dma2 semaphore(%run_scoped3A : memref<!tpu.dma_semaphore, #tpu.memory_space<semaphore_mem>>) src(%dma_wait3A_149 : memref<80x128xf32, #tpu.memory_space<vmem_shared>>) dst(%arg12 : memref<80x128xf32, #tpu.memory_space<vmem>>)
      tpu.yield
    }) : () -> ()
    "tpu.region"() ({
      %run_scoped3A = tpu.sem_alloc : memref<!tpu.dma_semaphore, #tpu.memory_space<semaphore_mem>>
      %dma_start3A_142 = arith.constant 0 : i32
      %dma_start3A_143 = tpu.memref_slice %arg5[%arg0, %add3A_133, %dma_start3A_142] : memref<2x10240x128xf32, #tpu.memory_space<hbm>> -> memref<1x80x128xf32, #tpu.memory_space<hbm>>
      %dma_start3A_144 = tpu.memref_squeeze %dma_start3A_143 : memref<1x80x128xf32, #tpu.memory_space<hbm>> -> memref<80x128xf32, #tpu.memory_space<hbm>>
      %dma_start3A_145 = arith.constant 0 : i32
      %dma_start3A_146 = tpu.memref_slice %arg5[%arg0, %add3A_133, %dma_start3A_145] : memref<2x10240x128xf32, #tpu.memory_space<hbm>> -> memref<1x80x128xf32, #tpu.memory_space<hbm>>
      %dma_start3A_147 = tpu.memref_squeeze %dma_start3A_146 : memref<1x80x128xf32, #tpu.memory_space<hbm>> -> memref<80x128xf32, #tpu.memory_space<hbm>>
      tpu.enqueue_dma source(%arg12 : memref<80x128xf32, #tpu.memory_space<vmem>>) target(%dma_start3A_147 : memref<80x128xf32, #tpu.memory_space<hbm>>) target_semaphore(%run_scoped3A : memref<!tpu.dma_semaphore, #tpu.memory_space<semaphore_mem>>)
      %dma_wait3A_148 = arith.constant 0 : i32
      %dma_wait3A_149 = tpu.memref_slice %arg5[%arg0, %add3A_133, %dma_wait3A_148] : memref<2x10240x128xf32, #tpu.memory_space<hbm>> -> memref<1x80x128xf32, #tpu.memory_space<hbm>>
      %dma_wait3A_150 = tpu.memref_squeeze %dma_wait3A_149 : memref<1x80x128xf32, #tpu.memory_space<hbm>> -> memref<80x128xf32, #tpu.memory_space<hbm>>
      %dma_wait3A_151 = arith.constant 0 : i32
      %dma_wait3A_152 = tpu.memref_slice %arg5[%arg0, %add3A_133, %dma_wait3A_151] : memref<2x10240x128xf32, #tpu.memory_space<hbm>> -> memref<1x80x128xf32, #tpu.memory_space<hbm>>
      %dma_wait3A_153 = tpu.memref_squeeze %dma_wait3A_152 : memref<1x80x128xf32, #tpu.memory_space<hbm>> -> memref<80x128xf32, #tpu.memory_space<hbm>>
      tpu.wait_dma2 semaphore(%run_scoped3A : memref<!tpu.dma_semaphore, #tpu.memory_space<semaphore_mem>>) src(%arg12 : memref<80x128xf32, #tpu.memory_space<vmem>>) dst(%dma_wait3A_153 : memref<80x128xf32, #tpu.memory_space<hbm>>)
      tpu.yield
    }) : () -> ()
    %add3A_134 = arith.constant 320 : i32
    %add3A_135 = arith.addi %mul3A_20, %add3A_134 : i32
    "tpu.region"() ({
      %run_scoped3A = tpu.sem_alloc : memref<!tpu.dma_semaphore, #tpu.memory_space<semaphore_mem>>
      %dma_start3A_142 = arith.constant 0 : i32
      %dma_start3A_143 = tpu.memref_slice %arg15[%add3A_135, %dma_start3A_142] : memref<10240x128xf32, #tpu.memory_space<vmem_shared>> -> memref<80x128xf32, #tpu.memory_space<vmem_shared>>
      %dma_start3A_144 = arith.constant 0 : i32
      %dma_start3A_145 = tpu.memref_slice %arg15[%add3A_135, %dma_start3A_144] : memref<10240x128xf32, #tpu.memory_space<vmem_shared>> -> memref<80x128xf32, #tpu.memory_space<vmem_shared>>
      tpu.enqueue_dma source(%dma_start3A_145 : memref<80x128xf32, #tpu.memory_space<vmem_shared>>) target(%arg12 : memref<80x128xf32, #tpu.memory_space<vmem>>) target_semaphore(%run_scoped3A : memref<!tpu.dma_semaphore, #tpu.memory_space<semaphore_mem>>)
      %dma_wait3A_146 = arith.constant 0 : i32
      %dma_wait3A_147 = tpu.memref_slice %arg15[%add3A_135, %dma_wait3A_146] : memref<10240x128xf32, #tpu.memory_space<vmem_shared>> -> memref<80x128xf32, #tpu.memory_space<vmem_shared>>
      %dma_wait3A_148 = arith.constant 0 : i32
      %dma_wait3A_149 = tpu.memref_slice %arg15[%add3A_135, %dma_wait3A_148] : memref<10240x128xf32, #tpu.memory_space<vmem_shared>> -> memref<80x128xf32, #tpu.memory_space<vmem_shared>>
      tpu.wait_dma2 semaphore(%run_scoped3A : memref<!tpu.dma_semaphore, #tpu.memory_space<semaphore_mem>>) src(%dma_wait3A_149 : memref<80x128xf32, #tpu.memory_space<vmem_shared>>) dst(%arg12 : memref<80x128xf32, #tpu.memory_space<vmem>>)
      tpu.yield
    }) : () -> ()
    "tpu.region"() ({
      %run_scoped3A = tpu.sem_alloc : memref<!tpu.dma_semaphore, #tpu.memory_space<semaphore_mem>>
      %dma_start3A_142 = arith.constant 0 : i32
      %dma_start3A_143 = tpu.memref_slice %arg5[%arg0, %add3A_135, %dma_start3A_142] : memref<2x10240x128xf32, #tpu.memory_space<hbm>> -> memref<1x80x128xf32, #tpu.memory_space<hbm>>
      %dma_start3A_144 = tpu.memref_squeeze %dma_start3A_143 : memref<1x80x128xf32, #tpu.memory_space<hbm>> -> memref<80x128xf32, #tpu.memory_space<hbm>>
      %dma_start3A_145 = arith.constant 0 : i32
      %dma_start3A_146 = tpu.memref_slice %arg5[%arg0, %add3A_135, %dma_start3A_145] : memref<2x10240x128xf32, #tpu.memory_space<hbm>> -> memref<1x80x128xf32, #tpu.memory_space<hbm>>
      %dma_start3A_147 = tpu.memref_squeeze %dma_start3A_146 : memref<1x80x128xf32, #tpu.memory_space<hbm>> -> memref<80x128xf32, #tpu.memory_space<hbm>>
      tpu.enqueue_dma source(%arg12 : memref<80x128xf32, #tpu.memory_space<vmem>>) target(%dma_start3A_147 : memref<80x128xf32, #tpu.memory_space<hbm>>) target_semaphore(%run_scoped3A : memref<!tpu.dma_semaphore, #tpu.memory_space<semaphore_mem>>)
      %dma_wait3A_148 = arith.constant 0 : i32
      %dma_wait3A_149 = tpu.memref_slice %arg5[%arg0, %add3A_135, %dma_wait3A_148] : memref<2x10240x128xf32, #tpu.memory_space<hbm>> -> memref<1x80x128xf32, #tpu.memory_space<hbm>>
      %dma_wait3A_150 = tpu.memref_squeeze %dma_wait3A_149 : memref<1x80x128xf32, #tpu.memory_space<hbm>> -> memref<80x128xf32, #tpu.memory_space<hbm>>
      %dma_wait3A_151 = arith.constant 0 : i32
      %dma_wait3A_152 = tpu.memref_slice %arg5[%arg0, %add3A_135, %dma_wait3A_151] : memref<2x10240x128xf32, #tpu.memory_space<hbm>> -> memref<1x80x128xf32, #tpu.memory_space<hbm>>
      %dma_wait3A_153 = tpu.memref_squeeze %dma_wait3A_152 : memref<1x80x128xf32, #tpu.memory_space<hbm>> -> memref<80x128xf32, #tpu.memory_space<hbm>>
      tpu.wait_dma2 semaphore(%run_scoped3A : memref<!tpu.dma_semaphore, #tpu.memory_space<semaphore_mem>>) src(%arg12 : memref<80x128xf32, #tpu.memory_space<vmem>>) dst(%dma_wait3A_153 : memref<80x128xf32, #tpu.memory_space<hbm>>)
      tpu.yield
    }) : () -> ()
    %add3A_136 = arith.constant 400 : i32
    %add3A_137 = arith.addi %mul3A_20, %add3A_136 : i32
    "tpu.region"() ({
      %run_scoped3A = tpu.sem_alloc : memref<!tpu.dma_semaphore, #tpu.memory_space<semaphore_mem>>
      %dma_start3A_142 = arith.constant 0 : i32
      %dma_start3A_143 = tpu.memref_slice %arg15[%add3A_137, %dma_start3A_142] : memref<10240x128xf32, #tpu.memory_space<vmem_shared>> -> memref<80x128xf32, #tpu.memory_space<vmem_shared>>
      %dma_start3A_144 = arith.constant 0 : i32
      %dma_start3A_145 = tpu.memref_slice %arg15[%add3A_137, %dma_start3A_144] : memref<10240x128xf32, #tpu.memory_space<vmem_shared>> -> memref<80x128xf32, #tpu.memory_space<vmem_shared>>
      tpu.enqueue_dma source(%dma_start3A_145 : memref<80x128xf32, #tpu.memory_space<vmem_shared>>) target(%arg12 : memref<80x128xf32, #tpu.memory_space<vmem>>) target_semaphore(%run_scoped3A : memref<!tpu.dma_semaphore, #tpu.memory_space<semaphore_mem>>)
      %dma_wait3A_146 = arith.constant 0 : i32
      %dma_wait3A_147 = tpu.memref_slice %arg15[%add3A_137, %dma_wait3A_146] : memref<10240x128xf32, #tpu.memory_space<vmem_shared>> -> memref<80x128xf32, #tpu.memory_space<vmem_shared>>
      %dma_wait3A_148 = arith.constant 0 : i32
      %dma_wait3A_149 = tpu.memref_slice %arg15[%add3A_137, %dma_wait3A_148] : memref<10240x128xf32, #tpu.memory_space<vmem_shared>> -> memref<80x128xf32, #tpu.memory_space<vmem_shared>>
      tpu.wait_dma2 semaphore(%run_scoped3A : memref<!tpu.dma_semaphore, #tpu.memory_space<semaphore_mem>>) src(%dma_wait3A_149 : memref<80x128xf32, #tpu.memory_space<vmem_shared>>) dst(%arg12 : memref<80x128xf32, #tpu.memory_space<vmem>>)
      tpu.yield
    }) : () -> ()
    "tpu.region"() ({
      %run_scoped3A = tpu.sem_alloc : memref<!tpu.dma_semaphore, #tpu.memory_space<semaphore_mem>>
      %dma_start3A_142 = arith.constant 0 : i32
      %dma_start3A_143 = tpu.memref_slice %arg5[%arg0, %add3A_137, %dma_start3A_142] : memref<2x10240x128xf32, #tpu.memory_space<hbm>> -> memref<1x80x128xf32, #tpu.memory_space<hbm>>
      %dma_start3A_144 = tpu.memref_squeeze %dma_start3A_143 : memref<1x80x128xf32, #tpu.memory_space<hbm>> -> memref<80x128xf32, #tpu.memory_space<hbm>>
      %dma_start3A_145 = arith.constant 0 : i32
      %dma_start3A_146 = tpu.memref_slice %arg5[%arg0, %add3A_137, %dma_start3A_145] : memref<2x10240x128xf32, #tpu.memory_space<hbm>> -> memref<1x80x128xf32, #tpu.memory_space<hbm>>
      %dma_start3A_147 = tpu.memref_squeeze %dma_start3A_146 : memref<1x80x128xf32, #tpu.memory_space<hbm>> -> memref<80x128xf32, #tpu.memory_space<hbm>>
      tpu.enqueue_dma source(%arg12 : memref<80x128xf32, #tpu.memory_space<vmem>>) target(%dma_start3A_147 : memref<80x128xf32, #tpu.memory_space<hbm>>) target_semaphore(%run_scoped3A : memref<!tpu.dma_semaphore, #tpu.memory_space<semaphore_mem>>)
      %dma_wait3A_148 = arith.constant 0 : i32
      %dma_wait3A_149 = tpu.memref_slice %arg5[%arg0, %add3A_137, %dma_wait3A_148] : memref<2x10240x128xf32, #tpu.memory_space<hbm>> -> memref<1x80x128xf32, #tpu.memory_space<hbm>>
      %dma_wait3A_150 = tpu.memref_squeeze %dma_wait3A_149 : memref<1x80x128xf32, #tpu.memory_space<hbm>> -> memref<80x128xf32, #tpu.memory_space<hbm>>
      %dma_wait3A_151 = arith.constant 0 : i32
      %dma_wait3A_152 = tpu.memref_slice %arg5[%arg0, %add3A_137, %dma_wait3A_151] : memref<2x10240x128xf32, #tpu.memory_space<hbm>> -> memref<1x80x128xf32, #tpu.memory_space<hbm>>
      %dma_wait3A_153 = tpu.memref_squeeze %dma_wait3A_152 : memref<1x80x128xf32, #tpu.memory_space<hbm>> -> memref<80x128xf32, #tpu.memory_space<hbm>>
      tpu.wait_dma2 semaphore(%run_scoped3A : memref<!tpu.dma_semaphore, #tpu.memory_space<semaphore_mem>>) src(%arg12 : memref<80x128xf32, #tpu.memory_space<vmem>>) dst(%dma_wait3A_153 : memref<80x128xf32, #tpu.memory_space<hbm>>)
      tpu.yield
    }) : () -> ()
    %add3A_138 = arith.constant 480 : i32
    %add3A_139 = arith.addi %mul3A_20, %add3A_138 : i32
    "tpu.region"() ({
      %run_scoped3A = tpu.sem_alloc : memref<!tpu.dma_semaphore, #tpu.memory_space<semaphore_mem>>
      %dma_start3A_142 = arith.constant 0 : i32
      %dma_start3A_143 = tpu.memref_slice %arg15[%add3A_139, %dma_start3A_142] : memref<10240x128xf32, #tpu.memory_space<vmem_shared>> -> memref<80x128xf32, #tpu.memory_space<vmem_shared>>
      %dma_start3A_144 = arith.constant 0 : i32
      %dma_start3A_145 = tpu.memref_slice %arg15[%add3A_139, %dma_start3A_144] : memref<10240x128xf32, #tpu.memory_space<vmem_shared>> -> memref<80x128xf32, #tpu.memory_space<vmem_shared>>
      tpu.enqueue_dma source(%dma_start3A_145 : memref<80x128xf32, #tpu.memory_space<vmem_shared>>) target(%arg12 : memref<80x128xf32, #tpu.memory_space<vmem>>) target_semaphore(%run_scoped3A : memref<!tpu.dma_semaphore, #tpu.memory_space<semaphore_mem>>)
      %dma_wait3A_146 = arith.constant 0 : i32
      %dma_wait3A_147 = tpu.memref_slice %arg15[%add3A_139, %dma_wait3A_146] : memref<10240x128xf32, #tpu.memory_space<vmem_shared>> -> memref<80x128xf32, #tpu.memory_space<vmem_shared>>
      %dma_wait3A_148 = arith.constant 0 : i32
      %dma_wait3A_149 = tpu.memref_slice %arg15[%add3A_139, %dma_wait3A_148] : memref<10240x128xf32, #tpu.memory_space<vmem_shared>> -> memref<80x128xf32, #tpu.memory_space<vmem_shared>>
      tpu.wait_dma2 semaphore(%run_scoped3A : memref<!tpu.dma_semaphore, #tpu.memory_space<semaphore_mem>>) src(%dma_wait3A_149 : memref<80x128xf32, #tpu.memory_space<vmem_shared>>) dst(%arg12 : memref<80x128xf32, #tpu.memory_space<vmem>>)
      tpu.yield
    }) : () -> ()
    "tpu.region"() ({
      %run_scoped3A = tpu.sem_alloc : memref<!tpu.dma_semaphore, #tpu.memory_space<semaphore_mem>>
      %dma_start3A_142 = arith.constant 0 : i32
      %dma_start3A_143 = tpu.memref_slice %arg5[%arg0, %add3A_139, %dma_start3A_142] : memref<2x10240x128xf32, #tpu.memory_space<hbm>> -> memref<1x80x128xf32, #tpu.memory_space<hbm>>
      %dma_start3A_144 = tpu.memref_squeeze %dma_start3A_143 : memref<1x80x128xf32, #tpu.memory_space<hbm>> -> memref<80x128xf32, #tpu.memory_space<hbm>>
      %dma_start3A_145 = arith.constant 0 : i32
      %dma_start3A_146 = tpu.memref_slice %arg5[%arg0, %add3A_139, %dma_start3A_145] : memref<2x10240x128xf32, #tpu.memory_space<hbm>> -> memref<1x80x128xf32, #tpu.memory_space<hbm>>
      %dma_start3A_147 = tpu.memref_squeeze %dma_start3A_146 : memref<1x80x128xf32, #tpu.memory_space<hbm>> -> memref<80x128xf32, #tpu.memory_space<hbm>>
      tpu.enqueue_dma source(%arg12 : memref<80x128xf32, #tpu.memory_space<vmem>>) target(%dma_start3A_147 : memref<80x128xf32, #tpu.memory_space<hbm>>) target_semaphore(%run_scoped3A : memref<!tpu.dma_semaphore, #tpu.memory_space<semaphore_mem>>)
      %dma_wait3A_148 = arith.constant 0 : i32
      %dma_wait3A_149 = tpu.memref_slice %arg5[%arg0, %add3A_139, %dma_wait3A_148] : memref<2x10240x128xf32, #tpu.memory_space<hbm>> -> memref<1x80x128xf32, #tpu.memory_space<hbm>>
      %dma_wait3A_150 = tpu.memref_squeeze %dma_wait3A_149 : memref<1x80x128xf32, #tpu.memory_space<hbm>> -> memref<80x128xf32, #tpu.memory_space<hbm>>
      %dma_wait3A_151 = arith.constant 0 : i32
      %dma_wait3A_152 = tpu.memref_slice %arg5[%arg0, %add3A_139, %dma_wait3A_151] : memref<2x10240x128xf32, #tpu.memory_space<hbm>> -> memref<1x80x128xf32, #tpu.memory_space<hbm>>
      %dma_wait3A_153 = tpu.memref_squeeze %dma_wait3A_152 : memref<1x80x128xf32, #tpu.memory_space<hbm>> -> memref<80x128xf32, #tpu.memory_space<hbm>>
      tpu.wait_dma2 semaphore(%run_scoped3A : memref<!tpu.dma_semaphore, #tpu.memory_space<semaphore_mem>>) src(%arg12 : memref<80x128xf32, #tpu.memory_space<vmem>>) dst(%dma_wait3A_153 : memref<80x128xf32, #tpu.memory_space<hbm>>)
      tpu.yield
    }) : () -> ()
    %add3A_140 = arith.constant 560 : i32
    %add3A_141 = arith.addi %mul3A_20, %add3A_140 : i32
    "tpu.region"() ({
      %run_scoped3A = tpu.sem_alloc : memref<!tpu.dma_semaphore, #tpu.memory_space<semaphore_mem>>
      %dma_start3A_142 = arith.constant 0 : i32
      %dma_start3A_143 = tpu.memref_slice %arg15[%add3A_141, %dma_start3A_142] : memref<10240x128xf32, #tpu.memory_space<vmem_shared>> -> memref<80x128xf32, #tpu.memory_space<vmem_shared>>
      %dma_start3A_144 = arith.constant 0 : i32
      %dma_start3A_145 = tpu.memref_slice %arg15[%add3A_141, %dma_start3A_144] : memref<10240x128xf32, #tpu.memory_space<vmem_shared>> -> memref<80x128xf32, #tpu.memory_space<vmem_shared>>
      tpu.enqueue_dma source(%dma_start3A_145 : memref<80x128xf32, #tpu.memory_space<vmem_shared>>) target(%arg12 : memref<80x128xf32, #tpu.memory_space<vmem>>) target_semaphore(%run_scoped3A : memref<!tpu.dma_semaphore, #tpu.memory_space<semaphore_mem>>)
      %dma_wait3A_146 = arith.constant 0 : i32
      %dma_wait3A_147 = tpu.memref_slice %arg15[%add3A_141, %dma_wait3A_146] : memref<10240x128xf32, #tpu.memory_space<vmem_shared>> -> memref<80x128xf32, #tpu.memory_space<vmem_shared>>
      %dma_wait3A_148 = arith.constant 0 : i32
      %dma_wait3A_149 = tpu.memref_slice %arg15[%add3A_141, %dma_wait3A_148] : memref<10240x128xf32, #tpu.memory_space<vmem_shared>> -> memref<80x128xf32, #tpu.memory_space<vmem_shared>>
      tpu.wait_dma2 semaphore(%run_scoped3A : memref<!tpu.dma_semaphore, #tpu.memory_space<semaphore_mem>>) src(%dma_wait3A_149 : memref<80x128xf32, #tpu.memory_space<vmem_shared>>) dst(%arg12 : memref<80x128xf32, #tpu.memory_space<vmem>>)
      tpu.yield
    }) : () -> ()
    "tpu.region"() ({
      %run_scoped3A = tpu.sem_alloc : memref<!tpu.dma_semaphore, #tpu.memory_space<semaphore_mem>>
      %dma_start3A_142 = arith.constant 0 : i32
      %dma_start3A_143 = tpu.memref_slice %arg5[%arg0, %add3A_141, %dma_start3A_142] : memref<2x10240x128xf32, #tpu.memory_space<hbm>> -> memref<1x80x128xf32, #tpu.memory_space<hbm>>
      %dma_start3A_144 = tpu.memref_squeeze %dma_start3A_143 : memref<1x80x128xf32, #tpu.memory_space<hbm>> -> memref<80x128xf32, #tpu.memory_space<hbm>>
      %dma_start3A_145 = arith.constant 0 : i32
      %dma_start3A_146 = tpu.memref_slice %arg5[%arg0, %add3A_141, %dma_start3A_145] : memref<2x10240x128xf32, #tpu.memory_space<hbm>> -> memref<1x80x128xf32, #tpu.memory_space<hbm>>
      %dma_start3A_147 = tpu.memref_squeeze %dma_start3A_146 : memref<1x80x128xf32, #tpu.memory_space<hbm>> -> memref<80x128xf32, #tpu.memory_space<hbm>>
      tpu.enqueue_dma source(%arg12 : memref<80x128xf32, #tpu.memory_space<vmem>>) target(%dma_start3A_147 : memref<80x128xf32, #tpu.memory_space<hbm>>) target_semaphore(%run_scoped3A : memref<!tpu.dma_semaphore, #tpu.memory_space<semaphore_mem>>)
      %dma_wait3A_148 = arith.constant 0 : i32
      %dma_wait3A_149 = tpu.memref_slice %arg5[%arg0, %add3A_141, %dma_wait3A_148] : memref<2x10240x128xf32, #tpu.memory_space<hbm>> -> memref<1x80x128xf32, #tpu.memory_space<hbm>>
      %dma_wait3A_150 = tpu.memref_squeeze %dma_wait3A_149 : memref<1x80x128xf32, #tpu.memory_space<hbm>> -> memref<80x128xf32, #tpu.memory_space<hbm>>
      %dma_wait3A_151 = arith.constant 0 : i32
      %dma_wait3A_152 = tpu.memref_slice %arg5[%arg0, %add3A_141, %dma_wait3A_151] : memref<2x10240x128xf32, #tpu.memory_space<hbm>> -> memref<1x80x128xf32, #tpu.memory_space<hbm>>
      %dma_wait3A_153 = tpu.memref_squeeze %dma_wait3A_152 : memref<1x80x128xf32, #tpu.memory_space<hbm>> -> memref<80x128xf32, #tpu.memory_space<hbm>>
      tpu.wait_dma2 semaphore(%run_scoped3A : memref<!tpu.dma_semaphore, #tpu.memory_space<semaphore_mem>>) src(%arg12 : memref<80x128xf32, #tpu.memory_space<vmem>>) dst(%dma_wait3A_153 : memref<80x128xf32, #tpu.memory_space<hbm>>)
      tpu.yield
    }) : () -> ()
    return
  }
}

#map = affine_map<(d0, d1) -> (0, 0)>
#map1 = affine_map<(d0, d1) -> (0)>
#map2 = affine_map<(d0, d1) -> (0, 0, 0)>
module attributes {stable_mosaic.version = 14 : i64} {
  func.func @agg(%arg0: i32, %arg1: i32, %arg2: memref<10000x128xf32, #tpu.memory_space<hbm>>, %arg3: memref<320000xi32, #tpu.memory_space<hbm>>, %arg4: memref<320000xi32, #tpu.memory_space<hbm>>, %arg5: memref<2x10240x128xf32, #tpu.memory_space<hbm>>, %arg6: memref<2x80x128xf32, #tpu.memory_space<hbm>>, %arg7: memref<80xi32, #tpu.memory_space<vmem>>, %arg8: memref<80xi32, #tpu.memory_space<vmem>>, %arg9: memref<80xi32, #tpu.memory_space<vmem>>, %arg10: memref<80xi32, #tpu.memory_space<vmem>>, %arg11: memref<80xi32, #tpu.memory_space<vmem>>, %arg12: memref<80xi32, #tpu.memory_space<vmem>>, %arg13: memref<80x128xf32, #tpu.memory_space<vmem>>, %arg14: memref<80x128xf32, #tpu.memory_space<vmem>>, %arg15: memref<80x128xf32, #tpu.memory_space<vmem>>, %arg16: memref<10240x128xf32, #tpu.memory_space<vmem_shared>>, %arg17: memref<!tpu.dma_semaphore, #tpu.memory_space<semaphore_mem>>, %arg18: memref<!tpu.dma_semaphore, #tpu.memory_space<semaphore_mem>>, %arg19: memref<!tpu.dma_semaphore, #tpu.memory_space<semaphore_mem>>, %arg20: memref<!tpu.dma_semaphore, #tpu.memory_space<semaphore_mem>>, %arg21: memref<!tpu.dma_semaphore, #tpu.memory_space<semaphore_mem>>, %arg22: memref<!tpu.dma_semaphore, #tpu.memory_space<semaphore_mem>>, %arg23: memref<10240xf32, #tpu.memory_space<vmem>>, %arg24: memref<80x128xf32, #tpu.memory_space<vmem_shared>>, %arg25: memref<80xi32, #tpu.memory_space<vmem>>) attributes {dimension_semantics = [#tpu.dimension_semantics<core_parallel>, #tpu.dimension_semantics<subcore_parallel>], iteration_bounds = array<i64: 2, 16>, scalar_prefetch = 0 : i64, scratch_operands = 19 : i64, tpu.core_type = #tpu.core_type<sc_vector_subcore>, window_params = [{transform_indices = #map}, {transform_indices = #map1}, {transform_indices = #map1}, {transform_indices = #map2}, {transform_indices = #map2}]} {
    %mul3A = arith.constant 2 : i32
    %mul3A_0 = arith.muli %arg1, %mul3A : i32
    %add3A = arith.addi %mul3A_0, %arg0 : i32
    %mul3A_1 = arith.constant 10000 : i32
    %mul3A_2 = arith.muli %add3A, %mul3A_1 : i32
    %broadcast_in_dim3A = arith.constant 0.000000e+00 : f32
    %broadcast_in_dim3A_3 = vector.broadcast %broadcast_in_dim3A : f32 to vector<16xf32>
    %broadcast_in_dim3A_4 = arith.constant 1.000000e+00 : f32
    %broadcast_in_dim3A_5 = vector.broadcast %broadcast_in_dim3A_4 : f32 to vector<16xf32>
    %add3A_6 = arith.constant 0 : i32
    %add3A_7 = arith.addi %mul3A_2, %add3A_6 : i32
    %dma_start3A = tpu.memref_slice %arg3[%add3A_7] : memref<320000xi32, #tpu.memory_space<hbm>> -> memref<80xi32, #tpu.memory_space<hbm>>
    %dma_start3A_8 = tpu.memref_slice %arg3[%add3A_7] : memref<320000xi32, #tpu.memory_space<hbm>> -> memref<80xi32, #tpu.memory_space<hbm>>
    tpu.enqueue_dma source(%dma_start3A_8 : memref<80xi32, #tpu.memory_space<hbm>>) target(%arg7 : memref<80xi32, #tpu.memory_space<vmem>>) target_semaphore(%arg20 : memref<!tpu.dma_semaphore, #tpu.memory_space<semaphore_mem>>)
    %add3A_9 = arith.constant 0 : i32
    %add3A_10 = arith.addi %mul3A_2, %add3A_9 : i32
    %dma_start3A_11 = tpu.memref_slice %arg4[%add3A_10] : memref<320000xi32, #tpu.memory_space<hbm>> -> memref<80xi32, #tpu.memory_space<hbm>>
    %dma_start3A_12 = tpu.memref_slice %arg4[%add3A_10] : memref<320000xi32, #tpu.memory_space<hbm>> -> memref<80xi32, #tpu.memory_space<hbm>>
    tpu.enqueue_dma source(%dma_start3A_12 : memref<80xi32, #tpu.memory_space<hbm>>) target(%arg10 : memref<80xi32, #tpu.memory_space<vmem>>) target_semaphore(%arg20 : memref<!tpu.dma_semaphore, #tpu.memory_space<semaphore_mem>>)
    %scan3A = arith.constant 0 : i32
    %scan3A_13 = arith.constant 0 : i32
    %scan3A_14 = arith.constant 80 : i32
    %scan3A_15 = arith.addi %scan3A_13, %scan3A_14 : i32
    %scan3A_16 = arith.constant 1 : i32
    %scan3A_17 = scf.for %scan3A_237 = %scan3A_13 to %scan3A_15 step %scan3A_16 iter_args(%scan3A_238 = %scan3A) -> (i32)  : i32 {
      %swap3A_239 = arith.index_cast %scan3A_237 : i32 to index
      %swap3A_240 = arith.constant 0 : index
      %swap3A_241 = tpu.vector_load %arg13[%swap3A_239, %swap3A_240] {strides = array<i32>} : memref<80x128xf32, #tpu.memory_space<vmem>>, vector<16xf32>,
      tpu.vector_store %arg13[%swap3A_239, %swap3A_240], %broadcast_in_dim3A_3 {strides = array<i32>} : memref<80x128xf32, #tpu.memory_space<vmem>>, vector<16xf32>,
      %swap3A_242 = arith.index_cast %scan3A_237 : i32 to index
      %swap3A_243 = arith.constant 16 : index
      %swap3A_244 = tpu.vector_load %arg13[%swap3A_242, %swap3A_243] {strides = array<i32>} : memref<80x128xf32, #tpu.memory_space<vmem>>, vector<16xf32>,
      tpu.vector_store %arg13[%swap3A_242, %swap3A_243], %broadcast_in_dim3A_3 {strides = array<i32>} : memref<80x128xf32, #tpu.memory_space<vmem>>, vector<16xf32>,
      %swap3A_245 = arith.index_cast %scan3A_237 : i32 to index
      %swap3A_246 = arith.constant 32 : index
      %swap3A_247 = tpu.vector_load %arg13[%swap3A_245, %swap3A_246] {strides = array<i32>} : memref<80x128xf32, #tpu.memory_space<vmem>>, vector<16xf32>,
      tpu.vector_store %arg13[%swap3A_245, %swap3A_246], %broadcast_in_dim3A_3 {strides = array<i32>} : memref<80x128xf32, #tpu.memory_space<vmem>>, vector<16xf32>,
      %swap3A_248 = arith.index_cast %scan3A_237 : i32 to index
      %swap3A_249 = arith.constant 48 : index
      %swap3A_250 = tpu.vector_load %arg13[%swap3A_248, %swap3A_249] {strides = array<i32>} : memref<80x128xf32, #tpu.memory_space<vmem>>, vector<16xf32>,
      tpu.vector_store %arg13[%swap3A_248, %swap3A_249], %broadcast_in_dim3A_3 {strides = array<i32>} : memref<80x128xf32, #tpu.memory_space<vmem>>, vector<16xf32>,
      %swap3A_251 = arith.index_cast %scan3A_237 : i32 to index
      %swap3A_252 = arith.constant 64 : index
      %swap3A_253 = tpu.vector_load %arg13[%swap3A_251, %swap3A_252] {strides = array<i32>} : memref<80x128xf32, #tpu.memory_space<vmem>>, vector<16xf32>,
      tpu.vector_store %arg13[%swap3A_251, %swap3A_252], %broadcast_in_dim3A_3 {strides = array<i32>} : memref<80x128xf32, #tpu.memory_space<vmem>>, vector<16xf32>,
      %swap3A_254 = arith.index_cast %scan3A_237 : i32 to index
      %swap3A_255 = arith.constant 80 : index
      %swap3A_256 = tpu.vector_load %arg13[%swap3A_254, %swap3A_255] {strides = array<i32>} : memref<80x128xf32, #tpu.memory_space<vmem>>, vector<16xf32>,
      tpu.vector_store %arg13[%swap3A_254, %swap3A_255], %broadcast_in_dim3A_3 {strides = array<i32>} : memref<80x128xf32, #tpu.memory_space<vmem>>, vector<16xf32>,
      %swap3A_257 = arith.index_cast %scan3A_237 : i32 to index
      %swap3A_258 = arith.constant 96 : index
      %swap3A_259 = tpu.vector_load %arg13[%swap3A_257, %swap3A_258] {strides = array<i32>} : memref<80x128xf32, #tpu.memory_space<vmem>>, vector<16xf32>,
      tpu.vector_store %arg13[%swap3A_257, %swap3A_258], %broadcast_in_dim3A_3 {strides = array<i32>} : memref<80x128xf32, #tpu.memory_space<vmem>>, vector<16xf32>,
      %swap3A_260 = arith.index_cast %scan3A_237 : i32 to index
      %swap3A_261 = arith.constant 112 : index
      %swap3A_262 = tpu.vector_load %arg13[%swap3A_260, %swap3A_261] {strides = array<i32>} : memref<80x128xf32, #tpu.memory_space<vmem>>, vector<16xf32>,
      tpu.vector_store %arg13[%swap3A_260, %swap3A_261], %broadcast_in_dim3A_3 {strides = array<i32>} : memref<80x128xf32, #tpu.memory_space<vmem>>, vector<16xf32>,
      %scan3A_263 = arith.constant 0 : i32
      scf.yield %scan3A_263 : i32
    }
    %scan3A_18 = arith.constant 80 : i32
    %mul3A_19 = arith.constant 640 : i32
    %mul3A_20 = arith.muli %arg1, %mul3A_19 : i32
    %add3A_21 = arith.constant 0 : i32
    %add3A_22 = arith.addi %mul3A_20, %add3A_21 : i32
    "tpu.region"() ({
      %run_scoped3A = tpu.sem_alloc : memref<!tpu.dma_semaphore, #tpu.memory_space<semaphore_mem>>
      %dma_start3A_237 = arith.constant 0 : i32
      %dma_start3A_238 = tpu.memref_slice %arg16[%add3A_22, %dma_start3A_237] : memref<10240x128xf32, #tpu.memory_space<vmem_shared>> -> memref<80x128xf32, #tpu.memory_space<vmem_shared>>
      %dma_start3A_239 = arith.constant 0 : i32
      %dma_start3A_240 = tpu.memref_slice %arg16[%add3A_22, %dma_start3A_239] : memref<10240x128xf32, #tpu.memory_space<vmem_shared>> -> memref<80x128xf32, #tpu.memory_space<vmem_shared>>
      tpu.enqueue_dma source(%arg13 : memref<80x128xf32, #tpu.memory_space<vmem>>) target(%dma_start3A_240 : memref<80x128xf32, #tpu.memory_space<vmem_shared>>) target_semaphore(%run_scoped3A : memref<!tpu.dma_semaphore, #tpu.memory_space<semaphore_mem>>)
      %dma_wait3A_241 = arith.constant 0 : i32
      %dma_wait3A_242 = tpu.memref_slice %arg16[%add3A_22, %dma_wait3A_241] : memref<10240x128xf32, #tpu.memory_space<vmem_shared>> -> memref<80x128xf32, #tpu.memory_space<vmem_shared>>
      %dma_wait3A_243 = arith.constant 0 : i32
      %dma_wait3A_244 = tpu.memref_slice %arg16[%add3A_22, %dma_wait3A_243] : memref<10240x128xf32, #tpu.memory_space<vmem_shared>> -> memref<80x128xf32, #tpu.memory_space<vmem_shared>>
      tpu.wait_dma2 semaphore(%run_scoped3A : memref<!tpu.dma_semaphore, #tpu.memory_space<semaphore_mem>>) src(%arg13 : memref<80x128xf32, #tpu.memory_space<vmem>>) dst(%dma_wait3A_244 : memref<80x128xf32, #tpu.memory_space<vmem_shared>>)
      tpu.yield
    }) : () -> ()
    %add3A_23 = arith.constant 80 : i32
    %add3A_24 = arith.addi %mul3A_20, %add3A_23 : i32
    "tpu.region"() ({
      %run_scoped3A = tpu.sem_alloc : memref<!tpu.dma_semaphore, #tpu.memory_space<semaphore_mem>>
      %dma_start3A_237 = arith.constant 0 : i32
      %dma_start3A_238 = tpu.memref_slice %arg16[%add3A_24, %dma_start3A_237] : memref<10240x128xf32, #tpu.memory_space<vmem_shared>> -> memref<80x128xf32, #tpu.memory_space<vmem_shared>>
      %dma_start3A_239 = arith.constant 0 : i32
      %dma_start3A_240 = tpu.memref_slice %arg16[%add3A_24, %dma_start3A_239] : memref<10240x128xf32, #tpu.memory_space<vmem_shared>> -> memref<80x128xf32, #tpu.memory_space<vmem_shared>>
      tpu.enqueue_dma source(%arg13 : memref<80x128xf32, #tpu.memory_space<vmem>>) target(%dma_start3A_240 : memref<80x128xf32, #tpu.memory_space<vmem_shared>>) target_semaphore(%run_scoped3A : memref<!tpu.dma_semaphore, #tpu.memory_space<semaphore_mem>>)
      %dma_wait3A_241 = arith.constant 0 : i32
      %dma_wait3A_242 = tpu.memref_slice %arg16[%add3A_24, %dma_wait3A_241] : memref<10240x128xf32, #tpu.memory_space<vmem_shared>> -> memref<80x128xf32, #tpu.memory_space<vmem_shared>>
      %dma_wait3A_243 = arith.constant 0 : i32
      %dma_wait3A_244 = tpu.memref_slice %arg16[%add3A_24, %dma_wait3A_243] : memref<10240x128xf32, #tpu.memory_space<vmem_shared>> -> memref<80x128xf32, #tpu.memory_space<vmem_shared>>
      tpu.wait_dma2 semaphore(%run_scoped3A : memref<!tpu.dma_semaphore, #tpu.memory_space<semaphore_mem>>) src(%arg13 : memref<80x128xf32, #tpu.memory_space<vmem>>) dst(%dma_wait3A_244 : memref<80x128xf32, #tpu.memory_space<vmem_shared>>)
      tpu.yield
    }) : () -> ()
    %add3A_25 = arith.constant 160 : i32
    %add3A_26 = arith.addi %mul3A_20, %add3A_25 : i32
    "tpu.region"() ({
      %run_scoped3A = tpu.sem_alloc : memref<!tpu.dma_semaphore, #tpu.memory_space<semaphore_mem>>
      %dma_start3A_237 = arith.constant 0 : i32
      %dma_start3A_238 = tpu.memref_slice %arg16[%add3A_26, %dma_start3A_237] : memref<10240x128xf32, #tpu.memory_space<vmem_shared>> -> memref<80x128xf32, #tpu.memory_space<vmem_shared>>
      %dma_start3A_239 = arith.constant 0 : i32
      %dma_start3A_240 = tpu.memref_slice %arg16[%add3A_26, %dma_start3A_239] : memref<10240x128xf32, #tpu.memory_space<vmem_shared>> -> memref<80x128xf32, #tpu.memory_space<vmem_shared>>
      tpu.enqueue_dma source(%arg13 : memref<80x128xf32, #tpu.memory_space<vmem>>) target(%dma_start3A_240 : memref<80x128xf32, #tpu.memory_space<vmem_shared>>) target_semaphore(%run_scoped3A : memref<!tpu.dma_semaphore, #tpu.memory_space<semaphore_mem>>)
      %dma_wait3A_241 = arith.constant 0 : i32
      %dma_wait3A_242 = tpu.memref_slice %arg16[%add3A_26, %dma_wait3A_241] : memref<10240x128xf32, #tpu.memory_space<vmem_shared>> -> memref<80x128xf32, #tpu.memory_space<vmem_shared>>
      %dma_wait3A_243 = arith.constant 0 : i32
      %dma_wait3A_244 = tpu.memref_slice %arg16[%add3A_26, %dma_wait3A_243] : memref<10240x128xf32, #tpu.memory_space<vmem_shared>> -> memref<80x128xf32, #tpu.memory_space<vmem_shared>>
      tpu.wait_dma2 semaphore(%run_scoped3A : memref<!tpu.dma_semaphore, #tpu.memory_space<semaphore_mem>>) src(%arg13 : memref<80x128xf32, #tpu.memory_space<vmem>>) dst(%dma_wait3A_244 : memref<80x128xf32, #tpu.memory_space<vmem_shared>>)
      tpu.yield
    }) : () -> ()
    %add3A_27 = arith.constant 240 : i32
    %add3A_28 = arith.addi %mul3A_20, %add3A_27 : i32
    "tpu.region"() ({
      %run_scoped3A = tpu.sem_alloc : memref<!tpu.dma_semaphore, #tpu.memory_space<semaphore_mem>>
      %dma_start3A_237 = arith.constant 0 : i32
      %dma_start3A_238 = tpu.memref_slice %arg16[%add3A_28, %dma_start3A_237] : memref<10240x128xf32, #tpu.memory_space<vmem_shared>> -> memref<80x128xf32, #tpu.memory_space<vmem_shared>>
      %dma_start3A_239 = arith.constant 0 : i32
      %dma_start3A_240 = tpu.memref_slice %arg16[%add3A_28, %dma_start3A_239] : memref<10240x128xf32, #tpu.memory_space<vmem_shared>> -> memref<80x128xf32, #tpu.memory_space<vmem_shared>>
      tpu.enqueue_dma source(%arg13 : memref<80x128xf32, #tpu.memory_space<vmem>>) target(%dma_start3A_240 : memref<80x128xf32, #tpu.memory_space<vmem_shared>>) target_semaphore(%run_scoped3A : memref<!tpu.dma_semaphore, #tpu.memory_space<semaphore_mem>>)
      %dma_wait3A_241 = arith.constant 0 : i32
      %dma_wait3A_242 = tpu.memref_slice %arg16[%add3A_28, %dma_wait3A_241] : memref<10240x128xf32, #tpu.memory_space<vmem_shared>> -> memref<80x128xf32, #tpu.memory_space<vmem_shared>>
      %dma_wait3A_243 = arith.constant 0 : i32
      %dma_wait3A_244 = tpu.memref_slice %arg16[%add3A_28, %dma_wait3A_243] : memref<10240x128xf32, #tpu.memory_space<vmem_shared>> -> memref<80x128xf32, #tpu.memory_space<vmem_shared>>
      tpu.wait_dma2 semaphore(%run_scoped3A : memref<!tpu.dma_semaphore, #tpu.memory_space<semaphore_mem>>) src(%arg13 : memref<80x128xf32, #tpu.memory_space<vmem>>) dst(%dma_wait3A_244 : memref<80x128xf32, #tpu.memory_space<vmem_shared>>)
      tpu.yield
    }) : () -> ()
    %add3A_29 = arith.constant 320 : i32
    %add3A_30 = arith.addi %mul3A_20, %add3A_29 : i32
    "tpu.region"() ({
      %run_scoped3A = tpu.sem_alloc : memref<!tpu.dma_semaphore, #tpu.memory_space<semaphore_mem>>
      %dma_start3A_237 = arith.constant 0 : i32
      %dma_start3A_238 = tpu.memref_slice %arg16[%add3A_30, %dma_start3A_237] : memref<10240x128xf32, #tpu.memory_space<vmem_shared>> -> memref<80x128xf32, #tpu.memory_space<vmem_shared>>
      %dma_start3A_239 = arith.constant 0 : i32
      %dma_start3A_240 = tpu.memref_slice %arg16[%add3A_30, %dma_start3A_239] : memref<10240x128xf32, #tpu.memory_space<vmem_shared>> -> memref<80x128xf32, #tpu.memory_space<vmem_shared>>
      tpu.enqueue_dma source(%arg13 : memref<80x128xf32, #tpu.memory_space<vmem>>) target(%dma_start3A_240 : memref<80x128xf32, #tpu.memory_space<vmem_shared>>) target_semaphore(%run_scoped3A : memref<!tpu.dma_semaphore, #tpu.memory_space<semaphore_mem>>)
      %dma_wait3A_241 = arith.constant 0 : i32
      %dma_wait3A_242 = tpu.memref_slice %arg16[%add3A_30, %dma_wait3A_241] : memref<10240x128xf32, #tpu.memory_space<vmem_shared>> -> memref<80x128xf32, #tpu.memory_space<vmem_shared>>
      %dma_wait3A_243 = arith.constant 0 : i32
      %dma_wait3A_244 = tpu.memref_slice %arg16[%add3A_30, %dma_wait3A_243] : memref<10240x128xf32, #tpu.memory_space<vmem_shared>> -> memref<80x128xf32, #tpu.memory_space<vmem_shared>>
      tpu.wait_dma2 semaphore(%run_scoped3A : memref<!tpu.dma_semaphore, #tpu.memory_space<semaphore_mem>>) src(%arg13 : memref<80x128xf32, #tpu.memory_space<vmem>>) dst(%dma_wait3A_244 : memref<80x128xf32, #tpu.memory_space<vmem_shared>>)
      tpu.yield
    }) : () -> ()
    %add3A_31 = arith.constant 400 : i32
    %add3A_32 = arith.addi %mul3A_20, %add3A_31 : i32
    "tpu.region"() ({
      %run_scoped3A = tpu.sem_alloc : memref<!tpu.dma_semaphore, #tpu.memory_space<semaphore_mem>>
      %dma_start3A_237 = arith.constant 0 : i32
      %dma_start3A_238 = tpu.memref_slice %arg16[%add3A_32, %dma_start3A_237] : memref<10240x128xf32, #tpu.memory_space<vmem_shared>> -> memref<80x128xf32, #tpu.memory_space<vmem_shared>>
      %dma_start3A_239 = arith.constant 0 : i32
      %dma_start3A_240 = tpu.memref_slice %arg16[%add3A_32, %dma_start3A_239] : memref<10240x128xf32, #tpu.memory_space<vmem_shared>> -> memref<80x128xf32, #tpu.memory_space<vmem_shared>>
      tpu.enqueue_dma source(%arg13 : memref<80x128xf32, #tpu.memory_space<vmem>>) target(%dma_start3A_240 : memref<80x128xf32, #tpu.memory_space<vmem_shared>>) target_semaphore(%run_scoped3A : memref<!tpu.dma_semaphore, #tpu.memory_space<semaphore_mem>>)
      %dma_wait3A_241 = arith.constant 0 : i32
      %dma_wait3A_242 = tpu.memref_slice %arg16[%add3A_32, %dma_wait3A_241] : memref<10240x128xf32, #tpu.memory_space<vmem_shared>> -> memref<80x128xf32, #tpu.memory_space<vmem_shared>>
      %dma_wait3A_243 = arith.constant 0 : i32
      %dma_wait3A_244 = tpu.memref_slice %arg16[%add3A_32, %dma_wait3A_243] : memref<10240x128xf32, #tpu.memory_space<vmem_shared>> -> memref<80x128xf32, #tpu.memory_space<vmem_shared>>
      tpu.wait_dma2 semaphore(%run_scoped3A : memref<!tpu.dma_semaphore, #tpu.memory_space<semaphore_mem>>) src(%arg13 : memref<80x128xf32, #tpu.memory_space<vmem>>) dst(%dma_wait3A_244 : memref<80x128xf32, #tpu.memory_space<vmem_shared>>)
      tpu.yield
    }) : () -> ()
    %add3A_33 = arith.constant 480 : i32
    %add3A_34 = arith.addi %mul3A_20, %add3A_33 : i32
    "tpu.region"() ({
      %run_scoped3A = tpu.sem_alloc : memref<!tpu.dma_semaphore, #tpu.memory_space<semaphore_mem>>
      %dma_start3A_237 = arith.constant 0 : i32
      %dma_start3A_238 = tpu.memref_slice %arg16[%add3A_34, %dma_start3A_237] : memref<10240x128xf32, #tpu.memory_space<vmem_shared>> -> memref<80x128xf32, #tpu.memory_space<vmem_shared>>
      %dma_start3A_239 = arith.constant 0 : i32
      %dma_start3A_240 = tpu.memref_slice %arg16[%add3A_34, %dma_start3A_239] : memref<10240x128xf32, #tpu.memory_space<vmem_shared>> -> memref<80x128xf32, #tpu.memory_space<vmem_shared>>
      tpu.enqueue_dma source(%arg13 : memref<80x128xf32, #tpu.memory_space<vmem>>) target(%dma_start3A_240 : memref<80x128xf32, #tpu.memory_space<vmem_shared>>) target_semaphore(%run_scoped3A : memref<!tpu.dma_semaphore, #tpu.memory_space<semaphore_mem>>)
      %dma_wait3A_241 = arith.constant 0 : i32
      %dma_wait3A_242 = tpu.memref_slice %arg16[%add3A_34, %dma_wait3A_241] : memref<10240x128xf32, #tpu.memory_space<vmem_shared>> -> memref<80x128xf32, #tpu.memory_space<vmem_shared>>
      %dma_wait3A_243 = arith.constant 0 : i32
      %dma_wait3A_244 = tpu.memref_slice %arg16[%add3A_34, %dma_wait3A_243] : memref<10240x128xf32, #tpu.memory_space<vmem_shared>> -> memref<80x128xf32, #tpu.memory_space<vmem_shared>>
      tpu.wait_dma2 semaphore(%run_scoped3A : memref<!tpu.dma_semaphore, #tpu.memory_space<semaphore_mem>>) src(%arg13 : memref<80x128xf32, #tpu.memory_space<vmem>>) dst(%dma_wait3A_244 : memref<80x128xf32, #tpu.memory_space<vmem_shared>>)
      tpu.yield
    }) : () -> ()
    %add3A_35 = arith.constant 560 : i32
    %add3A_36 = arith.addi %mul3A_20, %add3A_35 : i32
    "tpu.region"() ({
      %run_scoped3A = tpu.sem_alloc : memref<!tpu.dma_semaphore, #tpu.memory_space<semaphore_mem>>
      %dma_start3A_237 = arith.constant 0 : i32
      %dma_start3A_238 = tpu.memref_slice %arg16[%add3A_36, %dma_start3A_237] : memref<10240x128xf32, #tpu.memory_space<vmem_shared>> -> memref<80x128xf32, #tpu.memory_space<vmem_shared>>
      %dma_start3A_239 = arith.constant 0 : i32
      %dma_start3A_240 = tpu.memref_slice %arg16[%add3A_36, %dma_start3A_239] : memref<10240x128xf32, #tpu.memory_space<vmem_shared>> -> memref<80x128xf32, #tpu.memory_space<vmem_shared>>
      tpu.enqueue_dma source(%arg13 : memref<80x128xf32, #tpu.memory_space<vmem>>) target(%dma_start3A_240 : memref<80x128xf32, #tpu.memory_space<vmem_shared>>) target_semaphore(%run_scoped3A : memref<!tpu.dma_semaphore, #tpu.memory_space<semaphore_mem>>)
      %dma_wait3A_241 = arith.constant 0 : i32
      %dma_wait3A_242 = tpu.memref_slice %arg16[%add3A_36, %dma_wait3A_241] : memref<10240x128xf32, #tpu.memory_space<vmem_shared>> -> memref<80x128xf32, #tpu.memory_space<vmem_shared>>
      %dma_wait3A_243 = arith.constant 0 : i32
      %dma_wait3A_244 = tpu.memref_slice %arg16[%add3A_36, %dma_wait3A_243] : memref<10240x128xf32, #tpu.memory_space<vmem_shared>> -> memref<80x128xf32, #tpu.memory_space<vmem_shared>>
      tpu.wait_dma2 semaphore(%run_scoped3A : memref<!tpu.dma_semaphore, #tpu.memory_space<semaphore_mem>>) src(%arg13 : memref<80x128xf32, #tpu.memory_space<vmem>>) dst(%dma_wait3A_244 : memref<80x128xf32, #tpu.memory_space<vmem_shared>>)
      tpu.yield
    }) : () -> ()
    %scan3A_37 = arith.constant 0 : i32
    %scan3A_38 = arith.constant 0 : i32
    %scan3A_39 = arith.constant 640 : i32
    %scan3A_40 = arith.addi %scan3A_38, %scan3A_39 : i32
    %scan3A_41 = arith.constant 1 : i32
    %scan3A_42 = scf.for %scan3A_237 = %scan3A_38 to %scan3A_40 step %scan3A_41 iter_args(%scan3A_238 = %scan3A_37) -> (i32)  : i32 {
      %mul3A_239 = arith.constant 16 : i32
      %mul3A_240 = arith.muli %scan3A_237, %mul3A_239 : i32
      %swap3A_241 = arith.index_cast %mul3A_240 : i32 to index
      %swap3A_242 = tpu.vector_load %arg23[%swap3A_241] {strides = array<i32>} : memref<10240xf32, #tpu.memory_space<vmem>>, vector<16xf32>,
      tpu.vector_store %arg23[%swap3A_241], %broadcast_in_dim3A_3 {strides = array<i32>} : memref<10240xf32, #tpu.memory_space<vmem>>, vector<16xf32>,
      %scan3A_243 = arith.constant 0 : i32
      scf.yield %scan3A_243 : i32
    }
    %scan3A_43 = arith.constant 640 : i32
    %iota3A = tpu.iota {dimensions = array<i32: 0>} : vector<16xi32>
    %add3A_44 = arith.constant 0 : i32
    %add3A_45 = vector.broadcast %add3A_44 : i32 to vector<16xi32>
    %add3A_46 = arith.addi %iota3A, %add3A_45 : vector<16xi32>
    %swap3A = arith.constant 0 : index
    %swap3A_47 = tpu.vector_load %arg25[%swap3A] {strides = array<i32>} : memref<80xi32, #tpu.memory_space<vmem>>, vector<16xi32>,
    tpu.vector_store %arg25[%swap3A], %add3A_46 {strides = array<i32>} : memref<80xi32, #tpu.memory_space<vmem>>, vector<16xi32>,
    %add3A_48 = arith.constant 16 : i32
    %add3A_49 = vector.broadcast %add3A_48 : i32 to vector<16xi32>
    %add3A_50 = arith.addi %iota3A, %add3A_49 : vector<16xi32>
    %swap3A_51 = arith.constant 16 : index
    %swap3A_52 = tpu.vector_load %arg25[%swap3A_51] {strides = array<i32>} : memref<80xi32, #tpu.memory_space<vmem>>, vector<16xi32>,
    tpu.vector_store %arg25[%swap3A_51], %add3A_50 {strides = array<i32>} : memref<80xi32, #tpu.memory_space<vmem>>, vector<16xi32>,
    %add3A_53 = arith.constant 32 : i32
    %add3A_54 = vector.broadcast %add3A_53 : i32 to vector<16xi32>
    %add3A_55 = arith.addi %iota3A, %add3A_54 : vector<16xi32>
    %swap3A_56 = arith.constant 32 : index
    %swap3A_57 = tpu.vector_load %arg25[%swap3A_56] {strides = array<i32>} : memref<80xi32, #tpu.memory_space<vmem>>, vector<16xi32>,
    tpu.vector_store %arg25[%swap3A_56], %add3A_55 {strides = array<i32>} : memref<80xi32, #tpu.memory_space<vmem>>, vector<16xi32>,
    %add3A_58 = arith.constant 48 : i32
    %add3A_59 = vector.broadcast %add3A_58 : i32 to vector<16xi32>
    %add3A_60 = arith.addi %iota3A, %add3A_59 : vector<16xi32>
    %swap3A_61 = arith.constant 48 : index
    %swap3A_62 = tpu.vector_load %arg25[%swap3A_61] {strides = array<i32>} : memref<80xi32, #tpu.memory_space<vmem>>, vector<16xi32>,
    tpu.vector_store %arg25[%swap3A_61], %add3A_60 {strides = array<i32>} : memref<80xi32, #tpu.memory_space<vmem>>, vector<16xi32>,
    %add3A_63 = arith.constant 64 : i32
    %add3A_64 = vector.broadcast %add3A_63 : i32 to vector<16xi32>
    %add3A_65 = arith.addi %iota3A, %add3A_64 : vector<16xi32>
    %swap3A_66 = arith.constant 64 : index
    %swap3A_67 = tpu.vector_load %arg25[%swap3A_66] {strides = array<i32>} : memref<80xi32, #tpu.memory_space<vmem>>, vector<16xi32>,
    tpu.vector_store %arg25[%swap3A_66], %add3A_65 {strides = array<i32>} : memref<80xi32, #tpu.memory_space<vmem>>, vector<16xi32>,
    %lt3A = arith.constant 10 : i32
    %lt3A_68 = arith.cmpi slt, %arg1, %lt3A : i32
    %convert_element_type3A = arith.extui %lt3A_68 : i1 to i32
    %cond3A = arith.constant 0 : i32
    %cond3A_69 = arith.cmpi ne, %convert_element_type3A, %cond3A : i32
    scf.if %cond3A_69 {
      %mul3A_237 = arith.constant 8 : i32
      %mul3A_238 = arith.muli %arg1, %mul3A_237 : i32
      "tpu.region"() ({
        %run_scoped3A = tpu.sem_alloc : memref<!tpu.dma_semaphore, #tpu.memory_space<semaphore_mem>>
        %dma_start3A_239 = arith.constant 0 : i32
        %dma_start3A_240 = arith.constant 0 : i32
        %dma_start3A_241 = tpu.memref_slice %arg13[%dma_start3A_239, %dma_start3A_240] : memref<80x128xf32, #tpu.memory_space<vmem>> -> memref<8x128xf32, #tpu.memory_space<vmem>>
        %dma_start3A_242 = arith.constant 0 : i32
        %dma_start3A_243 = tpu.memref_slice %arg24[%mul3A_238, %dma_start3A_242] : memref<80x128xf32, #tpu.memory_space<vmem_shared>> -> memref<8x128xf32, #tpu.memory_space<vmem_shared>>
        %dma_start3A_244 = arith.constant 0 : i32
        %dma_start3A_245 = tpu.memref_slice %arg24[%mul3A_238, %dma_start3A_244] : memref<80x128xf32, #tpu.memory_space<vmem_shared>> -> memref<8x128xf32, #tpu.memory_space<vmem_shared>>
        %dma_start3A_246 = arith.constant 0 : i32
        %dma_start3A_247 = arith.constant 0 : i32
        %dma_start3A_248 = tpu.memref_slice %arg13[%dma_start3A_246, %dma_start3A_247] : memref<80x128xf32, #tpu.memory_space<vmem>> -> memref<8x128xf32, #tpu.memory_space<vmem>>
        tpu.enqueue_dma source(%dma_start3A_248 : memref<8x128xf32, #tpu.memory_space<vmem>>) target(%dma_start3A_245 : memref<8x128xf32, #tpu.memory_space<vmem_shared>>) target_semaphore(%run_scoped3A : memref<!tpu.dma_semaphore, #tpu.memory_space<semaphore_mem>>)
        %dma_wait3A_249 = arith.constant 0 : i32
        %dma_wait3A_250 = arith.constant 0 : i32
        %dma_wait3A_251 = tpu.memref_slice %arg13[%dma_wait3A_249, %dma_wait3A_250] : memref<80x128xf32, #tpu.memory_space<vmem>> -> memref<8x128xf32, #tpu.memory_space<vmem>>
        %dma_wait3A_252 = arith.constant 0 : i32
        %dma_wait3A_253 = tpu.memref_slice %arg24[%mul3A_238, %dma_wait3A_252] : memref<80x128xf32, #tpu.memory_space<vmem_shared>> -> memref<8x128xf32, #tpu.memory_space<vmem_shared>>
        %dma_wait3A_254 = arith.constant 0 : i32
        %dma_wait3A_255 = tpu.memref_slice %arg24[%mul3A_238, %dma_wait3A_254] : memref<80x128xf32, #tpu.memory_space<vmem_shared>> -> memref<8x128xf32, #tpu.memory_space<vmem_shared>>
        %dma_wait3A_256 = arith.constant 0 : i32
        %dma_wait3A_257 = arith.constant 0 : i32
        %dma_wait3A_258 = tpu.memref_slice %arg13[%dma_wait3A_256, %dma_wait3A_257] : memref<80x128xf32, #tpu.memory_space<vmem>> -> memref<8x128xf32, #tpu.memory_space<vmem>>
        tpu.wait_dma2 semaphore(%run_scoped3A : memref<!tpu.dma_semaphore, #tpu.memory_space<semaphore_mem>>) src(%dma_wait3A_258 : memref<8x128xf32, #tpu.memory_space<vmem>>) dst(%dma_wait3A_255 : memref<8x128xf32, #tpu.memory_space<vmem_shared>>)
        tpu.yield
      }) : () -> ()
    } else {
    }
    %barrier3A = arith.constant 0 : index
    tpu.barrier barrier_id(%barrier3A)
    %dma_wait3A = tpu.memref_slice %arg3[%mul3A_2] : memref<320000xi32, #tpu.memory_space<hbm>> -> memref<80xi32, #tpu.memory_space<hbm>>
    %dma_wait3A_70 = tpu.memref_slice %arg3[%mul3A_2] : memref<320000xi32, #tpu.memory_space<hbm>> -> memref<80xi32, #tpu.memory_space<hbm>>
    tpu.wait_dma2 semaphore(%arg20 : memref<!tpu.dma_semaphore, #tpu.memory_space<semaphore_mem>>) src(%dma_wait3A_70 : memref<80xi32, #tpu.memory_space<hbm>>) dst(%arg7 : memref<80xi32, #tpu.memory_space<vmem>>)
    %dma_wait3A_71 = tpu.memref_slice %arg4[%mul3A_2] : memref<320000xi32, #tpu.memory_space<hbm>> -> memref<80xi32, #tpu.memory_space<hbm>>
    %dma_wait3A_72 = tpu.memref_slice %arg4[%mul3A_2] : memref<320000xi32, #tpu.memory_space<hbm>> -> memref<80xi32, #tpu.memory_space<hbm>>
    tpu.wait_dma2 semaphore(%arg20 : memref<!tpu.dma_semaphore, #tpu.memory_space<semaphore_mem>>) src(%dma_wait3A_72 : memref<80xi32, #tpu.memory_space<hbm>>) dst(%arg10 : memref<80xi32, #tpu.memory_space<vmem>>)
    %dma_start3A_73 = arith.constant 0 : i32
    %dma_start3A_74 = arith.constant 0 : i32
    %dma_start3A_75 = tpu.memref_slice %arg2[%dma_start3A_73, %dma_start3A_74] : memref<10000x128xf32, #tpu.memory_space<hbm>> -> memref<10000x128xf32, #tpu.memory_space<hbm>>
    tpu.enqueue_indirect_dma source(%dma_start3A_75 : memref<10000x128xf32, #tpu.memory_space<hbm>>) target(%arg13 : memref<80x128xf32, #tpu.memory_space<vmem>>) offsets(%arg7 : memref<80xi32, #tpu.memory_space<vmem>>) semaphore(%arg17 : memref<!tpu.dma_semaphore, #tpu.memory_space<semaphore_mem>>)
    %add3A_76 = arith.constant 80 : i32
    %add3A_77 = arith.addi %mul3A_2, %add3A_76 : i32
    %dma_start3A_78 = tpu.memref_slice %arg3[%add3A_77] : memref<320000xi32, #tpu.memory_space<hbm>> -> memref<80xi32, #tpu.memory_space<hbm>>
    %dma_start3A_79 = tpu.memref_slice %arg3[%add3A_77] : memref<320000xi32, #tpu.memory_space<hbm>> -> memref<80xi32, #tpu.memory_space<hbm>>
    tpu.enqueue_dma source(%dma_start3A_79 : memref<80xi32, #tpu.memory_space<hbm>>) target(%arg8 : memref<80xi32, #tpu.memory_space<vmem>>) target_semaphore(%arg21 : memref<!tpu.dma_semaphore, #tpu.memory_space<semaphore_mem>>)
    %add3A_80 = arith.constant 80 : i32
    %add3A_81 = arith.addi %mul3A_2, %add3A_80 : i32
    %dma_start3A_82 = tpu.memref_slice %arg4[%add3A_81] : memref<320000xi32, #tpu.memory_space<hbm>> -> memref<80xi32, #tpu.memory_space<hbm>>
    %dma_start3A_83 = tpu.memref_slice %arg4[%add3A_81] : memref<320000xi32, #tpu.memory_space<hbm>> -> memref<80xi32, #tpu.memory_space<hbm>>
    tpu.enqueue_dma source(%dma_start3A_83 : memref<80xi32, #tpu.memory_space<hbm>>) target(%arg11 : memref<80xi32, #tpu.memory_space<vmem>>) target_semaphore(%arg21 : memref<!tpu.dma_semaphore, #tpu.memory_space<semaphore_mem>>)
    %dma_wait3A_84 = tpu.memref_slice %arg3[%mul3A_2] : memref<320000xi32, #tpu.memory_space<hbm>> -> memref<80xi32, #tpu.memory_space<hbm>>
    %dma_wait3A_85 = tpu.memref_slice %arg3[%mul3A_2] : memref<320000xi32, #tpu.memory_space<hbm>> -> memref<80xi32, #tpu.memory_space<hbm>>
    tpu.wait_dma2 semaphore(%arg21 : memref<!tpu.dma_semaphore, #tpu.memory_space<semaphore_mem>>) src(%dma_wait3A_85 : memref<80xi32, #tpu.memory_space<hbm>>) dst(%arg8 : memref<80xi32, #tpu.memory_space<vmem>>)
    %dma_wait3A_86 = tpu.memref_slice %arg4[%mul3A_2] : memref<320000xi32, #tpu.memory_space<hbm>> -> memref<80xi32, #tpu.memory_space<hbm>>
    %dma_wait3A_87 = tpu.memref_slice %arg4[%mul3A_2] : memref<320000xi32, #tpu.memory_space<hbm>> -> memref<80xi32, #tpu.memory_space<hbm>>
    tpu.wait_dma2 semaphore(%arg21 : memref<!tpu.dma_semaphore, #tpu.memory_space<semaphore_mem>>) src(%dma_wait3A_87 : memref<80xi32, #tpu.memory_space<hbm>>) dst(%arg11 : memref<80xi32, #tpu.memory_space<vmem>>)
    %dma_start3A_88 = arith.constant 0 : i32
    %dma_start3A_89 = arith.constant 0 : i32
    %dma_start3A_90 = tpu.memref_slice %arg2[%dma_start3A_88, %dma_start3A_89] : memref<10000x128xf32, #tpu.memory_space<hbm>> -> memref<10000x128xf32, #tpu.memory_space<hbm>>
    tpu.enqueue_indirect_dma source(%dma_start3A_90 : memref<10000x128xf32, #tpu.memory_space<hbm>>) target(%arg14 : memref<80x128xf32, #tpu.memory_space<vmem>>) offsets(%arg8 : memref<80xi32, #tpu.memory_space<vmem>>) semaphore(%arg18 : memref<!tpu.dma_semaphore, #tpu.memory_space<semaphore_mem>>)
    %add3A_91 = arith.constant 160 : i32
    %add3A_92 = arith.addi %mul3A_2, %add3A_91 : i32
    %dma_start3A_93 = tpu.memref_slice %arg3[%add3A_92] : memref<320000xi32, #tpu.memory_space<hbm>> -> memref<80xi32, #tpu.memory_space<hbm>>
    %dma_start3A_94 = tpu.memref_slice %arg3[%add3A_92] : memref<320000xi32, #tpu.memory_space<hbm>> -> memref<80xi32, #tpu.memory_space<hbm>>
    tpu.enqueue_dma source(%dma_start3A_94 : memref<80xi32, #tpu.memory_space<hbm>>) target(%arg9 : memref<80xi32, #tpu.memory_space<vmem>>) target_semaphore(%arg22 : memref<!tpu.dma_semaphore, #tpu.memory_space<semaphore_mem>>)
    %add3A_95 = arith.constant 160 : i32
    %add3A_96 = arith.addi %mul3A_2, %add3A_95 : i32
    %dma_start3A_97 = tpu.memref_slice %arg4[%add3A_96] : memref<320000xi32, #tpu.memory_space<hbm>> -> memref<80xi32, #tpu.memory_space<hbm>>
    %dma_start3A_98 = tpu.memref_slice %arg4[%add3A_96] : memref<320000xi32, #tpu.memory_space<hbm>> -> memref<80xi32, #tpu.memory_space<hbm>>
    tpu.enqueue_dma source(%dma_start3A_98 : memref<80xi32, #tpu.memory_space<hbm>>) target(%arg12 : memref<80xi32, #tpu.memory_space<vmem>>) target_semaphore(%arg22 : memref<!tpu.dma_semaphore, #tpu.memory_space<semaphore_mem>>)
    %scan3A_99 = arith.constant 0 : i32
    %scan3A_100 = arith.constant 0 : i32
    %scan3A_101 = arith.constant 40 : i32
    %scan3A_102 = arith.addi %scan3A_100, %scan3A_101 : i32
    %scan3A_103 = arith.constant 1 : i32
    %scan3A_104 = scf.for %scan3A_237 = %scan3A_100 to %scan3A_102 step %scan3A_103 iter_args(%scan3A_238 = %scan3A_99) -> (i32)  : i32 {
      %mul3A_239 = arith.constant 3 : i32
      %mul3A_240 = arith.muli %scan3A_237, %mul3A_239 : i32
      %dma_wait3A_241 = tpu.memref_slice %arg3[%mul3A_2] : memref<320000xi32, #tpu.memory_space<hbm>> -> memref<80xi32, #tpu.memory_space<hbm>>
      %dma_wait3A_242 = tpu.memref_slice %arg3[%mul3A_2] : memref<320000xi32, #tpu.memory_space<hbm>> -> memref<80xi32, #tpu.memory_space<hbm>>
      tpu.wait_dma2 semaphore(%arg22 : memref<!tpu.dma_semaphore, #tpu.memory_space<semaphore_mem>>) src(%dma_wait3A_242 : memref<80xi32, #tpu.memory_space<hbm>>) dst(%arg9 : memref<80xi32, #tpu.memory_space<vmem>>)
      %dma_wait3A_243 = tpu.memref_slice %arg4[%mul3A_2] : memref<320000xi32, #tpu.memory_space<hbm>> -> memref<80xi32, #tpu.memory_space<hbm>>
      %dma_wait3A_244 = tpu.memref_slice %arg4[%mul3A_2] : memref<320000xi32, #tpu.memory_space<hbm>> -> memref<80xi32, #tpu.memory_space<hbm>>
      tpu.wait_dma2 semaphore(%arg22 : memref<!tpu.dma_semaphore, #tpu.memory_space<semaphore_mem>>) src(%dma_wait3A_244 : memref<80xi32, #tpu.memory_space<hbm>>) dst(%arg12 : memref<80xi32, #tpu.memory_space<vmem>>)
      %dma_start3A_245 = arith.constant 0 : i32
      %dma_start3A_246 = arith.constant 0 : i32
      %dma_start3A_247 = tpu.memref_slice %arg2[%dma_start3A_245, %dma_start3A_246] : memref<10000x128xf32, #tpu.memory_space<hbm>> -> memref<10000x128xf32, #tpu.memory_space<hbm>>
      tpu.enqueue_indirect_dma source(%dma_start3A_247 : memref<10000x128xf32, #tpu.memory_space<hbm>>) target(%arg15 : memref<80x128xf32, #tpu.memory_space<vmem>>) offsets(%arg9 : memref<80xi32, #tpu.memory_space<vmem>>) semaphore(%arg19 : memref<!tpu.dma_semaphore, #tpu.memory_space<semaphore_mem>>)
      %dma_wait3A_248 = arith.constant 0 : i32
      %dma_wait3A_249 = arith.constant 0 : i32
      %dma_wait3A_250 = tpu.memref_slice %arg2[%dma_wait3A_248, %dma_wait3A_249] : memref<10000x128xf32, #tpu.memory_space<hbm>> -> memref<10000x128xf32, #tpu.memory_space<hbm>>
      tpu.wait_indirect_dma semaphore(%arg17 : memref<!tpu.dma_semaphore, #tpu.memory_space<semaphore_mem>>) src(%dma_wait3A_250 : memref<10000x128xf32, #tpu.memory_space<hbm>>) dst(%arg13 : memref<80x128xf32, #tpu.memory_space<vmem>>)
      %get3A_251 = arith.constant 0 : index
      %get3A_252 = tpu.vector_load %arg10[%get3A_251] {strides = array<i32>} : memref<80xi32, #tpu.memory_space<vmem>>, vector<16xi32>,
      tpu.vector_store_idx %arg23[%get3A_252], %broadcast_in_dim3A_5 {add = true} : memref<10240xf32, #tpu.memory_space<vmem>>[vector<16xi32>], vector<16xf32>,
      %get3A_253 = arith.constant 16 : index
      %get3A_254 = tpu.vector_load %arg10[%get3A_253] {strides = array<i32>} : memref<80xi32, #tpu.memory_space<vmem>>, vector<16xi32>,
      tpu.vector_store_idx %arg23[%get3A_254], %broadcast_in_dim3A_5 {add = true} : memref<10240xf32, #tpu.memory_space<vmem>>[vector<16xi32>], vector<16xf32>,
      %get3A_255 = arith.constant 32 : index
      %get3A_256 = tpu.vector_load %arg10[%get3A_255] {strides = array<i32>} : memref<80xi32, #tpu.memory_space<vmem>>, vector<16xi32>,
      tpu.vector_store_idx %arg23[%get3A_256], %broadcast_in_dim3A_5 {add = true} : memref<10240xf32, #tpu.memory_space<vmem>>[vector<16xi32>], vector<16xf32>,
      %get3A_257 = arith.constant 48 : index
      %get3A_258 = tpu.vector_load %arg10[%get3A_257] {strides = array<i32>} : memref<80xi32, #tpu.memory_space<vmem>>, vector<16xi32>,
      tpu.vector_store_idx %arg23[%get3A_258], %broadcast_in_dim3A_5 {add = true} : memref<10240xf32, #tpu.memory_space<vmem>>[vector<16xi32>], vector<16xf32>,
      %get3A_259 = arith.constant 64 : index
      %get3A_260 = tpu.vector_load %arg10[%get3A_259] {strides = array<i32>} : memref<80xi32, #tpu.memory_space<vmem>>, vector<16xi32>,
      tpu.vector_store_idx %arg23[%get3A_260], %broadcast_in_dim3A_5 {add = true} : memref<10240xf32, #tpu.memory_space<vmem>>[vector<16xi32>], vector<16xf32>,
      "tpu.region"() ({
        %run_scoped3A = tpu.sem_alloc : memref<!tpu.dma_semaphore, #tpu.memory_space<semaphore_mem>>
        %dma_start3A_342 = arith.constant 0 : i32
        %dma_start3A_343 = arith.constant 0 : i32
        %dma_start3A_344 = tpu.memref_slice %arg16[%dma_start3A_342, %dma_start3A_343] : memref<10240x128xf32, #tpu.memory_space<vmem_shared>> -> memref<10240x128xf32, #tpu.memory_space<vmem_shared>>
        tpu.enqueue_indirect_dma source(%arg13 : memref<80x128xf32, #tpu.memory_space<vmem>>) target(%dma_start3A_344 : memref<10240x128xf32, #tpu.memory_space<vmem_shared>>) offsets(%arg10 : memref<80xi32, #tpu.memory_space<vmem>>) semaphore(%run_scoped3A : memref<!tpu.dma_semaphore, #tpu.memory_space<semaphore_mem>>) {add = true}
        %dma_wait3A_345 = arith.constant 0 : i32
        %dma_wait3A_346 = arith.constant 0 : i32
        %dma_wait3A_347 = tpu.memref_slice %arg16[%dma_wait3A_345, %dma_wait3A_346] : memref<10240x128xf32, #tpu.memory_space<vmem_shared>> -> memref<10240x128xf32, #tpu.memory_space<vmem_shared>>
        tpu.wait_indirect_dma semaphore(%run_scoped3A : memref<!tpu.dma_semaphore, #tpu.memory_space<semaphore_mem>>) src(%arg13 : memref<80x128xf32, #tpu.memory_space<vmem>>) dst(%dma_wait3A_347 : memref<10240x128xf32, #tpu.memory_space<vmem_shared>>)
        tpu.yield
      }) : () -> ()
      %add3A_261 = arith.constant 3 : i32
      %add3A_262 = arith.addi %mul3A_240, %add3A_261 : i32
      %mul3A_263 = arith.constant 80 : i32
      %mul3A_264 = arith.muli %add3A_262, %mul3A_263 : i32
      %add3A_265 = arith.addi %mul3A_2, %mul3A_264 : i32
      %dma_start3A_266 = tpu.memref_slice %arg3[%add3A_265] : memref<320000xi32, #tpu.memory_space<hbm>> -> memref<80xi32, #tpu.memory_space<hbm>>
      %dma_start3A_267 = tpu.memref_slice %arg3[%add3A_265] : memref<320000xi32, #tpu.memory_space<hbm>> -> memref<80xi32, #tpu.memory_space<hbm>>
      tpu.enqueue_dma source(%dma_start3A_267 : memref<80xi32, #tpu.memory_space<hbm>>) target(%arg7 : memref<80xi32, #tpu.memory_space<vmem>>) target_semaphore(%arg20 : memref<!tpu.dma_semaphore, #tpu.memory_space<semaphore_mem>>)
      %mul3A_268 = arith.constant 80 : i32
      %mul3A_269 = arith.muli %add3A_262, %mul3A_268 : i32
      %add3A_270 = arith.addi %mul3A_2, %mul3A_269 : i32
      %dma_start3A_271 = tpu.memref_slice %arg4[%add3A_270] : memref<320000xi32, #tpu.memory_space<hbm>> -> memref<80xi32, #tpu.memory_space<hbm>>
      %dma_start3A_272 = tpu.memref_slice %arg4[%add3A_270] : memref<320000xi32, #tpu.memory_space<hbm>> -> memref<80xi32, #tpu.memory_space<hbm>>
      tpu.enqueue_dma source(%dma_start3A_272 : memref<80xi32, #tpu.memory_space<hbm>>) target(%arg10 : memref<80xi32, #tpu.memory_space<vmem>>) target_semaphore(%arg20 : memref<!tpu.dma_semaphore, #tpu.memory_space<semaphore_mem>>)
      %add3A_273 = arith.constant 1 : i32
      %add3A_274 = arith.addi %mul3A_240, %add3A_273 : i32
      %dma_wait3A_275 = tpu.memref_slice %arg3[%mul3A_2] : memref<320000xi32, #tpu.memory_space<hbm>> -> memref<80xi32, #tpu.memory_space<hbm>>
      %dma_wait3A_276 = tpu.memref_slice %arg3[%mul3A_2] : memref<320000xi32, #tpu.memory_space<hbm>> -> memref<80xi32, #tpu.memory_space<hbm>>
      tpu.wait_dma2 semaphore(%arg20 : memref<!tpu.dma_semaphore, #tpu.memory_space<semaphore_mem>>) src(%dma_wait3A_276 : memref<80xi32, #tpu.memory_space<hbm>>) dst(%arg7 : memref<80xi32, #tpu.memory_space<vmem>>)
      %dma_wait3A_277 = tpu.memref_slice %arg4[%mul3A_2] : memref<320000xi32, #tpu.memory_space<hbm>> -> memref<80xi32, #tpu.memory_space<hbm>>
      %dma_wait3A_278 = tpu.memref_slice %arg4[%mul3A_2] : memref<320000xi32, #tpu.memory_space<hbm>> -> memref<80xi32, #tpu.memory_space<hbm>>
      tpu.wait_dma2 semaphore(%arg20 : memref<!tpu.dma_semaphore, #tpu.memory_space<semaphore_mem>>) src(%dma_wait3A_278 : memref<80xi32, #tpu.memory_space<hbm>>) dst(%arg10 : memref<80xi32, #tpu.memory_space<vmem>>)
      %dma_start3A_279 = arith.constant 0 : i32
      %dma_start3A_280 = arith.constant 0 : i32
      %dma_start3A_281 = tpu.memref_slice %arg2[%dma_start3A_279, %dma_start3A_280] : memref<10000x128xf32, #tpu.memory_space<hbm>> -> memref<10000x128xf32, #tpu.memory_space<hbm>>
      tpu.enqueue_indirect_dma source(%dma_start3A_281 : memref<10000x128xf32, #tpu.memory_space<hbm>>) target(%arg13 : memref<80x128xf32, #tpu.memory_space<vmem>>) offsets(%arg7 : memref<80xi32, #tpu.memory_space<vmem>>) semaphore(%arg17 : memref<!tpu.dma_semaphore, #tpu.memory_space<semaphore_mem>>)
      %dma_wait3A_282 = arith.constant 0 : i32
      %dma_wait3A_283 = arith.constant 0 : i32
      %dma_wait3A_284 = tpu.memref_slice %arg2[%dma_wait3A_282, %dma_wait3A_283] : memref<10000x128xf32, #tpu.memory_space<hbm>> -> memref<10000x128xf32, #tpu.memory_space<hbm>>
      tpu.wait_indirect_dma semaphore(%arg18 : memref<!tpu.dma_semaphore, #tpu.memory_space<semaphore_mem>>) src(%dma_wait3A_284 : memref<10000x128xf32, #tpu.memory_space<hbm>>) dst(%arg14 : memref<80x128xf32, #tpu.memory_space<vmem>>)
      %get3A_285 = arith.constant 0 : index
      %get3A_286 = tpu.vector_load %arg11[%get3A_285] {strides = array<i32>} : memref<80xi32, #tpu.memory_space<vmem>>, vector<16xi32>,
      tpu.vector_store_idx %arg23[%get3A_286], %broadcast_in_dim3A_5 {add = true} : memref<10240xf32, #tpu.memory_space<vmem>>[vector<16xi32>], vector<16xf32>,
      %get3A_287 = arith.constant 16 : index
      %get3A_288 = tpu.vector_load %arg11[%get3A_287] {strides = array<i32>} : memref<80xi32, #tpu.memory_space<vmem>>, vector<16xi32>,
      tpu.vector_store_idx %arg23[%get3A_288], %broadcast_in_dim3A_5 {add = true} : memref<10240xf32, #tpu.memory_space<vmem>>[vector<16xi32>], vector<16xf32>,
      %get3A_289 = arith.constant 32 : index
      %get3A_290 = tpu.vector_load %arg11[%get3A_289] {strides = array<i32>} : memref<80xi32, #tpu.memory_space<vmem>>, vector<16xi32>,
      tpu.vector_store_idx %arg23[%get3A_290], %broadcast_in_dim3A_5 {add = true} : memref<10240xf32, #tpu.memory_space<vmem>>[vector<16xi32>], vector<16xf32>,
      %get3A_291 = arith.constant 48 : index
      %get3A_292 = tpu.vector_load %arg11[%get3A_291] {strides = array<i32>} : memref<80xi32, #tpu.memory_space<vmem>>, vector<16xi32>,
      tpu.vector_store_idx %arg23[%get3A_292], %broadcast_in_dim3A_5 {add = true} : memref<10240xf32, #tpu.memory_space<vmem>>[vector<16xi32>], vector<16xf32>,
      %get3A_293 = arith.constant 64 : index
      %get3A_294 = tpu.vector_load %arg11[%get3A_293] {strides = array<i32>} : memref<80xi32, #tpu.memory_space<vmem>>, vector<16xi32>,
      tpu.vector_store_idx %arg23[%get3A_294], %broadcast_in_dim3A_5 {add = true} : memref<10240xf32, #tpu.memory_space<vmem>>[vector<16xi32>], vector<16xf32>,
      "tpu.region"() ({
        %run_scoped3A = tpu.sem_alloc : memref<!tpu.dma_semaphore, #tpu.memory_space<semaphore_mem>>
        %dma_start3A_342 = arith.constant 0 : i32
        %dma_start3A_343 = arith.constant 0 : i32
        %dma_start3A_344 = tpu.memref_slice %arg16[%dma_start3A_342, %dma_start3A_343] : memref<10240x128xf32, #tpu.memory_space<vmem_shared>> -> memref<10240x128xf32, #tpu.memory_space<vmem_shared>>
        tpu.enqueue_indirect_dma source(%arg14 : memref<80x128xf32, #tpu.memory_space<vmem>>) target(%dma_start3A_344 : memref<10240x128xf32, #tpu.memory_space<vmem_shared>>) offsets(%arg11 : memref<80xi32, #tpu.memory_space<vmem>>) semaphore(%run_scoped3A : memref<!tpu.dma_semaphore, #tpu.memory_space<semaphore_mem>>) {add = true}
        %dma_wait3A_345 = arith.constant 0 : i32
        %dma_wait3A_346 = arith.constant 0 : i32
        %dma_wait3A_347 = tpu.memref_slice %arg16[%dma_wait3A_345, %dma_wait3A_346] : memref<10240x128xf32, #tpu.memory_space<vmem_shared>> -> memref<10240x128xf32, #tpu.memory_space<vmem_shared>>
        tpu.wait_indirect_dma semaphore(%run_scoped3A : memref<!tpu.dma_semaphore, #tpu.memory_space<semaphore_mem>>) src(%arg14 : memref<80x128xf32, #tpu.memory_space<vmem>>) dst(%dma_wait3A_347 : memref<10240x128xf32, #tpu.memory_space<vmem_shared>>)
        tpu.yield
      }) : () -> ()
      %add3A_295 = arith.constant 3 : i32
      %add3A_296 = arith.addi %add3A_274, %add3A_295 : i32
      %mul3A_297 = arith.constant 80 : i32
      %mul3A_298 = arith.muli %add3A_296, %mul3A_297 : i32
      %add3A_299 = arith.addi %mul3A_2, %mul3A_298 : i32
      %dma_start3A_300 = tpu.memref_slice %arg3[%add3A_299] : memref<320000xi32, #tpu.memory_space<hbm>> -> memref<80xi32, #tpu.memory_space<hbm>>
      %dma_start3A_301 = tpu.memref_slice %arg3[%add3A_299] : memref<320000xi32, #tpu.memory_space<hbm>> -> memref<80xi32, #tpu.memory_space<hbm>>
      tpu.enqueue_dma source(%dma_start3A_301 : memref<80xi32, #tpu.memory_space<hbm>>) target(%arg8 : memref<80xi32, #tpu.memory_space<vmem>>) target_semaphore(%arg21 : memref<!tpu.dma_semaphore, #tpu.memory_space<semaphore_mem>>)
      %mul3A_302 = arith.constant 80 : i32
      %mul3A_303 = arith.muli %add3A_296, %mul3A_302 : i32
      %add3A_304 = arith.addi %mul3A_2, %mul3A_303 : i32
      %dma_start3A_305 = tpu.memref_slice %arg4[%add3A_304] : memref<320000xi32, #tpu.memory_space<hbm>> -> memref<80xi32, #tpu.memory_space<hbm>>
      %dma_start3A_306 = tpu.memref_slice %arg4[%add3A_304] : memref<320000xi32, #tpu.memory_space<hbm>> -> memref<80xi32, #tpu.memory_space<hbm>>
      tpu.enqueue_dma source(%dma_start3A_306 : memref<80xi32, #tpu.memory_space<hbm>>) target(%arg11 : memref<80xi32, #tpu.memory_space<vmem>>) target_semaphore(%arg21 : memref<!tpu.dma_semaphore, #tpu.memory_space<semaphore_mem>>)
      %add3A_307 = arith.constant 2 : i32
      %add3A_308 = arith.addi %mul3A_240, %add3A_307 : i32
      %dma_wait3A_309 = tpu.memref_slice %arg3[%mul3A_2] : memref<320000xi32, #tpu.memory_space<hbm>> -> memref<80xi32, #tpu.memory_space<hbm>>
      %dma_wait3A_310 = tpu.memref_slice %arg3[%mul3A_2] : memref<320000xi32, #tpu.memory_space<hbm>> -> memref<80xi32, #tpu.memory_space<hbm>>
      tpu.wait_dma2 semaphore(%arg21 : memref<!tpu.dma_semaphore, #tpu.memory_space<semaphore_mem>>) src(%dma_wait3A_310 : memref<80xi32, #tpu.memory_space<hbm>>) dst(%arg8 : memref<80xi32, #tpu.memory_space<vmem>>)
      %dma_wait3A_311 = tpu.memref_slice %arg4[%mul3A_2] : memref<320000xi32, #tpu.memory_space<hbm>> -> memref<80xi32, #tpu.memory_space<hbm>>
      %dma_wait3A_312 = tpu.memref_slice %arg4[%mul3A_2] : memref<320000xi32, #tpu.memory_space<hbm>> -> memref<80xi32, #tpu.memory_space<hbm>>
      tpu.wait_dma2 semaphore(%arg21 : memref<!tpu.dma_semaphore, #tpu.memory_space<semaphore_mem>>) src(%dma_wait3A_312 : memref<80xi32, #tpu.memory_space<hbm>>) dst(%arg11 : memref<80xi32, #tpu.memory_space<vmem>>)
      %dma_start3A_313 = arith.constant 0 : i32
      %dma_start3A_314 = arith.constant 0 : i32
      %dma_start3A_315 = tpu.memref_slice %arg2[%dma_start3A_313, %dma_start3A_314] : memref<10000x128xf32, #tpu.memory_space<hbm>> -> memref<10000x128xf32, #tpu.memory_space<hbm>>
      tpu.enqueue_indirect_dma source(%dma_start3A_315 : memref<10000x128xf32, #tpu.memory_space<hbm>>) target(%arg14 : memref<80x128xf32, #tpu.memory_space<vmem>>) offsets(%arg8 : memref<80xi32, #tpu.memory_space<vmem>>) semaphore(%arg18 : memref<!tpu.dma_semaphore, #tpu.memory_space<semaphore_mem>>)
      %dma_wait3A_316 = arith.constant 0 : i32
      %dma_wait3A_317 = arith.constant 0 : i32
      %dma_wait3A_318 = tpu.memref_slice %arg2[%dma_wait3A_316, %dma_wait3A_317] : memref<10000x128xf32, #tpu.memory_space<hbm>> -> memref<10000x128xf32, #tpu.memory_space<hbm>>
      tpu.wait_indirect_dma semaphore(%arg19 : memref<!tpu.dma_semaphore, #tpu.memory_space<semaphore_mem>>) src(%dma_wait3A_318 : memref<10000x128xf32, #tpu.memory_space<hbm>>) dst(%arg15 : memref<80x128xf32, #tpu.memory_space<vmem>>)
      %get3A_319 = arith.constant 0 : index
      %get3A_320 = tpu.vector_load %arg12[%get3A_319] {strides = array<i32>} : memref<80xi32, #tpu.memory_space<vmem>>, vector<16xi32>,
      tpu.vector_store_idx %arg23[%get3A_320], %broadcast_in_dim3A_5 {add = true} : memref<10240xf32, #tpu.memory_space<vmem>>[vector<16xi32>], vector<16xf32>,
      %get3A_321 = arith.constant 16 : index
      %get3A_322 = tpu.vector_load %arg12[%get3A_321] {strides = array<i32>} : memref<80xi32, #tpu.memory_space<vmem>>, vector<16xi32>,
      tpu.vector_store_idx %arg23[%get3A_322], %broadcast_in_dim3A_5 {add = true} : memref<10240xf32, #tpu.memory_space<vmem>>[vector<16xi32>], vector<16xf32>,
      %get3A_323 = arith.constant 32 : index
      %get3A_324 = tpu.vector_load %arg12[%get3A_323] {strides = array<i32>} : memref<80xi32, #tpu.memory_space<vmem>>, vector<16xi32>,
      tpu.vector_store_idx %arg23[%get3A_324], %broadcast_in_dim3A_5 {add = true} : memref<10240xf32, #tpu.memory_space<vmem>>[vector<16xi32>], vector<16xf32>,
      %get3A_325 = arith.constant 48 : index
      %get3A_326 = tpu.vector_load %arg12[%get3A_325] {strides = array<i32>} : memref<80xi32, #tpu.memory_space<vmem>>, vector<16xi32>,
      tpu.vector_store_idx %arg23[%get3A_326], %broadcast_in_dim3A_5 {add = true} : memref<10240xf32, #tpu.memory_space<vmem>>[vector<16xi32>], vector<16xf32>,
      %get3A_327 = arith.constant 64 : index
      %get3A_328 = tpu.vector_load %arg12[%get3A_327] {strides = array<i32>} : memref<80xi32, #tpu.memory_space<vmem>>, vector<16xi32>,
      tpu.vector_store_idx %arg23[%get3A_328], %broadcast_in_dim3A_5 {add = true} : memref<10240xf32, #tpu.memory_space<vmem>>[vector<16xi32>], vector<16xf32>,
      "tpu.region"() ({
        %run_scoped3A = tpu.sem_alloc : memref<!tpu.dma_semaphore, #tpu.memory_space<semaphore_mem>>
        %dma_start3A_342 = arith.constant 0 : i32
        %dma_start3A_343 = arith.constant 0 : i32
        %dma_start3A_344 = tpu.memref_slice %arg16[%dma_start3A_342, %dma_start3A_343] : memref<10240x128xf32, #tpu.memory_space<vmem_shared>> -> memref<10240x128xf32, #tpu.memory_space<vmem_shared>>
        tpu.enqueue_indirect_dma source(%arg15 : memref<80x128xf32, #tpu.memory_space<vmem>>) target(%dma_start3A_344 : memref<10240x128xf32, #tpu.memory_space<vmem_shared>>) offsets(%arg12 : memref<80xi32, #tpu.memory_space<vmem>>) semaphore(%run_scoped3A : memref<!tpu.dma_semaphore, #tpu.memory_space<semaphore_mem>>) {add = true}
        %dma_wait3A_345 = arith.constant 0 : i32
        %dma_wait3A_346 = arith.constant 0 : i32
        %dma_wait3A_347 = tpu.memref_slice %arg16[%dma_wait3A_345, %dma_wait3A_346] : memref<10240x128xf32, #tpu.memory_space<vmem_shared>> -> memref<10240x128xf32, #tpu.memory_space<vmem_shared>>
        tpu.wait_indirect_dma semaphore(%run_scoped3A : memref<!tpu.dma_semaphore, #tpu.memory_space<semaphore_mem>>) src(%arg15 : memref<80x128xf32, #tpu.memory_space<vmem>>) dst(%dma_wait3A_347 : memref<10240x128xf32, #tpu.memory_space<vmem_shared>>)
        tpu.yield
      }) : () -> ()
      %add3A_329 = arith.constant 3 : i32
      %add3A_330 = arith.addi %add3A_308, %add3A_329 : i32
      %mul3A_331 = arith.constant 80 : i32
      %mul3A_332 = arith.muli %add3A_330, %mul3A_331 : i32
      %add3A_333 = arith.addi %mul3A_2, %mul3A_332 : i32
      %dma_start3A_334 = tpu.memref_slice %arg3[%add3A_333] : memref<320000xi32, #tpu.memory_space<hbm>> -> memref<80xi32, #tpu.memory_space<hbm>>
      %dma_start3A_335 = tpu.memref_slice %arg3[%add3A_333] : memref<320000xi32, #tpu.memory_space<hbm>> -> memref<80xi32, #tpu.memory_space<hbm>>
      tpu.enqueue_dma source(%dma_start3A_335 : memref<80xi32, #tpu.memory_space<hbm>>) target(%arg9 : memref<80xi32, #tpu.memory_space<vmem>>) target_semaphore(%arg22 : memref<!tpu.dma_semaphore, #tpu.memory_space<semaphore_mem>>)
      %mul3A_336 = arith.constant 80 : i32
      %mul3A_337 = arith.muli %add3A_330, %mul3A_336 : i32
      %add3A_338 = arith.addi %mul3A_2, %mul3A_337 : i32
      %dma_start3A_339 = tpu.memref_slice %arg4[%add3A_338] : memref<320000xi32, #tpu.memory_space<hbm>> -> memref<80xi32, #tpu.memory_space<hbm>>
      %dma_start3A_340 = tpu.memref_slice %arg4[%add3A_338] : memref<320000xi32, #tpu.memory_space<hbm>> -> memref<80xi32, #tpu.memory_space<hbm>>
      tpu.enqueue_dma source(%dma_start3A_340 : memref<80xi32, #tpu.memory_space<hbm>>) target(%arg12 : memref<80xi32, #tpu.memory_space<vmem>>) target_semaphore(%arg22 : memref<!tpu.dma_semaphore, #tpu.memory_space<semaphore_mem>>)
      %scan3A_341 = arith.constant 0 : i32
      scf.yield %scan3A_341 : i32
    }
    %scan3A_105 = arith.constant 40 : i32
    %dma_wait3A_106 = tpu.memref_slice %arg3[%mul3A_2] : memref<320000xi32, #tpu.memory_space<hbm>> -> memref<80xi32, #tpu.memory_space<hbm>>
    %dma_wait3A_107 = tpu.memref_slice %arg3[%mul3A_2] : memref<320000xi32, #tpu.memory_space<hbm>> -> memref<80xi32, #tpu.memory_space<hbm>>
    tpu.wait_dma2 semaphore(%arg22 : memref<!tpu.dma_semaphore, #tpu.memory_space<semaphore_mem>>) src(%dma_wait3A_107 : memref<80xi32, #tpu.memory_space<hbm>>) dst(%arg9 : memref<80xi32, #tpu.memory_space<vmem>>)
    %dma_wait3A_108 = tpu.memref_slice %arg4[%mul3A_2] : memref<320000xi32, #tpu.memory_space<hbm>> -> memref<80xi32, #tpu.memory_space<hbm>>
    %dma_wait3A_109 = tpu.memref_slice %arg4[%mul3A_2] : memref<320000xi32, #tpu.memory_space<hbm>> -> memref<80xi32, #tpu.memory_space<hbm>>
    tpu.wait_dma2 semaphore(%arg22 : memref<!tpu.dma_semaphore, #tpu.memory_space<semaphore_mem>>) src(%dma_wait3A_109 : memref<80xi32, #tpu.memory_space<hbm>>) dst(%arg12 : memref<80xi32, #tpu.memory_space<vmem>>)
    %dma_start3A_110 = arith.constant 0 : i32
    %dma_start3A_111 = arith.constant 0 : i32
    %dma_start3A_112 = tpu.memref_slice %arg2[%dma_start3A_110, %dma_start3A_111] : memref<10000x128xf32, #tpu.memory_space<hbm>> -> memref<10000x128xf32, #tpu.memory_space<hbm>>
    tpu.enqueue_indirect_dma source(%dma_start3A_112 : memref<10000x128xf32, #tpu.memory_space<hbm>>) target(%arg15 : memref<80x128xf32, #tpu.memory_space<vmem>>) offsets(%arg9 : memref<80xi32, #tpu.memory_space<vmem>>) semaphore(%arg19 : memref<!tpu.dma_semaphore, #tpu.memory_space<semaphore_mem>>)
    %dma_wait3A_113 = arith.constant 0 : i32
    %dma_wait3A_114 = arith.constant 0 : i32
    %dma_wait3A_115 = tpu.memref_slice %arg2[%dma_wait3A_113, %dma_wait3A_114] : memref<10000x128xf32, #tpu.memory_space<hbm>> -> memref<10000x128xf32, #tpu.memory_space<hbm>>
    tpu.wait_indirect_dma semaphore(%arg17 : memref<!tpu.dma_semaphore, #tpu.memory_space<semaphore_mem>>) src(%dma_wait3A_115 : memref<10000x128xf32, #tpu.memory_space<hbm>>) dst(%arg13 : memref<80x128xf32, #tpu.memory_space<vmem>>)
    %get3A = arith.constant 0 : index
    %get3A_116 = tpu.vector_load %arg10[%get3A] {strides = array<i32>} : memref<80xi32, #tpu.memory_space<vmem>>, vector<16xi32>,
    tpu.vector_store_idx %arg23[%get3A_116], %broadcast_in_dim3A_5 {add = true} : memref<10240xf32, #tpu.memory_space<vmem>>[vector<16xi32>], vector<16xf32>,
    %get3A_117 = arith.constant 16 : index
    %get3A_118 = tpu.vector_load %arg10[%get3A_117] {strides = array<i32>} : memref<80xi32, #tpu.memory_space<vmem>>, vector<16xi32>,
    tpu.vector_store_idx %arg23[%get3A_118], %broadcast_in_dim3A_5 {add = true} : memref<10240xf32, #tpu.memory_space<vmem>>[vector<16xi32>], vector<16xf32>,
    %get3A_119 = arith.constant 32 : index
    %get3A_120 = tpu.vector_load %arg10[%get3A_119] {strides = array<i32>} : memref<80xi32, #tpu.memory_space<vmem>>, vector<16xi32>,
    tpu.vector_store_idx %arg23[%get3A_120], %broadcast_in_dim3A_5 {add = true} : memref<10240xf32, #tpu.memory_space<vmem>>[vector<16xi32>], vector<16xf32>,
    %get3A_121 = arith.constant 48 : index
    %get3A_122 = tpu.vector_load %arg10[%get3A_121] {strides = array<i32>} : memref<80xi32, #tpu.memory_space<vmem>>, vector<16xi32>,
    tpu.vector_store_idx %arg23[%get3A_122], %broadcast_in_dim3A_5 {add = true} : memref<10240xf32, #tpu.memory_space<vmem>>[vector<16xi32>], vector<16xf32>,
    %get3A_123 = arith.constant 64 : index
    %get3A_124 = tpu.vector_load %arg10[%get3A_123] {strides = array<i32>} : memref<80xi32, #tpu.memory_space<vmem>>, vector<16xi32>,
    tpu.vector_store_idx %arg23[%get3A_124], %broadcast_in_dim3A_5 {add = true} : memref<10240xf32, #tpu.memory_space<vmem>>[vector<16xi32>], vector<16xf32>,
    "tpu.region"() ({
      %run_scoped3A = tpu.sem_alloc : memref<!tpu.dma_semaphore, #tpu.memory_space<semaphore_mem>>
      %dma_start3A_237 = arith.constant 0 : i32
      %dma_start3A_238 = arith.constant 0 : i32
      %dma_start3A_239 = tpu.memref_slice %arg16[%dma_start3A_237, %dma_start3A_238] : memref<10240x128xf32, #tpu.memory_space<vmem_shared>> -> memref<10240x128xf32, #tpu.memory_space<vmem_shared>>
      tpu.enqueue_indirect_dma source(%arg13 : memref<80x128xf32, #tpu.memory_space<vmem>>) target(%dma_start3A_239 : memref<10240x128xf32, #tpu.memory_space<vmem_shared>>) offsets(%arg10 : memref<80xi32, #tpu.memory_space<vmem>>) semaphore(%run_scoped3A : memref<!tpu.dma_semaphore, #tpu.memory_space<semaphore_mem>>) {add = true}
      %dma_wait3A_240 = arith.constant 0 : i32
      %dma_wait3A_241 = arith.constant 0 : i32
      %dma_wait3A_242 = tpu.memref_slice %arg16[%dma_wait3A_240, %dma_wait3A_241] : memref<10240x128xf32, #tpu.memory_space<vmem_shared>> -> memref<10240x128xf32, #tpu.memory_space<vmem_shared>>
      tpu.wait_indirect_dma semaphore(%run_scoped3A : memref<!tpu.dma_semaphore, #tpu.memory_space<semaphore_mem>>) src(%arg13 : memref<80x128xf32, #tpu.memory_space<vmem>>) dst(%dma_wait3A_242 : memref<10240x128xf32, #tpu.memory_space<vmem_shared>>)
      tpu.yield
    }) : () -> ()
    %add3A_125 = arith.constant 9840 : i32
    %add3A_126 = arith.addi %mul3A_2, %add3A_125 : i32
    %dma_start3A_127 = tpu.memref_slice %arg3[%add3A_126] : memref<320000xi32, #tpu.memory_space<hbm>> -> memref<80xi32, #tpu.memory_space<hbm>>
    %dma_start3A_128 = tpu.memref_slice %arg3[%add3A_126] : memref<320000xi32, #tpu.memory_space<hbm>> -> memref<80xi32, #tpu.memory_space<hbm>>
    tpu.enqueue_dma source(%dma_start3A_128 : memref<80xi32, #tpu.memory_space<hbm>>) target(%arg7 : memref<80xi32, #tpu.memory_space<vmem>>) target_semaphore(%arg20 : memref<!tpu.dma_semaphore, #tpu.memory_space<semaphore_mem>>)
    %add3A_129 = arith.constant 9840 : i32
    %add3A_130 = arith.addi %mul3A_2, %add3A_129 : i32
    %dma_start3A_131 = tpu.memref_slice %arg4[%add3A_130] : memref<320000xi32, #tpu.memory_space<hbm>> -> memref<80xi32, #tpu.memory_space<hbm>>
    %dma_start3A_132 = tpu.memref_slice %arg4[%add3A_130] : memref<320000xi32, #tpu.memory_space<hbm>> -> memref<80xi32, #tpu.memory_space<hbm>>
    tpu.enqueue_dma source(%dma_start3A_132 : memref<80xi32, #tpu.memory_space<hbm>>) target(%arg10 : memref<80xi32, #tpu.memory_space<vmem>>) target_semaphore(%arg20 : memref<!tpu.dma_semaphore, #tpu.memory_space<semaphore_mem>>)
    %dma_wait3A_133 = tpu.memref_slice %arg3[%mul3A_2] : memref<320000xi32, #tpu.memory_space<hbm>> -> memref<80xi32, #tpu.memory_space<hbm>>
    %dma_wait3A_134 = tpu.memref_slice %arg3[%mul3A_2] : memref<320000xi32, #tpu.memory_space<hbm>> -> memref<80xi32, #tpu.memory_space<hbm>>
    tpu.wait_dma2 semaphore(%arg20 : memref<!tpu.dma_semaphore, #tpu.memory_space<semaphore_mem>>) src(%dma_wait3A_134 : memref<80xi32, #tpu.memory_space<hbm>>) dst(%arg7 : memref<80xi32, #tpu.memory_space<vmem>>)
    %dma_wait3A_135 = tpu.memref_slice %arg4[%mul3A_2] : memref<320000xi32, #tpu.memory_space<hbm>> -> memref<80xi32, #tpu.memory_space<hbm>>
    %dma_wait3A_136 = tpu.memref_slice %arg4[%mul3A_2] : memref<320000xi32, #tpu.memory_space<hbm>> -> memref<80xi32, #tpu.memory_space<hbm>>
    tpu.wait_dma2 semaphore(%arg20 : memref<!tpu.dma_semaphore, #tpu.memory_space<semaphore_mem>>) src(%dma_wait3A_136 : memref<80xi32, #tpu.memory_space<hbm>>) dst(%arg10 : memref<80xi32, #tpu.memory_space<vmem>>)
    %dma_start3A_137 = arith.constant 0 : i32
    %dma_start3A_138 = arith.constant 0 : i32
    %dma_start3A_139 = tpu.memref_slice %arg2[%dma_start3A_137, %dma_start3A_138] : memref<10000x128xf32, #tpu.memory_space<hbm>> -> memref<10000x128xf32, #tpu.memory_space<hbm>>
    tpu.enqueue_indirect_dma source(%dma_start3A_139 : memref<10000x128xf32, #tpu.memory_space<hbm>>) target(%arg13 : memref<80x128xf32, #tpu.memory_space<vmem>>) offsets(%arg7 : memref<80xi32, #tpu.memory_space<vmem>>) semaphore(%arg17 : memref<!tpu.dma_semaphore, #tpu.memory_space<semaphore_mem>>)
    %dma_wait3A_140 = arith.constant 0 : i32
    %dma_wait3A_141 = arith.constant 0 : i32
    %dma_wait3A_142 = tpu.memref_slice %arg2[%dma_wait3A_140, %dma_wait3A_141] : memref<10000x128xf32, #tpu.memory_space<hbm>> -> memref<10000x128xf32, #tpu.memory_space<hbm>>
    tpu.wait_indirect_dma semaphore(%arg18 : memref<!tpu.dma_semaphore, #tpu.memory_space<semaphore_mem>>) src(%dma_wait3A_142 : memref<10000x128xf32, #tpu.memory_space<hbm>>) dst(%arg14 : memref<80x128xf32, #tpu.memory_space<vmem>>)
    %get3A_143 = arith.constant 0 : index
    %get3A_144 = tpu.vector_load %arg11[%get3A_143] {strides = array<i32>} : memref<80xi32, #tpu.memory_space<vmem>>, vector<16xi32>,
    tpu.vector_store_idx %arg23[%get3A_144], %broadcast_in_dim3A_5 {add = true} : memref<10240xf32, #tpu.memory_space<vmem>>[vector<16xi32>], vector<16xf32>,
    %get3A_145 = arith.constant 16 : index
    %get3A_146 = tpu.vector_load %arg11[%get3A_145] {strides = array<i32>} : memref<80xi32, #tpu.memory_space<vmem>>, vector<16xi32>,
    tpu.vector_store_idx %arg23[%get3A_146], %broadcast_in_dim3A_5 {add = true} : memref<10240xf32, #tpu.memory_space<vmem>>[vector<16xi32>], vector<16xf32>,
    %get3A_147 = arith.constant 32 : index
    %get3A_148 = tpu.vector_load %arg11[%get3A_147] {strides = array<i32>} : memref<80xi32, #tpu.memory_space<vmem>>, vector<16xi32>,
    tpu.vector_store_idx %arg23[%get3A_148], %broadcast_in_dim3A_5 {add = true} : memref<10240xf32, #tpu.memory_space<vmem>>[vector<16xi32>], vector<16xf32>,
    %get3A_149 = arith.constant 48 : index
    %get3A_150 = tpu.vector_load %arg11[%get3A_149] {strides = array<i32>} : memref<80xi32, #tpu.memory_space<vmem>>, vector<16xi32>,
    tpu.vector_store_idx %arg23[%get3A_150], %broadcast_in_dim3A_5 {add = true} : memref<10240xf32, #tpu.memory_space<vmem>>[vector<16xi32>], vector<16xf32>,
    %get3A_151 = arith.constant 64 : index
    %get3A_152 = tpu.vector_load %arg11[%get3A_151] {strides = array<i32>} : memref<80xi32, #tpu.memory_space<vmem>>, vector<16xi32>,
    tpu.vector_store_idx %arg23[%get3A_152], %broadcast_in_dim3A_5 {add = true} : memref<10240xf32, #tpu.memory_space<vmem>>[vector<16xi32>], vector<16xf32>,
    "tpu.region"() ({
      %run_scoped3A = tpu.sem_alloc : memref<!tpu.dma_semaphore, #tpu.memory_space<semaphore_mem>>
      %dma_start3A_237 = arith.constant 0 : i32
      %dma_start3A_238 = arith.constant 0 : i32
      %dma_start3A_239 = tpu.memref_slice %arg16[%dma_start3A_237, %dma_start3A_238] : memref<10240x128xf32, #tpu.memory_space<vmem_shared>> -> memref<10240x128xf32, #tpu.memory_space<vmem_shared>>
      tpu.enqueue_indirect_dma source(%arg14 : memref<80x128xf32, #tpu.memory_space<vmem>>) target(%dma_start3A_239 : memref<10240x128xf32, #tpu.memory_space<vmem_shared>>) offsets(%arg11 : memref<80xi32, #tpu.memory_space<vmem>>) semaphore(%run_scoped3A : memref<!tpu.dma_semaphore, #tpu.memory_space<semaphore_mem>>) {add = true}
      %dma_wait3A_240 = arith.constant 0 : i32
      %dma_wait3A_241 = arith.constant 0 : i32
      %dma_wait3A_242 = tpu.memref_slice %arg16[%dma_wait3A_240, %dma_wait3A_241] : memref<10240x128xf32, #tpu.memory_space<vmem_shared>> -> memref<10240x128xf32, #tpu.memory_space<vmem_shared>>
      tpu.wait_indirect_dma semaphore(%run_scoped3A : memref<!tpu.dma_semaphore, #tpu.memory_space<semaphore_mem>>) src(%arg14 : memref<80x128xf32, #tpu.memory_space<vmem>>) dst(%dma_wait3A_242 : memref<10240x128xf32, #tpu.memory_space<vmem_shared>>)
      tpu.yield
    }) : () -> ()
    %add3A_153 = arith.constant 9920 : i32
    %add3A_154 = arith.addi %mul3A_2, %add3A_153 : i32
    %dma_start3A_155 = tpu.memref_slice %arg3[%add3A_154] : memref<320000xi32, #tpu.memory_space<hbm>> -> memref<80xi32, #tpu.memory_space<hbm>>
    %dma_start3A_156 = tpu.memref_slice %arg3[%add3A_154] : memref<320000xi32, #tpu.memory_space<hbm>> -> memref<80xi32, #tpu.memory_space<hbm>>
    tpu.enqueue_dma source(%dma_start3A_156 : memref<80xi32, #tpu.memory_space<hbm>>) target(%arg8 : memref<80xi32, #tpu.memory_space<vmem>>) target_semaphore(%arg21 : memref<!tpu.dma_semaphore, #tpu.memory_space<semaphore_mem>>)
    %add3A_157 = arith.constant 9920 : i32
    %add3A_158 = arith.addi %mul3A_2, %add3A_157 : i32
    %dma_start3A_159 = tpu.memref_slice %arg4[%add3A_158] : memref<320000xi32, #tpu.memory_space<hbm>> -> memref<80xi32, #tpu.memory_space<hbm>>
    %dma_start3A_160 = tpu.memref_slice %arg4[%add3A_158] : memref<320000xi32, #tpu.memory_space<hbm>> -> memref<80xi32, #tpu.memory_space<hbm>>
    tpu.enqueue_dma source(%dma_start3A_160 : memref<80xi32, #tpu.memory_space<hbm>>) target(%arg11 : memref<80xi32, #tpu.memory_space<vmem>>) target_semaphore(%arg21 : memref<!tpu.dma_semaphore, #tpu.memory_space<semaphore_mem>>)
    %dma_wait3A_161 = tpu.memref_slice %arg3[%mul3A_2] : memref<320000xi32, #tpu.memory_space<hbm>> -> memref<80xi32, #tpu.memory_space<hbm>>
    %dma_wait3A_162 = tpu.memref_slice %arg3[%mul3A_2] : memref<320000xi32, #tpu.memory_space<hbm>> -> memref<80xi32, #tpu.memory_space<hbm>>
    tpu.wait_dma2 semaphore(%arg21 : memref<!tpu.dma_semaphore, #tpu.memory_space<semaphore_mem>>) src(%dma_wait3A_162 : memref<80xi32, #tpu.memory_space<hbm>>) dst(%arg8 : memref<80xi32, #tpu.memory_space<vmem>>)
    %dma_wait3A_163 = tpu.memref_slice %arg4[%mul3A_2] : memref<320000xi32, #tpu.memory_space<hbm>> -> memref<80xi32, #tpu.memory_space<hbm>>
    %dma_wait3A_164 = tpu.memref_slice %arg4[%mul3A_2] : memref<320000xi32, #tpu.memory_space<hbm>> -> memref<80xi32, #tpu.memory_space<hbm>>
    tpu.wait_dma2 semaphore(%arg21 : memref<!tpu.dma_semaphore, #tpu.memory_space<semaphore_mem>>) src(%dma_wait3A_164 : memref<80xi32, #tpu.memory_space<hbm>>) dst(%arg11 : memref<80xi32, #tpu.memory_space<vmem>>)
    %dma_start3A_165 = arith.constant 0 : i32
    %dma_start3A_166 = arith.constant 0 : i32
    %dma_start3A_167 = tpu.memref_slice %arg2[%dma_start3A_165, %dma_start3A_166] : memref<10000x128xf32, #tpu.memory_space<hbm>> -> memref<10000x128xf32, #tpu.memory_space<hbm>>
    tpu.enqueue_indirect_dma source(%dma_start3A_167 : memref<10000x128xf32, #tpu.memory_space<hbm>>) target(%arg14 : memref<80x128xf32, #tpu.memory_space<vmem>>) offsets(%arg8 : memref<80xi32, #tpu.memory_space<vmem>>) semaphore(%arg18 : memref<!tpu.dma_semaphore, #tpu.memory_space<semaphore_mem>>)
    %dma_wait3A_168 = arith.constant 0 : i32
    %dma_wait3A_169 = arith.constant 0 : i32
    %dma_wait3A_170 = tpu.memref_slice %arg2[%dma_wait3A_168, %dma_wait3A_169] : memref<10000x128xf32, #tpu.memory_space<hbm>> -> memref<10000x128xf32, #tpu.memory_space<hbm>>
    tpu.wait_indirect_dma semaphore(%arg19 : memref<!tpu.dma_semaphore, #tpu.memory_space<semaphore_mem>>) src(%dma_wait3A_170 : memref<10000x128xf32, #tpu.memory_space<hbm>>) dst(%arg15 : memref<80x128xf32, #tpu.memory_space<vmem>>)
    %get3A_171 = arith.constant 0 : index
    %get3A_172 = tpu.vector_load %arg12[%get3A_171] {strides = array<i32>} : memref<80xi32, #tpu.memory_space<vmem>>, vector<16xi32>,
    tpu.vector_store_idx %arg23[%get3A_172], %broadcast_in_dim3A_5 {add = true} : memref<10240xf32, #tpu.memory_space<vmem>>[vector<16xi32>], vector<16xf32>,
    %get3A_173 = arith.constant 16 : index
    %get3A_174 = tpu.vector_load %arg12[%get3A_173] {strides = array<i32>} : memref<80xi32, #tpu.memory_space<vmem>>, vector<16xi32>,
    tpu.vector_store_idx %arg23[%get3A_174], %broadcast_in_dim3A_5 {add = true} : memref<10240xf32, #tpu.memory_space<vmem>>[vector<16xi32>], vector<16xf32>,
    %get3A_175 = arith.constant 32 : index
    %get3A_176 = tpu.vector_load %arg12[%get3A_175] {strides = array<i32>} : memref<80xi32, #tpu.memory_space<vmem>>, vector<16xi32>,
    tpu.vector_store_idx %arg23[%get3A_176], %broadcast_in_dim3A_5 {add = true} : memref<10240xf32, #tpu.memory_space<vmem>>[vector<16xi32>], vector<16xf32>,
    %get3A_177 = arith.constant 48 : index
    %get3A_178 = tpu.vector_load %arg12[%get3A_177] {strides = array<i32>} : memref<80xi32, #tpu.memory_space<vmem>>, vector<16xi32>,
    tpu.vector_store_idx %arg23[%get3A_178], %broadcast_in_dim3A_5 {add = true} : memref<10240xf32, #tpu.memory_space<vmem>>[vector<16xi32>], vector<16xf32>,
    %get3A_179 = arith.constant 64 : index
    %get3A_180 = tpu.vector_load %arg12[%get3A_179] {strides = array<i32>} : memref<80xi32, #tpu.memory_space<vmem>>, vector<16xi32>,
    tpu.vector_store_idx %arg23[%get3A_180], %broadcast_in_dim3A_5 {add = true} : memref<10240xf32, #tpu.memory_space<vmem>>[vector<16xi32>], vector<16xf32>,
    "tpu.region"() ({
      %run_scoped3A = tpu.sem_alloc : memref<!tpu.dma_semaphore, #tpu.memory_space<semaphore_mem>>
      %dma_start3A_237 = arith.constant 0 : i32
      %dma_start3A_238 = arith.constant 0 : i32
      %dma_start3A_239 = tpu.memref_slice %arg16[%dma_start3A_237, %dma_start3A_238] : memref<10240x128xf32, #tpu.memory_space<vmem_shared>> -> memref<10240x128xf32, #tpu.memory_space<vmem_shared>>
      tpu.enqueue_indirect_dma source(%arg15 : memref<80x128xf32, #tpu.memory_space<vmem>>) target(%dma_start3A_239 : memref<10240x128xf32, #tpu.memory_space<vmem_shared>>) offsets(%arg12 : memref<80xi32, #tpu.memory_space<vmem>>) semaphore(%run_scoped3A : memref<!tpu.dma_semaphore, #tpu.memory_space<semaphore_mem>>) {add = true}
      %dma_wait3A_240 = arith.constant 0 : i32
      %dma_wait3A_241 = arith.constant 0 : i32
      %dma_wait3A_242 = tpu.memref_slice %arg16[%dma_wait3A_240, %dma_wait3A_241] : memref<10240x128xf32, #tpu.memory_space<vmem_shared>> -> memref<10240x128xf32, #tpu.memory_space<vmem_shared>>
      tpu.wait_indirect_dma semaphore(%run_scoped3A : memref<!tpu.dma_semaphore, #tpu.memory_space<semaphore_mem>>) src(%arg15 : memref<80x128xf32, #tpu.memory_space<vmem>>) dst(%dma_wait3A_242 : memref<10240x128xf32, #tpu.memory_space<vmem_shared>>)
      tpu.yield
    }) : () -> ()
    %dma_wait3A_181 = arith.constant 0 : i32
    %dma_wait3A_182 = arith.constant 0 : i32
    %dma_wait3A_183 = tpu.memref_slice %arg2[%dma_wait3A_181, %dma_wait3A_182] : memref<10000x128xf32, #tpu.memory_space<hbm>> -> memref<10000x128xf32, #tpu.memory_space<hbm>>
    tpu.wait_indirect_dma semaphore(%arg17 : memref<!tpu.dma_semaphore, #tpu.memory_space<semaphore_mem>>) src(%dma_wait3A_183 : memref<10000x128xf32, #tpu.memory_space<hbm>>) dst(%arg13 : memref<80x128xf32, #tpu.memory_space<vmem>>)
    %get3A_184 = arith.constant 0 : index
    %get3A_185 = tpu.vector_load %arg10[%get3A_184] {strides = array<i32>} : memref<80xi32, #tpu.memory_space<vmem>>, vector<16xi32>,
    tpu.vector_store_idx %arg23[%get3A_185], %broadcast_in_dim3A_5 {add = true} : memref<10240xf32, #tpu.memory_space<vmem>>[vector<16xi32>], vector<16xf32>,
    %get3A_186 = arith.constant 16 : index
    %get3A_187 = tpu.vector_load %arg10[%get3A_186] {strides = array<i32>} : memref<80xi32, #tpu.memory_space<vmem>>, vector<16xi32>,
    tpu.vector_store_idx %arg23[%get3A_187], %broadcast_in_dim3A_5 {add = true} : memref<10240xf32, #tpu.memory_space<vmem>>[vector<16xi32>], vector<16xf32>,
    %get3A_188 = arith.constant 32 : index
    %get3A_189 = tpu.vector_load %arg10[%get3A_188] {strides = array<i32>} : memref<80xi32, #tpu.memory_space<vmem>>, vector<16xi32>,
    tpu.vector_store_idx %arg23[%get3A_189], %broadcast_in_dim3A_5 {add = true} : memref<10240xf32, #tpu.memory_space<vmem>>[vector<16xi32>], vector<16xf32>,
    %get3A_190 = arith.constant 48 : index
    %get3A_191 = tpu.vector_load %arg10[%get3A_190] {strides = array<i32>} : memref<80xi32, #tpu.memory_space<vmem>>, vector<16xi32>,
    tpu.vector_store_idx %arg23[%get3A_191], %broadcast_in_dim3A_5 {add = true} : memref<10240xf32, #tpu.memory_space<vmem>>[vector<16xi32>], vector<16xf32>,
    %get3A_192 = arith.constant 64 : index
    %get3A_193 = tpu.vector_load %arg10[%get3A_192] {strides = array<i32>} : memref<80xi32, #tpu.memory_space<vmem>>, vector<16xi32>,
    tpu.vector_store_idx %arg23[%get3A_193], %broadcast_in_dim3A_5 {add = true} : memref<10240xf32, #tpu.memory_space<vmem>>[vector<16xi32>], vector<16xf32>,
    "tpu.region"() ({
      %run_scoped3A = tpu.sem_alloc : memref<!tpu.dma_semaphore, #tpu.memory_space<semaphore_mem>>
      %dma_start3A_237 = arith.constant 0 : i32
      %dma_start3A_238 = arith.constant 0 : i32
      %dma_start3A_239 = tpu.memref_slice %arg16[%dma_start3A_237, %dma_start3A_238] : memref<10240x128xf32, #tpu.memory_space<vmem_shared>> -> memref<10240x128xf32, #tpu.memory_space<vmem_shared>>
      tpu.enqueue_indirect_dma source(%arg13 : memref<80x128xf32, #tpu.memory_space<vmem>>) target(%dma_start3A_239 : memref<10240x128xf32, #tpu.memory_space<vmem_shared>>) offsets(%arg10 : memref<80xi32, #tpu.memory_space<vmem>>) semaphore(%run_scoped3A : memref<!tpu.dma_semaphore, #tpu.memory_space<semaphore_mem>>) {add = true}
      %dma_wait3A_240 = arith.constant 0 : i32
      %dma_wait3A_241 = arith.constant 0 : i32
      %dma_wait3A_242 = tpu.memref_slice %arg16[%dma_wait3A_240, %dma_wait3A_241] : memref<10240x128xf32, #tpu.memory_space<vmem_shared>> -> memref<10240x128xf32, #tpu.memory_space<vmem_shared>>
      tpu.wait_indirect_dma semaphore(%run_scoped3A : memref<!tpu.dma_semaphore, #tpu.memory_space<semaphore_mem>>) src(%arg13 : memref<80x128xf32, #tpu.memory_space<vmem>>) dst(%dma_wait3A_242 : memref<10240x128xf32, #tpu.memory_space<vmem_shared>>)
      tpu.yield
    }) : () -> ()
    %dma_wait3A_194 = arith.constant 0 : i32
    %dma_wait3A_195 = arith.constant 0 : i32
    %dma_wait3A_196 = tpu.memref_slice %arg2[%dma_wait3A_194, %dma_wait3A_195] : memref<10000x128xf32, #tpu.memory_space<hbm>> -> memref<10000x128xf32, #tpu.memory_space<hbm>>
    tpu.wait_indirect_dma semaphore(%arg18 : memref<!tpu.dma_semaphore, #tpu.memory_space<semaphore_mem>>) src(%dma_wait3A_196 : memref<10000x128xf32, #tpu.memory_space<hbm>>) dst(%arg14 : memref<80x128xf32, #tpu.memory_space<vmem>>)
    %get3A_197 = arith.constant 0 : index
    %get3A_198 = tpu.vector_load %arg11[%get3A_197] {strides = array<i32>} : memref<80xi32, #tpu.memory_space<vmem>>, vector<16xi32>,
    tpu.vector_store_idx %arg23[%get3A_198], %broadcast_in_dim3A_5 {add = true} : memref<10240xf32, #tpu.memory_space<vmem>>[vector<16xi32>], vector<16xf32>,
    %get3A_199 = arith.constant 16 : index
    %get3A_200 = tpu.vector_load %arg11[%get3A_199] {strides = array<i32>} : memref<80xi32, #tpu.memory_space<vmem>>, vector<16xi32>,
    tpu.vector_store_idx %arg23[%get3A_200], %broadcast_in_dim3A_5 {add = true} : memref<10240xf32, #tpu.memory_space<vmem>>[vector<16xi32>], vector<16xf32>,
    %get3A_201 = arith.constant 32 : index
    %get3A_202 = tpu.vector_load %arg11[%get3A_201] {strides = array<i32>} : memref<80xi32, #tpu.memory_space<vmem>>, vector<16xi32>,
    tpu.vector_store_idx %arg23[%get3A_202], %broadcast_in_dim3A_5 {add = true} : memref<10240xf32, #tpu.memory_space<vmem>>[vector<16xi32>], vector<16xf32>,
    %get3A_203 = arith.constant 48 : index
    %get3A_204 = tpu.vector_load %arg11[%get3A_203] {strides = array<i32>} : memref<80xi32, #tpu.memory_space<vmem>>, vector<16xi32>,
    tpu.vector_store_idx %arg23[%get3A_204], %broadcast_in_dim3A_5 {add = true} : memref<10240xf32, #tpu.memory_space<vmem>>[vector<16xi32>], vector<16xf32>,
    %get3A_205 = arith.constant 64 : index
    %get3A_206 = tpu.vector_load %arg11[%get3A_205] {strides = array<i32>} : memref<80xi32, #tpu.memory_space<vmem>>, vector<16xi32>,
    tpu.vector_store_idx %arg23[%get3A_206], %broadcast_in_dim3A_5 {add = true} : memref<10240xf32, #tpu.memory_space<vmem>>[vector<16xi32>], vector<16xf32>,
    "tpu.region"() ({
      %run_scoped3A = tpu.sem_alloc : memref<!tpu.dma_semaphore, #tpu.memory_space<semaphore_mem>>
      %dma_start3A_237 = arith.constant 0 : i32
      %dma_start3A_238 = arith.constant 0 : i32
      %dma_start3A_239 = tpu.memref_slice %arg16[%dma_start3A_237, %dma_start3A_238] : memref<10240x128xf32, #tpu.memory_space<vmem_shared>> -> memref<10240x128xf32, #tpu.memory_space<vmem_shared>>
      tpu.enqueue_indirect_dma source(%arg14 : memref<80x128xf32, #tpu.memory_space<vmem>>) target(%dma_start3A_239 : memref<10240x128xf32, #tpu.memory_space<vmem_shared>>) offsets(%arg11 : memref<80xi32, #tpu.memory_space<vmem>>) semaphore(%run_scoped3A : memref<!tpu.dma_semaphore, #tpu.memory_space<semaphore_mem>>) {add = true}
      %dma_wait3A_240 = arith.constant 0 : i32
      %dma_wait3A_241 = arith.constant 0 : i32
      %dma_wait3A_242 = tpu.memref_slice %arg16[%dma_wait3A_240, %dma_wait3A_241] : memref<10240x128xf32, #tpu.memory_space<vmem_shared>> -> memref<10240x128xf32, #tpu.memory_space<vmem_shared>>
      tpu.wait_indirect_dma semaphore(%run_scoped3A : memref<!tpu.dma_semaphore, #tpu.memory_space<semaphore_mem>>) src(%arg14 : memref<80x128xf32, #tpu.memory_space<vmem>>) dst(%dma_wait3A_242 : memref<10240x128xf32, #tpu.memory_space<vmem_shared>>)
      tpu.yield
    }) : () -> ()
    %barrier3A_207 = arith.constant 0 : index
    tpu.barrier barrier_id(%barrier3A_207)
    %scan3A_208 = arith.constant 0 : i32
    %scan3A_209 = arith.constant 0 : i32
    %scan3A_210 = arith.constant 80 : i32
    %scan3A_211 = arith.addi %scan3A_209, %scan3A_210 : i32
    %scan3A_212 = arith.constant 1 : i32
    %scan3A_213 = scf.for %scan3A_237 = %scan3A_209 to %scan3A_211 step %scan3A_212 iter_args(%scan3A_238 = %scan3A_208) -> (i32)  : i32 {
      %mul3A_239 = arith.constant 128 : i32
      %mul3A_240 = arith.muli %scan3A_237, %mul3A_239 : i32
      %add3A_241 = arith.constant 0 : i32
      %add3A_242 = arith.addi %mul3A_240, %add3A_241 : i32
      %get3A_243 = arith.index_cast %add3A_242 : i32 to index
      %get3A_244 = tpu.vector_load %arg23[%get3A_243] {strides = array<i32>} : memref<10240xf32, #tpu.memory_space<vmem>>, vector<16xf32>,
      %swap3A_245 = arith.index_cast %scan3A_237 : i32 to index
      %swap3A_246 = arith.constant 0 : index
      %swap3A_247 = tpu.vector_load %arg14[%swap3A_245, %swap3A_246] {strides = array<i32>} : memref<80x128xf32, #tpu.memory_space<vmem>>, vector<16xf32>,
      tpu.vector_store %arg14[%swap3A_245, %swap3A_246], %get3A_244 {strides = array<i32>} : memref<80x128xf32, #tpu.memory_space<vmem>>, vector<16xf32>,
      %mul3A_248 = arith.constant 128 : i32
      %mul3A_249 = arith.muli %scan3A_237, %mul3A_248 : i32
      %add3A_250 = arith.constant 16 : i32
      %add3A_251 = arith.addi %mul3A_249, %add3A_250 : i32
      %get3A_252 = arith.index_cast %add3A_251 : i32 to index
      %get3A_253 = tpu.vector_load %arg23[%get3A_252] {strides = array<i32>} : memref<10240xf32, #tpu.memory_space<vmem>>, vector<16xf32>,
      %swap3A_254 = arith.index_cast %scan3A_237 : i32 to index
      %swap3A_255 = arith.constant 16 : index
      %swap3A_256 = tpu.vector_load %arg14[%swap3A_254, %swap3A_255] {strides = array<i32>} : memref<80x128xf32, #tpu.memory_space<vmem>>, vector<16xf32>,
      tpu.vector_store %arg14[%swap3A_254, %swap3A_255], %get3A_253 {strides = array<i32>} : memref<80x128xf32, #tpu.memory_space<vmem>>, vector<16xf32>,
      %mul3A_257 = arith.constant 128 : i32
      %mul3A_258 = arith.muli %scan3A_237, %mul3A_257 : i32
      %add3A_259 = arith.constant 32 : i32
      %add3A_260 = arith.addi %mul3A_258, %add3A_259 : i32
      %get3A_261 = arith.index_cast %add3A_260 : i32 to index
      %get3A_262 = tpu.vector_load %arg23[%get3A_261] {strides = array<i32>} : memref<10240xf32, #tpu.memory_space<vmem>>, vector<16xf32>,
      %swap3A_263 = arith.index_cast %scan3A_237 : i32 to index
      %swap3A_264 = arith.constant 32 : index
      %swap3A_265 = tpu.vector_load %arg14[%swap3A_263, %swap3A_264] {strides = array<i32>} : memref<80x128xf32, #tpu.memory_space<vmem>>, vector<16xf32>,
      tpu.vector_store %arg14[%swap3A_263, %swap3A_264], %get3A_262 {strides = array<i32>} : memref<80x128xf32, #tpu.memory_space<vmem>>, vector<16xf32>,
      %mul3A_266 = arith.constant 128 : i32
      %mul3A_267 = arith.muli %scan3A_237, %mul3A_266 : i32
      %add3A_268 = arith.constant 48 : i32
      %add3A_269 = arith.addi %mul3A_267, %add3A_268 : i32
      %get3A_270 = arith.index_cast %add3A_269 : i32 to index
      %get3A_271 = tpu.vector_load %arg23[%get3A_270] {strides = array<i32>} : memref<10240xf32, #tpu.memory_space<vmem>>, vector<16xf32>,
      %swap3A_272 = arith.index_cast %scan3A_237 : i32 to index
      %swap3A_273 = arith.constant 48 : index
      %swap3A_274 = tpu.vector_load %arg14[%swap3A_272, %swap3A_273] {strides = array<i32>} : memref<80x128xf32, #tpu.memory_space<vmem>>, vector<16xf32>,
      tpu.vector_store %arg14[%swap3A_272, %swap3A_273], %get3A_271 {strides = array<i32>} : memref<80x128xf32, #tpu.memory_space<vmem>>, vector<16xf32>,
      %mul3A_275 = arith.constant 128 : i32
      %mul3A_276 = arith.muli %scan3A_237, %mul3A_275 : i32
      %add3A_277 = arith.constant 64 : i32
      %add3A_278 = arith.addi %mul3A_276, %add3A_277 : i32
      %get3A_279 = arith.index_cast %add3A_278 : i32 to index
      %get3A_280 = tpu.vector_load %arg23[%get3A_279] {strides = array<i32>} : memref<10240xf32, #tpu.memory_space<vmem>>, vector<16xf32>,
      %swap3A_281 = arith.index_cast %scan3A_237 : i32 to index
      %swap3A_282 = arith.constant 64 : index
      %swap3A_283 = tpu.vector_load %arg14[%swap3A_281, %swap3A_282] {strides = array<i32>} : memref<80x128xf32, #tpu.memory_space<vmem>>, vector<16xf32>,
      tpu.vector_store %arg14[%swap3A_281, %swap3A_282], %get3A_280 {strides = array<i32>} : memref<80x128xf32, #tpu.memory_space<vmem>>, vector<16xf32>,
      %mul3A_284 = arith.constant 128 : i32
      %mul3A_285 = arith.muli %scan3A_237, %mul3A_284 : i32
      %add3A_286 = arith.constant 80 : i32
      %add3A_287 = arith.addi %mul3A_285, %add3A_286 : i32
      %get3A_288 = arith.index_cast %add3A_287 : i32 to index
      %get3A_289 = tpu.vector_load %arg23[%get3A_288] {strides = array<i32>} : memref<10240xf32, #tpu.memory_space<vmem>>, vector<16xf32>,
      %swap3A_290 = arith.index_cast %scan3A_237 : i32 to index
      %swap3A_291 = arith.constant 80 : index
      %swap3A_292 = tpu.vector_load %arg14[%swap3A_290, %swap3A_291] {strides = array<i32>} : memref<80x128xf32, #tpu.memory_space<vmem>>, vector<16xf32>,
      tpu.vector_store %arg14[%swap3A_290, %swap3A_291], %get3A_289 {strides = array<i32>} : memref<80x128xf32, #tpu.memory_space<vmem>>, vector<16xf32>,
      %mul3A_293 = arith.constant 128 : i32
      %mul3A_294 = arith.muli %scan3A_237, %mul3A_293 : i32
      %add3A_295 = arith.constant 96 : i32
      %add3A_296 = arith.addi %mul3A_294, %add3A_295 : i32
      %get3A_297 = arith.index_cast %add3A_296 : i32 to index
      %get3A_298 = tpu.vector_load %arg23[%get3A_297] {strides = array<i32>} : memref<10240xf32, #tpu.memory_space<vmem>>, vector<16xf32>,
      %swap3A_299 = arith.index_cast %scan3A_237 : i32 to index
      %swap3A_300 = arith.constant 96 : index
      %swap3A_301 = tpu.vector_load %arg14[%swap3A_299, %swap3A_300] {strides = array<i32>} : memref<80x128xf32, #tpu.memory_space<vmem>>, vector<16xf32>,
      tpu.vector_store %arg14[%swap3A_299, %swap3A_300], %get3A_298 {strides = array<i32>} : memref<80x128xf32, #tpu.memory_space<vmem>>, vector<16xf32>,
      %mul3A_302 = arith.constant 128 : i32
      %mul3A_303 = arith.muli %scan3A_237, %mul3A_302 : i32
      %add3A_304 = arith.constant 112 : i32
      %add3A_305 = arith.addi %mul3A_303, %add3A_304 : i32
      %get3A_306 = arith.index_cast %add3A_305 : i32 to index
      %get3A_307 = tpu.vector_load %arg23[%get3A_306] {strides = array<i32>} : memref<10240xf32, #tpu.memory_space<vmem>>, vector<16xf32>,
      %swap3A_308 = arith.index_cast %scan3A_237 : i32 to index
      %swap3A_309 = arith.constant 112 : index
      %swap3A_310 = tpu.vector_load %arg14[%swap3A_308, %swap3A_309] {strides = array<i32>} : memref<80x128xf32, #tpu.memory_space<vmem>>, vector<16xf32>,
      tpu.vector_store %arg14[%swap3A_308, %swap3A_309], %get3A_307 {strides = array<i32>} : memref<80x128xf32, #tpu.memory_space<vmem>>, vector<16xf32>,
      %scan3A_311 = arith.constant 0 : i32
      scf.yield %scan3A_311 : i32
    }
    %scan3A_214 = arith.constant 80 : i32
    "tpu.region"() ({
      %run_scoped3A = tpu.sem_alloc : memref<!tpu.dma_semaphore, #tpu.memory_space<semaphore_mem>>
      %dma_start3A_237 = arith.constant 0 : i32
      %dma_start3A_238 = arith.constant 0 : i32
      %dma_start3A_239 = tpu.memref_slice %arg24[%dma_start3A_237, %dma_start3A_238] : memref<80x128xf32, #tpu.memory_space<vmem_shared>> -> memref<80x128xf32, #tpu.memory_space<vmem_shared>>
      tpu.enqueue_indirect_dma source(%arg14 : memref<80x128xf32, #tpu.memory_space<vmem>>) target(%dma_start3A_239 : memref<80x128xf32, #tpu.memory_space<vmem_shared>>) offsets(%arg25 : memref<80xi32, #tpu.memory_space<vmem>>) semaphore(%run_scoped3A : memref<!tpu.dma_semaphore, #tpu.memory_space<semaphore_mem>>) {add = true}
      %dma_wait3A_240 = arith.constant 0 : i32
      %dma_wait3A_241 = arith.constant 0 : i32
      %dma_wait3A_242 = tpu.memref_slice %arg24[%dma_wait3A_240, %dma_wait3A_241] : memref<80x128xf32, #tpu.memory_space<vmem_shared>> -> memref<80x128xf32, #tpu.memory_space<vmem_shared>>
      tpu.wait_indirect_dma semaphore(%run_scoped3A : memref<!tpu.dma_semaphore, #tpu.memory_space<semaphore_mem>>) src(%arg14 : memref<80x128xf32, #tpu.memory_space<vmem>>) dst(%dma_wait3A_242 : memref<80x128xf32, #tpu.memory_space<vmem_shared>>)
      tpu.yield
    }) : () -> ()
    %barrier3A_215 = arith.constant 0 : index
    tpu.barrier barrier_id(%barrier3A_215)
    %add3A_216 = arith.constant 0 : i32
    %add3A_217 = arith.addi %mul3A_20, %add3A_216 : i32
    "tpu.region"() ({
      %run_scoped3A = tpu.sem_alloc : memref<!tpu.dma_semaphore, #tpu.memory_space<semaphore_mem>>
      %dma_start3A_237 = arith.constant 0 : i32
      %dma_start3A_238 = tpu.memref_slice %arg16[%add3A_217, %dma_start3A_237] : memref<10240x128xf32, #tpu.memory_space<vmem_shared>> -> memref<80x128xf32, #tpu.memory_space<vmem_shared>>
      %dma_start3A_239 = arith.constant 0 : i32
      %dma_start3A_240 = tpu.memref_slice %arg16[%add3A_217, %dma_start3A_239] : memref<10240x128xf32, #tpu.memory_space<vmem_shared>> -> memref<80x128xf32, #tpu.memory_space<vmem_shared>>
      tpu.enqueue_dma source(%dma_start3A_240 : memref<80x128xf32, #tpu.memory_space<vmem_shared>>) target(%arg13 : memref<80x128xf32, #tpu.memory_space<vmem>>) target_semaphore(%run_scoped3A : memref<!tpu.dma_semaphore, #tpu.memory_space<semaphore_mem>>)
      %dma_wait3A_241 = arith.constant 0 : i32
      %dma_wait3A_242 = tpu.memref_slice %arg16[%add3A_217, %dma_wait3A_241] : memref<10240x128xf32, #tpu.memory_space<vmem_shared>> -> memref<80x128xf32, #tpu.memory_space<vmem_shared>>
      %dma_wait3A_243 = arith.constant 0 : i32
      %dma_wait3A_244 = tpu.memref_slice %arg16[%add3A_217, %dma_wait3A_243] : memref<10240x128xf32, #tpu.memory_space<vmem_shared>> -> memref<80x128xf32, #tpu.memory_space<vmem_shared>>
      tpu.wait_dma2 semaphore(%run_scoped3A : memref<!tpu.dma_semaphore, #tpu.memory_space<semaphore_mem>>) src(%dma_wait3A_244 : memref<80x128xf32, #tpu.memory_space<vmem_shared>>) dst(%arg13 : memref<80x128xf32, #tpu.memory_space<vmem>>)
      tpu.yield
    }) : () -> ()
    "tpu.region"() ({
      %run_scoped3A = tpu.sem_alloc : memref<!tpu.dma_semaphore, #tpu.memory_space<semaphore_mem>>
      %dma_start3A_237 = arith.constant 0 : i32
      %dma_start3A_238 = tpu.memref_slice %arg5[%arg0, %add3A_217, %dma_start3A_237] : memref<2x10240x128xf32, #tpu.memory_space<hbm>> -> memref<1x80x128xf32, #tpu.memory_space<hbm>>
      %dma_start3A_239 = tpu.memref_squeeze %dma_start3A_238 : memref<1x80x128xf32, #tpu.memory_space<hbm>> -> memref<80x128xf32, #tpu.memory_space<hbm>>
      %dma_start3A_240 = arith.constant 0 : i32
      %dma_start3A_241 = tpu.memref_slice %arg5[%arg0, %add3A_217, %dma_start3A_240] : memref<2x10240x128xf32, #tpu.memory_space<hbm>> -> memref<1x80x128xf32, #tpu.memory_space<hbm>>
      %dma_start3A_242 = tpu.memref_squeeze %dma_start3A_241 : memref<1x80x128xf32, #tpu.memory_space<hbm>> -> memref<80x128xf32, #tpu.memory_space<hbm>>
      tpu.enqueue_dma source(%arg13 : memref<80x128xf32, #tpu.memory_space<vmem>>) target(%dma_start3A_242 : memref<80x128xf32, #tpu.memory_space<hbm>>) target_semaphore(%run_scoped3A : memref<!tpu.dma_semaphore, #tpu.memory_space<semaphore_mem>>)
      %dma_wait3A_243 = arith.constant 0 : i32
      %dma_wait3A_244 = tpu.memref_slice %arg5[%arg0, %add3A_217, %dma_wait3A_243] : memref<2x10240x128xf32, #tpu.memory_space<hbm>> -> memref<1x80x128xf32, #tpu.memory_space<hbm>>
      %dma_wait3A_245 = tpu.memref_squeeze %dma_wait3A_244 : memref<1x80x128xf32, #tpu.memory_space<hbm>> -> memref<80x128xf32, #tpu.memory_space<hbm>>
      %dma_wait3A_246 = arith.constant 0 : i32
      %dma_wait3A_247 = tpu.memref_slice %arg5[%arg0, %add3A_217, %dma_wait3A_246] : memref<2x10240x128xf32, #tpu.memory_space<hbm>> -> memref<1x80x128xf32, #tpu.memory_space<hbm>>
      %dma_wait3A_248 = tpu.memref_squeeze %dma_wait3A_247 : memref<1x80x128xf32, #tpu.memory_space<hbm>> -> memref<80x128xf32, #tpu.memory_space<hbm>>
      tpu.wait_dma2 semaphore(%run_scoped3A : memref<!tpu.dma_semaphore, #tpu.memory_space<semaphore_mem>>) src(%arg13 : memref<80x128xf32, #tpu.memory_space<vmem>>) dst(%dma_wait3A_248 : memref<80x128xf32, #tpu.memory_space<hbm>>)
      tpu.yield
    }) : () -> ()
    %add3A_218 = arith.constant 80 : i32
    %add3A_219 = arith.addi %mul3A_20, %add3A_218 : i32
    "tpu.region"() ({
      %run_scoped3A = tpu.sem_alloc : memref<!tpu.dma_semaphore, #tpu.memory_space<semaphore_mem>>
      %dma_start3A_237 = arith.constant 0 : i32
      %dma_start3A_238 = tpu.memref_slice %arg16[%add3A_219, %dma_start3A_237] : memref<10240x128xf32, #tpu.memory_space<vmem_shared>> -> memref<80x128xf32, #tpu.memory_space<vmem_shared>>
      %dma_start3A_239 = arith.constant 0 : i32
      %dma_start3A_240 = tpu.memref_slice %arg16[%add3A_219, %dma_start3A_239] : memref<10240x128xf32, #tpu.memory_space<vmem_shared>> -> memref<80x128xf32, #tpu.memory_space<vmem_shared>>
      tpu.enqueue_dma source(%dma_start3A_240 : memref<80x128xf32, #tpu.memory_space<vmem_shared>>) target(%arg13 : memref<80x128xf32, #tpu.memory_space<vmem>>) target_semaphore(%run_scoped3A : memref<!tpu.dma_semaphore, #tpu.memory_space<semaphore_mem>>)
      %dma_wait3A_241 = arith.constant 0 : i32
      %dma_wait3A_242 = tpu.memref_slice %arg16[%add3A_219, %dma_wait3A_241] : memref<10240x128xf32, #tpu.memory_space<vmem_shared>> -> memref<80x128xf32, #tpu.memory_space<vmem_shared>>
      %dma_wait3A_243 = arith.constant 0 : i32
      %dma_wait3A_244 = tpu.memref_slice %arg16[%add3A_219, %dma_wait3A_243] : memref<10240x128xf32, #tpu.memory_space<vmem_shared>> -> memref<80x128xf32, #tpu.memory_space<vmem_shared>>
      tpu.wait_dma2 semaphore(%run_scoped3A : memref<!tpu.dma_semaphore, #tpu.memory_space<semaphore_mem>>) src(%dma_wait3A_244 : memref<80x128xf32, #tpu.memory_space<vmem_shared>>) dst(%arg13 : memref<80x128xf32, #tpu.memory_space<vmem>>)
      tpu.yield
    }) : () -> ()
    "tpu.region"() ({
      %run_scoped3A = tpu.sem_alloc : memref<!tpu.dma_semaphore, #tpu.memory_space<semaphore_mem>>
      %dma_start3A_237 = arith.constant 0 : i32
      %dma_start3A_238 = tpu.memref_slice %arg5[%arg0, %add3A_219, %dma_start3A_237] : memref<2x10240x128xf32, #tpu.memory_space<hbm>> -> memref<1x80x128xf32, #tpu.memory_space<hbm>>
      %dma_start3A_239 = tpu.memref_squeeze %dma_start3A_238 : memref<1x80x128xf32, #tpu.memory_space<hbm>> -> memref<80x128xf32, #tpu.memory_space<hbm>>
      %dma_start3A_240 = arith.constant 0 : i32
      %dma_start3A_241 = tpu.memref_slice %arg5[%arg0, %add3A_219, %dma_start3A_240] : memref<2x10240x128xf32, #tpu.memory_space<hbm>> -> memref<1x80x128xf32, #tpu.memory_space<hbm>>
      %dma_start3A_242 = tpu.memref_squeeze %dma_start3A_241 : memref<1x80x128xf32, #tpu.memory_space<hbm>> -> memref<80x128xf32, #tpu.memory_space<hbm>>
      tpu.enqueue_dma source(%arg13 : memref<80x128xf32, #tpu.memory_space<vmem>>) target(%dma_start3A_242 : memref<80x128xf32, #tpu.memory_space<hbm>>) target_semaphore(%run_scoped3A : memref<!tpu.dma_semaphore, #tpu.memory_space<semaphore_mem>>)
      %dma_wait3A_243 = arith.constant 0 : i32
      %dma_wait3A_244 = tpu.memref_slice %arg5[%arg0, %add3A_219, %dma_wait3A_243] : memref<2x10240x128xf32, #tpu.memory_space<hbm>> -> memref<1x80x128xf32, #tpu.memory_space<hbm>>
      %dma_wait3A_245 = tpu.memref_squeeze %dma_wait3A_244 : memref<1x80x128xf32, #tpu.memory_space<hbm>> -> memref<80x128xf32, #tpu.memory_space<hbm>>
      %dma_wait3A_246 = arith.constant 0 : i32
      %dma_wait3A_247 = tpu.memref_slice %arg5[%arg0, %add3A_219, %dma_wait3A_246] : memref<2x10240x128xf32, #tpu.memory_space<hbm>> -> memref<1x80x128xf32, #tpu.memory_space<hbm>>
      %dma_wait3A_248 = tpu.memref_squeeze %dma_wait3A_247 : memref<1x80x128xf32, #tpu.memory_space<hbm>> -> memref<80x128xf32, #tpu.memory_space<hbm>>
      tpu.wait_dma2 semaphore(%run_scoped3A : memref<!tpu.dma_semaphore, #tpu.memory_space<semaphore_mem>>) src(%arg13 : memref<80x128xf32, #tpu.memory_space<vmem>>) dst(%dma_wait3A_248 : memref<80x128xf32, #tpu.memory_space<hbm>>)
      tpu.yield
    }) : () -> ()
    %add3A_220 = arith.constant 160 : i32
    %add3A_221 = arith.addi %mul3A_20, %add3A_220 : i32
    "tpu.region"() ({
      %run_scoped3A = tpu.sem_alloc : memref<!tpu.dma_semaphore, #tpu.memory_space<semaphore_mem>>
      %dma_start3A_237 = arith.constant 0 : i32
      %dma_start3A_238 = tpu.memref_slice %arg16[%add3A_221, %dma_start3A_237] : memref<10240x128xf32, #tpu.memory_space<vmem_shared>> -> memref<80x128xf32, #tpu.memory_space<vmem_shared>>
      %dma_start3A_239 = arith.constant 0 : i32
      %dma_start3A_240 = tpu.memref_slice %arg16[%add3A_221, %dma_start3A_239] : memref<10240x128xf32, #tpu.memory_space<vmem_shared>> -> memref<80x128xf32, #tpu.memory_space<vmem_shared>>
      tpu.enqueue_dma source(%dma_start3A_240 : memref<80x128xf32, #tpu.memory_space<vmem_shared>>) target(%arg13 : memref<80x128xf32, #tpu.memory_space<vmem>>) target_semaphore(%run_scoped3A : memref<!tpu.dma_semaphore, #tpu.memory_space<semaphore_mem>>)
      %dma_wait3A_241 = arith.constant 0 : i32
      %dma_wait3A_242 = tpu.memref_slice %arg16[%add3A_221, %dma_wait3A_241] : memref<10240x128xf32, #tpu.memory_space<vmem_shared>> -> memref<80x128xf32, #tpu.memory_space<vmem_shared>>
      %dma_wait3A_243 = arith.constant 0 : i32
      %dma_wait3A_244 = tpu.memref_slice %arg16[%add3A_221, %dma_wait3A_243] : memref<10240x128xf32, #tpu.memory_space<vmem_shared>> -> memref<80x128xf32, #tpu.memory_space<vmem_shared>>
      tpu.wait_dma2 semaphore(%run_scoped3A : memref<!tpu.dma_semaphore, #tpu.memory_space<semaphore_mem>>) src(%dma_wait3A_244 : memref<80x128xf32, #tpu.memory_space<vmem_shared>>) dst(%arg13 : memref<80x128xf32, #tpu.memory_space<vmem>>)
      tpu.yield
    }) : () -> ()
    "tpu.region"() ({
      %run_scoped3A = tpu.sem_alloc : memref<!tpu.dma_semaphore, #tpu.memory_space<semaphore_mem>>
      %dma_start3A_237 = arith.constant 0 : i32
      %dma_start3A_238 = tpu.memref_slice %arg5[%arg0, %add3A_221, %dma_start3A_237] : memref<2x10240x128xf32, #tpu.memory_space<hbm>> -> memref<1x80x128xf32, #tpu.memory_space<hbm>>
      %dma_start3A_239 = tpu.memref_squeeze %dma_start3A_238 : memref<1x80x128xf32, #tpu.memory_space<hbm>> -> memref<80x128xf32, #tpu.memory_space<hbm>>
      %dma_start3A_240 = arith.constant 0 : i32
      %dma_start3A_241 = tpu.memref_slice %arg5[%arg0, %add3A_221, %dma_start3A_240] : memref<2x10240x128xf32, #tpu.memory_space<hbm>> -> memref<1x80x128xf32, #tpu.memory_space<hbm>>
      %dma_start3A_242 = tpu.memref_squeeze %dma_start3A_241 : memref<1x80x128xf32, #tpu.memory_space<hbm>> -> memref<80x128xf32, #tpu.memory_space<hbm>>
      tpu.enqueue_dma source(%arg13 : memref<80x128xf32, #tpu.memory_space<vmem>>) target(%dma_start3A_242 : memref<80x128xf32, #tpu.memory_space<hbm>>) target_semaphore(%run_scoped3A : memref<!tpu.dma_semaphore, #tpu.memory_space<semaphore_mem>>)
      %dma_wait3A_243 = arith.constant 0 : i32
      %dma_wait3A_244 = tpu.memref_slice %arg5[%arg0, %add3A_221, %dma_wait3A_243] : memref<2x10240x128xf32, #tpu.memory_space<hbm>> -> memref<1x80x128xf32, #tpu.memory_space<hbm>>
      %dma_wait3A_245 = tpu.memref_squeeze %dma_wait3A_244 : memref<1x80x128xf32, #tpu.memory_space<hbm>> -> memref<80x128xf32, #tpu.memory_space<hbm>>
      %dma_wait3A_246 = arith.constant 0 : i32
      %dma_wait3A_247 = tpu.memref_slice %arg5[%arg0, %add3A_221, %dma_wait3A_246] : memref<2x10240x128xf32, #tpu.memory_space<hbm>> -> memref<1x80x128xf32, #tpu.memory_space<hbm>>
      %dma_wait3A_248 = tpu.memref_squeeze %dma_wait3A_247 : memref<1x80x128xf32, #tpu.memory_space<hbm>> -> memref<80x128xf32, #tpu.memory_space<hbm>>
      tpu.wait_dma2 semaphore(%run_scoped3A : memref<!tpu.dma_semaphore, #tpu.memory_space<semaphore_mem>>) src(%arg13 : memref<80x128xf32, #tpu.memory_space<vmem>>) dst(%dma_wait3A_248 : memref<80x128xf32, #tpu.memory_space<hbm>>)
      tpu.yield
    }) : () -> ()
    %add3A_222 = arith.constant 240 : i32
    %add3A_223 = arith.addi %mul3A_20, %add3A_222 : i32
    "tpu.region"() ({
      %run_scoped3A = tpu.sem_alloc : memref<!tpu.dma_semaphore, #tpu.memory_space<semaphore_mem>>
      %dma_start3A_237 = arith.constant 0 : i32
      %dma_start3A_238 = tpu.memref_slice %arg16[%add3A_223, %dma_start3A_237] : memref<10240x128xf32, #tpu.memory_space<vmem_shared>> -> memref<80x128xf32, #tpu.memory_space<vmem_shared>>
      %dma_start3A_239 = arith.constant 0 : i32
      %dma_start3A_240 = tpu.memref_slice %arg16[%add3A_223, %dma_start3A_239] : memref<10240x128xf32, #tpu.memory_space<vmem_shared>> -> memref<80x128xf32, #tpu.memory_space<vmem_shared>>
      tpu.enqueue_dma source(%dma_start3A_240 : memref<80x128xf32, #tpu.memory_space<vmem_shared>>) target(%arg13 : memref<80x128xf32, #tpu.memory_space<vmem>>) target_semaphore(%run_scoped3A : memref<!tpu.dma_semaphore, #tpu.memory_space<semaphore_mem>>)
      %dma_wait3A_241 = arith.constant 0 : i32
      %dma_wait3A_242 = tpu.memref_slice %arg16[%add3A_223, %dma_wait3A_241] : memref<10240x128xf32, #tpu.memory_space<vmem_shared>> -> memref<80x128xf32, #tpu.memory_space<vmem_shared>>
      %dma_wait3A_243 = arith.constant 0 : i32
      %dma_wait3A_244 = tpu.memref_slice %arg16[%add3A_223, %dma_wait3A_243] : memref<10240x128xf32, #tpu.memory_space<vmem_shared>> -> memref<80x128xf32, #tpu.memory_space<vmem_shared>>
      tpu.wait_dma2 semaphore(%run_scoped3A : memref<!tpu.dma_semaphore, #tpu.memory_space<semaphore_mem>>) src(%dma_wait3A_244 : memref<80x128xf32, #tpu.memory_space<vmem_shared>>) dst(%arg13 : memref<80x128xf32, #tpu.memory_space<vmem>>)
      tpu.yield
    }) : () -> ()
    "tpu.region"() ({
      %run_scoped3A = tpu.sem_alloc : memref<!tpu.dma_semaphore, #tpu.memory_space<semaphore_mem>>
      %dma_start3A_237 = arith.constant 0 : i32
      %dma_start3A_238 = tpu.memref_slice %arg5[%arg0, %add3A_223, %dma_start3A_237] : memref<2x10240x128xf32, #tpu.memory_space<hbm>> -> memref<1x80x128xf32, #tpu.memory_space<hbm>>
      %dma_start3A_239 = tpu.memref_squeeze %dma_start3A_238 : memref<1x80x128xf32, #tpu.memory_space<hbm>> -> memref<80x128xf32, #tpu.memory_space<hbm>>
      %dma_start3A_240 = arith.constant 0 : i32
      %dma_start3A_241 = tpu.memref_slice %arg5[%arg0, %add3A_223, %dma_start3A_240] : memref<2x10240x128xf32, #tpu.memory_space<hbm>> -> memref<1x80x128xf32, #tpu.memory_space<hbm>>
      %dma_start3A_242 = tpu.memref_squeeze %dma_start3A_241 : memref<1x80x128xf32, #tpu.memory_space<hbm>> -> memref<80x128xf32, #tpu.memory_space<hbm>>
      tpu.enqueue_dma source(%arg13 : memref<80x128xf32, #tpu.memory_space<vmem>>) target(%dma_start3A_242 : memref<80x128xf32, #tpu.memory_space<hbm>>) target_semaphore(%run_scoped3A : memref<!tpu.dma_semaphore, #tpu.memory_space<semaphore_mem>>)
      %dma_wait3A_243 = arith.constant 0 : i32
      %dma_wait3A_244 = tpu.memref_slice %arg5[%arg0, %add3A_223, %dma_wait3A_243] : memref<2x10240x128xf32, #tpu.memory_space<hbm>> -> memref<1x80x128xf32, #tpu.memory_space<hbm>>
      %dma_wait3A_245 = tpu.memref_squeeze %dma_wait3A_244 : memref<1x80x128xf32, #tpu.memory_space<hbm>> -> memref<80x128xf32, #tpu.memory_space<hbm>>
      %dma_wait3A_246 = arith.constant 0 : i32
      %dma_wait3A_247 = tpu.memref_slice %arg5[%arg0, %add3A_223, %dma_wait3A_246] : memref<2x10240x128xf32, #tpu.memory_space<hbm>> -> memref<1x80x128xf32, #tpu.memory_space<hbm>>
      %dma_wait3A_248 = tpu.memref_squeeze %dma_wait3A_247 : memref<1x80x128xf32, #tpu.memory_space<hbm>> -> memref<80x128xf32, #tpu.memory_space<hbm>>
      tpu.wait_dma2 semaphore(%run_scoped3A : memref<!tpu.dma_semaphore, #tpu.memory_space<semaphore_mem>>) src(%arg13 : memref<80x128xf32, #tpu.memory_space<vmem>>) dst(%dma_wait3A_248 : memref<80x128xf32, #tpu.memory_space<hbm>>)
      tpu.yield
    }) : () -> ()
    %add3A_224 = arith.constant 320 : i32
    %add3A_225 = arith.addi %mul3A_20, %add3A_224 : i32
    "tpu.region"() ({
      %run_scoped3A = tpu.sem_alloc : memref<!tpu.dma_semaphore, #tpu.memory_space<semaphore_mem>>
      %dma_start3A_237 = arith.constant 0 : i32
      %dma_start3A_238 = tpu.memref_slice %arg16[%add3A_225, %dma_start3A_237] : memref<10240x128xf32, #tpu.memory_space<vmem_shared>> -> memref<80x128xf32, #tpu.memory_space<vmem_shared>>
      %dma_start3A_239 = arith.constant 0 : i32
      %dma_start3A_240 = tpu.memref_slice %arg16[%add3A_225, %dma_start3A_239] : memref<10240x128xf32, #tpu.memory_space<vmem_shared>> -> memref<80x128xf32, #tpu.memory_space<vmem_shared>>
      tpu.enqueue_dma source(%dma_start3A_240 : memref<80x128xf32, #tpu.memory_space<vmem_shared>>) target(%arg13 : memref<80x128xf32, #tpu.memory_space<vmem>>) target_semaphore(%run_scoped3A : memref<!tpu.dma_semaphore, #tpu.memory_space<semaphore_mem>>)
      %dma_wait3A_241 = arith.constant 0 : i32
      %dma_wait3A_242 = tpu.memref_slice %arg16[%add3A_225, %dma_wait3A_241] : memref<10240x128xf32, #tpu.memory_space<vmem_shared>> -> memref<80x128xf32, #tpu.memory_space<vmem_shared>>
      %dma_wait3A_243 = arith.constant 0 : i32
      %dma_wait3A_244 = tpu.memref_slice %arg16[%add3A_225, %dma_wait3A_243] : memref<10240x128xf32, #tpu.memory_space<vmem_shared>> -> memref<80x128xf32, #tpu.memory_space<vmem_shared>>
      tpu.wait_dma2 semaphore(%run_scoped3A : memref<!tpu.dma_semaphore, #tpu.memory_space<semaphore_mem>>) src(%dma_wait3A_244 : memref<80x128xf32, #tpu.memory_space<vmem_shared>>) dst(%arg13 : memref<80x128xf32, #tpu.memory_space<vmem>>)
      tpu.yield
    }) : () -> ()
    "tpu.region"() ({
      %run_scoped3A = tpu.sem_alloc : memref<!tpu.dma_semaphore, #tpu.memory_space<semaphore_mem>>
      %dma_start3A_237 = arith.constant 0 : i32
      %dma_start3A_238 = tpu.memref_slice %arg5[%arg0, %add3A_225, %dma_start3A_237] : memref<2x10240x128xf32, #tpu.memory_space<hbm>> -> memref<1x80x128xf32, #tpu.memory_space<hbm>>
      %dma_start3A_239 = tpu.memref_squeeze %dma_start3A_238 : memref<1x80x128xf32, #tpu.memory_space<hbm>> -> memref<80x128xf32, #tpu.memory_space<hbm>>
      %dma_start3A_240 = arith.constant 0 : i32
      %dma_start3A_241 = tpu.memref_slice %arg5[%arg0, %add3A_225, %dma_start3A_240] : memref<2x10240x128xf32, #tpu.memory_space<hbm>> -> memref<1x80x128xf32, #tpu.memory_space<hbm>>
      %dma_start3A_242 = tpu.memref_squeeze %dma_start3A_241 : memref<1x80x128xf32, #tpu.memory_space<hbm>> -> memref<80x128xf32, #tpu.memory_space<hbm>>
      tpu.enqueue_dma source(%arg13 : memref<80x128xf32, #tpu.memory_space<vmem>>) target(%dma_start3A_242 : memref<80x128xf32, #tpu.memory_space<hbm>>) target_semaphore(%run_scoped3A : memref<!tpu.dma_semaphore, #tpu.memory_space<semaphore_mem>>)
      %dma_wait3A_243 = arith.constant 0 : i32
      %dma_wait3A_244 = tpu.memref_slice %arg5[%arg0, %add3A_225, %dma_wait3A_243] : memref<2x10240x128xf32, #tpu.memory_space<hbm>> -> memref<1x80x128xf32, #tpu.memory_space<hbm>>
      %dma_wait3A_245 = tpu.memref_squeeze %dma_wait3A_244 : memref<1x80x128xf32, #tpu.memory_space<hbm>> -> memref<80x128xf32, #tpu.memory_space<hbm>>
      %dma_wait3A_246 = arith.constant 0 : i32
      %dma_wait3A_247 = tpu.memref_slice %arg5[%arg0, %add3A_225, %dma_wait3A_246] : memref<2x10240x128xf32, #tpu.memory_space<hbm>> -> memref<1x80x128xf32, #tpu.memory_space<hbm>>
      %dma_wait3A_248 = tpu.memref_squeeze %dma_wait3A_247 : memref<1x80x128xf32, #tpu.memory_space<hbm>> -> memref<80x128xf32, #tpu.memory_space<hbm>>
      tpu.wait_dma2 semaphore(%run_scoped3A : memref<!tpu.dma_semaphore, #tpu.memory_space<semaphore_mem>>) src(%arg13 : memref<80x128xf32, #tpu.memory_space<vmem>>) dst(%dma_wait3A_248 : memref<80x128xf32, #tpu.memory_space<hbm>>)
      tpu.yield
    }) : () -> ()
    %add3A_226 = arith.constant 400 : i32
    %add3A_227 = arith.addi %mul3A_20, %add3A_226 : i32
    "tpu.region"() ({
      %run_scoped3A = tpu.sem_alloc : memref<!tpu.dma_semaphore, #tpu.memory_space<semaphore_mem>>
      %dma_start3A_237 = arith.constant 0 : i32
      %dma_start3A_238 = tpu.memref_slice %arg16[%add3A_227, %dma_start3A_237] : memref<10240x128xf32, #tpu.memory_space<vmem_shared>> -> memref<80x128xf32, #tpu.memory_space<vmem_shared>>
      %dma_start3A_239 = arith.constant 0 : i32
      %dma_start3A_240 = tpu.memref_slice %arg16[%add3A_227, %dma_start3A_239] : memref<10240x128xf32, #tpu.memory_space<vmem_shared>> -> memref<80x128xf32, #tpu.memory_space<vmem_shared>>
      tpu.enqueue_dma source(%dma_start3A_240 : memref<80x128xf32, #tpu.memory_space<vmem_shared>>) target(%arg13 : memref<80x128xf32, #tpu.memory_space<vmem>>) target_semaphore(%run_scoped3A : memref<!tpu.dma_semaphore, #tpu.memory_space<semaphore_mem>>)
      %dma_wait3A_241 = arith.constant 0 : i32
      %dma_wait3A_242 = tpu.memref_slice %arg16[%add3A_227, %dma_wait3A_241] : memref<10240x128xf32, #tpu.memory_space<vmem_shared>> -> memref<80x128xf32, #tpu.memory_space<vmem_shared>>
      %dma_wait3A_243 = arith.constant 0 : i32
      %dma_wait3A_244 = tpu.memref_slice %arg16[%add3A_227, %dma_wait3A_243] : memref<10240x128xf32, #tpu.memory_space<vmem_shared>> -> memref<80x128xf32, #tpu.memory_space<vmem_shared>>
      tpu.wait_dma2 semaphore(%run_scoped3A : memref<!tpu.dma_semaphore, #tpu.memory_space<semaphore_mem>>) src(%dma_wait3A_244 : memref<80x128xf32, #tpu.memory_space<vmem_shared>>) dst(%arg13 : memref<80x128xf32, #tpu.memory_space<vmem>>)
      tpu.yield
    }) : () -> ()
    "tpu.region"() ({
      %run_scoped3A = tpu.sem_alloc : memref<!tpu.dma_semaphore, #tpu.memory_space<semaphore_mem>>
      %dma_start3A_237 = arith.constant 0 : i32
      %dma_start3A_238 = tpu.memref_slice %arg5[%arg0, %add3A_227, %dma_start3A_237] : memref<2x10240x128xf32, #tpu.memory_space<hbm>> -> memref<1x80x128xf32, #tpu.memory_space<hbm>>
      %dma_start3A_239 = tpu.memref_squeeze %dma_start3A_238 : memref<1x80x128xf32, #tpu.memory_space<hbm>> -> memref<80x128xf32, #tpu.memory_space<hbm>>
      %dma_start3A_240 = arith.constant 0 : i32
      %dma_start3A_241 = tpu.memref_slice %arg5[%arg0, %add3A_227, %dma_start3A_240] : memref<2x10240x128xf32, #tpu.memory_space<hbm>> -> memref<1x80x128xf32, #tpu.memory_space<hbm>>
      %dma_start3A_242 = tpu.memref_squeeze %dma_start3A_241 : memref<1x80x128xf32, #tpu.memory_space<hbm>> -> memref<80x128xf32, #tpu.memory_space<hbm>>
      tpu.enqueue_dma source(%arg13 : memref<80x128xf32, #tpu.memory_space<vmem>>) target(%dma_start3A_242 : memref<80x128xf32, #tpu.memory_space<hbm>>) target_semaphore(%run_scoped3A : memref<!tpu.dma_semaphore, #tpu.memory_space<semaphore_mem>>)
      %dma_wait3A_243 = arith.constant 0 : i32
      %dma_wait3A_244 = tpu.memref_slice %arg5[%arg0, %add3A_227, %dma_wait3A_243] : memref<2x10240x128xf32, #tpu.memory_space<hbm>> -> memref<1x80x128xf32, #tpu.memory_space<hbm>>
      %dma_wait3A_245 = tpu.memref_squeeze %dma_wait3A_244 : memref<1x80x128xf32, #tpu.memory_space<hbm>> -> memref<80x128xf32, #tpu.memory_space<hbm>>
      %dma_wait3A_246 = arith.constant 0 : i32
      %dma_wait3A_247 = tpu.memref_slice %arg5[%arg0, %add3A_227, %dma_wait3A_246] : memref<2x10240x128xf32, #tpu.memory_space<hbm>> -> memref<1x80x128xf32, #tpu.memory_space<hbm>>
      %dma_wait3A_248 = tpu.memref_squeeze %dma_wait3A_247 : memref<1x80x128xf32, #tpu.memory_space<hbm>> -> memref<80x128xf32, #tpu.memory_space<hbm>>
      tpu.wait_dma2 semaphore(%run_scoped3A : memref<!tpu.dma_semaphore, #tpu.memory_space<semaphore_mem>>) src(%arg13 : memref<80x128xf32, #tpu.memory_space<vmem>>) dst(%dma_wait3A_248 : memref<80x128xf32, #tpu.memory_space<hbm>>)
      tpu.yield
    }) : () -> ()
    %add3A_228 = arith.constant 480 : i32
    %add3A_229 = arith.addi %mul3A_20, %add3A_228 : i32
    "tpu.region"() ({
      %run_scoped3A = tpu.sem_alloc : memref<!tpu.dma_semaphore, #tpu.memory_space<semaphore_mem>>
      %dma_start3A_237 = arith.constant 0 : i32
      %dma_start3A_238 = tpu.memref_slice %arg16[%add3A_229, %dma_start3A_237] : memref<10240x128xf32, #tpu.memory_space<vmem_shared>> -> memref<80x128xf32, #tpu.memory_space<vmem_shared>>
      %dma_start3A_239 = arith.constant 0 : i32
      %dma_start3A_240 = tpu.memref_slice %arg16[%add3A_229, %dma_start3A_239] : memref<10240x128xf32, #tpu.memory_space<vmem_shared>> -> memref<80x128xf32, #tpu.memory_space<vmem_shared>>
      tpu.enqueue_dma source(%dma_start3A_240 : memref<80x128xf32, #tpu.memory_space<vmem_shared>>) target(%arg13 : memref<80x128xf32, #tpu.memory_space<vmem>>) target_semaphore(%run_scoped3A : memref<!tpu.dma_semaphore, #tpu.memory_space<semaphore_mem>>)
      %dma_wait3A_241 = arith.constant 0 : i32
      %dma_wait3A_242 = tpu.memref_slice %arg16[%add3A_229, %dma_wait3A_241] : memref<10240x128xf32, #tpu.memory_space<vmem_shared>> -> memref<80x128xf32, #tpu.memory_space<vmem_shared>>
      %dma_wait3A_243 = arith.constant 0 : i32
      %dma_wait3A_244 = tpu.memref_slice %arg16[%add3A_229, %dma_wait3A_243] : memref<10240x128xf32, #tpu.memory_space<vmem_shared>> -> memref<80x128xf32, #tpu.memory_space<vmem_shared>>
      tpu.wait_dma2 semaphore(%run_scoped3A : memref<!tpu.dma_semaphore, #tpu.memory_space<semaphore_mem>>) src(%dma_wait3A_244 : memref<80x128xf32, #tpu.memory_space<vmem_shared>>) dst(%arg13 : memref<80x128xf32, #tpu.memory_space<vmem>>)
      tpu.yield
    }) : () -> ()
    "tpu.region"() ({
      %run_scoped3A = tpu.sem_alloc : memref<!tpu.dma_semaphore, #tpu.memory_space<semaphore_mem>>
      %dma_start3A_237 = arith.constant 0 : i32
      %dma_start3A_238 = tpu.memref_slice %arg5[%arg0, %add3A_229, %dma_start3A_237] : memref<2x10240x128xf32, #tpu.memory_space<hbm>> -> memref<1x80x128xf32, #tpu.memory_space<hbm>>
      %dma_start3A_239 = tpu.memref_squeeze %dma_start3A_238 : memref<1x80x128xf32, #tpu.memory_space<hbm>> -> memref<80x128xf32, #tpu.memory_space<hbm>>
      %dma_start3A_240 = arith.constant 0 : i32
      %dma_start3A_241 = tpu.memref_slice %arg5[%arg0, %add3A_229, %dma_start3A_240] : memref<2x10240x128xf32, #tpu.memory_space<hbm>> -> memref<1x80x128xf32, #tpu.memory_space<hbm>>
      %dma_start3A_242 = tpu.memref_squeeze %dma_start3A_241 : memref<1x80x128xf32, #tpu.memory_space<hbm>> -> memref<80x128xf32, #tpu.memory_space<hbm>>
      tpu.enqueue_dma source(%arg13 : memref<80x128xf32, #tpu.memory_space<vmem>>) target(%dma_start3A_242 : memref<80x128xf32, #tpu.memory_space<hbm>>) target_semaphore(%run_scoped3A : memref<!tpu.dma_semaphore, #tpu.memory_space<semaphore_mem>>)
      %dma_wait3A_243 = arith.constant 0 : i32
      %dma_wait3A_244 = tpu.memref_slice %arg5[%arg0, %add3A_229, %dma_wait3A_243] : memref<2x10240x128xf32, #tpu.memory_space<hbm>> -> memref<1x80x128xf32, #tpu.memory_space<hbm>>
      %dma_wait3A_245 = tpu.memref_squeeze %dma_wait3A_244 : memref<1x80x128xf32, #tpu.memory_space<hbm>> -> memref<80x128xf32, #tpu.memory_space<hbm>>
      %dma_wait3A_246 = arith.constant 0 : i32
      %dma_wait3A_247 = tpu.memref_slice %arg5[%arg0, %add3A_229, %dma_wait3A_246] : memref<2x10240x128xf32, #tpu.memory_space<hbm>> -> memref<1x80x128xf32, #tpu.memory_space<hbm>>
      %dma_wait3A_248 = tpu.memref_squeeze %dma_wait3A_247 : memref<1x80x128xf32, #tpu.memory_space<hbm>> -> memref<80x128xf32, #tpu.memory_space<hbm>>
      tpu.wait_dma2 semaphore(%run_scoped3A : memref<!tpu.dma_semaphore, #tpu.memory_space<semaphore_mem>>) src(%arg13 : memref<80x128xf32, #tpu.memory_space<vmem>>) dst(%dma_wait3A_248 : memref<80x128xf32, #tpu.memory_space<hbm>>)
      tpu.yield
    }) : () -> ()
    %add3A_230 = arith.constant 560 : i32
    %add3A_231 = arith.addi %mul3A_20, %add3A_230 : i32
    "tpu.region"() ({
      %run_scoped3A = tpu.sem_alloc : memref<!tpu.dma_semaphore, #tpu.memory_space<semaphore_mem>>
      %dma_start3A_237 = arith.constant 0 : i32
      %dma_start3A_238 = tpu.memref_slice %arg16[%add3A_231, %dma_start3A_237] : memref<10240x128xf32, #tpu.memory_space<vmem_shared>> -> memref<80x128xf32, #tpu.memory_space<vmem_shared>>
      %dma_start3A_239 = arith.constant 0 : i32
      %dma_start3A_240 = tpu.memref_slice %arg16[%add3A_231, %dma_start3A_239] : memref<10240x128xf32, #tpu.memory_space<vmem_shared>> -> memref<80x128xf32, #tpu.memory_space<vmem_shared>>
      tpu.enqueue_dma source(%dma_start3A_240 : memref<80x128xf32, #tpu.memory_space<vmem_shared>>) target(%arg13 : memref<80x128xf32, #tpu.memory_space<vmem>>) target_semaphore(%run_scoped3A : memref<!tpu.dma_semaphore, #tpu.memory_space<semaphore_mem>>)
      %dma_wait3A_241 = arith.constant 0 : i32
      %dma_wait3A_242 = tpu.memref_slice %arg16[%add3A_231, %dma_wait3A_241] : memref<10240x128xf32, #tpu.memory_space<vmem_shared>> -> memref<80x128xf32, #tpu.memory_space<vmem_shared>>
      %dma_wait3A_243 = arith.constant 0 : i32
      %dma_wait3A_244 = tpu.memref_slice %arg16[%add3A_231, %dma_wait3A_243] : memref<10240x128xf32, #tpu.memory_space<vmem_shared>> -> memref<80x128xf32, #tpu.memory_space<vmem_shared>>
      tpu.wait_dma2 semaphore(%run_scoped3A : memref<!tpu.dma_semaphore, #tpu.memory_space<semaphore_mem>>) src(%dma_wait3A_244 : memref<80x128xf32, #tpu.memory_space<vmem_shared>>) dst(%arg13 : memref<80x128xf32, #tpu.memory_space<vmem>>)
      tpu.yield
    }) : () -> ()
    "tpu.region"() ({
      %run_scoped3A = tpu.sem_alloc : memref<!tpu.dma_semaphore, #tpu.memory_space<semaphore_mem>>
      %dma_start3A_237 = arith.constant 0 : i32
      %dma_start3A_238 = tpu.memref_slice %arg5[%arg0, %add3A_231, %dma_start3A_237] : memref<2x10240x128xf32, #tpu.memory_space<hbm>> -> memref<1x80x128xf32, #tpu.memory_space<hbm>>
      %dma_start3A_239 = tpu.memref_squeeze %dma_start3A_238 : memref<1x80x128xf32, #tpu.memory_space<hbm>> -> memref<80x128xf32, #tpu.memory_space<hbm>>
      %dma_start3A_240 = arith.constant 0 : i32
      %dma_start3A_241 = tpu.memref_slice %arg5[%arg0, %add3A_231, %dma_start3A_240] : memref<2x10240x128xf32, #tpu.memory_space<hbm>> -> memref<1x80x128xf32, #tpu.memory_space<hbm>>
      %dma_start3A_242 = tpu.memref_squeeze %dma_start3A_241 : memref<1x80x128xf32, #tpu.memory_space<hbm>> -> memref<80x128xf32, #tpu.memory_space<hbm>>
      tpu.enqueue_dma source(%arg13 : memref<80x128xf32, #tpu.memory_space<vmem>>) target(%dma_start3A_242 : memref<80x128xf32, #tpu.memory_space<hbm>>) target_semaphore(%run_scoped3A : memref<!tpu.dma_semaphore, #tpu.memory_space<semaphore_mem>>)
      %dma_wait3A_243 = arith.constant 0 : i32
      %dma_wait3A_244 = tpu.memref_slice %arg5[%arg0, %add3A_231, %dma_wait3A_243] : memref<2x10240x128xf32, #tpu.memory_space<hbm>> -> memref<1x80x128xf32, #tpu.memory_space<hbm>>
      %dma_wait3A_245 = tpu.memref_squeeze %dma_wait3A_244 : memref<1x80x128xf32, #tpu.memory_space<hbm>> -> memref<80x128xf32, #tpu.memory_space<hbm>>
      %dma_wait3A_246 = arith.constant 0 : i32
      %dma_wait3A_247 = tpu.memref_slice %arg5[%arg0, %add3A_231, %dma_wait3A_246] : memref<2x10240x128xf32, #tpu.memory_space<hbm>> -> memref<1x80x128xf32, #tpu.memory_space<hbm>>
      %dma_wait3A_248 = tpu.memref_squeeze %dma_wait3A_247 : memref<1x80x128xf32, #tpu.memory_space<hbm>> -> memref<80x128xf32, #tpu.memory_space<hbm>>
      tpu.wait_dma2 semaphore(%run_scoped3A : memref<!tpu.dma_semaphore, #tpu.memory_space<semaphore_mem>>) src(%arg13 : memref<80x128xf32, #tpu.memory_space<vmem>>) dst(%dma_wait3A_248 : memref<80x128xf32, #tpu.memory_space<hbm>>)
      tpu.yield
    }) : () -> ()
    %lt3A_232 = arith.constant 10 : i32
    %lt3A_233 = arith.cmpi slt, %arg1, %lt3A_232 : i32
    %convert_element_type3A_234 = arith.extui %lt3A_233 : i1 to i32
    %cond3A_235 = arith.constant 0 : i32
    %cond3A_236 = arith.cmpi ne, %convert_element_type3A_234, %cond3A_235 : i32
    scf.if %cond3A_236 {
      %mul3A_237 = arith.constant 8 : i32
      %mul3A_238 = arith.muli %arg1, %mul3A_237 : i32
      "tpu.region"() ({
        %run_scoped3A = tpu.sem_alloc : memref<!tpu.dma_semaphore, #tpu.memory_space<semaphore_mem>>
        %dma_start3A_241 = arith.constant 0 : i32
        %dma_start3A_242 = arith.constant 0 : i32
        %dma_start3A_243 = tpu.memref_slice %arg14[%dma_start3A_241, %dma_start3A_242] : memref<80x128xf32, #tpu.memory_space<vmem>> -> memref<8x128xf32, #tpu.memory_space<vmem>>
        %dma_start3A_244 = arith.constant 0 : i32
        %dma_start3A_245 = tpu.memref_slice %arg24[%mul3A_238, %dma_start3A_244] : memref<80x128xf32, #tpu.memory_space<vmem_shared>> -> memref<8x128xf32, #tpu.memory_space<vmem_shared>>
        %dma_start3A_246 = arith.constant 0 : i32
        %dma_start3A_247 = arith.constant 0 : i32
        %dma_start3A_248 = tpu.memref_slice %arg14[%dma_start3A_246, %dma_start3A_247] : memref<80x128xf32, #tpu.memory_space<vmem>> -> memref<8x128xf32, #tpu.memory_space<vmem>>
        %dma_start3A_249 = arith.constant 0 : i32
        %dma_start3A_250 = tpu.memref_slice %arg24[%mul3A_238, %dma_start3A_249] : memref<80x128xf32, #tpu.memory_space<vmem_shared>> -> memref<8x128xf32, #tpu.memory_space<vmem_shared>>
        tpu.enqueue_dma source(%dma_start3A_250 : memref<8x128xf32, #tpu.memory_space<vmem_shared>>) target(%dma_start3A_248 : memref<8x128xf32, #tpu.memory_space<vmem>>) target_semaphore(%run_scoped3A : memref<!tpu.dma_semaphore, #tpu.memory_space<semaphore_mem>>)
        %dma_wait3A_251 = arith.constant 0 : i32
        %dma_wait3A_252 = arith.constant 0 : i32
        %dma_wait3A_253 = tpu.memref_slice %arg14[%dma_wait3A_251, %dma_wait3A_252] : memref<80x128xf32, #tpu.memory_space<vmem>> -> memref<8x128xf32, #tpu.memory_space<vmem>>
        %dma_wait3A_254 = arith.constant 0 : i32
        %dma_wait3A_255 = tpu.memref_slice %arg24[%mul3A_238, %dma_wait3A_254] : memref<80x128xf32, #tpu.memory_space<vmem_shared>> -> memref<8x128xf32, #tpu.memory_space<vmem_shared>>
        %dma_wait3A_256 = arith.constant 0 : i32
        %dma_wait3A_257 = arith.constant 0 : i32
        %dma_wait3A_258 = tpu.memref_slice %arg14[%dma_wait3A_256, %dma_wait3A_257] : memref<80x128xf32, #tpu.memory_space<vmem>> -> memref<8x128xf32, #tpu.memory_space<vmem>>
        %dma_wait3A_259 = arith.constant 0 : i32
        %dma_wait3A_260 = tpu.memref_slice %arg24[%mul3A_238, %dma_wait3A_259] : memref<80x128xf32, #tpu.memory_space<vmem_shared>> -> memref<8x128xf32, #tpu.memory_space<vmem_shared>>
        tpu.wait_dma2 semaphore(%run_scoped3A : memref<!tpu.dma_semaphore, #tpu.memory_space<semaphore_mem>>) src(%dma_wait3A_260 : memref<8x128xf32, #tpu.memory_space<vmem_shared>>) dst(%dma_wait3A_258 : memref<8x128xf32, #tpu.memory_space<vmem>>)
        tpu.yield
      }) : () -> ()
      %mul3A_239 = arith.constant 8 : i32
      %mul3A_240 = arith.muli %arg1, %mul3A_239 : i32
      "tpu.region"() ({
        %run_scoped3A = tpu.sem_alloc : memref<!tpu.dma_semaphore, #tpu.memory_space<semaphore_mem>>
        %dma_start3A_241 = arith.constant 0 : i32
        %dma_start3A_242 = arith.constant 0 : i32
        %dma_start3A_243 = tpu.memref_slice %arg14[%dma_start3A_241, %dma_start3A_242] : memref<80x128xf32, #tpu.memory_space<vmem>> -> memref<8x128xf32, #tpu.memory_space<vmem>>
        %dma_start3A_244 = arith.constant 0 : i32
        %dma_start3A_245 = tpu.memref_slice %arg6[%arg0, %mul3A_240, %dma_start3A_244] : memref<2x80x128xf32, #tpu.memory_space<hbm>> -> memref<1x8x128xf32, #tpu.memory_space<hbm>>
        %dma_start3A_246 = tpu.memref_squeeze %dma_start3A_245 : memref<1x8x128xf32, #tpu.memory_space<hbm>> -> memref<8x128xf32, #tpu.memory_space<hbm>>
        %dma_start3A_247 = arith.constant 0 : i32
        %dma_start3A_248 = tpu.memref_slice %arg6[%arg0, %mul3A_240, %dma_start3A_247] : memref<2x80x128xf32, #tpu.memory_space<hbm>> -> memref<1x8x128xf32, #tpu.memory_space<hbm>>
        %dma_start3A_249 = tpu.memref_squeeze %dma_start3A_248 : memref<1x8x128xf32, #tpu.memory_space<hbm>> -> memref<8x128xf32, #tpu.memory_space<hbm>>
        %dma_start3A_250 = arith.constant 0 : i32
        %dma_start3A_251 = arith.constant 0 : i32
        %dma_start3A_252 = tpu.memref_slice %arg14[%dma_start3A_250, %dma_start3A_251] : memref<80x128xf32, #tpu.memory_space<vmem>> -> memref<8x128xf32, #tpu.memory_space<vmem>>
        tpu.enqueue_dma source(%dma_start3A_252 : memref<8x128xf32, #tpu.memory_space<vmem>>) target(%dma_start3A_249 : memref<8x128xf32, #tpu.memory_space<hbm>>) target_semaphore(%run_scoped3A : memref<!tpu.dma_semaphore, #tpu.memory_space<semaphore_mem>>)
        %dma_wait3A_253 = arith.constant 0 : i32
        %dma_wait3A_254 = arith.constant 0 : i32
        %dma_wait3A_255 = tpu.memref_slice %arg14[%dma_wait3A_253, %dma_wait3A_254] : memref<80x128xf32, #tpu.memory_space<vmem>> -> memref<8x128xf32, #tpu.memory_space<vmem>>
        %dma_wait3A_256 = arith.constant 0 : i32
        %dma_wait3A_257 = tpu.memref_slice %arg6[%arg0, %mul3A_240, %dma_wait3A_256] : memref<2x80x128xf32, #tpu.memory_space<hbm>> -> memref<1x8x128xf32, #tpu.memory_space<hbm>>
        %dma_wait3A_258 = tpu.memref_squeeze %dma_wait3A_257 : memref<1x8x128xf32, #tpu.memory_space<hbm>> -> memref<8x128xf32, #tpu.memory_space<hbm>>
        %dma_wait3A_259 = arith.constant 0 : i32
        %dma_wait3A_260 = tpu.memref_slice %arg6[%arg0, %mul3A_240, %dma_wait3A_259] : memref<2x80x128xf32, #tpu.memory_space<hbm>> -> memref<1x8x128xf32, #tpu.memory_space<hbm>>
        %dma_wait3A_261 = tpu.memref_squeeze %dma_wait3A_260 : memref<1x8x128xf32, #tpu.memory_space<hbm>> -> memref<8x128xf32, #tpu.memory_space<hbm>>
        %dma_wait3A_262 = arith.constant 0 : i32
        %dma_wait3A_263 = arith.constant 0 : i32
        %dma_wait3A_264 = tpu.memref_slice %arg14[%dma_wait3A_262, %dma_wait3A_263] : memref<80x128xf32, #tpu.memory_space<vmem>> -> memref<8x128xf32, #tpu.memory_space<vmem>>
        tpu.wait_dma2 semaphore(%run_scoped3A : memref<!tpu.dma_semaphore, #tpu.memory_space<semaphore_mem>>) src(%dma_wait3A_264 : memref<8x128xf32, #tpu.memory_space<vmem>>) dst(%dma_wait3A_261 : memref<8x128xf32, #tpu.memory_space<hbm>>)
        tpu.yield
      }) : () -> ()
    } else {
    }
    return
  }
}

#map = affine_map<(d0, d1) -> (0, 0)>
#map1 = affine_map<(d0, d1) -> (0)>
#map2 = affine_map<(d0, d1) -> (0, 0, 0)>
module attributes {stable_mosaic.version = 14 : i64} {
  func.func @agg(%arg0: i32, %arg1: i32, %arg2: memref<10000x128xf32, #tpu.memory_space<hbm>>, %arg3: memref<320000xi32, #tpu.memory_space<hbm>>, %arg4: memref<320000xi32, #tpu.memory_space<hbm>>, %arg5: memref<2x10240x128xf32, #tpu.memory_space<hbm>>, %arg6: memref<80xi32, #tpu.memory_space<vmem>>, %arg7: memref<80xi32, #tpu.memory_space<vmem>>, %arg8: memref<80xi32, #tpu.memory_space<vmem>>, %arg9: memref<80xi32, #tpu.memory_space<vmem>>, %arg10: memref<80xi32, #tpu.memory_space<vmem>>, %arg11: memref<80xi32, #tpu.memory_space<vmem>>, %arg12: memref<80x128xf32, #tpu.memory_space<vmem>>, %arg13: memref<80x128xf32, #tpu.memory_space<vmem>>, %arg14: memref<80x128xf32, #tpu.memory_space<vmem>>, %arg15: memref<10240x128xf32, #tpu.memory_space<vmem_shared>>, %arg16: memref<!tpu.dma_semaphore, #tpu.memory_space<semaphore_mem>>, %arg17: memref<!tpu.dma_semaphore, #tpu.memory_space<semaphore_mem>>, %arg18: memref<!tpu.dma_semaphore, #tpu.memory_space<semaphore_mem>>, %arg19: memref<!tpu.dma_semaphore, #tpu.memory_space<semaphore_mem>>, %arg20: memref<!tpu.dma_semaphore, #tpu.memory_space<semaphore_mem>>, %arg21: memref<!tpu.dma_semaphore, #tpu.memory_space<semaphore_mem>>) attributes {dimension_semantics = [#tpu.dimension_semantics<core_parallel>, #tpu.dimension_semantics<subcore_parallel>], iteration_bounds = array<i64: 2, 16>, scalar_prefetch = 0 : i64, scratch_operands = 16 : i64, tpu.core_type = #tpu.core_type<sc_vector_subcore>, window_params = [{transform_indices = #map}, {transform_indices = #map1}, {transform_indices = #map1}, {transform_indices = #map2}]} {
    %mul3A = arith.constant 2 : i32
    %mul3A_0 = arith.muli %arg1, %mul3A : i32
    %add3A = arith.addi %mul3A_0, %arg0 : i32
    %mul3A_1 = arith.constant 10000 : i32
    %mul3A_2 = arith.muli %add3A, %mul3A_1 : i32
    %broadcast_in_dim3A = arith.constant 0.000000e+00 : f32
    %broadcast_in_dim3A_3 = vector.broadcast %broadcast_in_dim3A : f32 to vector<16xf32>
    %broadcast_in_dim3A_4 = arith.constant 1.000000e+00 : f32
    %broadcast_in_dim3A_5 = vector.broadcast %broadcast_in_dim3A_4 : f32 to vector<16xf32>
    %add3A_6 = arith.constant 0 : i32
    %add3A_7 = arith.addi %mul3A_2, %add3A_6 : i32
    %dma_start3A = tpu.memref_slice %arg3[%add3A_7] : memref<320000xi32, #tpu.memory_space<hbm>> -> memref<80xi32, #tpu.memory_space<hbm>>
    %dma_start3A_8 = tpu.memref_slice %arg3[%add3A_7] : memref<320000xi32, #tpu.memory_space<hbm>> -> memref<80xi32, #tpu.memory_space<hbm>>
    tpu.enqueue_dma source(%dma_start3A_8 : memref<80xi32, #tpu.memory_space<hbm>>) target(%arg6 : memref<80xi32, #tpu.memory_space<vmem>>) target_semaphore(%arg19 : memref<!tpu.dma_semaphore, #tpu.memory_space<semaphore_mem>>)
    %add3A_9 = arith.constant 0 : i32
    %add3A_10 = arith.addi %mul3A_2, %add3A_9 : i32
    %dma_start3A_11 = tpu.memref_slice %arg4[%add3A_10] : memref<320000xi32, #tpu.memory_space<hbm>> -> memref<80xi32, #tpu.memory_space<hbm>>
    %dma_start3A_12 = tpu.memref_slice %arg4[%add3A_10] : memref<320000xi32, #tpu.memory_space<hbm>> -> memref<80xi32, #tpu.memory_space<hbm>>
    tpu.enqueue_dma source(%dma_start3A_12 : memref<80xi32, #tpu.memory_space<hbm>>) target(%arg9 : memref<80xi32, #tpu.memory_space<vmem>>) target_semaphore(%arg19 : memref<!tpu.dma_semaphore, #tpu.memory_space<semaphore_mem>>)
    %scan3A = arith.constant 0 : i32
    %scan3A_13 = arith.constant 0 : i32
    %scan3A_14 = arith.constant 80 : i32
    %scan3A_15 = arith.addi %scan3A_13, %scan3A_14 : i32
    %scan3A_16 = arith.constant 1 : i32
    %scan3A_17 = scf.for %scan3A_142 = %scan3A_13 to %scan3A_15 step %scan3A_16 iter_args(%scan3A_143 = %scan3A) -> (i32)  : i32 {
      %swap3A = arith.index_cast %scan3A_142 : i32 to index
      %swap3A_144 = arith.constant 0 : index
      %swap3A_145 = tpu.vector_load %arg12[%swap3A, %swap3A_144] {strides = array<i32>} : memref<80x128xf32, #tpu.memory_space<vmem>>, vector<16xf32>,
      tpu.vector_store %arg12[%swap3A, %swap3A_144], %broadcast_in_dim3A_3 {strides = array<i32>} : memref<80x128xf32, #tpu.memory_space<vmem>>, vector<16xf32>,
      %swap3A_146 = arith.index_cast %scan3A_142 : i32 to index
      %swap3A_147 = arith.constant 16 : index
      %swap3A_148 = tpu.vector_load %arg12[%swap3A_146, %swap3A_147] {strides = array<i32>} : memref<80x128xf32, #tpu.memory_space<vmem>>, vector<16xf32>,
      tpu.vector_store %arg12[%swap3A_146, %swap3A_147], %broadcast_in_dim3A_3 {strides = array<i32>} : memref<80x128xf32, #tpu.memory_space<vmem>>, vector<16xf32>,
      %swap3A_149 = arith.index_cast %scan3A_142 : i32 to index
      %swap3A_150 = arith.constant 32 : index
      %swap3A_151 = tpu.vector_load %arg12[%swap3A_149, %swap3A_150] {strides = array<i32>} : memref<80x128xf32, #tpu.memory_space<vmem>>, vector<16xf32>,
      tpu.vector_store %arg12[%swap3A_149, %swap3A_150], %broadcast_in_dim3A_3 {strides = array<i32>} : memref<80x128xf32, #tpu.memory_space<vmem>>, vector<16xf32>,
      %swap3A_152 = arith.index_cast %scan3A_142 : i32 to index
      %swap3A_153 = arith.constant 48 : index
      %swap3A_154 = tpu.vector_load %arg12[%swap3A_152, %swap3A_153] {strides = array<i32>} : memref<80x128xf32, #tpu.memory_space<vmem>>, vector<16xf32>,
      tpu.vector_store %arg12[%swap3A_152, %swap3A_153], %broadcast_in_dim3A_3 {strides = array<i32>} : memref<80x128xf32, #tpu.memory_space<vmem>>, vector<16xf32>,
      %swap3A_155 = arith.index_cast %scan3A_142 : i32 to index
      %swap3A_156 = arith.constant 64 : index
      %swap3A_157 = tpu.vector_load %arg12[%swap3A_155, %swap3A_156] {strides = array<i32>} : memref<80x128xf32, #tpu.memory_space<vmem>>, vector<16xf32>,
      tpu.vector_store %arg12[%swap3A_155, %swap3A_156], %broadcast_in_dim3A_3 {strides = array<i32>} : memref<80x128xf32, #tpu.memory_space<vmem>>, vector<16xf32>,
      %swap3A_158 = arith.index_cast %scan3A_142 : i32 to index
      %swap3A_159 = arith.constant 80 : index
      %swap3A_160 = tpu.vector_load %arg12[%swap3A_158, %swap3A_159] {strides = array<i32>} : memref<80x128xf32, #tpu.memory_space<vmem>>, vector<16xf32>,
      tpu.vector_store %arg12[%swap3A_158, %swap3A_159], %broadcast_in_dim3A_3 {strides = array<i32>} : memref<80x128xf32, #tpu.memory_space<vmem>>, vector<16xf32>,
      %swap3A_161 = arith.index_cast %scan3A_142 : i32 to index
      %swap3A_162 = arith.constant 96 : index
      %swap3A_163 = tpu.vector_load %arg12[%swap3A_161, %swap3A_162] {strides = array<i32>} : memref<80x128xf32, #tpu.memory_space<vmem>>, vector<16xf32>,
      tpu.vector_store %arg12[%swap3A_161, %swap3A_162], %broadcast_in_dim3A_3 {strides = array<i32>} : memref<80x128xf32, #tpu.memory_space<vmem>>, vector<16xf32>,
      %swap3A_164 = arith.index_cast %scan3A_142 : i32 to index
      %swap3A_165 = arith.constant 112 : index
      %swap3A_166 = tpu.vector_load %arg12[%swap3A_164, %swap3A_165] {strides = array<i32>} : memref<80x128xf32, #tpu.memory_space<vmem>>, vector<16xf32>,
      tpu.vector_store %arg12[%swap3A_164, %swap3A_165], %broadcast_in_dim3A_3 {strides = array<i32>} : memref<80x128xf32, #tpu.memory_space<vmem>>, vector<16xf32>,
      %scan3A_167 = arith.constant 0 : i32
      scf.yield %scan3A_167 : i32
    }
    %scan3A_18 = arith.constant 80 : i32
    %mul3A_19 = arith.constant 640 : i32
    %mul3A_20 = arith.muli %arg1, %mul3A_19 : i32
    %add3A_21 = arith.constant 0 : i32
    %add3A_22 = arith.addi %mul3A_20, %add3A_21 : i32
    "tpu.region"() ({
      %run_scoped3A = tpu.sem_alloc : memref<!tpu.dma_semaphore, #tpu.memory_space<semaphore_mem>>
      %dma_start3A_142 = arith.constant 0 : i32
      %dma_start3A_143 = tpu.memref_slice %arg15[%add3A_22, %dma_start3A_142] : memref<10240x128xf32, #tpu.memory_space<vmem_shared>> -> memref<80x128xf32, #tpu.memory_space<vmem_shared>>
      %dma_start3A_144 = arith.constant 0 : i32
      %dma_start3A_145 = tpu.memref_slice %arg15[%add3A_22, %dma_start3A_144] : memref<10240x128xf32, #tpu.memory_space<vmem_shared>> -> memref<80x128xf32, #tpu.memory_space<vmem_shared>>
      tpu.enqueue_dma source(%arg12 : memref<80x128xf32, #tpu.memory_space<vmem>>) target(%dma_start3A_145 : memref<80x128xf32, #tpu.memory_space<vmem_shared>>) target_semaphore(%run_scoped3A : memref<!tpu.dma_semaphore, #tpu.memory_space<semaphore_mem>>)
      %dma_wait3A_146 = arith.constant 0 : i32
      %dma_wait3A_147 = tpu.memref_slice %arg15[%add3A_22, %dma_wait3A_146] : memref<10240x128xf32, #tpu.memory_space<vmem_shared>> -> memref<80x128xf32, #tpu.memory_space<vmem_shared>>
      %dma_wait3A_148 = arith.constant 0 : i32
      %dma_wait3A_149 = tpu.memref_slice %arg15[%add3A_22, %dma_wait3A_148] : memref<10240x128xf32, #tpu.memory_space<vmem_shared>> -> memref<80x128xf32, #tpu.memory_space<vmem_shared>>
      tpu.wait_dma2 semaphore(%run_scoped3A : memref<!tpu.dma_semaphore, #tpu.memory_space<semaphore_mem>>) src(%arg12 : memref<80x128xf32, #tpu.memory_space<vmem>>) dst(%dma_wait3A_149 : memref<80x128xf32, #tpu.memory_space<vmem_shared>>)
      tpu.yield
    }) : () -> ()
    %add3A_23 = arith.constant 80 : i32
    %add3A_24 = arith.addi %mul3A_20, %add3A_23 : i32
    "tpu.region"() ({
      %run_scoped3A = tpu.sem_alloc : memref<!tpu.dma_semaphore, #tpu.memory_space<semaphore_mem>>
      %dma_start3A_142 = arith.constant 0 : i32
      %dma_start3A_143 = tpu.memref_slice %arg15[%add3A_24, %dma_start3A_142] : memref<10240x128xf32, #tpu.memory_space<vmem_shared>> -> memref<80x128xf32, #tpu.memory_space<vmem_shared>>
      %dma_start3A_144 = arith.constant 0 : i32
      %dma_start3A_145 = tpu.memref_slice %arg15[%add3A_24, %dma_start3A_144] : memref<10240x128xf32, #tpu.memory_space<vmem_shared>> -> memref<80x128xf32, #tpu.memory_space<vmem_shared>>
      tpu.enqueue_dma source(%arg12 : memref<80x128xf32, #tpu.memory_space<vmem>>) target(%dma_start3A_145 : memref<80x128xf32, #tpu.memory_space<vmem_shared>>) target_semaphore(%run_scoped3A : memref<!tpu.dma_semaphore, #tpu.memory_space<semaphore_mem>>)
      %dma_wait3A_146 = arith.constant 0 : i32
      %dma_wait3A_147 = tpu.memref_slice %arg15[%add3A_24, %dma_wait3A_146] : memref<10240x128xf32, #tpu.memory_space<vmem_shared>> -> memref<80x128xf32, #tpu.memory_space<vmem_shared>>
      %dma_wait3A_148 = arith.constant 0 : i32
      %dma_wait3A_149 = tpu.memref_slice %arg15[%add3A_24, %dma_wait3A_148] : memref<10240x128xf32, #tpu.memory_space<vmem_shared>> -> memref<80x128xf32, #tpu.memory_space<vmem_shared>>
      tpu.wait_dma2 semaphore(%run_scoped3A : memref<!tpu.dma_semaphore, #tpu.memory_space<semaphore_mem>>) src(%arg12 : memref<80x128xf32, #tpu.memory_space<vmem>>) dst(%dma_wait3A_149 : memref<80x128xf32, #tpu.memory_space<vmem_shared>>)
      tpu.yield
    }) : () -> ()
    %add3A_25 = arith.constant 160 : i32
    %add3A_26 = arith.addi %mul3A_20, %add3A_25 : i32
    "tpu.region"() ({
      %run_scoped3A = tpu.sem_alloc : memref<!tpu.dma_semaphore, #tpu.memory_space<semaphore_mem>>
      %dma_start3A_142 = arith.constant 0 : i32
      %dma_start3A_143 = tpu.memref_slice %arg15[%add3A_26, %dma_start3A_142] : memref<10240x128xf32, #tpu.memory_space<vmem_shared>> -> memref<80x128xf32, #tpu.memory_space<vmem_shared>>
      %dma_start3A_144 = arith.constant 0 : i32
      %dma_start3A_145 = tpu.memref_slice %arg15[%add3A_26, %dma_start3A_144] : memref<10240x128xf32, #tpu.memory_space<vmem_shared>> -> memref<80x128xf32, #tpu.memory_space<vmem_shared>>
      tpu.enqueue_dma source(%arg12 : memref<80x128xf32, #tpu.memory_space<vmem>>) target(%dma_start3A_145 : memref<80x128xf32, #tpu.memory_space<vmem_shared>>) target_semaphore(%run_scoped3A : memref<!tpu.dma_semaphore, #tpu.memory_space<semaphore_mem>>)
      %dma_wait3A_146 = arith.constant 0 : i32
      %dma_wait3A_147 = tpu.memref_slice %arg15[%add3A_26, %dma_wait3A_146] : memref<10240x128xf32, #tpu.memory_space<vmem_shared>> -> memref<80x128xf32, #tpu.memory_space<vmem_shared>>
      %dma_wait3A_148 = arith.constant 0 : i32
      %dma_wait3A_149 = tpu.memref_slice %arg15[%add3A_26, %dma_wait3A_148] : memref<10240x128xf32, #tpu.memory_space<vmem_shared>> -> memref<80x128xf32, #tpu.memory_space<vmem_shared>>
      tpu.wait_dma2 semaphore(%run_scoped3A : memref<!tpu.dma_semaphore, #tpu.memory_space<semaphore_mem>>) src(%arg12 : memref<80x128xf32, #tpu.memory_space<vmem>>) dst(%dma_wait3A_149 : memref<80x128xf32, #tpu.memory_space<vmem_shared>>)
      tpu.yield
    }) : () -> ()
    %add3A_27 = arith.constant 240 : i32
    %add3A_28 = arith.addi %mul3A_20, %add3A_27 : i32
    "tpu.region"() ({
      %run_scoped3A = tpu.sem_alloc : memref<!tpu.dma_semaphore, #tpu.memory_space<semaphore_mem>>
      %dma_start3A_142 = arith.constant 0 : i32
      %dma_start3A_143 = tpu.memref_slice %arg15[%add3A_28, %dma_start3A_142] : memref<10240x128xf32, #tpu.memory_space<vmem_shared>> -> memref<80x128xf32, #tpu.memory_space<vmem_shared>>
      %dma_start3A_144 = arith.constant 0 : i32
      %dma_start3A_145 = tpu.memref_slice %arg15[%add3A_28, %dma_start3A_144] : memref<10240x128xf32, #tpu.memory_space<vmem_shared>> -> memref<80x128xf32, #tpu.memory_space<vmem_shared>>
      tpu.enqueue_dma source(%arg12 : memref<80x128xf32, #tpu.memory_space<vmem>>) target(%dma_start3A_145 : memref<80x128xf32, #tpu.memory_space<vmem_shared>>) target_semaphore(%run_scoped3A : memref<!tpu.dma_semaphore, #tpu.memory_space<semaphore_mem>>)
      %dma_wait3A_146 = arith.constant 0 : i32
      %dma_wait3A_147 = tpu.memref_slice %arg15[%add3A_28, %dma_wait3A_146] : memref<10240x128xf32, #tpu.memory_space<vmem_shared>> -> memref<80x128xf32, #tpu.memory_space<vmem_shared>>
      %dma_wait3A_148 = arith.constant 0 : i32
      %dma_wait3A_149 = tpu.memref_slice %arg15[%add3A_28, %dma_wait3A_148] : memref<10240x128xf32, #tpu.memory_space<vmem_shared>> -> memref<80x128xf32, #tpu.memory_space<vmem_shared>>
      tpu.wait_dma2 semaphore(%run_scoped3A : memref<!tpu.dma_semaphore, #tpu.memory_space<semaphore_mem>>) src(%arg12 : memref<80x128xf32, #tpu.memory_space<vmem>>) dst(%dma_wait3A_149 : memref<80x128xf32, #tpu.memory_space<vmem_shared>>)
      tpu.yield
    }) : () -> ()
    %add3A_29 = arith.constant 320 : i32
    %add3A_30 = arith.addi %mul3A_20, %add3A_29 : i32
    "tpu.region"() ({
      %run_scoped3A = tpu.sem_alloc : memref<!tpu.dma_semaphore, #tpu.memory_space<semaphore_mem>>
      %dma_start3A_142 = arith.constant 0 : i32
      %dma_start3A_143 = tpu.memref_slice %arg15[%add3A_30, %dma_start3A_142] : memref<10240x128xf32, #tpu.memory_space<vmem_shared>> -> memref<80x128xf32, #tpu.memory_space<vmem_shared>>
      %dma_start3A_144 = arith.constant 0 : i32
      %dma_start3A_145 = tpu.memref_slice %arg15[%add3A_30, %dma_start3A_144] : memref<10240x128xf32, #tpu.memory_space<vmem_shared>> -> memref<80x128xf32, #tpu.memory_space<vmem_shared>>
      tpu.enqueue_dma source(%arg12 : memref<80x128xf32, #tpu.memory_space<vmem>>) target(%dma_start3A_145 : memref<80x128xf32, #tpu.memory_space<vmem_shared>>) target_semaphore(%run_scoped3A : memref<!tpu.dma_semaphore, #tpu.memory_space<semaphore_mem>>)
      %dma_wait3A_146 = arith.constant 0 : i32
      %dma_wait3A_147 = tpu.memref_slice %arg15[%add3A_30, %dma_wait3A_146] : memref<10240x128xf32, #tpu.memory_space<vmem_shared>> -> memref<80x128xf32, #tpu.memory_space<vmem_shared>>
      %dma_wait3A_148 = arith.constant 0 : i32
      %dma_wait3A_149 = tpu.memref_slice %arg15[%add3A_30, %dma_wait3A_148] : memref<10240x128xf32, #tpu.memory_space<vmem_shared>> -> memref<80x128xf32, #tpu.memory_space<vmem_shared>>
      tpu.wait_dma2 semaphore(%run_scoped3A : memref<!tpu.dma_semaphore, #tpu.memory_space<semaphore_mem>>) src(%arg12 : memref<80x128xf32, #tpu.memory_space<vmem>>) dst(%dma_wait3A_149 : memref<80x128xf32, #tpu.memory_space<vmem_shared>>)
      tpu.yield
    }) : () -> ()
    %add3A_31 = arith.constant 400 : i32
    %add3A_32 = arith.addi %mul3A_20, %add3A_31 : i32
    "tpu.region"() ({
      %run_scoped3A = tpu.sem_alloc : memref<!tpu.dma_semaphore, #tpu.memory_space<semaphore_mem>>
      %dma_start3A_142 = arith.constant 0 : i32
      %dma_start3A_143 = tpu.memref_slice %arg15[%add3A_32, %dma_start3A_142] : memref<10240x128xf32, #tpu.memory_space<vmem_shared>> -> memref<80x128xf32, #tpu.memory_space<vmem_shared>>
      %dma_start3A_144 = arith.constant 0 : i32
      %dma_start3A_145 = tpu.memref_slice %arg15[%add3A_32, %dma_start3A_144] : memref<10240x128xf32, #tpu.memory_space<vmem_shared>> -> memref<80x128xf32, #tpu.memory_space<vmem_shared>>
      tpu.enqueue_dma source(%arg12 : memref<80x128xf32, #tpu.memory_space<vmem>>) target(%dma_start3A_145 : memref<80x128xf32, #tpu.memory_space<vmem_shared>>) target_semaphore(%run_scoped3A : memref<!tpu.dma_semaphore, #tpu.memory_space<semaphore_mem>>)
      %dma_wait3A_146 = arith.constant 0 : i32
      %dma_wait3A_147 = tpu.memref_slice %arg15[%add3A_32, %dma_wait3A_146] : memref<10240x128xf32, #tpu.memory_space<vmem_shared>> -> memref<80x128xf32, #tpu.memory_space<vmem_shared>>
      %dma_wait3A_148 = arith.constant 0 : i32
      %dma_wait3A_149 = tpu.memref_slice %arg15[%add3A_32, %dma_wait3A_148] : memref<10240x128xf32, #tpu.memory_space<vmem_shared>> -> memref<80x128xf32, #tpu.memory_space<vmem_shared>>
      tpu.wait_dma2 semaphore(%run_scoped3A : memref<!tpu.dma_semaphore, #tpu.memory_space<semaphore_mem>>) src(%arg12 : memref<80x128xf32, #tpu.memory_space<vmem>>) dst(%dma_wait3A_149 : memref<80x128xf32, #tpu.memory_space<vmem_shared>>)
      tpu.yield
    }) : () -> ()
    %add3A_33 = arith.constant 480 : i32
    %add3A_34 = arith.addi %mul3A_20, %add3A_33 : i32
    "tpu.region"() ({
      %run_scoped3A = tpu.sem_alloc : memref<!tpu.dma_semaphore, #tpu.memory_space<semaphore_mem>>
      %dma_start3A_142 = arith.constant 0 : i32
      %dma_start3A_143 = tpu.memref_slice %arg15[%add3A_34, %dma_start3A_142] : memref<10240x128xf32, #tpu.memory_space<vmem_shared>> -> memref<80x128xf32, #tpu.memory_space<vmem_shared>>
      %dma_start3A_144 = arith.constant 0 : i32
      %dma_start3A_145 = tpu.memref_slice %arg15[%add3A_34, %dma_start3A_144] : memref<10240x128xf32, #tpu.memory_space<vmem_shared>> -> memref<80x128xf32, #tpu.memory_space<vmem_shared>>
      tpu.enqueue_dma source(%arg12 : memref<80x128xf32, #tpu.memory_space<vmem>>) target(%dma_start3A_145 : memref<80x128xf32, #tpu.memory_space<vmem_shared>>) target_semaphore(%run_scoped3A : memref<!tpu.dma_semaphore, #tpu.memory_space<semaphore_mem>>)
      %dma_wait3A_146 = arith.constant 0 : i32
      %dma_wait3A_147 = tpu.memref_slice %arg15[%add3A_34, %dma_wait3A_146] : memref<10240x128xf32, #tpu.memory_space<vmem_shared>> -> memref<80x128xf32, #tpu.memory_space<vmem_shared>>
      %dma_wait3A_148 = arith.constant 0 : i32
      %dma_wait3A_149 = tpu.memref_slice %arg15[%add3A_34, %dma_wait3A_148] : memref<10240x128xf32, #tpu.memory_space<vmem_shared>> -> memref<80x128xf32, #tpu.memory_space<vmem_shared>>
      tpu.wait_dma2 semaphore(%run_scoped3A : memref<!tpu.dma_semaphore, #tpu.memory_space<semaphore_mem>>) src(%arg12 : memref<80x128xf32, #tpu.memory_space<vmem>>) dst(%dma_wait3A_149 : memref<80x128xf32, #tpu.memory_space<vmem_shared>>)
      tpu.yield
    }) : () -> ()
    %add3A_35 = arith.constant 560 : i32
    %add3A_36 = arith.addi %mul3A_20, %add3A_35 : i32
    "tpu.region"() ({
      %run_scoped3A = tpu.sem_alloc : memref<!tpu.dma_semaphore, #tpu.memory_space<semaphore_mem>>
      %dma_start3A_142 = arith.constant 0 : i32
      %dma_start3A_143 = tpu.memref_slice %arg15[%add3A_36, %dma_start3A_142] : memref<10240x128xf32, #tpu.memory_space<vmem_shared>> -> memref<80x128xf32, #tpu.memory_space<vmem_shared>>
      %dma_start3A_144 = arith.constant 0 : i32
      %dma_start3A_145 = tpu.memref_slice %arg15[%add3A_36, %dma_start3A_144] : memref<10240x128xf32, #tpu.memory_space<vmem_shared>> -> memref<80x128xf32, #tpu.memory_space<vmem_shared>>
      tpu.enqueue_dma source(%arg12 : memref<80x128xf32, #tpu.memory_space<vmem>>) target(%dma_start3A_145 : memref<80x128xf32, #tpu.memory_space<vmem_shared>>) target_semaphore(%run_scoped3A : memref<!tpu.dma_semaphore, #tpu.memory_space<semaphore_mem>>)
      %dma_wait3A_146 = arith.constant 0 : i32
      %dma_wait3A_147 = tpu.memref_slice %arg15[%add3A_36, %dma_wait3A_146] : memref<10240x128xf32, #tpu.memory_space<vmem_shared>> -> memref<80x128xf32, #tpu.memory_space<vmem_shared>>
      %dma_wait3A_148 = arith.constant 0 : i32
      %dma_wait3A_149 = tpu.memref_slice %arg15[%add3A_36, %dma_wait3A_148] : memref<10240x128xf32, #tpu.memory_space<vmem_shared>> -> memref<80x128xf32, #tpu.memory_space<vmem_shared>>
      tpu.wait_dma2 semaphore(%run_scoped3A : memref<!tpu.dma_semaphore, #tpu.memory_space<semaphore_mem>>) src(%arg12 : memref<80x128xf32, #tpu.memory_space<vmem>>) dst(%dma_wait3A_149 : memref<80x128xf32, #tpu.memory_space<vmem_shared>>)
      tpu.yield
    }) : () -> ()
    %barrier3A = arith.constant 0 : index
    tpu.barrier barrier_id(%barrier3A)
    %dma_wait3A = tpu.memref_slice %arg3[%mul3A_2] : memref<320000xi32, #tpu.memory_space<hbm>> -> memref<80xi32, #tpu.memory_space<hbm>>
    %dma_wait3A_37 = tpu.memref_slice %arg3[%mul3A_2] : memref<320000xi32, #tpu.memory_space<hbm>> -> memref<80xi32, #tpu.memory_space<hbm>>
    tpu.wait_dma2 semaphore(%arg19 : memref<!tpu.dma_semaphore, #tpu.memory_space<semaphore_mem>>) src(%dma_wait3A_37 : memref<80xi32, #tpu.memory_space<hbm>>) dst(%arg6 : memref<80xi32, #tpu.memory_space<vmem>>)
    %dma_wait3A_38 = tpu.memref_slice %arg4[%mul3A_2] : memref<320000xi32, #tpu.memory_space<hbm>> -> memref<80xi32, #tpu.memory_space<hbm>>
    %dma_wait3A_39 = tpu.memref_slice %arg4[%mul3A_2] : memref<320000xi32, #tpu.memory_space<hbm>> -> memref<80xi32, #tpu.memory_space<hbm>>
    tpu.wait_dma2 semaphore(%arg19 : memref<!tpu.dma_semaphore, #tpu.memory_space<semaphore_mem>>) src(%dma_wait3A_39 : memref<80xi32, #tpu.memory_space<hbm>>) dst(%arg9 : memref<80xi32, #tpu.memory_space<vmem>>)
    %dma_start3A_40 = arith.constant 0 : i32
    %dma_start3A_41 = arith.constant 0 : i32
    %dma_start3A_42 = tpu.memref_slice %arg2[%dma_start3A_40, %dma_start3A_41] : memref<10000x128xf32, #tpu.memory_space<hbm>> -> memref<10000x128xf32, #tpu.memory_space<hbm>>
    tpu.enqueue_indirect_dma source(%dma_start3A_42 : memref<10000x128xf32, #tpu.memory_space<hbm>>) target(%arg12 : memref<80x128xf32, #tpu.memory_space<vmem>>) offsets(%arg6 : memref<80xi32, #tpu.memory_space<vmem>>) semaphore(%arg16 : memref<!tpu.dma_semaphore, #tpu.memory_space<semaphore_mem>>)
    %add3A_43 = arith.constant 80 : i32
    %add3A_44 = arith.addi %mul3A_2, %add3A_43 : i32
    %dma_start3A_45 = tpu.memref_slice %arg3[%add3A_44] : memref<320000xi32, #tpu.memory_space<hbm>> -> memref<80xi32, #tpu.memory_space<hbm>>
    %dma_start3A_46 = tpu.memref_slice %arg3[%add3A_44] : memref<320000xi32, #tpu.memory_space<hbm>> -> memref<80xi32, #tpu.memory_space<hbm>>
    tpu.enqueue_dma source(%dma_start3A_46 : memref<80xi32, #tpu.memory_space<hbm>>) target(%arg7 : memref<80xi32, #tpu.memory_space<vmem>>) target_semaphore(%arg20 : memref<!tpu.dma_semaphore, #tpu.memory_space<semaphore_mem>>)
    %add3A_47 = arith.constant 80 : i32
    %add3A_48 = arith.addi %mul3A_2, %add3A_47 : i32
    %dma_start3A_49 = tpu.memref_slice %arg4[%add3A_48] : memref<320000xi32, #tpu.memory_space<hbm>> -> memref<80xi32, #tpu.memory_space<hbm>>
    %dma_start3A_50 = tpu.memref_slice %arg4[%add3A_48] : memref<320000xi32, #tpu.memory_space<hbm>> -> memref<80xi32, #tpu.memory_space<hbm>>
    tpu.enqueue_dma source(%dma_start3A_50 : memref<80xi32, #tpu.memory_space<hbm>>) target(%arg10 : memref<80xi32, #tpu.memory_space<vmem>>) target_semaphore(%arg20 : memref<!tpu.dma_semaphore, #tpu.memory_space<semaphore_mem>>)
    %dma_wait3A_51 = tpu.memref_slice %arg3[%mul3A_2] : memref<320000xi32, #tpu.memory_space<hbm>> -> memref<80xi32, #tpu.memory_space<hbm>>
    %dma_wait3A_52 = tpu.memref_slice %arg3[%mul3A_2] : memref<320000xi32, #tpu.memory_space<hbm>> -> memref<80xi32, #tpu.memory_space<hbm>>
    tpu.wait_dma2 semaphore(%arg20 : memref<!tpu.dma_semaphore, #tpu.memory_space<semaphore_mem>>) src(%dma_wait3A_52 : memref<80xi32, #tpu.memory_space<hbm>>) dst(%arg7 : memref<80xi32, #tpu.memory_space<vmem>>)
    %dma_wait3A_53 = tpu.memref_slice %arg4[%mul3A_2] : memref<320000xi32, #tpu.memory_space<hbm>> -> memref<80xi32, #tpu.memory_space<hbm>>
    %dma_wait3A_54 = tpu.memref_slice %arg4[%mul3A_2] : memref<320000xi32, #tpu.memory_space<hbm>> -> memref<80xi32, #tpu.memory_space<hbm>>
    tpu.wait_dma2 semaphore(%arg20 : memref<!tpu.dma_semaphore, #tpu.memory_space<semaphore_mem>>) src(%dma_wait3A_54 : memref<80xi32, #tpu.memory_space<hbm>>) dst(%arg10 : memref<80xi32, #tpu.memory_space<vmem>>)
    %dma_start3A_55 = arith.constant 0 : i32
    %dma_start3A_56 = arith.constant 0 : i32
    %dma_start3A_57 = tpu.memref_slice %arg2[%dma_start3A_55, %dma_start3A_56] : memref<10000x128xf32, #tpu.memory_space<hbm>> -> memref<10000x128xf32, #tpu.memory_space<hbm>>
    tpu.enqueue_indirect_dma source(%dma_start3A_57 : memref<10000x128xf32, #tpu.memory_space<hbm>>) target(%arg13 : memref<80x128xf32, #tpu.memory_space<vmem>>) offsets(%arg7 : memref<80xi32, #tpu.memory_space<vmem>>) semaphore(%arg17 : memref<!tpu.dma_semaphore, #tpu.memory_space<semaphore_mem>>)
    %add3A_58 = arith.constant 160 : i32
    %add3A_59 = arith.addi %mul3A_2, %add3A_58 : i32
    %dma_start3A_60 = tpu.memref_slice %arg3[%add3A_59] : memref<320000xi32, #tpu.memory_space<hbm>> -> memref<80xi32, #tpu.memory_space<hbm>>
    %dma_start3A_61 = tpu.memref_slice %arg3[%add3A_59] : memref<320000xi32, #tpu.memory_space<hbm>> -> memref<80xi32, #tpu.memory_space<hbm>>
    tpu.enqueue_dma source(%dma_start3A_61 : memref<80xi32, #tpu.memory_space<hbm>>) target(%arg8 : memref<80xi32, #tpu.memory_space<vmem>>) target_semaphore(%arg21 : memref<!tpu.dma_semaphore, #tpu.memory_space<semaphore_mem>>)
    %add3A_62 = arith.constant 160 : i32
    %add3A_63 = arith.addi %mul3A_2, %add3A_62 : i32
    %dma_start3A_64 = tpu.memref_slice %arg4[%add3A_63] : memref<320000xi32, #tpu.memory_space<hbm>> -> memref<80xi32, #tpu.memory_space<hbm>>
    %dma_start3A_65 = tpu.memref_slice %arg4[%add3A_63] : memref<320000xi32, #tpu.memory_space<hbm>> -> memref<80xi32, #tpu.memory_space<hbm>>
    tpu.enqueue_dma source(%dma_start3A_65 : memref<80xi32, #tpu.memory_space<hbm>>) target(%arg11 : memref<80xi32, #tpu.memory_space<vmem>>) target_semaphore(%arg21 : memref<!tpu.dma_semaphore, #tpu.memory_space<semaphore_mem>>)
    %scan3A_66 = arith.constant 0 : i32
    %scan3A_67 = arith.constant 0 : i32
    %scan3A_68 = arith.constant 40 : i32
    %scan3A_69 = arith.addi %scan3A_67, %scan3A_68 : i32
    %scan3A_70 = arith.constant 1 : i32
    %scan3A_71 = scf.for %scan3A_142 = %scan3A_67 to %scan3A_69 step %scan3A_70 iter_args(%scan3A_143 = %scan3A_66) -> (i32)  : i32 {
      %mul3A_144 = arith.constant 3 : i32
      %mul3A_145 = arith.muli %scan3A_142, %mul3A_144 : i32
      %dma_wait3A_146 = tpu.memref_slice %arg3[%mul3A_2] : memref<320000xi32, #tpu.memory_space<hbm>> -> memref<80xi32, #tpu.memory_space<hbm>>
      %dma_wait3A_147 = tpu.memref_slice %arg3[%mul3A_2] : memref<320000xi32, #tpu.memory_space<hbm>> -> memref<80xi32, #tpu.memory_space<hbm>>
      tpu.wait_dma2 semaphore(%arg21 : memref<!tpu.dma_semaphore, #tpu.memory_space<semaphore_mem>>) src(%dma_wait3A_147 : memref<80xi32, #tpu.memory_space<hbm>>) dst(%arg8 : memref<80xi32, #tpu.memory_space<vmem>>)
      %dma_wait3A_148 = tpu.memref_slice %arg4[%mul3A_2] : memref<320000xi32, #tpu.memory_space<hbm>> -> memref<80xi32, #tpu.memory_space<hbm>>
      %dma_wait3A_149 = tpu.memref_slice %arg4[%mul3A_2] : memref<320000xi32, #tpu.memory_space<hbm>> -> memref<80xi32, #tpu.memory_space<hbm>>
      tpu.wait_dma2 semaphore(%arg21 : memref<!tpu.dma_semaphore, #tpu.memory_space<semaphore_mem>>) src(%dma_wait3A_149 : memref<80xi32, #tpu.memory_space<hbm>>) dst(%arg11 : memref<80xi32, #tpu.memory_space<vmem>>)
      %dma_start3A_150 = arith.constant 0 : i32
      %dma_start3A_151 = arith.constant 0 : i32
      %dma_start3A_152 = tpu.memref_slice %arg2[%dma_start3A_150, %dma_start3A_151] : memref<10000x128xf32, #tpu.memory_space<hbm>> -> memref<10000x128xf32, #tpu.memory_space<hbm>>
      tpu.enqueue_indirect_dma source(%dma_start3A_152 : memref<10000x128xf32, #tpu.memory_space<hbm>>) target(%arg14 : memref<80x128xf32, #tpu.memory_space<vmem>>) offsets(%arg8 : memref<80xi32, #tpu.memory_space<vmem>>) semaphore(%arg18 : memref<!tpu.dma_semaphore, #tpu.memory_space<semaphore_mem>>)
      %dma_wait3A_153 = arith.constant 0 : i32
      %dma_wait3A_154 = arith.constant 0 : i32
      %dma_wait3A_155 = tpu.memref_slice %arg2[%dma_wait3A_153, %dma_wait3A_154] : memref<10000x128xf32, #tpu.memory_space<hbm>> -> memref<10000x128xf32, #tpu.memory_space<hbm>>
      tpu.wait_indirect_dma semaphore(%arg16 : memref<!tpu.dma_semaphore, #tpu.memory_space<semaphore_mem>>) src(%dma_wait3A_155 : memref<10000x128xf32, #tpu.memory_space<hbm>>) dst(%arg12 : memref<80x128xf32, #tpu.memory_space<vmem>>)
      "tpu.region"() ({
        %run_scoped3A = tpu.sem_alloc : memref<!tpu.dma_semaphore, #tpu.memory_space<semaphore_mem>>
        %dma_start3A_217 = arith.constant 0 : i32
        %dma_start3A_218 = arith.constant 0 : i32
        %dma_start3A_219 = tpu.memref_slice %arg15[%dma_start3A_217, %dma_start3A_218] : memref<10240x128xf32, #tpu.memory_space<vmem_shared>> -> memref<10240x128xf32, #tpu.memory_space<vmem_shared>>
        tpu.enqueue_indirect_dma source(%arg12 : memref<80x128xf32, #tpu.memory_space<vmem>>) target(%dma_start3A_219 : memref<10240x128xf32, #tpu.memory_space<vmem_shared>>) offsets(%arg9 : memref<80xi32, #tpu.memory_space<vmem>>) semaphore(%run_scoped3A : memref<!tpu.dma_semaphore, #tpu.memory_space<semaphore_mem>>) {add = true}
        %dma_wait3A_220 = arith.constant 0 : i32
        %dma_wait3A_221 = arith.constant 0 : i32
        %dma_wait3A_222 = tpu.memref_slice %arg15[%dma_wait3A_220, %dma_wait3A_221] : memref<10240x128xf32, #tpu.memory_space<vmem_shared>> -> memref<10240x128xf32, #tpu.memory_space<vmem_shared>>
        tpu.wait_indirect_dma semaphore(%run_scoped3A : memref<!tpu.dma_semaphore, #tpu.memory_space<semaphore_mem>>) src(%arg12 : memref<80x128xf32, #tpu.memory_space<vmem>>) dst(%dma_wait3A_222 : memref<10240x128xf32, #tpu.memory_space<vmem_shared>>)
        tpu.yield
      }) : () -> ()
      %add3A_156 = arith.constant 3 : i32
      %add3A_157 = arith.addi %mul3A_145, %add3A_156 : i32
      %mul3A_158 = arith.constant 80 : i32
      %mul3A_159 = arith.muli %add3A_157, %mul3A_158 : i32
      %add3A_160 = arith.addi %mul3A_2, %mul3A_159 : i32
      %dma_start3A_161 = tpu.memref_slice %arg3[%add3A_160] : memref<320000xi32, #tpu.memory_space<hbm>> -> memref<80xi32, #tpu.memory_space<hbm>>
      %dma_start3A_162 = tpu.memref_slice %arg3[%add3A_160] : memref<320000xi32, #tpu.memory_space<hbm>> -> memref<80xi32, #tpu.memory_space<hbm>>
      tpu.enqueue_dma source(%dma_start3A_162 : memref<80xi32, #tpu.memory_space<hbm>>) target(%arg6 : memref<80xi32, #tpu.memory_space<vmem>>) target_semaphore(%arg19 : memref<!tpu.dma_semaphore, #tpu.memory_space<semaphore_mem>>)
      %mul3A_163 = arith.constant 80 : i32
      %mul3A_164 = arith.muli %add3A_157, %mul3A_163 : i32
      %add3A_165 = arith.addi %mul3A_2, %mul3A_164 : i32
      %dma_start3A_166 = tpu.memref_slice %arg4[%add3A_165] : memref<320000xi32, #tpu.memory_space<hbm>> -> memref<80xi32, #tpu.memory_space<hbm>>
      %dma_start3A_167 = tpu.memref_slice %arg4[%add3A_165] : memref<320000xi32, #tpu.memory_space<hbm>> -> memref<80xi32, #tpu.memory_space<hbm>>
      tpu.enqueue_dma source(%dma_start3A_167 : memref<80xi32, #tpu.memory_space<hbm>>) target(%arg9 : memref<80xi32, #tpu.memory_space<vmem>>) target_semaphore(%arg19 : memref<!tpu.dma_semaphore, #tpu.memory_space<semaphore_mem>>)
      %add3A_168 = arith.constant 1 : i32
      %add3A_169 = arith.addi %mul3A_145, %add3A_168 : i32
      %dma_wait3A_170 = tpu.memref_slice %arg3[%mul3A_2] : memref<320000xi32, #tpu.memory_space<hbm>> -> memref<80xi32, #tpu.memory_space<hbm>>
      %dma_wait3A_171 = tpu.memref_slice %arg3[%mul3A_2] : memref<320000xi32, #tpu.memory_space<hbm>> -> memref<80xi32, #tpu.memory_space<hbm>>
      tpu.wait_dma2 semaphore(%arg19 : memref<!tpu.dma_semaphore, #tpu.memory_space<semaphore_mem>>) src(%dma_wait3A_171 : memref<80xi32, #tpu.memory_space<hbm>>) dst(%arg6 : memref<80xi32, #tpu.memory_space<vmem>>)
      %dma_wait3A_172 = tpu.memref_slice %arg4[%mul3A_2] : memref<320000xi32, #tpu.memory_space<hbm>> -> memref<80xi32, #tpu.memory_space<hbm>>
      %dma_wait3A_173 = tpu.memref_slice %arg4[%mul3A_2] : memref<320000xi32, #tpu.memory_space<hbm>> -> memref<80xi32, #tpu.memory_space<hbm>>
      tpu.wait_dma2 semaphore(%arg19 : memref<!tpu.dma_semaphore, #tpu.memory_space<semaphore_mem>>) src(%dma_wait3A_173 : memref<80xi32, #tpu.memory_space<hbm>>) dst(%arg9 : memref<80xi32, #tpu.memory_space<vmem>>)
      %dma_start3A_174 = arith.constant 0 : i32
      %dma_start3A_175 = arith.constant 0 : i32
      %dma_start3A_176 = tpu.memref_slice %arg2[%dma_start3A_174, %dma_start3A_175] : memref<10000x128xf32, #tpu.memory_space<hbm>> -> memref<10000x128xf32, #tpu.memory_space<hbm>>
      tpu.enqueue_indirect_dma source(%dma_start3A_176 : memref<10000x128xf32, #tpu.memory_space<hbm>>) target(%arg12 : memref<80x128xf32, #tpu.memory_space<vmem>>) offsets(%arg6 : memref<80xi32, #tpu.memory_space<vmem>>) semaphore(%arg16 : memref<!tpu.dma_semaphore, #tpu.memory_space<semaphore_mem>>)
      %dma_wait3A_177 = arith.constant 0 : i32
      %dma_wait3A_178 = arith.constant 0 : i32
      %dma_wait3A_179 = tpu.memref_slice %arg2[%dma_wait3A_177, %dma_wait3A_178] : memref<10000x128xf32, #tpu.memory_space<hbm>> -> memref<10000x128xf32, #tpu.memory_space<hbm>>
      tpu.wait_indirect_dma semaphore(%arg17 : memref<!tpu.dma_semaphore, #tpu.memory_space<semaphore_mem>>) src(%dma_wait3A_179 : memref<10000x128xf32, #tpu.memory_space<hbm>>) dst(%arg13 : memref<80x128xf32, #tpu.memory_space<vmem>>)
      "tpu.region"() ({
        %run_scoped3A = tpu.sem_alloc : memref<!tpu.dma_semaphore, #tpu.memory_space<semaphore_mem>>
        %dma_start3A_217 = arith.constant 0 : i32
        %dma_start3A_218 = arith.constant 0 : i32
        %dma_start3A_219 = tpu.memref_slice %arg15[%dma_start3A_217, %dma_start3A_218] : memref<10240x128xf32, #tpu.memory_space<vmem_shared>> -> memref<10240x128xf32, #tpu.memory_space<vmem_shared>>
        tpu.enqueue_indirect_dma source(%arg13 : memref<80x128xf32, #tpu.memory_space<vmem>>) target(%dma_start3A_219 : memref<10240x128xf32, #tpu.memory_space<vmem_shared>>) offsets(%arg10 : memref<80xi32, #tpu.memory_space<vmem>>) semaphore(%run_scoped3A : memref<!tpu.dma_semaphore, #tpu.memory_space<semaphore_mem>>) {add = true}
        %dma_wait3A_220 = arith.constant 0 : i32
        %dma_wait3A_221 = arith.constant 0 : i32
        %dma_wait3A_222 = tpu.memref_slice %arg15[%dma_wait3A_220, %dma_wait3A_221] : memref<10240x128xf32, #tpu.memory_space<vmem_shared>> -> memref<10240x128xf32, #tpu.memory_space<vmem_shared>>
        tpu.wait_indirect_dma semaphore(%run_scoped3A : memref<!tpu.dma_semaphore, #tpu.memory_space<semaphore_mem>>) src(%arg13 : memref<80x128xf32, #tpu.memory_space<vmem>>) dst(%dma_wait3A_222 : memref<10240x128xf32, #tpu.memory_space<vmem_shared>>)
        tpu.yield
      }) : () -> ()
      %add3A_180 = arith.constant 3 : i32
      %add3A_181 = arith.addi %add3A_169, %add3A_180 : i32
      %mul3A_182 = arith.constant 80 : i32
      %mul3A_183 = arith.muli %add3A_181, %mul3A_182 : i32
      %add3A_184 = arith.addi %mul3A_2, %mul3A_183 : i32
      %dma_start3A_185 = tpu.memref_slice %arg3[%add3A_184] : memref<320000xi32, #tpu.memory_space<hbm>> -> memref<80xi32, #tpu.memory_space<hbm>>
      %dma_start3A_186 = tpu.memref_slice %arg3[%add3A_184] : memref<320000xi32, #tpu.memory_space<hbm>> -> memref<80xi32, #tpu.memory_space<hbm>>
      tpu.enqueue_dma source(%dma_start3A_186 : memref<80xi32, #tpu.memory_space<hbm>>) target(%arg7 : memref<80xi32, #tpu.memory_space<vmem>>) target_semaphore(%arg20 : memref<!tpu.dma_semaphore, #tpu.memory_space<semaphore_mem>>)
      %mul3A_187 = arith.constant 80 : i32
      %mul3A_188 = arith.muli %add3A_181, %mul3A_187 : i32
      %add3A_189 = arith.addi %mul3A_2, %mul3A_188 : i32
      %dma_start3A_190 = tpu.memref_slice %arg4[%add3A_189] : memref<320000xi32, #tpu.memory_space<hbm>> -> memref<80xi32, #tpu.memory_space<hbm>>
      %dma_start3A_191 = tpu.memref_slice %arg4[%add3A_189] : memref<320000xi32, #tpu.memory_space<hbm>> -> memref<80xi32, #tpu.memory_space<hbm>>
      tpu.enqueue_dma source(%dma_start3A_191 : memref<80xi32, #tpu.memory_space<hbm>>) target(%arg10 : memref<80xi32, #tpu.memory_space<vmem>>) target_semaphore(%arg20 : memref<!tpu.dma_semaphore, #tpu.memory_space<semaphore_mem>>)
      %add3A_192 = arith.constant 2 : i32
      %add3A_193 = arith.addi %mul3A_145, %add3A_192 : i32
      %dma_wait3A_194 = tpu.memref_slice %arg3[%mul3A_2] : memref<320000xi32, #tpu.memory_space<hbm>> -> memref<80xi32, #tpu.memory_space<hbm>>
      %dma_wait3A_195 = tpu.memref_slice %arg3[%mul3A_2] : memref<320000xi32, #tpu.memory_space<hbm>> -> memref<80xi32, #tpu.memory_space<hbm>>
      tpu.wait_dma2 semaphore(%arg20 : memref<!tpu.dma_semaphore, #tpu.memory_space<semaphore_mem>>) src(%dma_wait3A_195 : memref<80xi32, #tpu.memory_space<hbm>>) dst(%arg7 : memref<80xi32, #tpu.memory_space<vmem>>)
      %dma_wait3A_196 = tpu.memref_slice %arg4[%mul3A_2] : memref<320000xi32, #tpu.memory_space<hbm>> -> memref<80xi32, #tpu.memory_space<hbm>>
      %dma_wait3A_197 = tpu.memref_slice %arg4[%mul3A_2] : memref<320000xi32, #tpu.memory_space<hbm>> -> memref<80xi32, #tpu.memory_space<hbm>>
      tpu.wait_dma2 semaphore(%arg20 : memref<!tpu.dma_semaphore, #tpu.memory_space<semaphore_mem>>) src(%dma_wait3A_197 : memref<80xi32, #tpu.memory_space<hbm>>) dst(%arg10 : memref<80xi32, #tpu.memory_space<vmem>>)
      %dma_start3A_198 = arith.constant 0 : i32
      %dma_start3A_199 = arith.constant 0 : i32
      %dma_start3A_200 = tpu.memref_slice %arg2[%dma_start3A_198, %dma_start3A_199] : memref<10000x128xf32, #tpu.memory_space<hbm>> -> memref<10000x128xf32, #tpu.memory_space<hbm>>
      tpu.enqueue_indirect_dma source(%dma_start3A_200 : memref<10000x128xf32, #tpu.memory_space<hbm>>) target(%arg13 : memref<80x128xf32, #tpu.memory_space<vmem>>) offsets(%arg7 : memref<80xi32, #tpu.memory_space<vmem>>) semaphore(%arg17 : memref<!tpu.dma_semaphore, #tpu.memory_space<semaphore_mem>>)
      %dma_wait3A_201 = arith.constant 0 : i32
      %dma_wait3A_202 = arith.constant 0 : i32
      %dma_wait3A_203 = tpu.memref_slice %arg2[%dma_wait3A_201, %dma_wait3A_202] : memref<10000x128xf32, #tpu.memory_space<hbm>> -> memref<10000x128xf32, #tpu.memory_space<hbm>>
      tpu.wait_indirect_dma semaphore(%arg18 : memref<!tpu.dma_semaphore, #tpu.memory_space<semaphore_mem>>) src(%dma_wait3A_203 : memref<10000x128xf32, #tpu.memory_space<hbm>>) dst(%arg14 : memref<80x128xf32, #tpu.memory_space<vmem>>)
      "tpu.region"() ({
        %run_scoped3A = tpu.sem_alloc : memref<!tpu.dma_semaphore, #tpu.memory_space<semaphore_mem>>
        %dma_start3A_217 = arith.constant 0 : i32
        %dma_start3A_218 = arith.constant 0 : i32
        %dma_start3A_219 = tpu.memref_slice %arg15[%dma_start3A_217, %dma_start3A_218] : memref<10240x128xf32, #tpu.memory_space<vmem_shared>> -> memref<10240x128xf32, #tpu.memory_space<vmem_shared>>
        tpu.enqueue_indirect_dma source(%arg14 : memref<80x128xf32, #tpu.memory_space<vmem>>) target(%dma_start3A_219 : memref<10240x128xf32, #tpu.memory_space<vmem_shared>>) offsets(%arg11 : memref<80xi32, #tpu.memory_space<vmem>>) semaphore(%run_scoped3A : memref<!tpu.dma_semaphore, #tpu.memory_space<semaphore_mem>>) {add = true}
        %dma_wait3A_220 = arith.constant 0 : i32
        %dma_wait3A_221 = arith.constant 0 : i32
        %dma_wait3A_222 = tpu.memref_slice %arg15[%dma_wait3A_220, %dma_wait3A_221] : memref<10240x128xf32, #tpu.memory_space<vmem_shared>> -> memref<10240x128xf32, #tpu.memory_space<vmem_shared>>
        tpu.wait_indirect_dma semaphore(%run_scoped3A : memref<!tpu.dma_semaphore, #tpu.memory_space<semaphore_mem>>) src(%arg14 : memref<80x128xf32, #tpu.memory_space<vmem>>) dst(%dma_wait3A_222 : memref<10240x128xf32, #tpu.memory_space<vmem_shared>>)
        tpu.yield
      }) : () -> ()
      %add3A_204 = arith.constant 3 : i32
      %add3A_205 = arith.addi %add3A_193, %add3A_204 : i32
      %mul3A_206 = arith.constant 80 : i32
      %mul3A_207 = arith.muli %add3A_205, %mul3A_206 : i32
      %add3A_208 = arith.addi %mul3A_2, %mul3A_207 : i32
      %dma_start3A_209 = tpu.memref_slice %arg3[%add3A_208] : memref<320000xi32, #tpu.memory_space<hbm>> -> memref<80xi32, #tpu.memory_space<hbm>>
      %dma_start3A_210 = tpu.memref_slice %arg3[%add3A_208] : memref<320000xi32, #tpu.memory_space<hbm>> -> memref<80xi32, #tpu.memory_space<hbm>>
      tpu.enqueue_dma source(%dma_start3A_210 : memref<80xi32, #tpu.memory_space<hbm>>) target(%arg8 : memref<80xi32, #tpu.memory_space<vmem>>) target_semaphore(%arg21 : memref<!tpu.dma_semaphore, #tpu.memory_space<semaphore_mem>>)
      %mul3A_211 = arith.constant 80 : i32
      %mul3A_212 = arith.muli %add3A_205, %mul3A_211 : i32
      %add3A_213 = arith.addi %mul3A_2, %mul3A_212 : i32
      %dma_start3A_214 = tpu.memref_slice %arg4[%add3A_213] : memref<320000xi32, #tpu.memory_space<hbm>> -> memref<80xi32, #tpu.memory_space<hbm>>
      %dma_start3A_215 = tpu.memref_slice %arg4[%add3A_213] : memref<320000xi32, #tpu.memory_space<hbm>> -> memref<80xi32, #tpu.memory_space<hbm>>
      tpu.enqueue_dma source(%dma_start3A_215 : memref<80xi32, #tpu.memory_space<hbm>>) target(%arg11 : memref<80xi32, #tpu.memory_space<vmem>>) target_semaphore(%arg21 : memref<!tpu.dma_semaphore, #tpu.memory_space<semaphore_mem>>)
      %scan3A_216 = arith.constant 0 : i32
      scf.yield %scan3A_216 : i32
    }
    %scan3A_72 = arith.constant 40 : i32
    %dma_wait3A_73 = tpu.memref_slice %arg3[%mul3A_2] : memref<320000xi32, #tpu.memory_space<hbm>> -> memref<80xi32, #tpu.memory_space<hbm>>
    %dma_wait3A_74 = tpu.memref_slice %arg3[%mul3A_2] : memref<320000xi32, #tpu.memory_space<hbm>> -> memref<80xi32, #tpu.memory_space<hbm>>
    tpu.wait_dma2 semaphore(%arg21 : memref<!tpu.dma_semaphore, #tpu.memory_space<semaphore_mem>>) src(%dma_wait3A_74 : memref<80xi32, #tpu.memory_space<hbm>>) dst(%arg8 : memref<80xi32, #tpu.memory_space<vmem>>)
    %dma_wait3A_75 = tpu.memref_slice %arg4[%mul3A_2] : memref<320000xi32, #tpu.memory_space<hbm>> -> memref<80xi32, #tpu.memory_space<hbm>>
    %dma_wait3A_76 = tpu.memref_slice %arg4[%mul3A_2] : memref<320000xi32, #tpu.memory_space<hbm>> -> memref<80xi32, #tpu.memory_space<hbm>>
    tpu.wait_dma2 semaphore(%arg21 : memref<!tpu.dma_semaphore, #tpu.memory_space<semaphore_mem>>) src(%dma_wait3A_76 : memref<80xi32, #tpu.memory_space<hbm>>) dst(%arg11 : memref<80xi32, #tpu.memory_space<vmem>>)
    %dma_start3A_77 = arith.constant 0 : i32
    %dma_start3A_78 = arith.constant 0 : i32
    %dma_start3A_79 = tpu.memref_slice %arg2[%dma_start3A_77, %dma_start3A_78] : memref<10000x128xf32, #tpu.memory_space<hbm>> -> memref<10000x128xf32, #tpu.memory_space<hbm>>
    tpu.enqueue_indirect_dma source(%dma_start3A_79 : memref<10000x128xf32, #tpu.memory_space<hbm>>) target(%arg14 : memref<80x128xf32, #tpu.memory_space<vmem>>) offsets(%arg8 : memref<80xi32, #tpu.memory_space<vmem>>) semaphore(%arg18 : memref<!tpu.dma_semaphore, #tpu.memory_space<semaphore_mem>>)
    %dma_wait3A_80 = arith.constant 0 : i32
    %dma_wait3A_81 = arith.constant 0 : i32
    %dma_wait3A_82 = tpu.memref_slice %arg2[%dma_wait3A_80, %dma_wait3A_81] : memref<10000x128xf32, #tpu.memory_space<hbm>> -> memref<10000x128xf32, #tpu.memory_space<hbm>>
    tpu.wait_indirect_dma semaphore(%arg16 : memref<!tpu.dma_semaphore, #tpu.memory_space<semaphore_mem>>) src(%dma_wait3A_82 : memref<10000x128xf32, #tpu.memory_space<hbm>>) dst(%arg12 : memref<80x128xf32, #tpu.memory_space<vmem>>)
    "tpu.region"() ({
      %run_scoped3A = tpu.sem_alloc : memref<!tpu.dma_semaphore, #tpu.memory_space<semaphore_mem>>
      %dma_start3A_142 = arith.constant 0 : i32
      %dma_start3A_143 = arith.constant 0 : i32
      %dma_start3A_144 = tpu.memref_slice %arg15[%dma_start3A_142, %dma_start3A_143] : memref<10240x128xf32, #tpu.memory_space<vmem_shared>> -> memref<10240x128xf32, #tpu.memory_space<vmem_shared>>
      tpu.enqueue_indirect_dma source(%arg12 : memref<80x128xf32, #tpu.memory_space<vmem>>) target(%dma_start3A_144 : memref<10240x128xf32, #tpu.memory_space<vmem_shared>>) offsets(%arg9 : memref<80xi32, #tpu.memory_space<vmem>>) semaphore(%run_scoped3A : memref<!tpu.dma_semaphore, #tpu.memory_space<semaphore_mem>>) {add = true}
      %dma_wait3A_145 = arith.constant 0 : i32
      %dma_wait3A_146 = arith.constant 0 : i32
      %dma_wait3A_147 = tpu.memref_slice %arg15[%dma_wait3A_145, %dma_wait3A_146] : memref<10240x128xf32, #tpu.memory_space<vmem_shared>> -> memref<10240x128xf32, #tpu.memory_space<vmem_shared>>
      tpu.wait_indirect_dma semaphore(%run_scoped3A : memref<!tpu.dma_semaphore, #tpu.memory_space<semaphore_mem>>) src(%arg12 : memref<80x128xf32, #tpu.memory_space<vmem>>) dst(%dma_wait3A_147 : memref<10240x128xf32, #tpu.memory_space<vmem_shared>>)
      tpu.yield
    }) : () -> ()
    %add3A_83 = arith.constant 9840 : i32
    %add3A_84 = arith.addi %mul3A_2, %add3A_83 : i32
    %dma_start3A_85 = tpu.memref_slice %arg3[%add3A_84] : memref<320000xi32, #tpu.memory_space<hbm>> -> memref<80xi32, #tpu.memory_space<hbm>>
    %dma_start3A_86 = tpu.memref_slice %arg3[%add3A_84] : memref<320000xi32, #tpu.memory_space<hbm>> -> memref<80xi32, #tpu.memory_space<hbm>>
    tpu.enqueue_dma source(%dma_start3A_86 : memref<80xi32, #tpu.memory_space<hbm>>) target(%arg6 : memref<80xi32, #tpu.memory_space<vmem>>) target_semaphore(%arg19 : memref<!tpu.dma_semaphore, #tpu.memory_space<semaphore_mem>>)
    %add3A_87 = arith.constant 9840 : i32
    %add3A_88 = arith.addi %mul3A_2, %add3A_87 : i32
    %dma_start3A_89 = tpu.memref_slice %arg4[%add3A_88] : memref<320000xi32, #tpu.memory_space<hbm>> -> memref<80xi32, #tpu.memory_space<hbm>>
    %dma_start3A_90 = tpu.memref_slice %arg4[%add3A_88] : memref<320000xi32, #tpu.memory_space<hbm>> -> memref<80xi32, #tpu.memory_space<hbm>>
    tpu.enqueue_dma source(%dma_start3A_90 : memref<80xi32, #tpu.memory_space<hbm>>) target(%arg9 : memref<80xi32, #tpu.memory_space<vmem>>) target_semaphore(%arg19 : memref<!tpu.dma_semaphore, #tpu.memory_space<semaphore_mem>>)
    %dma_wait3A_91 = tpu.memref_slice %arg3[%mul3A_2] : memref<320000xi32, #tpu.memory_space<hbm>> -> memref<80xi32, #tpu.memory_space<hbm>>
    %dma_wait3A_92 = tpu.memref_slice %arg3[%mul3A_2] : memref<320000xi32, #tpu.memory_space<hbm>> -> memref<80xi32, #tpu.memory_space<hbm>>
    tpu.wait_dma2 semaphore(%arg19 : memref<!tpu.dma_semaphore, #tpu.memory_space<semaphore_mem>>) src(%dma_wait3A_92 : memref<80xi32, #tpu.memory_space<hbm>>) dst(%arg6 : memref<80xi32, #tpu.memory_space<vmem>>)
    %dma_wait3A_93 = tpu.memref_slice %arg4[%mul3A_2] : memref<320000xi32, #tpu.memory_space<hbm>> -> memref<80xi32, #tpu.memory_space<hbm>>
    %dma_wait3A_94 = tpu.memref_slice %arg4[%mul3A_2] : memref<320000xi32, #tpu.memory_space<hbm>> -> memref<80xi32, #tpu.memory_space<hbm>>
    tpu.wait_dma2 semaphore(%arg19 : memref<!tpu.dma_semaphore, #tpu.memory_space<semaphore_mem>>) src(%dma_wait3A_94 : memref<80xi32, #tpu.memory_space<hbm>>) dst(%arg9 : memref<80xi32, #tpu.memory_space<vmem>>)
    %dma_start3A_95 = arith.constant 0 : i32
    %dma_start3A_96 = arith.constant 0 : i32
    %dma_start3A_97 = tpu.memref_slice %arg2[%dma_start3A_95, %dma_start3A_96] : memref<10000x128xf32, #tpu.memory_space<hbm>> -> memref<10000x128xf32, #tpu.memory_space<hbm>>
    tpu.enqueue_indirect_dma source(%dma_start3A_97 : memref<10000x128xf32, #tpu.memory_space<hbm>>) target(%arg12 : memref<80x128xf32, #tpu.memory_space<vmem>>) offsets(%arg6 : memref<80xi32, #tpu.memory_space<vmem>>) semaphore(%arg16 : memref<!tpu.dma_semaphore, #tpu.memory_space<semaphore_mem>>)
    %dma_wait3A_98 = arith.constant 0 : i32
    %dma_wait3A_99 = arith.constant 0 : i32
    %dma_wait3A_100 = tpu.memref_slice %arg2[%dma_wait3A_98, %dma_wait3A_99] : memref<10000x128xf32, #tpu.memory_space<hbm>> -> memref<10000x128xf32, #tpu.memory_space<hbm>>
    tpu.wait_indirect_dma semaphore(%arg17 : memref<!tpu.dma_semaphore, #tpu.memory_space<semaphore_mem>>) src(%dma_wait3A_100 : memref<10000x128xf32, #tpu.memory_space<hbm>>) dst(%arg13 : memref<80x128xf32, #tpu.memory_space<vmem>>)
    "tpu.region"() ({
      %run_scoped3A = tpu.sem_alloc : memref<!tpu.dma_semaphore, #tpu.memory_space<semaphore_mem>>
      %dma_start3A_142 = arith.constant 0 : i32
      %dma_start3A_143 = arith.constant 0 : i32
      %dma_start3A_144 = tpu.memref_slice %arg15[%dma_start3A_142, %dma_start3A_143] : memref<10240x128xf32, #tpu.memory_space<vmem_shared>> -> memref<10240x128xf32, #tpu.memory_space<vmem_shared>>
      tpu.enqueue_indirect_dma source(%arg13 : memref<80x128xf32, #tpu.memory_space<vmem>>) target(%dma_start3A_144 : memref<10240x128xf32, #tpu.memory_space<vmem_shared>>) offsets(%arg10 : memref<80xi32, #tpu.memory_space<vmem>>) semaphore(%run_scoped3A : memref<!tpu.dma_semaphore, #tpu.memory_space<semaphore_mem>>) {add = true}
      %dma_wait3A_145 = arith.constant 0 : i32
      %dma_wait3A_146 = arith.constant 0 : i32
      %dma_wait3A_147 = tpu.memref_slice %arg15[%dma_wait3A_145, %dma_wait3A_146] : memref<10240x128xf32, #tpu.memory_space<vmem_shared>> -> memref<10240x128xf32, #tpu.memory_space<vmem_shared>>
      tpu.wait_indirect_dma semaphore(%run_scoped3A : memref<!tpu.dma_semaphore, #tpu.memory_space<semaphore_mem>>) src(%arg13 : memref<80x128xf32, #tpu.memory_space<vmem>>) dst(%dma_wait3A_147 : memref<10240x128xf32, #tpu.memory_space<vmem_shared>>)
      tpu.yield
    }) : () -> ()
    %add3A_101 = arith.constant 9920 : i32
    %add3A_102 = arith.addi %mul3A_2, %add3A_101 : i32
    %dma_start3A_103 = tpu.memref_slice %arg3[%add3A_102] : memref<320000xi32, #tpu.memory_space<hbm>> -> memref<80xi32, #tpu.memory_space<hbm>>
    %dma_start3A_104 = tpu.memref_slice %arg3[%add3A_102] : memref<320000xi32, #tpu.memory_space<hbm>> -> memref<80xi32, #tpu.memory_space<hbm>>
    tpu.enqueue_dma source(%dma_start3A_104 : memref<80xi32, #tpu.memory_space<hbm>>) target(%arg7 : memref<80xi32, #tpu.memory_space<vmem>>) target_semaphore(%arg20 : memref<!tpu.dma_semaphore, #tpu.memory_space<semaphore_mem>>)
    %add3A_105 = arith.constant 9920 : i32
    %add3A_106 = arith.addi %mul3A_2, %add3A_105 : i32
    %dma_start3A_107 = tpu.memref_slice %arg4[%add3A_106] : memref<320000xi32, #tpu.memory_space<hbm>> -> memref<80xi32, #tpu.memory_space<hbm>>
    %dma_start3A_108 = tpu.memref_slice %arg4[%add3A_106] : memref<320000xi32, #tpu.memory_space<hbm>> -> memref<80xi32, #tpu.memory_space<hbm>>
    tpu.enqueue_dma source(%dma_start3A_108 : memref<80xi32, #tpu.memory_space<hbm>>) target(%arg10 : memref<80xi32, #tpu.memory_space<vmem>>) target_semaphore(%arg20 : memref<!tpu.dma_semaphore, #tpu.memory_space<semaphore_mem>>)
    %dma_wait3A_109 = tpu.memref_slice %arg3[%mul3A_2] : memref<320000xi32, #tpu.memory_space<hbm>> -> memref<80xi32, #tpu.memory_space<hbm>>
    %dma_wait3A_110 = tpu.memref_slice %arg3[%mul3A_2] : memref<320000xi32, #tpu.memory_space<hbm>> -> memref<80xi32, #tpu.memory_space<hbm>>
    tpu.wait_dma2 semaphore(%arg20 : memref<!tpu.dma_semaphore, #tpu.memory_space<semaphore_mem>>) src(%dma_wait3A_110 : memref<80xi32, #tpu.memory_space<hbm>>) dst(%arg7 : memref<80xi32, #tpu.memory_space<vmem>>)
    %dma_wait3A_111 = tpu.memref_slice %arg4[%mul3A_2] : memref<320000xi32, #tpu.memory_space<hbm>> -> memref<80xi32, #tpu.memory_space<hbm>>
    %dma_wait3A_112 = tpu.memref_slice %arg4[%mul3A_2] : memref<320000xi32, #tpu.memory_space<hbm>> -> memref<80xi32, #tpu.memory_space<hbm>>
    tpu.wait_dma2 semaphore(%arg20 : memref<!tpu.dma_semaphore, #tpu.memory_space<semaphore_mem>>) src(%dma_wait3A_112 : memref<80xi32, #tpu.memory_space<hbm>>) dst(%arg10 : memref<80xi32, #tpu.memory_space<vmem>>)
    %dma_start3A_113 = arith.constant 0 : i32
    %dma_start3A_114 = arith.constant 0 : i32
    %dma_start3A_115 = tpu.memref_slice %arg2[%dma_start3A_113, %dma_start3A_114] : memref<10000x128xf32, #tpu.memory_space<hbm>> -> memref<10000x128xf32, #tpu.memory_space<hbm>>
    tpu.enqueue_indirect_dma source(%dma_start3A_115 : memref<10000x128xf32, #tpu.memory_space<hbm>>) target(%arg13 : memref<80x128xf32, #tpu.memory_space<vmem>>) offsets(%arg7 : memref<80xi32, #tpu.memory_space<vmem>>) semaphore(%arg17 : memref<!tpu.dma_semaphore, #tpu.memory_space<semaphore_mem>>)
    %dma_wait3A_116 = arith.constant 0 : i32
    %dma_wait3A_117 = arith.constant 0 : i32
    %dma_wait3A_118 = tpu.memref_slice %arg2[%dma_wait3A_116, %dma_wait3A_117] : memref<10000x128xf32, #tpu.memory_space<hbm>> -> memref<10000x128xf32, #tpu.memory_space<hbm>>
    tpu.wait_indirect_dma semaphore(%arg18 : memref<!tpu.dma_semaphore, #tpu.memory_space<semaphore_mem>>) src(%dma_wait3A_118 : memref<10000x128xf32, #tpu.memory_space<hbm>>) dst(%arg14 : memref<80x128xf32, #tpu.memory_space<vmem>>)
    "tpu.region"() ({
      %run_scoped3A = tpu.sem_alloc : memref<!tpu.dma_semaphore, #tpu.memory_space<semaphore_mem>>
      %dma_start3A_142 = arith.constant 0 : i32
      %dma_start3A_143 = arith.constant 0 : i32
      %dma_start3A_144 = tpu.memref_slice %arg15[%dma_start3A_142, %dma_start3A_143] : memref<10240x128xf32, #tpu.memory_space<vmem_shared>> -> memref<10240x128xf32, #tpu.memory_space<vmem_shared>>
      tpu.enqueue_indirect_dma source(%arg14 : memref<80x128xf32, #tpu.memory_space<vmem>>) target(%dma_start3A_144 : memref<10240x128xf32, #tpu.memory_space<vmem_shared>>) offsets(%arg11 : memref<80xi32, #tpu.memory_space<vmem>>) semaphore(%run_scoped3A : memref<!tpu.dma_semaphore, #tpu.memory_space<semaphore_mem>>) {add = true}
      %dma_wait3A_145 = arith.constant 0 : i32
      %dma_wait3A_146 = arith.constant 0 : i32
      %dma_wait3A_147 = tpu.memref_slice %arg15[%dma_wait3A_145, %dma_wait3A_146] : memref<10240x128xf32, #tpu.memory_space<vmem_shared>> -> memref<10240x128xf32, #tpu.memory_space<vmem_shared>>
      tpu.wait_indirect_dma semaphore(%run_scoped3A : memref<!tpu.dma_semaphore, #tpu.memory_space<semaphore_mem>>) src(%arg14 : memref<80x128xf32, #tpu.memory_space<vmem>>) dst(%dma_wait3A_147 : memref<10240x128xf32, #tpu.memory_space<vmem_shared>>)
      tpu.yield
    }) : () -> ()
    %dma_wait3A_119 = arith.constant 0 : i32
    %dma_wait3A_120 = arith.constant 0 : i32
    %dma_wait3A_121 = tpu.memref_slice %arg2[%dma_wait3A_119, %dma_wait3A_120] : memref<10000x128xf32, #tpu.memory_space<hbm>> -> memref<10000x128xf32, #tpu.memory_space<hbm>>
    tpu.wait_indirect_dma semaphore(%arg16 : memref<!tpu.dma_semaphore, #tpu.memory_space<semaphore_mem>>) src(%dma_wait3A_121 : memref<10000x128xf32, #tpu.memory_space<hbm>>) dst(%arg12 : memref<80x128xf32, #tpu.memory_space<vmem>>)
    "tpu.region"() ({
      %run_scoped3A = tpu.sem_alloc : memref<!tpu.dma_semaphore, #tpu.memory_space<semaphore_mem>>
      %dma_start3A_142 = arith.constant 0 : i32
      %dma_start3A_143 = arith.constant 0 : i32
      %dma_start3A_144 = tpu.memref_slice %arg15[%dma_start3A_142, %dma_start3A_143] : memref<10240x128xf32, #tpu.memory_space<vmem_shared>> -> memref<10240x128xf32, #tpu.memory_space<vmem_shared>>
      tpu.enqueue_indirect_dma source(%arg12 : memref<80x128xf32, #tpu.memory_space<vmem>>) target(%dma_start3A_144 : memref<10240x128xf32, #tpu.memory_space<vmem_shared>>) offsets(%arg9 : memref<80xi32, #tpu.memory_space<vmem>>) semaphore(%run_scoped3A : memref<!tpu.dma_semaphore, #tpu.memory_space<semaphore_mem>>) {add = true}
      %dma_wait3A_145 = arith.constant 0 : i32
      %dma_wait3A_146 = arith.constant 0 : i32
      %dma_wait3A_147 = tpu.memref_slice %arg15[%dma_wait3A_145, %dma_wait3A_146] : memref<10240x128xf32, #tpu.memory_space<vmem_shared>> -> memref<10240x128xf32, #tpu.memory_space<vmem_shared>>
      tpu.wait_indirect_dma semaphore(%run_scoped3A : memref<!tpu.dma_semaphore, #tpu.memory_space<semaphore_mem>>) src(%arg12 : memref<80x128xf32, #tpu.memory_space<vmem>>) dst(%dma_wait3A_147 : memref<10240x128xf32, #tpu.memory_space<vmem_shared>>)
      tpu.yield
    }) : () -> ()
    %dma_wait3A_122 = arith.constant 0 : i32
    %dma_wait3A_123 = arith.constant 0 : i32
    %dma_wait3A_124 = tpu.memref_slice %arg2[%dma_wait3A_122, %dma_wait3A_123] : memref<10000x128xf32, #tpu.memory_space<hbm>> -> memref<10000x128xf32, #tpu.memory_space<hbm>>
    tpu.wait_indirect_dma semaphore(%arg17 : memref<!tpu.dma_semaphore, #tpu.memory_space<semaphore_mem>>) src(%dma_wait3A_124 : memref<10000x128xf32, #tpu.memory_space<hbm>>) dst(%arg13 : memref<80x128xf32, #tpu.memory_space<vmem>>)
    "tpu.region"() ({
      %run_scoped3A = tpu.sem_alloc : memref<!tpu.dma_semaphore, #tpu.memory_space<semaphore_mem>>
      %dma_start3A_142 = arith.constant 0 : i32
      %dma_start3A_143 = arith.constant 0 : i32
      %dma_start3A_144 = tpu.memref_slice %arg15[%dma_start3A_142, %dma_start3A_143] : memref<10240x128xf32, #tpu.memory_space<vmem_shared>> -> memref<10240x128xf32, #tpu.memory_space<vmem_shared>>
      tpu.enqueue_indirect_dma source(%arg13 : memref<80x128xf32, #tpu.memory_space<vmem>>) target(%dma_start3A_144 : memref<10240x128xf32, #tpu.memory_space<vmem_shared>>) offsets(%arg10 : memref<80xi32, #tpu.memory_space<vmem>>) semaphore(%run_scoped3A : memref<!tpu.dma_semaphore, #tpu.memory_space<semaphore_mem>>) {add = true}
      %dma_wait3A_145 = arith.constant 0 : i32
      %dma_wait3A_146 = arith.constant 0 : i32
      %dma_wait3A_147 = tpu.memref_slice %arg15[%dma_wait3A_145, %dma_wait3A_146] : memref<10240x128xf32, #tpu.memory_space<vmem_shared>> -> memref<10240x128xf32, #tpu.memory_space<vmem_shared>>
      tpu.wait_indirect_dma semaphore(%run_scoped3A : memref<!tpu.dma_semaphore, #tpu.memory_space<semaphore_mem>>) src(%arg13 : memref<80x128xf32, #tpu.memory_space<vmem>>) dst(%dma_wait3A_147 : memref<10240x128xf32, #tpu.memory_space<vmem_shared>>)
      tpu.yield
    }) : () -> ()
    %barrier3A_125 = arith.constant 0 : index
    tpu.barrier barrier_id(%barrier3A_125)
    %add3A_126 = arith.constant 0 : i32
    %add3A_127 = arith.addi %mul3A_20, %add3A_126 : i32
    "tpu.region"() ({
      %run_scoped3A = tpu.sem_alloc : memref<!tpu.dma_semaphore, #tpu.memory_space<semaphore_mem>>
      %dma_start3A_142 = arith.constant 0 : i32
      %dma_start3A_143 = tpu.memref_slice %arg15[%add3A_127, %dma_start3A_142] : memref<10240x128xf32, #tpu.memory_space<vmem_shared>> -> memref<80x128xf32, #tpu.memory_space<vmem_shared>>
      %dma_start3A_144 = arith.constant 0 : i32
      %dma_start3A_145 = tpu.memref_slice %arg15[%add3A_127, %dma_start3A_144] : memref<10240x128xf32, #tpu.memory_space<vmem_shared>> -> memref<80x128xf32, #tpu.memory_space<vmem_shared>>
      tpu.enqueue_dma source(%dma_start3A_145 : memref<80x128xf32, #tpu.memory_space<vmem_shared>>) target(%arg12 : memref<80x128xf32, #tpu.memory_space<vmem>>) target_semaphore(%run_scoped3A : memref<!tpu.dma_semaphore, #tpu.memory_space<semaphore_mem>>)
      %dma_wait3A_146 = arith.constant 0 : i32
      %dma_wait3A_147 = tpu.memref_slice %arg15[%add3A_127, %dma_wait3A_146] : memref<10240x128xf32, #tpu.memory_space<vmem_shared>> -> memref<80x128xf32, #tpu.memory_space<vmem_shared>>
      %dma_wait3A_148 = arith.constant 0 : i32
      %dma_wait3A_149 = tpu.memref_slice %arg15[%add3A_127, %dma_wait3A_148] : memref<10240x128xf32, #tpu.memory_space<vmem_shared>> -> memref<80x128xf32, #tpu.memory_space<vmem_shared>>
      tpu.wait_dma2 semaphore(%run_scoped3A : memref<!tpu.dma_semaphore, #tpu.memory_space<semaphore_mem>>) src(%dma_wait3A_149 : memref<80x128xf32, #tpu.memory_space<vmem_shared>>) dst(%arg12 : memref<80x128xf32, #tpu.memory_space<vmem>>)
      tpu.yield
    }) : () -> ()
    "tpu.region"() ({
      %run_scoped3A = tpu.sem_alloc : memref<!tpu.dma_semaphore, #tpu.memory_space<semaphore_mem>>
      %dma_start3A_142 = arith.constant 0 : i32
      %dma_start3A_143 = tpu.memref_slice %arg5[%arg0, %add3A_127, %dma_start3A_142] : memref<2x10240x128xf32, #tpu.memory_space<hbm>> -> memref<1x80x128xf32, #tpu.memory_space<hbm>>
      %dma_start3A_144 = tpu.memref_squeeze %dma_start3A_143 : memref<1x80x128xf32, #tpu.memory_space<hbm>> -> memref<80x128xf32, #tpu.memory_space<hbm>>
      %dma_start3A_145 = arith.constant 0 : i32
      %dma_start3A_146 = tpu.memref_slice %arg5[%arg0, %add3A_127, %dma_start3A_145] : memref<2x10240x128xf32, #tpu.memory_space<hbm>> -> memref<1x80x128xf32, #tpu.memory_space<hbm>>
      %dma_start3A_147 = tpu.memref_squeeze %dma_start3A_146 : memref<1x80x128xf32, #tpu.memory_space<hbm>> -> memref<80x128xf32, #tpu.memory_space<hbm>>
      tpu.enqueue_dma source(%arg12 : memref<80x128xf32, #tpu.memory_space<vmem>>) target(%dma_start3A_147 : memref<80x128xf32, #tpu.memory_space<hbm>>) target_semaphore(%run_scoped3A : memref<!tpu.dma_semaphore, #tpu.memory_space<semaphore_mem>>)
      %dma_wait3A_148 = arith.constant 0 : i32
      %dma_wait3A_149 = tpu.memref_slice %arg5[%arg0, %add3A_127, %dma_wait3A_148] : memref<2x10240x128xf32, #tpu.memory_space<hbm>> -> memref<1x80x128xf32, #tpu.memory_space<hbm>>
      %dma_wait3A_150 = tpu.memref_squeeze %dma_wait3A_149 : memref<1x80x128xf32, #tpu.memory_space<hbm>> -> memref<80x128xf32, #tpu.memory_space<hbm>>
      %dma_wait3A_151 = arith.constant 0 : i32
      %dma_wait3A_152 = tpu.memref_slice %arg5[%arg0, %add3A_127, %dma_wait3A_151] : memref<2x10240x128xf32, #tpu.memory_space<hbm>> -> memref<1x80x128xf32, #tpu.memory_space<hbm>>
      %dma_wait3A_153 = tpu.memref_squeeze %dma_wait3A_152 : memref<1x80x128xf32, #tpu.memory_space<hbm>> -> memref<80x128xf32, #tpu.memory_space<hbm>>
      tpu.wait_dma2 semaphore(%run_scoped3A : memref<!tpu.dma_semaphore, #tpu.memory_space<semaphore_mem>>) src(%arg12 : memref<80x128xf32, #tpu.memory_space<vmem>>) dst(%dma_wait3A_153 : memref<80x128xf32, #tpu.memory_space<hbm>>)
      tpu.yield
    }) : () -> ()
    %add3A_128 = arith.constant 80 : i32
    %add3A_129 = arith.addi %mul3A_20, %add3A_128 : i32
    "tpu.region"() ({
      %run_scoped3A = tpu.sem_alloc : memref<!tpu.dma_semaphore, #tpu.memory_space<semaphore_mem>>
      %dma_start3A_142 = arith.constant 0 : i32
      %dma_start3A_143 = tpu.memref_slice %arg15[%add3A_129, %dma_start3A_142] : memref<10240x128xf32, #tpu.memory_space<vmem_shared>> -> memref<80x128xf32, #tpu.memory_space<vmem_shared>>
      %dma_start3A_144 = arith.constant 0 : i32
      %dma_start3A_145 = tpu.memref_slice %arg15[%add3A_129, %dma_start3A_144] : memref<10240x128xf32, #tpu.memory_space<vmem_shared>> -> memref<80x128xf32, #tpu.memory_space<vmem_shared>>
      tpu.enqueue_dma source(%dma_start3A_145 : memref<80x128xf32, #tpu.memory_space<vmem_shared>>) target(%arg12 : memref<80x128xf32, #tpu.memory_space<vmem>>) target_semaphore(%run_scoped3A : memref<!tpu.dma_semaphore, #tpu.memory_space<semaphore_mem>>)
      %dma_wait3A_146 = arith.constant 0 : i32
      %dma_wait3A_147 = tpu.memref_slice %arg15[%add3A_129, %dma_wait3A_146] : memref<10240x128xf32, #tpu.memory_space<vmem_shared>> -> memref<80x128xf32, #tpu.memory_space<vmem_shared>>
      %dma_wait3A_148 = arith.constant 0 : i32
      %dma_wait3A_149 = tpu.memref_slice %arg15[%add3A_129, %dma_wait3A_148] : memref<10240x128xf32, #tpu.memory_space<vmem_shared>> -> memref<80x128xf32, #tpu.memory_space<vmem_shared>>
      tpu.wait_dma2 semaphore(%run_scoped3A : memref<!tpu.dma_semaphore, #tpu.memory_space<semaphore_mem>>) src(%dma_wait3A_149 : memref<80x128xf32, #tpu.memory_space<vmem_shared>>) dst(%arg12 : memref<80x128xf32, #tpu.memory_space<vmem>>)
      tpu.yield
    }) : () -> ()
    "tpu.region"() ({
      %run_scoped3A = tpu.sem_alloc : memref<!tpu.dma_semaphore, #tpu.memory_space<semaphore_mem>>
      %dma_start3A_142 = arith.constant 0 : i32
      %dma_start3A_143 = tpu.memref_slice %arg5[%arg0, %add3A_129, %dma_start3A_142] : memref<2x10240x128xf32, #tpu.memory_space<hbm>> -> memref<1x80x128xf32, #tpu.memory_space<hbm>>
      %dma_start3A_144 = tpu.memref_squeeze %dma_start3A_143 : memref<1x80x128xf32, #tpu.memory_space<hbm>> -> memref<80x128xf32, #tpu.memory_space<hbm>>
      %dma_start3A_145 = arith.constant 0 : i32
      %dma_start3A_146 = tpu.memref_slice %arg5[%arg0, %add3A_129, %dma_start3A_145] : memref<2x10240x128xf32, #tpu.memory_space<hbm>> -> memref<1x80x128xf32, #tpu.memory_space<hbm>>
      %dma_start3A_147 = tpu.memref_squeeze %dma_start3A_146 : memref<1x80x128xf32, #tpu.memory_space<hbm>> -> memref<80x128xf32, #tpu.memory_space<hbm>>
      tpu.enqueue_dma source(%arg12 : memref<80x128xf32, #tpu.memory_space<vmem>>) target(%dma_start3A_147 : memref<80x128xf32, #tpu.memory_space<hbm>>) target_semaphore(%run_scoped3A : memref<!tpu.dma_semaphore, #tpu.memory_space<semaphore_mem>>)
      %dma_wait3A_148 = arith.constant 0 : i32
      %dma_wait3A_149 = tpu.memref_slice %arg5[%arg0, %add3A_129, %dma_wait3A_148] : memref<2x10240x128xf32, #tpu.memory_space<hbm>> -> memref<1x80x128xf32, #tpu.memory_space<hbm>>
      %dma_wait3A_150 = tpu.memref_squeeze %dma_wait3A_149 : memref<1x80x128xf32, #tpu.memory_space<hbm>> -> memref<80x128xf32, #tpu.memory_space<hbm>>
      %dma_wait3A_151 = arith.constant 0 : i32
      %dma_wait3A_152 = tpu.memref_slice %arg5[%arg0, %add3A_129, %dma_wait3A_151] : memref<2x10240x128xf32, #tpu.memory_space<hbm>> -> memref<1x80x128xf32, #tpu.memory_space<hbm>>
      %dma_wait3A_153 = tpu.memref_squeeze %dma_wait3A_152 : memref<1x80x128xf32, #tpu.memory_space<hbm>> -> memref<80x128xf32, #tpu.memory_space<hbm>>
      tpu.wait_dma2 semaphore(%run_scoped3A : memref<!tpu.dma_semaphore, #tpu.memory_space<semaphore_mem>>) src(%arg12 : memref<80x128xf32, #tpu.memory_space<vmem>>) dst(%dma_wait3A_153 : memref<80x128xf32, #tpu.memory_space<hbm>>)
      tpu.yield
    }) : () -> ()
    %add3A_130 = arith.constant 160 : i32
    %add3A_131 = arith.addi %mul3A_20, %add3A_130 : i32
    "tpu.region"() ({
      %run_scoped3A = tpu.sem_alloc : memref<!tpu.dma_semaphore, #tpu.memory_space<semaphore_mem>>
      %dma_start3A_142 = arith.constant 0 : i32
      %dma_start3A_143 = tpu.memref_slice %arg15[%add3A_131, %dma_start3A_142] : memref<10240x128xf32, #tpu.memory_space<vmem_shared>> -> memref<80x128xf32, #tpu.memory_space<vmem_shared>>
      %dma_start3A_144 = arith.constant 0 : i32
      %dma_start3A_145 = tpu.memref_slice %arg15[%add3A_131, %dma_start3A_144] : memref<10240x128xf32, #tpu.memory_space<vmem_shared>> -> memref<80x128xf32, #tpu.memory_space<vmem_shared>>
      tpu.enqueue_dma source(%dma_start3A_145 : memref<80x128xf32, #tpu.memory_space<vmem_shared>>) target(%arg12 : memref<80x128xf32, #tpu.memory_space<vmem>>) target_semaphore(%run_scoped3A : memref<!tpu.dma_semaphore, #tpu.memory_space<semaphore_mem>>)
      %dma_wait3A_146 = arith.constant 0 : i32
      %dma_wait3A_147 = tpu.memref_slice %arg15[%add3A_131, %dma_wait3A_146] : memref<10240x128xf32, #tpu.memory_space<vmem_shared>> -> memref<80x128xf32, #tpu.memory_space<vmem_shared>>
      %dma_wait3A_148 = arith.constant 0 : i32
      %dma_wait3A_149 = tpu.memref_slice %arg15[%add3A_131, %dma_wait3A_148] : memref<10240x128xf32, #tpu.memory_space<vmem_shared>> -> memref<80x128xf32, #tpu.memory_space<vmem_shared>>
      tpu.wait_dma2 semaphore(%run_scoped3A : memref<!tpu.dma_semaphore, #tpu.memory_space<semaphore_mem>>) src(%dma_wait3A_149 : memref<80x128xf32, #tpu.memory_space<vmem_shared>>) dst(%arg12 : memref<80x128xf32, #tpu.memory_space<vmem>>)
      tpu.yield
    }) : () -> ()
    "tpu.region"() ({
      %run_scoped3A = tpu.sem_alloc : memref<!tpu.dma_semaphore, #tpu.memory_space<semaphore_mem>>
      %dma_start3A_142 = arith.constant 0 : i32
      %dma_start3A_143 = tpu.memref_slice %arg5[%arg0, %add3A_131, %dma_start3A_142] : memref<2x10240x128xf32, #tpu.memory_space<hbm>> -> memref<1x80x128xf32, #tpu.memory_space<hbm>>
      %dma_start3A_144 = tpu.memref_squeeze %dma_start3A_143 : memref<1x80x128xf32, #tpu.memory_space<hbm>> -> memref<80x128xf32, #tpu.memory_space<hbm>>
      %dma_start3A_145 = arith.constant 0 : i32
      %dma_start3A_146 = tpu.memref_slice %arg5[%arg0, %add3A_131, %dma_start3A_145] : memref<2x10240x128xf32, #tpu.memory_space<hbm>> -> memref<1x80x128xf32, #tpu.memory_space<hbm>>
      %dma_start3A_147 = tpu.memref_squeeze %dma_start3A_146 : memref<1x80x128xf32, #tpu.memory_space<hbm>> -> memref<80x128xf32, #tpu.memory_space<hbm>>
      tpu.enqueue_dma source(%arg12 : memref<80x128xf32, #tpu.memory_space<vmem>>) target(%dma_start3A_147 : memref<80x128xf32, #tpu.memory_space<hbm>>) target_semaphore(%run_scoped3A : memref<!tpu.dma_semaphore, #tpu.memory_space<semaphore_mem>>)
      %dma_wait3A_148 = arith.constant 0 : i32
      %dma_wait3A_149 = tpu.memref_slice %arg5[%arg0, %add3A_131, %dma_wait3A_148] : memref<2x10240x128xf32, #tpu.memory_space<hbm>> -> memref<1x80x128xf32, #tpu.memory_space<hbm>>
      %dma_wait3A_150 = tpu.memref_squeeze %dma_wait3A_149 : memref<1x80x128xf32, #tpu.memory_space<hbm>> -> memref<80x128xf32, #tpu.memory_space<hbm>>
      %dma_wait3A_151 = arith.constant 0 : i32
      %dma_wait3A_152 = tpu.memref_slice %arg5[%arg0, %add3A_131, %dma_wait3A_151] : memref<2x10240x128xf32, #tpu.memory_space<hbm>> -> memref<1x80x128xf32, #tpu.memory_space<hbm>>
      %dma_wait3A_153 = tpu.memref_squeeze %dma_wait3A_152 : memref<1x80x128xf32, #tpu.memory_space<hbm>> -> memref<80x128xf32, #tpu.memory_space<hbm>>
      tpu.wait_dma2 semaphore(%run_scoped3A : memref<!tpu.dma_semaphore, #tpu.memory_space<semaphore_mem>>) src(%arg12 : memref<80x128xf32, #tpu.memory_space<vmem>>) dst(%dma_wait3A_153 : memref<80x128xf32, #tpu.memory_space<hbm>>)
      tpu.yield
    }) : () -> ()
    %add3A_132 = arith.constant 240 : i32
    %add3A_133 = arith.addi %mul3A_20, %add3A_132 : i32
    "tpu.region"() ({
      %run_scoped3A = tpu.sem_alloc : memref<!tpu.dma_semaphore, #tpu.memory_space<semaphore_mem>>
      %dma_start3A_142 = arith.constant 0 : i32
      %dma_start3A_143 = tpu.memref_slice %arg15[%add3A_133, %dma_start3A_142] : memref<10240x128xf32, #tpu.memory_space<vmem_shared>> -> memref<80x128xf32, #tpu.memory_space<vmem_shared>>
      %dma_start3A_144 = arith.constant 0 : i32
      %dma_start3A_145 = tpu.memref_slice %arg15[%add3A_133, %dma_start3A_144] : memref<10240x128xf32, #tpu.memory_space<vmem_shared>> -> memref<80x128xf32, #tpu.memory_space<vmem_shared>>
      tpu.enqueue_dma source(%dma_start3A_145 : memref<80x128xf32, #tpu.memory_space<vmem_shared>>) target(%arg12 : memref<80x128xf32, #tpu.memory_space<vmem>>) target_semaphore(%run_scoped3A : memref<!tpu.dma_semaphore, #tpu.memory_space<semaphore_mem>>)
      %dma_wait3A_146 = arith.constant 0 : i32
      %dma_wait3A_147 = tpu.memref_slice %arg15[%add3A_133, %dma_wait3A_146] : memref<10240x128xf32, #tpu.memory_space<vmem_shared>> -> memref<80x128xf32, #tpu.memory_space<vmem_shared>>
      %dma_wait3A_148 = arith.constant 0 : i32
      %dma_wait3A_149 = tpu.memref_slice %arg15[%add3A_133, %dma_wait3A_148] : memref<10240x128xf32, #tpu.memory_space<vmem_shared>> -> memref<80x128xf32, #tpu.memory_space<vmem_shared>>
      tpu.wait_dma2 semaphore(%run_scoped3A : memref<!tpu.dma_semaphore, #tpu.memory_space<semaphore_mem>>) src(%dma_wait3A_149 : memref<80x128xf32, #tpu.memory_space<vmem_shared>>) dst(%arg12 : memref<80x128xf32, #tpu.memory_space<vmem>>)
      tpu.yield
    }) : () -> ()
    "tpu.region"() ({
      %run_scoped3A = tpu.sem_alloc : memref<!tpu.dma_semaphore, #tpu.memory_space<semaphore_mem>>
      %dma_start3A_142 = arith.constant 0 : i32
      %dma_start3A_143 = tpu.memref_slice %arg5[%arg0, %add3A_133, %dma_start3A_142] : memref<2x10240x128xf32, #tpu.memory_space<hbm>> -> memref<1x80x128xf32, #tpu.memory_space<hbm>>
      %dma_start3A_144 = tpu.memref_squeeze %dma_start3A_143 : memref<1x80x128xf32, #tpu.memory_space<hbm>> -> memref<80x128xf32, #tpu.memory_space<hbm>>
      %dma_start3A_145 = arith.constant 0 : i32
      %dma_start3A_146 = tpu.memref_slice %arg5[%arg0, %add3A_133, %dma_start3A_145] : memref<2x10240x128xf32, #tpu.memory_space<hbm>> -> memref<1x80x128xf32, #tpu.memory_space<hbm>>
      %dma_start3A_147 = tpu.memref_squeeze %dma_start3A_146 : memref<1x80x128xf32, #tpu.memory_space<hbm>> -> memref<80x128xf32, #tpu.memory_space<hbm>>
      tpu.enqueue_dma source(%arg12 : memref<80x128xf32, #tpu.memory_space<vmem>>) target(%dma_start3A_147 : memref<80x128xf32, #tpu.memory_space<hbm>>) target_semaphore(%run_scoped3A : memref<!tpu.dma_semaphore, #tpu.memory_space<semaphore_mem>>)
      %dma_wait3A_148 = arith.constant 0 : i32
      %dma_wait3A_149 = tpu.memref_slice %arg5[%arg0, %add3A_133, %dma_wait3A_148] : memref<2x10240x128xf32, #tpu.memory_space<hbm>> -> memref<1x80x128xf32, #tpu.memory_space<hbm>>
      %dma_wait3A_150 = tpu.memref_squeeze %dma_wait3A_149 : memref<1x80x128xf32, #tpu.memory_space<hbm>> -> memref<80x128xf32, #tpu.memory_space<hbm>>
      %dma_wait3A_151 = arith.constant 0 : i32
      %dma_wait3A_152 = tpu.memref_slice %arg5[%arg0, %add3A_133, %dma_wait3A_151] : memref<2x10240x128xf32, #tpu.memory_space<hbm>> -> memref<1x80x128xf32, #tpu.memory_space<hbm>>
      %dma_wait3A_153 = tpu.memref_squeeze %dma_wait3A_152 : memref<1x80x128xf32, #tpu.memory_space<hbm>> -> memref<80x128xf32, #tpu.memory_space<hbm>>
      tpu.wait_dma2 semaphore(%run_scoped3A : memref<!tpu.dma_semaphore, #tpu.memory_space<semaphore_mem>>) src(%arg12 : memref<80x128xf32, #tpu.memory_space<vmem>>) dst(%dma_wait3A_153 : memref<80x128xf32, #tpu.memory_space<hbm>>)
      tpu.yield
    }) : () -> ()
    %add3A_134 = arith.constant 320 : i32
    %add3A_135 = arith.addi %mul3A_20, %add3A_134 : i32
    "tpu.region"() ({
      %run_scoped3A = tpu.sem_alloc : memref<!tpu.dma_semaphore, #tpu.memory_space<semaphore_mem>>
      %dma_start3A_142 = arith.constant 0 : i32
      %dma_start3A_143 = tpu.memref_slice %arg15[%add3A_135, %dma_start3A_142] : memref<10240x128xf32, #tpu.memory_space<vmem_shared>> -> memref<80x128xf32, #tpu.memory_space<vmem_shared>>
      %dma_start3A_144 = arith.constant 0 : i32
      %dma_start3A_145 = tpu.memref_slice %arg15[%add3A_135, %dma_start3A_144] : memref<10240x128xf32, #tpu.memory_space<vmem_shared>> -> memref<80x128xf32, #tpu.memory_space<vmem_shared>>
      tpu.enqueue_dma source(%dma_start3A_145 : memref<80x128xf32, #tpu.memory_space<vmem_shared>>) target(%arg12 : memref<80x128xf32, #tpu.memory_space<vmem>>) target_semaphore(%run_scoped3A : memref<!tpu.dma_semaphore, #tpu.memory_space<semaphore_mem>>)
      %dma_wait3A_146 = arith.constant 0 : i32
      %dma_wait3A_147 = tpu.memref_slice %arg15[%add3A_135, %dma_wait3A_146] : memref<10240x128xf32, #tpu.memory_space<vmem_shared>> -> memref<80x128xf32, #tpu.memory_space<vmem_shared>>
      %dma_wait3A_148 = arith.constant 0 : i32
      %dma_wait3A_149 = tpu.memref_slice %arg15[%add3A_135, %dma_wait3A_148] : memref<10240x128xf32, #tpu.memory_space<vmem_shared>> -> memref<80x128xf32, #tpu.memory_space<vmem_shared>>
      tpu.wait_dma2 semaphore(%run_scoped3A : memref<!tpu.dma_semaphore, #tpu.memory_space<semaphore_mem>>) src(%dma_wait3A_149 : memref<80x128xf32, #tpu.memory_space<vmem_shared>>) dst(%arg12 : memref<80x128xf32, #tpu.memory_space<vmem>>)
      tpu.yield
    }) : () -> ()
    "tpu.region"() ({
      %run_scoped3A = tpu.sem_alloc : memref<!tpu.dma_semaphore, #tpu.memory_space<semaphore_mem>>
      %dma_start3A_142 = arith.constant 0 : i32
      %dma_start3A_143 = tpu.memref_slice %arg5[%arg0, %add3A_135, %dma_start3A_142] : memref<2x10240x128xf32, #tpu.memory_space<hbm>> -> memref<1x80x128xf32, #tpu.memory_space<hbm>>
      %dma_start3A_144 = tpu.memref_squeeze %dma_start3A_143 : memref<1x80x128xf32, #tpu.memory_space<hbm>> -> memref<80x128xf32, #tpu.memory_space<hbm>>
      %dma_start3A_145 = arith.constant 0 : i32
      %dma_start3A_146 = tpu.memref_slice %arg5[%arg0, %add3A_135, %dma_start3A_145] : memref<2x10240x128xf32, #tpu.memory_space<hbm>> -> memref<1x80x128xf32, #tpu.memory_space<hbm>>
      %dma_start3A_147 = tpu.memref_squeeze %dma_start3A_146 : memref<1x80x128xf32, #tpu.memory_space<hbm>> -> memref<80x128xf32, #tpu.memory_space<hbm>>
      tpu.enqueue_dma source(%arg12 : memref<80x128xf32, #tpu.memory_space<vmem>>) target(%dma_start3A_147 : memref<80x128xf32, #tpu.memory_space<hbm>>) target_semaphore(%run_scoped3A : memref<!tpu.dma_semaphore, #tpu.memory_space<semaphore_mem>>)
      %dma_wait3A_148 = arith.constant 0 : i32
      %dma_wait3A_149 = tpu.memref_slice %arg5[%arg0, %add3A_135, %dma_wait3A_148] : memref<2x10240x128xf32, #tpu.memory_space<hbm>> -> memref<1x80x128xf32, #tpu.memory_space<hbm>>
      %dma_wait3A_150 = tpu.memref_squeeze %dma_wait3A_149 : memref<1x80x128xf32, #tpu.memory_space<hbm>> -> memref<80x128xf32, #tpu.memory_space<hbm>>
      %dma_wait3A_151 = arith.constant 0 : i32
      %dma_wait3A_152 = tpu.memref_slice %arg5[%arg0, %add3A_135, %dma_wait3A_151] : memref<2x10240x128xf32, #tpu.memory_space<hbm>> -> memref<1x80x128xf32, #tpu.memory_space<hbm>>
      %dma_wait3A_153 = tpu.memref_squeeze %dma_wait3A_152 : memref<1x80x128xf32, #tpu.memory_space<hbm>> -> memref<80x128xf32, #tpu.memory_space<hbm>>
      tpu.wait_dma2 semaphore(%run_scoped3A : memref<!tpu.dma_semaphore, #tpu.memory_space<semaphore_mem>>) src(%arg12 : memref<80x128xf32, #tpu.memory_space<vmem>>) dst(%dma_wait3A_153 : memref<80x128xf32, #tpu.memory_space<hbm>>)
      tpu.yield
    }) : () -> ()
    %add3A_136 = arith.constant 400 : i32
    %add3A_137 = arith.addi %mul3A_20, %add3A_136 : i32
    "tpu.region"() ({
      %run_scoped3A = tpu.sem_alloc : memref<!tpu.dma_semaphore, #tpu.memory_space<semaphore_mem>>
      %dma_start3A_142 = arith.constant 0 : i32
      %dma_start3A_143 = tpu.memref_slice %arg15[%add3A_137, %dma_start3A_142] : memref<10240x128xf32, #tpu.memory_space<vmem_shared>> -> memref<80x128xf32, #tpu.memory_space<vmem_shared>>
      %dma_start3A_144 = arith.constant 0 : i32
      %dma_start3A_145 = tpu.memref_slice %arg15[%add3A_137, %dma_start3A_144] : memref<10240x128xf32, #tpu.memory_space<vmem_shared>> -> memref<80x128xf32, #tpu.memory_space<vmem_shared>>
      tpu.enqueue_dma source(%dma_start3A_145 : memref<80x128xf32, #tpu.memory_space<vmem_shared>>) target(%arg12 : memref<80x128xf32, #tpu.memory_space<vmem>>) target_semaphore(%run_scoped3A : memref<!tpu.dma_semaphore, #tpu.memory_space<semaphore_mem>>)
      %dma_wait3A_146 = arith.constant 0 : i32
      %dma_wait3A_147 = tpu.memref_slice %arg15[%add3A_137, %dma_wait3A_146] : memref<10240x128xf32, #tpu.memory_space<vmem_shared>> -> memref<80x128xf32, #tpu.memory_space<vmem_shared>>
      %dma_wait3A_148 = arith.constant 0 : i32
      %dma_wait3A_149 = tpu.memref_slice %arg15[%add3A_137, %dma_wait3A_148] : memref<10240x128xf32, #tpu.memory_space<vmem_shared>> -> memref<80x128xf32, #tpu.memory_space<vmem_shared>>
      tpu.wait_dma2 semaphore(%run_scoped3A : memref<!tpu.dma_semaphore, #tpu.memory_space<semaphore_mem>>) src(%dma_wait3A_149 : memref<80x128xf32, #tpu.memory_space<vmem_shared>>) dst(%arg12 : memref<80x128xf32, #tpu.memory_space<vmem>>)
      tpu.yield
    }) : () -> ()
    "tpu.region"() ({
      %run_scoped3A = tpu.sem_alloc : memref<!tpu.dma_semaphore, #tpu.memory_space<semaphore_mem>>
      %dma_start3A_142 = arith.constant 0 : i32
      %dma_start3A_143 = tpu.memref_slice %arg5[%arg0, %add3A_137, %dma_start3A_142] : memref<2x10240x128xf32, #tpu.memory_space<hbm>> -> memref<1x80x128xf32, #tpu.memory_space<hbm>>
      %dma_start3A_144 = tpu.memref_squeeze %dma_start3A_143 : memref<1x80x128xf32, #tpu.memory_space<hbm>> -> memref<80x128xf32, #tpu.memory_space<hbm>>
      %dma_start3A_145 = arith.constant 0 : i32
      %dma_start3A_146 = tpu.memref_slice %arg5[%arg0, %add3A_137, %dma_start3A_145] : memref<2x10240x128xf32, #tpu.memory_space<hbm>> -> memref<1x80x128xf32, #tpu.memory_space<hbm>>
      %dma_start3A_147 = tpu.memref_squeeze %dma_start3A_146 : memref<1x80x128xf32, #tpu.memory_space<hbm>> -> memref<80x128xf32, #tpu.memory_space<hbm>>
      tpu.enqueue_dma source(%arg12 : memref<80x128xf32, #tpu.memory_space<vmem>>) target(%dma_start3A_147 : memref<80x128xf32, #tpu.memory_space<hbm>>) target_semaphore(%run_scoped3A : memref<!tpu.dma_semaphore, #tpu.memory_space<semaphore_mem>>)
      %dma_wait3A_148 = arith.constant 0 : i32
      %dma_wait3A_149 = tpu.memref_slice %arg5[%arg0, %add3A_137, %dma_wait3A_148] : memref<2x10240x128xf32, #tpu.memory_space<hbm>> -> memref<1x80x128xf32, #tpu.memory_space<hbm>>
      %dma_wait3A_150 = tpu.memref_squeeze %dma_wait3A_149 : memref<1x80x128xf32, #tpu.memory_space<hbm>> -> memref<80x128xf32, #tpu.memory_space<hbm>>
      %dma_wait3A_151 = arith.constant 0 : i32
      %dma_wait3A_152 = tpu.memref_slice %arg5[%arg0, %add3A_137, %dma_wait3A_151] : memref<2x10240x128xf32, #tpu.memory_space<hbm>> -> memref<1x80x128xf32, #tpu.memory_space<hbm>>
      %dma_wait3A_153 = tpu.memref_squeeze %dma_wait3A_152 : memref<1x80x128xf32, #tpu.memory_space<hbm>> -> memref<80x128xf32, #tpu.memory_space<hbm>>
      tpu.wait_dma2 semaphore(%run_scoped3A : memref<!tpu.dma_semaphore, #tpu.memory_space<semaphore_mem>>) src(%arg12 : memref<80x128xf32, #tpu.memory_space<vmem>>) dst(%dma_wait3A_153 : memref<80x128xf32, #tpu.memory_space<hbm>>)
      tpu.yield
    }) : () -> ()
    %add3A_138 = arith.constant 480 : i32
    %add3A_139 = arith.addi %mul3A_20, %add3A_138 : i32
    "tpu.region"() ({
      %run_scoped3A = tpu.sem_alloc : memref<!tpu.dma_semaphore, #tpu.memory_space<semaphore_mem>>
      %dma_start3A_142 = arith.constant 0 : i32
      %dma_start3A_143 = tpu.memref_slice %arg15[%add3A_139, %dma_start3A_142] : memref<10240x128xf32, #tpu.memory_space<vmem_shared>> -> memref<80x128xf32, #tpu.memory_space<vmem_shared>>
      %dma_start3A_144 = arith.constant 0 : i32
      %dma_start3A_145 = tpu.memref_slice %arg15[%add3A_139, %dma_start3A_144] : memref<10240x128xf32, #tpu.memory_space<vmem_shared>> -> memref<80x128xf32, #tpu.memory_space<vmem_shared>>
      tpu.enqueue_dma source(%dma_start3A_145 : memref<80x128xf32, #tpu.memory_space<vmem_shared>>) target(%arg12 : memref<80x128xf32, #tpu.memory_space<vmem>>) target_semaphore(%run_scoped3A : memref<!tpu.dma_semaphore, #tpu.memory_space<semaphore_mem>>)
      %dma_wait3A_146 = arith.constant 0 : i32
      %dma_wait3A_147 = tpu.memref_slice %arg15[%add3A_139, %dma_wait3A_146] : memref<10240x128xf32, #tpu.memory_space<vmem_shared>> -> memref<80x128xf32, #tpu.memory_space<vmem_shared>>
      %dma_wait3A_148 = arith.constant 0 : i32
      %dma_wait3A_149 = tpu.memref_slice %arg15[%add3A_139, %dma_wait3A_148] : memref<10240x128xf32, #tpu.memory_space<vmem_shared>> -> memref<80x128xf32, #tpu.memory_space<vmem_shared>>
      tpu.wait_dma2 semaphore(%run_scoped3A : memref<!tpu.dma_semaphore, #tpu.memory_space<semaphore_mem>>) src(%dma_wait3A_149 : memref<80x128xf32, #tpu.memory_space<vmem_shared>>) dst(%arg12 : memref<80x128xf32, #tpu.memory_space<vmem>>)
      tpu.yield
    }) : () -> ()
    "tpu.region"() ({
      %run_scoped3A = tpu.sem_alloc : memref<!tpu.dma_semaphore, #tpu.memory_space<semaphore_mem>>
      %dma_start3A_142 = arith.constant 0 : i32
      %dma_start3A_143 = tpu.memref_slice %arg5[%arg0, %add3A_139, %dma_start3A_142] : memref<2x10240x128xf32, #tpu.memory_space<hbm>> -> memref<1x80x128xf32, #tpu.memory_space<hbm>>
      %dma_start3A_144 = tpu.memref_squeeze %dma_start3A_143 : memref<1x80x128xf32, #tpu.memory_space<hbm>> -> memref<80x128xf32, #tpu.memory_space<hbm>>
      %dma_start3A_145 = arith.constant 0 : i32
      %dma_start3A_146 = tpu.memref_slice %arg5[%arg0, %add3A_139, %dma_start3A_145] : memref<2x10240x128xf32, #tpu.memory_space<hbm>> -> memref<1x80x128xf32, #tpu.memory_space<hbm>>
      %dma_start3A_147 = tpu.memref_squeeze %dma_start3A_146 : memref<1x80x128xf32, #tpu.memory_space<hbm>> -> memref<80x128xf32, #tpu.memory_space<hbm>>
      tpu.enqueue_dma source(%arg12 : memref<80x128xf32, #tpu.memory_space<vmem>>) target(%dma_start3A_147 : memref<80x128xf32, #tpu.memory_space<hbm>>) target_semaphore(%run_scoped3A : memref<!tpu.dma_semaphore, #tpu.memory_space<semaphore_mem>>)
      %dma_wait3A_148 = arith.constant 0 : i32
      %dma_wait3A_149 = tpu.memref_slice %arg5[%arg0, %add3A_139, %dma_wait3A_148] : memref<2x10240x128xf32, #tpu.memory_space<hbm>> -> memref<1x80x128xf32, #tpu.memory_space<hbm>>
      %dma_wait3A_150 = tpu.memref_squeeze %dma_wait3A_149 : memref<1x80x128xf32, #tpu.memory_space<hbm>> -> memref<80x128xf32, #tpu.memory_space<hbm>>
      %dma_wait3A_151 = arith.constant 0 : i32
      %dma_wait3A_152 = tpu.memref_slice %arg5[%arg0, %add3A_139, %dma_wait3A_151] : memref<2x10240x128xf32, #tpu.memory_space<hbm>> -> memref<1x80x128xf32, #tpu.memory_space<hbm>>
      %dma_wait3A_153 = tpu.memref_squeeze %dma_wait3A_152 : memref<1x80x128xf32, #tpu.memory_space<hbm>> -> memref<80x128xf32, #tpu.memory_space<hbm>>
      tpu.wait_dma2 semaphore(%run_scoped3A : memref<!tpu.dma_semaphore, #tpu.memory_space<semaphore_mem>>) src(%arg12 : memref<80x128xf32, #tpu.memory_space<vmem>>) dst(%dma_wait3A_153 : memref<80x128xf32, #tpu.memory_space<hbm>>)
      tpu.yield
    }) : () -> ()
    %add3A_140 = arith.constant 560 : i32
    %add3A_141 = arith.addi %mul3A_20, %add3A_140 : i32
    "tpu.region"() ({
      %run_scoped3A = tpu.sem_alloc : memref<!tpu.dma_semaphore, #tpu.memory_space<semaphore_mem>>
      %dma_start3A_142 = arith.constant 0 : i32
      %dma_start3A_143 = tpu.memref_slice %arg15[%add3A_141, %dma_start3A_142] : memref<10240x128xf32, #tpu.memory_space<vmem_shared>> -> memref<80x128xf32, #tpu.memory_space<vmem_shared>>
      %dma_start3A_144 = arith.constant 0 : i32
      %dma_start3A_145 = tpu.memref_slice %arg15[%add3A_141, %dma_start3A_144] : memref<10240x128xf32, #tpu.memory_space<vmem_shared>> -> memref<80x128xf32, #tpu.memory_space<vmem_shared>>
      tpu.enqueue_dma source(%dma_start3A_145 : memref<80x128xf32, #tpu.memory_space<vmem_shared>>) target(%arg12 : memref<80x128xf32, #tpu.memory_space<vmem>>) target_semaphore(%run_scoped3A : memref<!tpu.dma_semaphore, #tpu.memory_space<semaphore_mem>>)
      %dma_wait3A_146 = arith.constant 0 : i32
      %dma_wait3A_147 = tpu.memref_slice %arg15[%add3A_141, %dma_wait3A_146] : memref<10240x128xf32, #tpu.memory_space<vmem_shared>> -> memref<80x128xf32, #tpu.memory_space<vmem_shared>>
      %dma_wait3A_148 = arith.constant 0 : i32
      %dma_wait3A_149 = tpu.memref_slice %arg15[%add3A_141, %dma_wait3A_148] : memref<10240x128xf32, #tpu.memory_space<vmem_shared>> -> memref<80x128xf32, #tpu.memory_space<vmem_shared>>
      tpu.wait_dma2 semaphore(%run_scoped3A : memref<!tpu.dma_semaphore, #tpu.memory_space<semaphore_mem>>) src(%dma_wait3A_149 : memref<80x128xf32, #tpu.memory_space<vmem_shared>>) dst(%arg12 : memref<80x128xf32, #tpu.memory_space<vmem>>)
      tpu.yield
    }) : () -> ()
    "tpu.region"() ({
      %run_scoped3A = tpu.sem_alloc : memref<!tpu.dma_semaphore, #tpu.memory_space<semaphore_mem>>
      %dma_start3A_142 = arith.constant 0 : i32
      %dma_start3A_143 = tpu.memref_slice %arg5[%arg0, %add3A_141, %dma_start3A_142] : memref<2x10240x128xf32, #tpu.memory_space<hbm>> -> memref<1x80x128xf32, #tpu.memory_space<hbm>>
      %dma_start3A_144 = tpu.memref_squeeze %dma_start3A_143 : memref<1x80x128xf32, #tpu.memory_space<hbm>> -> memref<80x128xf32, #tpu.memory_space<hbm>>
      %dma_start3A_145 = arith.constant 0 : i32
      %dma_start3A_146 = tpu.memref_slice %arg5[%arg0, %add3A_141, %dma_start3A_145] : memref<2x10240x128xf32, #tpu.memory_space<hbm>> -> memref<1x80x128xf32, #tpu.memory_space<hbm>>
      %dma_start3A_147 = tpu.memref_squeeze %dma_start3A_146 : memref<1x80x128xf32, #tpu.memory_space<hbm>> -> memref<80x128xf32, #tpu.memory_space<hbm>>
      tpu.enqueue_dma source(%arg12 : memref<80x128xf32, #tpu.memory_space<vmem>>) target(%dma_start3A_147 : memref<80x128xf32, #tpu.memory_space<hbm>>) target_semaphore(%run_scoped3A : memref<!tpu.dma_semaphore, #tpu.memory_space<semaphore_mem>>)
      %dma_wait3A_148 = arith.constant 0 : i32
      %dma_wait3A_149 = tpu.memref_slice %arg5[%arg0, %add3A_141, %dma_wait3A_148] : memref<2x10240x128xf32, #tpu.memory_space<hbm>> -> memref<1x80x128xf32, #tpu.memory_space<hbm>>
      %dma_wait3A_150 = tpu.memref_squeeze %dma_wait3A_149 : memref<1x80x128xf32, #tpu.memory_space<hbm>> -> memref<80x128xf32, #tpu.memory_space<hbm>>
      %dma_wait3A_151 = arith.constant 0 : i32
      %dma_wait3A_152 = tpu.memref_slice %arg5[%arg0, %add3A_141, %dma_wait3A_151] : memref<2x10240x128xf32, #tpu.memory_space<hbm>> -> memref<1x80x128xf32, #tpu.memory_space<hbm>>
      %dma_wait3A_153 = tpu.memref_squeeze %dma_wait3A_152 : memref<1x80x128xf32, #tpu.memory_space<hbm>> -> memref<80x128xf32, #tpu.memory_space<hbm>>
      tpu.wait_dma2 semaphore(%run_scoped3A : memref<!tpu.dma_semaphore, #tpu.memory_space<semaphore_mem>>) src(%arg12 : memref<80x128xf32, #tpu.memory_space<vmem>>) dst(%dma_wait3A_153 : memref<80x128xf32, #tpu.memory_space<hbm>>)
      tpu.yield
    }) : () -> ()
    return
  }
}

module attributes {stable_mosaic.version = 14 : i64} {
  func.func @body(%arg0: i32, %arg1: memref<2000x128xf32, #tpu.memory_space<vmem>>, %arg2: memref<2000x128xf32, #tpu.memory_space<vmem>>, %arg3: memref<2000x128xf32, #tpu.memory_space<vmem>>, %arg4: memref<2000x1xf32, #tpu.memory_space<vmem>>, %arg5: memref<2000x1xf32, #tpu.memory_space<vmem>>, %arg6: memref<128x128xf32, #tpu.memory_space<vmem>>, %arg7: memref<128x128xf32, #tpu.memory_space<vmem>>, %arg8: memref<1x128xf32, #tpu.memory_space<vmem>>, %arg9: memref<2000x128xf32, #tpu.memory_space<vmem>>) attributes {dimension_semantics = [#tpu.dimension_semantics<arbitrary>], iteration_bounds = array<i64: 5>, scalar_prefetch = 0 : i64, scratch_operands = 0 : i64, tpu.core_type = #tpu.core_type<tc>, window_params = [{transform_indices = @transform_0, window_bounds = array<i64: 2000, 128>}, {transform_indices = @transform_1, window_bounds = array<i64: 2000, 128>}, {transform_indices = @transform_2, window_bounds = array<i64: 2000, 128>}, {transform_indices = @transform_3, window_bounds = array<i64: 2000, 1>}, {transform_indices = @transform_4, window_bounds = array<i64: 2000, 1>}, {pipeline_mode = #tpu.pipeline_mode<synchronous>, transform_indices = @transform_5, window_bounds = array<i64: 128, 128>}, {pipeline_mode = #tpu.pipeline_mode<synchronous>, transform_indices = @transform_6, window_bounds = array<i64: 128, 128>}, {pipeline_mode = #tpu.pipeline_mode<synchronous>, transform_indices = @transform_7, window_bounds = array<i64: 1, 128>}, {transform_indices = @transform_8, window_bounds = array<i64: 2000, 128>}]} {
    %get3A = arith.constant 0 : index
    %get3A_0 = arith.constant 0 : index
    %get3A_1 = vector.load %arg4[%get3A, %get3A_0] : memref<2000x1xf32, #tpu.memory_space<vmem>>, vector<2000x1xf32>
    %get3A_2 = arith.constant 0 : index
    %get3A_3 = arith.constant 0 : index
    %get3A_4 = vector.load %arg5[%get3A_2, %get3A_3] : memref<2000x1xf32, #tpu.memory_space<vmem>>, vector<2000x1xf32>
    %add3A = arith.addf %get3A_1, %get3A_4 : vector<2000x1xf32>
    %max3A = arith.constant 1.000000e+00 : f32
    %max3A_5 = vector.broadcast %max3A : f32 to vector<2000x1xf32>
    %max3A_6 = arith.maximumf %add3A, %max3A_5 : vector<2000x1xf32>
    %div3A = arith.constant 1.000000e+00 : f32
    %div3A_7 = vector.broadcast %div3A : f32 to vector<2000x1xf32>
    %div3A_8 = arith.divf %div3A_7, %max3A_6 : vector<2000x1xf32>
    %get3A_9 = arith.constant 0 : index
    %get3A_10 = arith.constant 0 : index
    %get3A_11 = vector.load %arg2[%get3A_9, %get3A_10] : memref<2000x128xf32, #tpu.memory_space<vmem>>, vector<2000x128xf32>
    %get3A_12 = arith.constant 0 : index
    %get3A_13 = arith.constant 0 : index
    %get3A_14 = vector.load %arg3[%get3A_12, %get3A_13] : memref<2000x128xf32, #tpu.memory_space<vmem>>, vector<2000x128xf32>
    %add3A_15 = arith.addf %get3A_11, %get3A_14 : vector<2000x128xf32>
    %mul3A = vector.broadcast %div3A_8 : vector<2000x1xf32> to vector<2000x128xf32>
    %mul3A_16 = arith.mulf %add3A_15, %mul3A : vector<2000x128xf32>
    %get3A_17 = arith.constant 0 : index
    %get3A_18 = arith.constant 0 : index
    %get3A_19 = vector.load %arg1[%get3A_17, %get3A_18] : memref<2000x128xf32, #tpu.memory_space<vmem>>, vector<2000x128xf32>
    %get3A_20 = arith.constant 0 : index
    %get3A_21 = arith.constant 0 : index
    %get3A_22 = vector.load %arg6[%get3A_20, %get3A_21] : memref<128x128xf32, #tpu.memory_space<vmem>>, vector<128x128xf32>
    %dot_general3A = arith.constant dense<0.000000e+00> : vector<2000x128xf32>
    %dot_general3A_23 = tpu.matmul %get3A_19, %get3A_22, %dot_general3A {dimension_numbers = #tpu.dot_dimension_numbers<[1], [0], [0], [1], [0, 0, 1, 1], [], []>, transpose_lhs_hint = false} : vector<2000x128xf32>, vector<128x128xf32>, vector<2000x128xf32> -> vector<2000x128xf32>
    %get3A_24 = arith.constant 0 : index
    %get3A_25 = arith.constant 0 : index
    %get3A_26 = vector.load %arg7[%get3A_24, %get3A_25] : memref<128x128xf32, #tpu.memory_space<vmem>>, vector<128x128xf32>
    %dot_general3A_27 = arith.constant dense<0.000000e+00> : vector<2000x128xf32>
    %dot_general3A_28 = tpu.matmul %mul3A_16, %get3A_26, %dot_general3A_27 {dimension_numbers = #tpu.dot_dimension_numbers<[1], [0], [0], [1], [0, 0, 1, 1], [], []>, transpose_lhs_hint = false} : vector<2000x128xf32>, vector<128x128xf32>, vector<2000x128xf32> -> vector<2000x128xf32>
    %add3A_29 = arith.addf %dot_general3A_23, %dot_general3A_28 : vector<2000x128xf32>
    %get3A_30 = arith.constant 0 : index
    %get3A_31 = arith.constant 0 : index
    %get3A_32 = vector.load %arg8[%get3A_30, %get3A_31] : memref<1x128xf32, #tpu.memory_space<vmem>>, vector<1x128xf32>
    %add3A_33 = vector.broadcast %get3A_32 : vector<1x128xf32> to vector<2000x128xf32>
    %add3A_34 = arith.addf %add3A_29, %add3A_33 : vector<2000x128xf32>
    %max3A_35 = arith.constant 0.000000e+00 : f32
    %max3A_36 = vector.broadcast %max3A_35 : f32 to vector<2000x128xf32>
    %max3A_37 = arith.maximumf %add3A_34, %max3A_36 : vector<2000x128xf32>
    %swap3A = arith.constant 0 : index
    %swap3A_38 = arith.constant 0 : index
    %swap3A_39 = vector.load %arg9[%swap3A, %swap3A_38] : memref<2000x128xf32, #tpu.memory_space<vmem>>, vector<2000x128xf32>
    tpu.vector_store %arg9[%swap3A, %swap3A_38], %max3A_37 {strides = array<i32>} : memref<2000x128xf32, #tpu.memory_space<vmem>>, vector<2000x128xf32>,
    return
  }
  func.func @transform_0(%arg0: i32) -> (i32, i32) {
    %c0_i32 = arith.constant 0 : i32
    %c0_i32_0 = arith.constant 0 : i32
    return %arg0, %c0_i32 : i32, i32
  }
  func.func @transform_1(%arg0: i32) -> (i32, i32) {
    %c0_i32 = arith.constant 0 : i32
    %c0_i32_0 = arith.constant 0 : i32
    return %arg0, %c0_i32 : i32, i32
  }
  func.func @transform_2(%arg0: i32) -> (i32, i32) {
    %c0_i32 = arith.constant 0 : i32
    %c0_i32_0 = arith.constant 0 : i32
    return %arg0, %c0_i32 : i32, i32
  }
  func.func @transform_3(%arg0: i32) -> (i32, i32) {
    %c0_i32 = arith.constant 0 : i32
    %c0_i32_0 = arith.constant 0 : i32
    return %arg0, %c0_i32 : i32, i32
  }
  func.func @transform_4(%arg0: i32) -> (i32, i32) {
    %c0_i32 = arith.constant 0 : i32
    %c0_i32_0 = arith.constant 0 : i32
    return %arg0, %c0_i32 : i32, i32
  }
  func.func @transform_5(%arg0: i32) -> (i32, i32) {
    %c0_i32 = arith.constant 0 : i32
    %c0_i32_0 = arith.constant 0 : i32
    %c0_i32_1 = arith.constant 0 : i32
    return %c0_i32, %c0_i32_0 : i32, i32
  }
  func.func @transform_6(%arg0: i32) -> (i32, i32) {
    %c0_i32 = arith.constant 0 : i32
    %c0_i32_0 = arith.constant 0 : i32
    %c0_i32_1 = arith.constant 0 : i32
    return %c0_i32, %c0_i32_0 : i32, i32
  }
  func.func @transform_7(%arg0: i32) -> (i32, i32) {
    %c0_i32 = arith.constant 0 : i32
    %c0_i32_0 = arith.constant 0 : i32
    %c0_i32_1 = arith.constant 0 : i32
    return %c0_i32, %c0_i32_0 : i32, i32
  }
  func.func @transform_8(%arg0: i32) -> (i32, i32) {
    %c0_i32 = arith.constant 0 : i32
    %c0_i32_0 = arith.constant 0 : i32
    return %arg0, %c0_i32 : i32, i32
  }
}

module attributes {stable_mosaic.version = 14 : i64} {
  func.func @body(%arg0: i32, %arg1: memref<2000x128xf32, #tpu.memory_space<vmem>>, %arg2: memref<2000x128xf32, #tpu.memory_space<vmem>>, %arg3: memref<2000x128xf32, #tpu.memory_space<vmem>>, %arg4: memref<2000x1xf32, #tpu.memory_space<vmem>>, %arg5: memref<2000x1xf32, #tpu.memory_space<vmem>>, %arg6: memref<128x40xf32, #tpu.memory_space<vmem>>, %arg7: memref<128x40xf32, #tpu.memory_space<vmem>>, %arg8: memref<1x40xf32, #tpu.memory_space<vmem>>, %arg9: memref<2000x40xf32, #tpu.memory_space<vmem>>) attributes {dimension_semantics = [#tpu.dimension_semantics<arbitrary>], iteration_bounds = array<i64: 5>, scalar_prefetch = 0 : i64, scratch_operands = 0 : i64, tpu.core_type = #tpu.core_type<tc>, window_params = [{transform_indices = @transform_0, window_bounds = array<i64: 2000, 128>}, {transform_indices = @transform_1, window_bounds = array<i64: 2000, 128>}, {transform_indices = @transform_2, window_bounds = array<i64: 2000, 128>}, {transform_indices = @transform_3, window_bounds = array<i64: 2000, 1>}, {transform_indices = @transform_4, window_bounds = array<i64: 2000, 1>}, {pipeline_mode = #tpu.pipeline_mode<synchronous>, transform_indices = @transform_5, window_bounds = array<i64: 128, 40>}, {pipeline_mode = #tpu.pipeline_mode<synchronous>, transform_indices = @transform_6, window_bounds = array<i64: 128, 40>}, {pipeline_mode = #tpu.pipeline_mode<synchronous>, transform_indices = @transform_7, window_bounds = array<i64: 1, 40>}, {transform_indices = @transform_8, window_bounds = array<i64: 2000, 40>}]} {
    %get3A = arith.constant 0 : index
    %get3A_0 = arith.constant 0 : index
    %get3A_1 = vector.load %arg4[%get3A, %get3A_0] : memref<2000x1xf32, #tpu.memory_space<vmem>>, vector<2000x1xf32>
    %get3A_2 = arith.constant 0 : index
    %get3A_3 = arith.constant 0 : index
    %get3A_4 = vector.load %arg5[%get3A_2, %get3A_3] : memref<2000x1xf32, #tpu.memory_space<vmem>>, vector<2000x1xf32>
    %add3A = arith.addf %get3A_1, %get3A_4 : vector<2000x1xf32>
    %max3A = arith.constant 1.000000e+00 : f32
    %max3A_5 = vector.broadcast %max3A : f32 to vector<2000x1xf32>
    %max3A_6 = arith.maximumf %add3A, %max3A_5 : vector<2000x1xf32>
    %div3A = arith.constant 1.000000e+00 : f32
    %div3A_7 = vector.broadcast %div3A : f32 to vector<2000x1xf32>
    %div3A_8 = arith.divf %div3A_7, %max3A_6 : vector<2000x1xf32>
    %get3A_9 = arith.constant 0 : index
    %get3A_10 = arith.constant 0 : index
    %get3A_11 = vector.load %arg2[%get3A_9, %get3A_10] : memref<2000x128xf32, #tpu.memory_space<vmem>>, vector<2000x128xf32>
    %get3A_12 = arith.constant 0 : index
    %get3A_13 = arith.constant 0 : index
    %get3A_14 = vector.load %arg3[%get3A_12, %get3A_13] : memref<2000x128xf32, #tpu.memory_space<vmem>>, vector<2000x128xf32>
    %add3A_15 = arith.addf %get3A_11, %get3A_14 : vector<2000x128xf32>
    %mul3A = vector.broadcast %div3A_8 : vector<2000x1xf32> to vector<2000x128xf32>
    %mul3A_16 = arith.mulf %add3A_15, %mul3A : vector<2000x128xf32>
    %get3A_17 = arith.constant 0 : index
    %get3A_18 = arith.constant 0 : index
    %get3A_19 = vector.load %arg1[%get3A_17, %get3A_18] : memref<2000x128xf32, #tpu.memory_space<vmem>>, vector<2000x128xf32>
    %get3A_20 = arith.constant 0 : index
    %get3A_21 = arith.constant 0 : index
    %get3A_22 = vector.load %arg6[%get3A_20, %get3A_21] : memref<128x40xf32, #tpu.memory_space<vmem>>, vector<128x40xf32>
    %dot_general3A = arith.constant dense<0.000000e+00> : vector<2000x40xf32>
    %dot_general3A_23 = tpu.matmul %get3A_19, %get3A_22, %dot_general3A {dimension_numbers = #tpu.dot_dimension_numbers<[1], [0], [0], [1], [0, 0, 1, 1], [], []>, transpose_lhs_hint = false} : vector<2000x128xf32>, vector<128x40xf32>, vector<2000x40xf32> -> vector<2000x40xf32>
    %get3A_24 = arith.constant 0 : index
    %get3A_25 = arith.constant 0 : index
    %get3A_26 = vector.load %arg7[%get3A_24, %get3A_25] : memref<128x40xf32, #tpu.memory_space<vmem>>, vector<128x40xf32>
    %dot_general3A_27 = arith.constant dense<0.000000e+00> : vector<2000x40xf32>
    %dot_general3A_28 = tpu.matmul %mul3A_16, %get3A_26, %dot_general3A_27 {dimension_numbers = #tpu.dot_dimension_numbers<[1], [0], [0], [1], [0, 0, 1, 1], [], []>, transpose_lhs_hint = false} : vector<2000x128xf32>, vector<128x40xf32>, vector<2000x40xf32> -> vector<2000x40xf32>
    %add3A_29 = arith.addf %dot_general3A_23, %dot_general3A_28 : vector<2000x40xf32>
    %get3A_30 = arith.constant 0 : index
    %get3A_31 = arith.constant 0 : index
    %get3A_32 = vector.load %arg8[%get3A_30, %get3A_31] : memref<1x40xf32, #tpu.memory_space<vmem>>, vector<1x40xf32>
    %add3A_33 = vector.broadcast %get3A_32 : vector<1x40xf32> to vector<2000x40xf32>
    %add3A_34 = arith.addf %add3A_29, %add3A_33 : vector<2000x40xf32>
    %swap3A = arith.constant 0 : index
    %swap3A_35 = arith.constant 0 : index
    %swap3A_36 = vector.load %arg9[%swap3A, %swap3A_35] : memref<2000x40xf32, #tpu.memory_space<vmem>>, vector<2000x40xf32>
    tpu.vector_store %arg9[%swap3A, %swap3A_35], %add3A_34 {strides = array<i32>} : memref<2000x40xf32, #tpu.memory_space<vmem>>, vector<2000x40xf32>,
    return
  }
  func.func @transform_0(%arg0: i32) -> (i32, i32) {
    %c0_i32 = arith.constant 0 : i32
    %c0_i32_0 = arith.constant 0 : i32
    return %arg0, %c0_i32 : i32, i32
  }
  func.func @transform_1(%arg0: i32) -> (i32, i32) {
    %c0_i32 = arith.constant 0 : i32
    %c0_i32_0 = arith.constant 0 : i32
    return %arg0, %c0_i32 : i32, i32
  }
  func.func @transform_2(%arg0: i32) -> (i32, i32) {
    %c0_i32 = arith.constant 0 : i32
    %c0_i32_0 = arith.constant 0 : i32
    return %arg0, %c0_i32 : i32, i32
  }
  func.func @transform_3(%arg0: i32) -> (i32, i32) {
    %c0_i32 = arith.constant 0 : i32
    %c0_i32_0 = arith.constant 0 : i32
    return %arg0, %c0_i32 : i32, i32
  }
  func.func @transform_4(%arg0: i32) -> (i32, i32) {
    %c0_i32 = arith.constant 0 : i32
    %c0_i32_0 = arith.constant 0 : i32
    return %arg0, %c0_i32 : i32, i32
  }
  func.func @transform_5(%arg0: i32) -> (i32, i32) {
    %c0_i32 = arith.constant 0 : i32
    %c0_i32_0 = arith.constant 0 : i32
    %c0_i32_1 = arith.constant 0 : i32
    return %c0_i32, %c0_i32_0 : i32, i32
  }
  func.func @transform_6(%arg0: i32) -> (i32, i32) {
    %c0_i32 = arith.constant 0 : i32
    %c0_i32_0 = arith.constant 0 : i32
    %c0_i32_1 = arith.constant 0 : i32
    return %c0_i32, %c0_i32_0 : i32, i32
  }
  func.func @transform_7(%arg0: i32) -> (i32, i32) {
    %c0_i32 = arith.constant 0 : i32
    %c0_i32_0 = arith.constant 0 : i32
    %c0_i32_1 = arith.constant 0 : i32
    return %c0_i32, %c0_i32_0 : i32, i32
  }
  func.func @transform_8(%arg0: i32) -> (i32, i32) {
    %c0_i32 = arith.constant 0 : i32
    %c0_i32_0 = arith.constant 0 : i32
    return %arg0, %c0_i32 : i32, i32
  }
}

</mosaic_0001>

<sc_bundles>
// kernel: kernel.11.cloned.1.call-start
scs
__scs_entry_jumppad:
0x0: {  	(pc) =	sbr.rel $0x88, $3  }
0x1: {  	(tag) =	ssettag $0x0;
	lr =	simm.s32 $0x1  }
0x2: {  	[smem:$0x3F96] =	sst lr;
	_ =	strace $0xD0000000  }
0x3: {  	_ = 	snop  }
0x4: {  	_ = 	snop  }
0x5: {  	_ = 	snop  }
0x6: {  	_ = 	snop  }
0x7: {  	_ = 	snop  }
__scs_overlays_trampoline_lowered:
0x8: {  	[smem:$0x3FA5] =	sst s0  }
0x9: {  	[smem:$0x3FA6] =	sst s1  }
0xa: {  	[smem:$0x3FA7] =	sst s2  }
0xb: {  	[smem:$0x3FA8] =	sst s3  }
0xc: {  	[smem:$0x3FA9] =	sst s4  }
0xd: {  	[smem:$0x3FAA] =	sst s5  }
0xe: {  	[smem:$0x3FAB] =	sst s6  }
0xf: {  	[smem:$0x3FAC] =	sst s7  }
0x10: {  	[smem:$0x3FAD] =	sst s8  }
0x11: {  	[smem:$0x3FAE] =	sst s9;
	s0 =	simm.s32 @!p0 $0x0  }
0x12: {  	s1 =	sld [smem:$0x3F94];
	s0 =	simm.s32 @p0 $0x1  }
0x13: {  	[smem:$0x3FAF] =	sst s0;
	s0 =	simm.s32 @!p1 $0x0  }
0x14: {  	s2 =	sld [smem:$0x3F93];
	s0 =	simm.s32 @p1 $0x1  }
0x15: {  	[smem:$0x3FB0] =	sst s0;
	s0 =	simm.s32 @!p2 $0x0  }
0x16: {  	s3 =	sld [smem:$0x3FDB];
	s0 =	simm.s32 @p2 $0x1  }
0x17: {  	s4 =	simm.s32 $0x1BF5;
	[smem:$0x3FB2] =	sst s0  }
0x18: {  	s0 =	sld [smem:$0x3F95];
	_ =	swait.ge [sflag:s4], $0x0  }
0x19: {  	s7 =	sld [smem:$0x3F96]  }
0x1a: {  	s8 =	sadd.s32 $0xFFFFE003, lr  }
0x1b: {  	s9 =	sadd.s32 $0xFFFFFEF7, lr;
	s5 =	simm.s32 $0xFFFFFFFF;
	p2 =	slt.u32 s8, $0xFFFFF086  }
0x1c: {  	p1 =	slt.u32 s9, $0xF7A;
	s5 =	simm.s32 @!p2 $0x0  }
0x1d: {  	s5 =	simm.s32 @p1 $0x1;
	p0 =	seq.s32 s7, s2  }
0x1e: {  	s7 =	smul.u32 @!p0 $0xF7A, s2;
	p2 =	seq.s32 @!p0 s5, $0x0  }
0x1f: {  	s9 =	smul.u32 $0xF7A, s1;
	s8 =	simm.s32 @!p0 $0x1BF5;
	p2 =	por !p2, p0  }
0x20: {  	[sflag:s8] =	ssyncset.s32 @!p0 $0xFFFFF086;
	s6 =	sadd.s32 @!p0 s3, s7;
	s7 =	simm.s32 @!p0 $0x108  }
0x21: {  	s3 =	sadd.s32 s3, s9;
	s6 =	sadd.s32 @!p0 $0x88, s6;
	s7 =	simm.s32 @p2 $0x1082  }
0x22: {  	[simem:s7], [sflag:s8] =	dma.local @!p0 [hbm:s6], $0xF7A  }
0x23: {  	s9 =	sor.u32 $0xD0000000, s2;
	s6 =	simm.s32 $0x108;
	_ =	swait.ge @!p0 [sflag:s8], $0x0  }
0x24: {  	s3 =	sadd.s32 $0x88, s3;
	s6 =	simm.s32 @!p1 $0x1082;
	[sflag:s4] =	ssyncset.s32 $0xFFFFF086  }
0x25: {  	[simem:s6], [sflag:s4] =	dma.local [hbm:s3], $0xF7A  }
0x26: {  	[smem:$0x3F96] =	sst s1;
	(tag) =	ssettag s2;
	_ =	strace s9  }
0x27: {  	s1 =	sld [smem:$0x3FA6]  }
0x28: {  	s2 =	sld [smem:$0x3FA7]  }
0x29: {  	s4 =	sld [smem:$0x3FA9]  }
0x2a: {  	p0 =	seq.s32 s5, $0x0;
	s5 =	sld [smem:$0x3FAA]  }
0x2b: {  	s6 =	sld [smem:$0x3FAB]  }
0x2c: {  	s7 =	sld [smem:$0x3FAC]  }
0x2d: {  	s3 =	simm.s32 $0x108;
	s8 =	sld [smem:$0x3FAD]  }
0x2e: {  	s3 =	simm.s32 @!p0 $0x1082;
	s9 =	sld [smem:$0x3FAE]  }
0x2f: {  	lr =	sadd.s32 s0, s3;
	s0 =	sld [smem:$0x3FA5]  }
0x30: {  	s3 =	sld [smem:$0x3FA8]  }
0x31: {  	[smem:$0x3FB1] =	sst s10  }
0x32: {  	s10 =	sld [smem:$0x3FAF];
	_ =	sdelay $0x3  }
0x33: {  	p0 =	seq.s32 s10, $0x1;
	s10 =	sld [smem:$0x3FB1];
	_ =	sdelay $0x3  }
0x34: {  	[smem:$0x3FB1] =	sst s10  }
0x35: {  	s10 =	sld [smem:$0x3FB0];
	_ =	sdelay $0x3  }
0x36: {  	p1 =	seq.s32 s10, $0x1;
	s10 =	sld [smem:$0x3FB1];
	_ =	sdelay $0x3  }
0x37: {  	[smem:$0x3FB1] =	sst s10  }
0x38: {  	s10 =	sld [smem:$0x3FB2]  }
0x39: {  	_ = 	snop;
	(pc) =	sbr.ind lr, $3  }
0x3a: {  	_ = 	snop  }
0x3b: {  	_ = 	snop  }
0x3c: {  	p2 =	seq.s32 s10, $0x1;
	s10 =	sld [smem:$0x3FB1]  }
0x3d: {  	_ =	shalt  }
0x3e: {  	_ =	shalt  }
0x3f: {  	_ =	shalt  }
0x40: {  	_ =	shalt  }
0x41: {  	_ =	shalt  }
0x42: {  	_ =	shalt  }
0x43: {  	_ =	shalt  }
0x44: {  	_ =	shalt  }
0x45: {  	_ =	shalt  }
0x46: {  	_ =	shalt  }
0x47: {  	_ =	shalt  }
0x48: {  	_ =	shalt  }
0x49: {  	_ =	shalt  }
0x4a: {  	_ =	shalt  }
0x4b: {  	_ =	shalt  }
0x4c: {  	_ =	shalt  }
0x4d: {  	_ =	shalt  }
0x4e: {  	_ =	shalt  }
0x4f: {  	_ =	shalt  }
0x50: {  	_ =	shalt  }
0x51: {  	_ =	shalt  }
0x52: {  	_ =	shalt  }
0x53: {  	_ =	shalt  }
0x54: {  	_ =	shalt  }
0x55: {  	_ =	shalt  }
0x56: {  	_ =	shalt  }
0x57: {  	_ =	shalt  }
0x58: {  	_ =	shalt  }
0x59: {  	_ =	shalt  }
0x5a: {  	_ =	shalt  }
0x5b: {  	_ =	shalt  }
0x5c: {  	_ =	shalt  }
0x5d: {  	_ =	shalt  }
0x5e: {  	_ =	shalt  }
0x5f: {  	_ =	shalt  }
0x60: {  	_ =	shalt  }
0x61: {  	_ =	shalt  }
0x62: {  	_ =	shalt  }
0x63: {  	_ =	shalt  }
0x64: {  	_ =	shalt  }
0x65: {  	_ =	shalt  }
0x66: {  	_ =	shalt  }
0x67: {  	_ =	shalt  }
0x68: {  	_ =	shalt  }
0x69: {  	_ =	shalt  }
0x6a: {  	_ =	shalt  }
0x6b: {  	_ =	shalt  }
0x6c: {  	_ =	shalt  }
0x6d: {  	_ =	shalt  }
0x6e: {  	_ =	shalt  }
0x6f: {  	_ =	shalt  }
0x70: {  	_ =	shalt  }
0x71: {  	_ =	shalt  }
0x72: {  	_ =	shalt  }
0x73: {  	_ =	shalt  }
0x74: {  	_ =	shalt  }
0x75: {  	_ =	shalt  }
0x76: {  	_ =	shalt  }
0x77: {  	_ =	shalt  }
0x78: {  	_ =	shalt  }
0x79: {  	_ =	shalt  }
0x7a: {  	_ =	shalt  }
0x7b: {  	_ =	shalt  }
0x7c: {  	_ =	shalt  }
0x7d: {  	_ =	shalt  }
0x7e: {  	_ =	shalt  }
0x7f: {  	_ =	shalt  }
0x80: {  	_ =	shalt  }
0x81: {  	_ =	shalt  }
0x82: {  	_ =	shalt  }
0x83: {  	_ =	shalt  }
0x84: {  	_ =	shalt  }
0x85: {  	_ =	shalt  }
0x86: {  	_ =	shalt  }
0x87: {  	_ =	shalt  }
.Lfunc_end0:
.L_simem_size_0:
called_computation.1_lowered:
.L_overlay_start_0:
0x88: {  	s2 =	sld [smem:$0x3FD9]  }
0x89: {  	s3 =	sld [smem:$0x3FFE];
	_ =	sdelay $0x1  }
0x8a: {  	s1 =	srdreg.scid  }
0x8b: {  	s0 =	sand.u32 $0x1, s1  }
0x8c: {  	s17 =	sshll.u32 s0, $0xA;
	s2 =	sadd.s32 s3, s2  }
0x8d: {  	s2 =	sadd.s32 s2, s17  }
0x8e: {  	[smem:$0x3FBD] =	sst s2  }
0x8f: {  	_ = 	snop  }
0x90: {  	s2 =	sld [smem:$0x3FD0];
	(tm) =	ssettm $0x1  }
0x91: {  	s18 =	sld [smem:$0x3FFB];
	_ =	sdelay $0x3  }
0x92: {  	_ =	strace s18  }
0x93: {  	s3 =	sld [smem:$0x3FFC];
	_ =	sdelay $0x3  }
0x94: {  	_ =	strace s3  }
0x95: {  	s3 =	sld [smem:$0x3FFD];
	_ =	sdelay $0x3  }
0x96: {  	_ =	strace s3  }
0x97: {  	_ =	strace $0x8FFFFFFF  }
0x98: {  	s19 =	sld [smem:$0x3FDB];
	_ =	sdelay $0x1  }
0x99: {  	s4 =	simm.s32 $_scs_section_size  }
0x9a: {  	s5 =	simm.s32 $_size__tile_overlayer_lowered;
	s6 =	simm.s32 $_tile_overlayer_lowered  }
0x9b: {  	s22 =	simm.s32 $0x1BFF;
	s21 =	sshll.u32 s6, $0x1;
	s3 =	sadd.s32 s4, s19  }
0x9c: {  	s7 =	simm.s32 $0x0;
	s20 =	sshll.u32 s5, $0x1;
	s5 =	sadd.s32 s21, s3  }
0x9d: {  	[timem:s7], [sflag:s22] =	dma.local [hbm:s5], s20  }
0x9e: {  	_ =	swait.ge [sflag:s22], s20  }
0x9f: {  	s4 =	ssub.s32 $0x0, s20;
	[sflag:s22] =	ssyncset.done $0x0  }
0xa0: {  	[sflag:s22] =	ssyncadd.s32 s4;
	_ =	sdelay $0x1  }
0xa1: {  	s23 =	simm.s32 $0x1B8B  }
0xa2: {  	_ =	swait.ge [sflag:s23], $0x1  }
0xa3: {  	[sflag:s23] =	ssyncset.done $0x0  }
0xa4: {  	s25 =	simm.s32 $0x1B8E;
	s24 =	sld [smem:$0x3FFE];
	[sflag:s23] =	ssyncadd.s32 $0xFFFFFFFF  }
0xa5: {  	s26 =	simm.s32 $execute0_lowered;
	[smem:$0x3FD2] =	sst s25  }
0xa6: {  	s5 =	sshll.u32 s26, $0x1;
	_ =	strace $0x80000049;
	[dreg:$0x1] =	wrdreg $0xFFFFFFFF  }
0xa7: {  	s28 =	simm.s32 $_size_execute0_lowered;
	s3 =	sadd.s32 s3, s5;
	[dreg:$0x0] =	wrdreg $0x0  }
0xa8: {  	s5 =	sshll.u32 s28, $0x1;
	[dreg:$0x2] =	wrdreg s3  }
0xa9: {  	[dreg:$0x3] =	wrdreg s5  }
0xaa: {  	[dreg:$0x4] =	wrdreg $0xC0  }
0xab: {  	_ =	task [dreg:s7], $0x5FFFF  }
0xac: {  	[dreg:$0x1] =	wrdreg $0xFFFFFFFF  }
0xad: {  	[dreg:$0x0] =	wrdreg $0x60  }
0xae: {  	[dreg:$0x2] =	wrdreg s24  }
0xaf: {  	[dreg:$0x3] =	wrdreg s2  }
0xb0: {  	[dreg:$0x4] =	wrdreg $0x7B000  }
0xb1: {  	[dreg:$0x5] =	wrdreg $0x9  }
0xb2: {  	_ =	task.clear_ibuf [dreg:s7], $0x6FFFF;
	_ =	strace $0x90000049  }
0xb3: {  	s29 =	simm.s32 $0x9;
	_ =	strace $0x8000004B  }
0xb4: {  	_ =	swait.ge [sflag:s29], $0x1  }
0xb5: {  	[sflag:s29] =	ssyncadd.s32 $0xFFFFFFFF  }
0xb6: {  	_ =	strace $0x9000004B  }
0xb7: {  	_ =	sfence  }
0xb8: {  	s30 =	sld [smem:$0x0];
	_ =	sdelay $0x2  }
0xb9: {  	s31 =	sshll.u32 s1, $0xD;
	s1 =	sshrl.u32 s1, $0x2  }
0xba: {  	s3 =	sand.u32 $0x4000, s31;
	s1 =	sadd.s32 s1, s30  }
0xbb: {  	s0 =	sor.u32 s3, s0;
	s1 =	sshll.u32 s1, $0x11  }
0xbc: {  	s0 =	sor.u32 s1, s0  }
0xbd: {  	s0 =	sadd.s32 $0x8F2B, s0  }
0xbe: {  	[sflag:s0] =	ssyncadd.remote.s32 $0x1  }
0xbf: {  	_ =	sfence.sel $0xFFFF  }
0xc0: {  	[dreg:$0x0] =	wrdreg $0xFFFFFFFF;
	(pc) =	sbr.abs _section_cstart, $3  }
0xc1: {  	[dreg:$0x1] =	wrdreg $0xFFFFFFFF  }
0xc2: {  	_ =	task.clear_ibuf [dreg:s7], $0x2FFFF;
	_ =	strace $0x9FFFFFFF  }
0xc3: {  	(tm) =	ssettm $0x7FFFFFFF  }
tec
execute0_lowered:
.L_overlay_start_1:
0x0: {  	(tag) =	ssettag $0x1  }
0x1: {  	s4 =	rddreg [dreg:$0x0]  }
0x2: {  	s1 =	rddreg [dreg:$0x1]  }
0x3: {  	s2 =	rddreg [dreg:$0x2];
	s3 =	simm.s32 $0x0;
	s0 =	srdreg.scid  }
0x4: {  	s20 =	stileid.u32;
	s28 =	simm.s32 $0x280;
	s29 =	simm.s32 $0x6  }
0x5: {  	s30 =	simm.s32 $0x5300;
	s31 =	simm.s32 $0x1;
	[smem:$0x7FF] =	sst s3  }
0x6: {  	s5 =	sand.u32 $0x1, s0;
	s6 =	sadd.s32 $0xACC00, s4;
	s9 =	smul.u32 $0x14000, s20  }
0x7: {  	s8 =	sshll.u32 s20, $0x1;
	_ =	strace $0x8000004A;
	s0 =	ssub.s32 $0x2, s5  }
0x8: {  	s7 =	sshrl.u32 s0, $0x1;
	s10 =	sor.u32 $0x2800, s9;
	s11 =	sadd.s32 $0x5000, s9  }
0x9: {  	s0 =	ssub.s32 s0, s7;
	s7 =	sor.u32 s5, s8;
	s8 =	smul.u32 $0x140000, s5  }
0xa: {  	s12 =	sadd.s32 $0x7800, s9;
	s15 =	sadd.s32 $0xA000, s9;
	s5 =	smul.u32 $0x2710, s5  }
0xb: {  	s16 =	sadd.s32 $0xC800, s9;
	s17 =	sadd.s32 $0xF000, s9;
	s7 =	smul.u32 $0x2710, s7  }
0xc: {  	s0 =	smax.u32 s0, $0x1;
	s13 =	sadd.s32 s9, s8;
	s9 =	sadd.s32 $0x11800, s9  }
0xd: {  	s19 =	sadd.s32 s8, s10;
	s14 =	sadd.s32 s8, s11;
	s18 =	sadd.s32 s8, s12  }
0xe: {  	s23 =	sadd.s32 s8, s15;
	s24 =	sadd.s32 s8, s16;
	[dreg:$0x1f] =	wrdreg s0  }
0xf: {  	s0 =	simm.s32 $0x2;
	s13 =	sshrl.u32 s13, $0x3;
	s14 =	sshrl.u32 s14, $0x3  }
0x10: {  	s22 =	sshrl.u32 s18, $0x3;
	s18 =	sshrl.u32 s24, $0x3;
	s24 =	smul.u32 $0x50000, s20  }
0x11: {  	s13 =	sadd.s32 s6, s13;
	s21 =	sadd.s32 s6, s14;
	s14 =	sshrl.u32 s23, $0x3  }
0x12: {  	s26 =	sadd.s32 s6, s18;
	[dreg:$0x8] =	wrdreg s13;
	s13 =	sshrl.u32 s19, $0x3  }
0x13: {  	[dreg:$0xa] =	wrdreg s21;
	s19 =	smul.u32 $0x4E20, s20;
	s25 =	sadd.s32 s6, s14  }
0x14: {  	[dreg:$0xd] =	wrdreg s26;
	s14 =	sadd.s32 s8, s17;
	s8 =	sadd.s32 s8, s9  }
0x15: {  	s26 =	sshrl.u32 s7, $0x3;
	s7 =	sadd.s32 s11, s2;
	[dreg:$0xc] =	wrdreg s25  }
0x16: {  	s11 =	sadd.s32 s16, s2;
	s17 =	sadd.s32 s17, s2;
	[dreg:$0x10] =	wrdreg s7  }
0x17: {  	s13 =	sadd.s32 s6, s13;
	s8 =	sshrl.u32 s8, $0x3;
	[dreg:$0x13] =	wrdreg s11  }
0x18: {  	s25 =	sshrl.u32 s24, $0x2;
	s20 =	sadd.s32 $0x14, s26;
	[dreg:$0x9] =	wrdreg s13  }
0x19: {  	s13 =	sadd.s32 s6, s22;
	s5 =	sadd.s32 s5, s19;
	s7 =	sadd.s32 s1, s20  }
0x1a: {  	[dreg:$0xb] =	wrdreg s13;
	s13 =	sshrl.u32 s14, $0x3;
	s18 =	sadd.s32 $0x190, s5  }
0x1b: {  	s22 =	sadd.s32 $0x140, s5;
	[dreg:$0x18] =	wrdreg s7;
	s13 =	sadd.s32 s6, s13  }
0x1c: {  	s6 =	sadd.s32 s6, s8;
	s19 =	sshrl.u32 s18, $0x3;
	[dreg:$0xe] =	wrdreg s13  }
0x1d: {  	s18 =	sadd.s32 s25, s2;
	s25 =	sadd.s32 s1, s26;
	[dreg:$0xf] =	wrdreg s6  }
0x1e: {  	s23 =	sshrl.u32 s22, $0x3;
	s21 =	sadd.s32 s19, s1;
	[dreg:$0x1c] =	wrdreg s25  }
0x1f: {  	s13 =	sadd.s32 $0x4000, s4;
	s14 =	sadd.s32 s23, s1;
	[dreg:$0x4] =	wrdreg s21  }
0x20: {  	s11 =	simm.s32 $0x50;
	s6 =	sadd.s32 s19, s13;
	[dreg:$0x6] =	wrdreg s14  }
0x21: {  	s7 =	simm.s32 $0x180;
	s8 =	sadd.s32 s23, s13;
	[dreg:$0x5] =	wrdreg s6  }
0x22: {  	s19 =	sadd.s32 s10, s2;
	s10 =	sadd.s32 s15, s2;
	[dreg:$0x7] =	wrdreg s8  }
0x23: {  	s22 =	sadd.s32 $0x4CE, s26;
	s15 =	sadd.s32 s9, s2;
	[dreg:$0x12] =	wrdreg s10  }
0x24: {  	s25 =	simm.s32 $0x2B00;
	s21 =	sadd.s32 s13, s20;
	[dreg:$0x14] =	wrdreg s15  }
0x25: {  	s14 =	sadd.s32 $0xDE00, s4;
	s23 =	sadd.s32 s13, s22;
	[dreg:$0x17] =	wrdreg s21  }
0x26: {  	s24 =	sadd.s32 s13, s26;
	s9 =	simm.s32 $0x7;
	[dreg:$0x19] =	wrdreg s23  }
0x27: {  	s8 =	sadd.s32 s12, s2;
	s12 =	sadd.s32 $0xA, s26;
	[dreg:$0x1b] =	wrdreg s24  }
0x28: {  	s26 =	sadd.s32 $0x4D8, s26;
	s10 =	simm.s32 $0x4;
	s23 =	simm.s32 $0x200  }
0x29: {  	s24 =	simm.s32 $0x5;
	[dreg:$0x11] =	wrdreg s8;
	s16 =	sadd.s32 s13, s12  }
0x2a: {  	s4 =	sadd.s32 s1, s12;
	s6 =	sadd.s32 s13, s26;
	[dreg:$0x15] =	wrdreg s16  }
0x2b: {  	s8 =	simm.s32 $0x300;
	s12 =	simm.s32 $0x80;
	[dreg:$0x16] =	wrdreg s4  }
0x2c: {  	s4 =	sadd.s32 s1, s22;
	[dreg:$0x1d] =	wrdreg s6;
	s6 =	sadd.s32 $0xF0, s5  }
0x2d: {  	s5 =	simm.s32 $0x0;
	[dreg:$0x1a] =	wrdreg s4;
	s4 =	sadd.s32 s1, s26  }
0x2e: {  	v0 =	vimm.f32 $0.0e+00;
	s26 =	simm.s32 $0x100;
	[dreg:$0x1e] =	wrdreg s4;
	s4 =	simm.s32 $0x3  }
.LBB2_1:
0x2f: {  	s15 =	rddreg [dreg:$0x1b]  }
0x30: {  	[tilespmem:s3], [sflag:$0x4] =	stream.linear.gather [hbm4b:s15+s3], $0x50, $0x38;
	[tilespmem:$0x1BB00] =	vst v63  }
0x31: {  	s22 =	rddreg [dreg:$0x1c];
	s16 =	simm.s32 $0x200;
	s15 =	simm.s32 $0x0  }
0x32: {  	[tilespmem:s7], [sflag:$0x4] =	stream.linear.gather [hbm4b:s22+s3], $0x50, $0x38;
	[tilespmem:$0x1BB00] =	vst v63  }
.LBB2_2:
0x33: {  	p0 =	sne.s32 s16, $0x9E00;
	[tilespmem:s15+$0x370] =	vst v0  }
0x34: {  	[tilespmem:s15+$0x300] =	vst v0  }
0x35: {  	[tilespmem:s15+$0x310] =	vst v0  }
.Ltmp0:
0x36: {  	[tilespmem:s15+$0x320] =	vst v0;
	(pc) =	sbr.rel @p0 .LBB2_2-.Ltmp0, $4  }
0x37: {  	[tilespmem:s15+$0x330] =	vst v0  }
0x38: {  	[tilespmem:s15+$0x340] =	vst v0  }
0x39: {  	[tilespmem:s15+$0x350] =	vst v0  }
0x3a: {  	[tilespmem:s15+$0x360] =	vst v0;
	s15 =	sshra.s32 s16, $0x2;
	s16 =	sadd.s32 $0x200, s16  }
0x3b: {  	[tilespmem:s15+$0x370] =	vst v0  }
0x3c: {  	[tilespmem:s15+$0x300] =	vst v0  }
0x3d: {  	[tilespmem:s15+$0x310] =	vst v0  }
0x3e: {  	[tilespmem:s15+$0x320] =	vst v0  }
0x3f: {  	[tilespmem:s15+$0x330] =	vst v0  }
0x40: {  	[tilespmem:s15+$0x340] =	vst v0  }
0x41: {  	[tilespmem:s15+$0x350] =	vst v0  }
0x42: {  	[tilespmem:s15+$0x360] =	vst v0  }
0x43: {  	[spmem:s18] =	stream.linear.scatter [tilespmem:s8], [sflag:$0x7], $0x2800, $0x38;
	[tilespmem:$0x1BB00] =	vst v63  }
0x44: {  	_ =	swait.ge [sflag:s9], $0x2800  }
0x45: {  	[sflag:s9] =	ssyncset.done $0x0  }
0x46: {  	[sflag:s9] =	ssyncadd.s32 $0xFFFFD800  }
0x47: {  	[spmem:s19] =	stream.linear.scatter [tilespmem:s8], [sflag:$0x7], $0x2800, $0x38;
	[tilespmem:$0x1BB00] =	vst v63  }
0x48: {  	_ =	swait.ge [sflag:s9], $0x2800  }
0x49: {  	[sflag:s9] =	ssyncset.done $0x0  }
0x4a: {  	s20 =	smov.u32 s18;
	s18 =	rddreg [dreg:$0x10];
	[sflag:s9] =	ssyncadd.s32 $0xFFFFD800  }
0x4b: {  	[spmem:s18] =	stream.linear.scatter [tilespmem:s8], [sflag:$0x7], $0x2800, $0x38;
	[tilespmem:$0x1BB00] =	vst v63  }
0x4c: {  	_ =	swait.ge [sflag:s9], $0x2800  }
0x4d: {  	[sflag:s9] =	ssyncset.done $0x0  }
0x4e: {  	s21 =	smov.u32 s19;
	s19 =	rddreg [dreg:$0x11];
	[sflag:s9] =	ssyncadd.s32 $0xFFFFD800  }
0x4f: {  	[spmem:s19] =	stream.linear.scatter [tilespmem:s8], [sflag:$0x7], $0x2800, $0x38;
	[tilespmem:$0x1BB00] =	vst v63  }
0x50: {  	_ =	swait.ge [sflag:s9], $0x2800  }
0x51: {  	[sflag:s9] =	ssyncset.done $0x0  }
0x52: {  	s22 =	rddreg [dreg:$0x12];
	[sflag:s9] =	ssyncadd.s32 $0xFFFFD800  }
0x53: {  	[spmem:s22] =	stream.linear.scatter [tilespmem:s8], [sflag:$0x7], $0x2800, $0x38;
	[tilespmem:$0x1BB00] =	vst v63  }
0x54: {  	_ =	swait.ge [sflag:s9], $0x2800  }
0x55: {  	[sflag:s9] =	ssyncset.done $0x0  }
0x56: {  	s16 =	rddreg [dreg:$0x13];
	[sflag:s9] =	ssyncadd.s32 $0xFFFFD800  }
0x57: {  	[spmem:s16] =	stream.linear.scatter [tilespmem:s8], [sflag:$0x7], $0x2800, $0x38;
	[tilespmem:$0x1BB00] =	vst v63  }
0x58: {  	_ =	swait.ge [sflag:s9], $0x2800  }
0x59: {  	[sflag:s9] =	ssyncset.done $0x0  }
0x5a: {  	[sflag:s9] =	ssyncadd.s32 $0xFFFFD800  }
0x5b: {  	[spmem:s17] =	stream.linear.scatter [tilespmem:s8], [sflag:$0x7], $0x2800, $0x38;
	[tilespmem:$0x1BB00] =	vst v63  }
0x5c: {  	_ =	swait.ge [sflag:s9], $0x2800  }
0x5d: {  	[sflag:s9] =	ssyncset.done $0x0  }
0x5e: {  	s18 =	rddreg [dreg:$0x14];
	[sflag:s9] =	ssyncadd.s32 $0xFFFFD800  }
0x5f: {  	[spmem:s18] =	stream.linear.scatter [tilespmem:s8], [sflag:$0x7], $0x2800, $0x38;
	[tilespmem:$0x1BB00] =	vst v63  }
0x60: {  	_ =	swait.ge [sflag:s9], $0x2800  }
0x61: {  	[sflag:s9] =	ssyncset.done $0x0  }
0x62: {  	[sflag:s9] =	ssyncadd.s32 $0xFFFFD800  }
0x63: {  	[bflag:$0x0] =	sbarrier.arrive $0xFFFF  }
0x64: {  	_ =	swait.ge [sflag:s10], $0x50  }
0x65: {  	[sflag:s10] =	ssyncset.done $0x0  }
0x66: {  	[sflag:s10] =	ssyncadd.s32 $0xFFFFFFB0  }
0x67: {  	_ =	swait.ge [sflag:s10], $0x50  }
0x68: {  	[sflag:s10] =	ssyncset.done $0x0  }
0x69: {  	s15 =	simm.s32 $0x0;
	[sflag:s10] =	ssyncadd.s32 $0xFFFFFFB0  }
0x6a: {  	[tilespmem:s8], [sflag:$0x1] =	stream.indirect.gather [hbm4b:s14+s11], $0x80, s15, s11, $0xb8;
	[tilespmem:$0x1BB00] =	vst v63  }
0x6b: {  	s16 =	rddreg [dreg:$0x15]  }
0x6c: {  	[tilespmem:s12], [sflag:$0x5] =	stream.linear.gather [hbm4b:s16+s15], $0x50, $0x38;
	[tilespmem:$0x1BB00] =	vst v63  }
0x6d: {  	s19 =	rddreg [dreg:$0x16]  }
0x6e: {  	[tilespmem:s23], [sflag:$0x5] =	stream.linear.gather [hbm4b:s19+s15], $0x50, $0x38;
	[tilespmem:$0x1BB00] =	vst v63  }
0x6f: {  	_ =	swait.ge [sflag:s24], $0x50  }
0x70: {  	[sflag:s24] =	ssyncset.done $0x0  }
0x71: {  	[sflag:s24] =	ssyncadd.s32 $0xFFFFFFB0  }
0x72: {  	_ =	swait.ge [sflag:s24], $0x50  }
0x73: {  	[sflag:s24] =	ssyncset.done $0x0  }
0x74: {  	[sflag:s24] =	ssyncadd.s32 $0xFFFFFFB0  }
0x75: {  	[tilespmem:s25], [sflag:$0x2] =	stream.indirect.gather [hbm4b:s14+s11], $0x80, s12, s11, $0xb8;
	[tilespmem:$0x1BB00] =	vst v63  }
0x76: {  	s22 =	smov.u32 s17;
	s17 =	rddreg [dreg:$0x17]  }
0x77: {  	[tilespmem:s26], [sflag:$0x6] =	stream.linear.gather [hbm4b:s17+s15], $0x50, $0x38;
	[tilespmem:$0x1BB00] =	vst v63  }
0x78: {  	s18 =	rddreg [dreg:$0x18]  }
0x79: {  	[tilespmem:s28], [sflag:$0x6] =	stream.linear.gather [hbm4b:s18+s15], $0x50, $0x38;
	[tilespmem:$0x1BB00] =	vst v63  }
0x7a: {  	_ =	swait.ge [sflag:s29], $0x50  }
0x7b: {  	[sflag:s29] =	ssyncset.done $0x0  }
0x7c: {  	[sflag:s29] =	ssyncadd.s32 $0xFFFFFFB0  }
0x7d: {  	_ =	swait.ge [sflag:s29], $0x50  }
0x7e: {  	[sflag:s29] =	ssyncset.done $0x0  }
0x7f: {  	[sflag:s29] =	ssyncadd.s32 $0xFFFFFFB0  }
0x80: {  	[tilespmem:s30], [sflag:$0x3] =	stream.indirect.gather [hbm4b:s14+s11], $0x80, s26, s11, $0xb8;
	[tilespmem:$0x1BB00] =	vst v63  }
0x81: {  	_ =	swait.ge [sflag:s31], $0x2800  }
0x82: {  	[sflag:s31] =	ssyncset.done $0x0  }
0x83: {  	[sflag:s31] =	ssyncadd.s32 $0xFFFFD800  }
0x84: {  	[spmem:s2] =	stream.indirect.scatter.add.f32 [tilespmem:s8], [sflag:$0x7], $0x80, s7, s11, $0xb8;
	[tilespmem:$0x1BB00] =	vst v63  }
0x85: {  	_ =	swait.ge [sflag:s9], $0x2800  }
0x86: {  	s19 =	sshrl.u32 s6, $0x3;
	[sflag:s9] =	ssyncset.done $0x0  }
0x87: {  	s17 =	sadd.s32 s13, s19;
	[sflag:s9] =	ssyncadd.s32 $0xFFFFD800  }
0x88: {  	[tilespmem:s3], [sflag:$0x4] =	stream.linear.gather [hbm4b:s17+s3], $0x50, $0x38;
	[tilespmem:$0x1BB00] =	vst v63  }
0x89: {  	s15 =	sadd.s32 s1, s19  }
0x8a: {  	[tilespmem:s7], [sflag:$0x4] =	stream.linear.gather [hbm4b:s15+s3], $0x50, $0x38;
	[tilespmem:$0x1BB00] =	vst v63  }
0x8b: {  	_ =	swait.ge [sflag:s10], $0x50  }
0x8c: {  	[sflag:s10] =	ssyncset.done $0x0  }
0x8d: {  	[sflag:s10] =	ssyncadd.s32 $0xFFFFFFB0  }
0x8e: {  	_ =	swait.ge [sflag:s10], $0x50  }
0x8f: {  	[sflag:s10] =	ssyncset.done $0x0  }
0x90: {  	[sflag:s10] =	ssyncadd.s32 $0xFFFFFFB0  }
0x91: {  	[tilespmem:s8], [sflag:$0x1] =	stream.indirect.gather [hbm4b:s14+s11], $0x80, s3, s11, $0xb8;
	[tilespmem:$0x1BB00] =	vst v63  }
0x92: {  	_ =	swait.ge [sflag:s0], $0x2800  }
0x93: {  	[sflag:s0] =	ssyncset.done $0x0  }
0x94: {  	[sflag:s0] =	ssyncadd.s32 $0xFFFFD800  }
0x95: {  	[spmem:s2] =	stream.indirect.scatter.add.f32 [tilespmem:s25], [sflag:$0x7], $0x80, s23, s11, $0xb8;
	[tilespmem:$0x1BB00] =	vst v63  }
0x96: {  	_ =	swait.ge [sflag:s9], $0x2800  }
0x97: {  	s18 =	rddreg [dreg:$0x7];
	[sflag:s9] =	ssyncset.done $0x0  }
0x98: {  	s19 =	rddreg [dreg:$0x6];
	[sflag:s9] =	ssyncadd.s32 $0xFFFFD800;
	s15 =	sadd.s32 $0x0, s18  }
0x99: {  	[tilespmem:s12], [sflag:$0x5] =	stream.linear.gather [hbm4b:s15+s3], $0x50, $0x38;
	[tilespmem:$0x1BB00] =	vst v63  }
0x9a: {  	s17 =	sadd.s32 $0x0, s19  }
0x9b: {  	[tilespmem:s23], [sflag:$0x5] =	stream.linear.gather [hbm4b:s17+s3], $0x50, $0x38;
	[tilespmem:$0x1BB00] =	vst v63  }
0x9c: {  	_ =	swait.ge [sflag:s24], $0x50  }
0x9d: {  	[sflag:s24] =	ssyncset.done $0x0  }
0x9e: {  	[sflag:s24] =	ssyncadd.s32 $0xFFFFFFB0  }
0x9f: {  	_ =	swait.ge [sflag:s24], $0x50  }
0xa0: {  	[sflag:s24] =	ssyncset.done $0x0  }
0xa1: {  	[sflag:s24] =	ssyncadd.s32 $0xFFFFFFB0  }
0xa2: {  	[tilespmem:s25], [sflag:$0x2] =	stream.indirect.gather [hbm4b:s14+s11], $0x80, s12, s11, $0xb8;
	[tilespmem:$0x1BB00] =	vst v63  }
0xa3: {  	_ =	swait.ge [sflag:s4], $0x2800  }
0xa4: {  	[sflag:s4] =	ssyncset.done $0x0  }
0xa5: {  	[sflag:s4] =	ssyncadd.s32 $0xFFFFD800  }
0xa6: {  	[spmem:s2] =	stream.indirect.scatter.add.f32 [tilespmem:s30], [sflag:$0x7], $0x80, s28, s11, $0xb8;
	[tilespmem:$0x1BB00] =	vst v63  }
0xa7: {  	_ =	swait.ge [sflag:s9], $0x2800  }
0xa8: {  	s18 =	rddreg [dreg:$0x5];
	[sflag:s9] =	ssyncset.done $0x0  }
0xa9: {  	s19 =	rddreg [dreg:$0x4];
	[sflag:s9] =	ssyncadd.s32 $0xFFFFD800;
	s15 =	sadd.s32 $0x0, s18  }
0xaa: {  	[tilespmem:s26], [sflag:$0x6] =	stream.linear.gather [hbm4b:s15+s3], $0x50, $0x38;
	[tilespmem:$0x1BB00] =	vst v63  }
0xab: {  	s16 =	sadd.s32 $0xF0, s6;
	s17 =	sadd.s32 $0x0, s19;
	s15 =	simm.s32 $0x1E  }
.LBB2_4:
0xac: {  	[tilespmem:s28], [sflag:$0x6] =	stream.linear.gather [hbm4b:s17+s3], $0x50, $0x38;
	[tilespmem:$0x1BB00] =	vst v63  }
0xad: {  	_ =	swait.ge [sflag:s29], $0x50  }
0xae: {  	[sflag:s29] =	ssyncset.done $0x0  }
0xaf: {  	[sflag:s29] =	ssyncadd.s32 $0xFFFFFFB0  }
0xb0: {  	_ =	swait.ge [sflag:s29], $0x50  }
0xb1: {  	[sflag:s29] =	ssyncset.done $0x0  }
0xb2: {  	[sflag:s29] =	ssyncadd.s32 $0xFFFFFFB0  }
0xb3: {  	[tilespmem:s30], [sflag:$0x3] =	stream.indirect.gather [hbm4b:s14+s11], $0x80, s26, s11, $0xb8;
	[tilespmem:$0x1BB00] =	vst v63  }
0xb4: {  	_ =	swait.ge [sflag:s31], $0x2800  }
0xb5: {  	[sflag:s31] =	ssyncset.done $0x0  }
0xb6: {  	[sflag:s31] =	ssyncadd.s32 $0xFFFFD800  }
0xb7: {  	[spmem:s2] =	stream.indirect.scatter.add.f32 [tilespmem:s8], [sflag:$0x7], $0x80, s7, s11, $0xb8;
	[tilespmem:$0x1BB00] =	vst v63  }
0xb8: {  	_ =	swait.ge [sflag:s9], $0x2800  }
0xb9: {  	s18 =	sshrl.u32 s16, $0x3;
	[sflag:s9] =	ssyncset.done $0x0  }
0xba: {  	s19 =	sadd.s32 s13, s18;
	[sflag:s9] =	ssyncadd.s32 $0xFFFFD800  }
0xbb: {  	[tilespmem:s3], [sflag:$0x4] =	stream.linear.gather [hbm4b:s19+s3], $0x50, $0x38;
	[tilespmem:$0x1BB00] =	vst v63  }
0xbc: {  	s18 =	sadd.s32 s1, s18  }
0xbd: {  	[tilespmem:s7], [sflag:$0x4] =	stream.linear.gather [hbm4b:s18+s3], $0x50, $0x38;
	[tilespmem:$0x1BB00] =	vst v63  }
0xbe: {  	_ =	swait.ge [sflag:s10], $0x50  }
0xbf: {  	[sflag:s10] =	ssyncset.done $0x0  }
0xc0: {  	[sflag:s10] =	ssyncadd.s32 $0xFFFFFFB0  }
0xc1: {  	_ =	swait.ge [sflag:s10], $0x50  }
0xc2: {  	[sflag:s10] =	ssyncset.done $0x0  }
0xc3: {  	[sflag:s10] =	ssyncadd.s32 $0xFFFFFFB0  }
0xc4: {  	[tilespmem:s8], [sflag:$0x1] =	stream.indirect.gather [hbm4b:s14+s11], $0x80, s3, s11, $0xb8;
	[tilespmem:$0x1BB00] =	vst v63  }
0xc5: {  	_ =	swait.ge [sflag:s0], $0x2800  }
0xc6: {  	[sflag:s0] =	ssyncset.done $0x0  }
0xc7: {  	[sflag:s0] =	ssyncadd.s32 $0xFFFFD800  }
0xc8: {  	[spmem:s2] =	stream.indirect.scatter.add.f32 [tilespmem:s25], [sflag:$0x7], $0x80, s23, s11, $0xb8;
	[tilespmem:$0x1BB00] =	vst v63  }
0xc9: {  	_ =	swait.ge [sflag:s9], $0x2800  }
0xca: {  	s17 =	smov.u32 s15;
	s18 =	rddreg [dreg:$0x7];
	[sflag:s9] =	ssyncset.done $0x0  }
0xcb: {  	s19 =	rddreg [dreg:$0x6];
	[sflag:s9] =	ssyncadd.s32 $0xFFFFD800;
	s18 =	sadd.s32 s17, s18  }
0xcc: {  	[tilespmem:s12], [sflag:$0x5] =	stream.linear.gather [hbm4b:s18+s3], $0x50, $0x38;
	[tilespmem:$0x1BB00] =	vst v63  }
0xcd: {  	s19 =	sadd.s32 s17, s19  }
0xce: {  	[tilespmem:s23], [sflag:$0x5] =	stream.linear.gather [hbm4b:s19+s3], $0x50, $0x38;
	[tilespmem:$0x1BB00] =	vst v63  }
0xcf: {  	_ =	swait.ge [sflag:s24], $0x50  }
0xd0: {  	[sflag:s24] =	ssyncset.done $0x0  }
0xd1: {  	[sflag:s24] =	ssyncadd.s32 $0xFFFFFFB0  }
0xd2: {  	_ =	swait.ge [sflag:s24], $0x50  }
0xd3: {  	[sflag:s24] =	ssyncset.done $0x0  }
0xd4: {  	[sflag:s24] =	ssyncadd.s32 $0xFFFFFFB0  }
0xd5: {  	[tilespmem:s25], [sflag:$0x2] =	stream.indirect.gather [hbm4b:s14+s11], $0x80, s12, s11, $0xb8;
	[tilespmem:$0x1BB00] =	vst v63  }
0xd6: {  	_ =	swait.ge [sflag:s4], $0x2800  }
0xd7: {  	[sflag:s4] =	ssyncset.done $0x0  }
0xd8: {  	p0 =	sne.s32 s15, $0x492;
	[sflag:s4] =	ssyncadd.s32 $0xFFFFD800  }
0xd9: {  	[spmem:s2] =	stream.indirect.scatter.add.f32 [tilespmem:s30], [sflag:$0x7], $0x80, s28, s11, $0xb8;
	[tilespmem:$0x1BB00] =	vst v63  }
.Ltmp1:
0xda: {  	_ =	swait.ge [sflag:s9], $0x2800;
	(pc) =	sbr.rel @p0 .LBB2_4-.Ltmp1, $4  }
0xdb: {  	s15 =	sadd.s32 $0x1E, s15;
	s18 =	rddreg [dreg:$0x5]  }
0xdc: {  	s16 =	sadd.s32 $0xF0, s16;
	s19 =	rddreg [dreg:$0x4];
	[sflag:s9] =	ssyncset.done $0x0  }
0xdd: {  	[sflag:s9] =	ssyncadd.s32 $0xFFFFD800;
	s18 =	sadd.s32 s17, s18;
	s17 =	sadd.s32 s17, s19  }
0xde: {  	[tilespmem:s26], [sflag:$0x6] =	stream.linear.gather [hbm4b:s18+s3], $0x50, $0x38;
	[tilespmem:$0x1BB00] =	vst v63  }
0xdf: {  	[tilespmem:s28], [sflag:$0x6] =	stream.linear.gather [hbm4b:s17+s3], $0x50, $0x38;
	[tilespmem:$0x1BB00] =	vst v63  }
0xe0: {  	_ =	swait.ge [sflag:s29], $0x50  }
0xe1: {  	[sflag:s29] =	ssyncset.done $0x0  }
0xe2: {  	[sflag:s29] =	ssyncadd.s32 $0xFFFFFFB0  }
0xe3: {  	_ =	swait.ge [sflag:s29], $0x50  }
0xe4: {  	[sflag:s29] =	ssyncset.done $0x0  }
0xe5: {  	[sflag:s29] =	ssyncadd.s32 $0xFFFFFFB0  }
0xe6: {  	[tilespmem:s30], [sflag:$0x3] =	stream.indirect.gather [hbm4b:s14+s11], $0x80, s26, s11, $0xb8;
	[tilespmem:$0x1BB00] =	vst v63  }
0xe7: {  	_ =	swait.ge [sflag:s31], $0x2800  }
0xe8: {  	[sflag:s31] =	ssyncset.done $0x0  }
0xe9: {  	[sflag:s31] =	ssyncadd.s32 $0xFFFFD800  }
0xea: {  	[spmem:s2] =	stream.indirect.scatter.add.f32 [tilespmem:s8], [sflag:$0x7], $0x80, s7, s11, $0xb8;
	[tilespmem:$0x1BB00] =	vst v63  }
0xeb: {  	_ =	swait.ge [sflag:s9], $0x2800  }
0xec: {  	[sflag:s9] =	ssyncset.done $0x0  }
0xed: {  	s15 =	rddreg [dreg:$0x19];
	[sflag:s9] =	ssyncadd.s32 $0xFFFFD800  }
0xee: {  	[tilespmem:s3], [sflag:$0x4] =	stream.linear.gather [hbm4b:s15+s3], $0x50, $0x38;
	[tilespmem:$0x1BB00] =	vst v63  }
0xef: {  	s17 =	rddreg [dreg:$0x1a]  }
0xf0: {  	[tilespmem:s7], [sflag:$0x4] =	stream.linear.gather [hbm4b:s17+s3], $0x50, $0x38;
	[tilespmem:$0x1BB00] =	vst v63  }
0xf1: {  	_ =	swait.ge [sflag:s10], $0x50  }
0xf2: {  	[sflag:s10] =	ssyncset.done $0x0  }
0xf3: {  	[sflag:s10] =	ssyncadd.s32 $0xFFFFFFB0  }
0xf4: {  	_ =	swait.ge [sflag:s10], $0x50  }
0xf5: {  	[sflag:s10] =	ssyncset.done $0x0  }
0xf6: {  	[sflag:s10] =	ssyncadd.s32 $0xFFFFFFB0  }
0xf7: {  	[tilespmem:s8], [sflag:$0x1] =	stream.indirect.gather [hbm4b:s14+s11], $0x80, s3, s11, $0xb8;
	[tilespmem:$0x1BB00] =	vst v63  }
0xf8: {  	_ =	swait.ge [sflag:s0], $0x2800  }
0xf9: {  	[sflag:s0] =	ssyncset.done $0x0  }
0xfa: {  	[sflag:s0] =	ssyncadd.s32 $0xFFFFD800  }
0xfb: {  	[spmem:s2] =	stream.indirect.scatter.add.f32 [tilespmem:s25], [sflag:$0x7], $0x80, s23, s11, $0xb8;
	[tilespmem:$0x1BB00] =	vst v63  }
0xfc: {  	_ =	swait.ge [sflag:s9], $0x2800  }
0xfd: {  	[sflag:s9] =	ssyncset.done $0x0  }
0xfe: {  	s18 =	rddreg [dreg:$0x1d];
	[sflag:s9] =	ssyncadd.s32 $0xFFFFD800  }
0xff: {  	[tilespmem:s12], [sflag:$0x5] =	stream.linear.gather [hbm4b:s18+s3], $0x50, $0x38;
	[tilespmem:$0x1BB00] =	vst v63  }
0x100: {  	s19 =	rddreg [dreg:$0x1e]  }
0x101: {  	[tilespmem:s23], [sflag:$0x5] =	stream.linear.gather [hbm4b:s19+s3], $0x50, $0x38;
	[tilespmem:$0x1BB00] =	vst v63  }
0x102: {  	_ =	swait.ge [sflag:s24], $0x50  }
0x103: {  	[sflag:s24] =	ssyncset.done $0x0  }
0x104: {  	[sflag:s24] =	ssyncadd.s32 $0xFFFFFFB0  }
0x105: {  	_ =	swait.ge [sflag:s24], $0x50  }
0x106: {  	[sflag:s24] =	ssyncset.done $0x0  }
0x107: {  	[sflag:s24] =	ssyncadd.s32 $0xFFFFFFB0  }
0x108: {  	[tilespmem:s25], [sflag:$0x2] =	stream.indirect.gather [hbm4b:s14+s11], $0x80, s12, s11, $0xb8;
	[tilespmem:$0x1BB00] =	vst v63  }
0x109: {  	_ =	swait.ge [sflag:s4], $0x2800  }
0x10a: {  	[sflag:s4] =	ssyncset.done $0x0  }
0x10b: {  	[sflag:s4] =	ssyncadd.s32 $0xFFFFD800  }
0x10c: {  	[spmem:s2] =	stream.indirect.scatter.add.f32 [tilespmem:s30], [sflag:$0x7], $0x80, s28, s11, $0xb8;
	[tilespmem:$0x1BB00] =	vst v63  }
0x10d: {  	_ =	swait.ge [sflag:s9], $0x2800  }
0x10e: {  	[sflag:s9] =	ssyncset.done $0x0  }
0x10f: {  	[sflag:s9] =	ssyncadd.s32 $0xFFFFD800  }
0x110: {  	_ =	swait.ge [sflag:s31], $0x2800  }
0x111: {  	[sflag:s31] =	ssyncset.done $0x0  }
0x112: {  	[sflag:s31] =	ssyncadd.s32 $0xFFFFD800  }
0x113: {  	[spmem:s2] =	stream.indirect.scatter.add.f32 [tilespmem:s8], [sflag:$0x7], $0x80, s7, s11, $0xb8;
	[tilespmem:$0x1BB00] =	vst v63  }
0x114: {  	_ =	swait.ge [sflag:s9], $0x2800  }
0x115: {  	[sflag:s9] =	ssyncset.done $0x0  }
0x116: {  	[sflag:s9] =	ssyncadd.s32 $0xFFFFD800  }
0x117: {  	_ =	swait.ge [sflag:s0], $0x2800  }
0x118: {  	[sflag:s0] =	ssyncset.done $0x0  }
0x119: {  	[sflag:s0] =	ssyncadd.s32 $0xFFFFD800  }
0x11a: {  	[spmem:s2] =	stream.indirect.scatter.add.f32 [tilespmem:s25], [sflag:$0x7], $0x80, s23, s11, $0xb8;
	[tilespmem:$0x1BB00] =	vst v63  }
0x11b: {  	_ =	swait.ge [sflag:s9], $0x2800  }
0x11c: {  	[sflag:s9] =	ssyncset.done $0x0  }
0x11d: {  	[sflag:s9] =	ssyncadd.s32 $0xFFFFD800  }
0x11e: {  	[bflag:$0x0] =	sbarrier.arrive $0xFFFF  }
0x11f: {  	[tilespmem:s8], [sflag:$0x7] =	stream.linear.gather [spmem:s20], $0x2800, $0x38;
	[tilespmem:$0x1BB00] =	vst v63  }
0x120: {  	_ =	swait.ge [sflag:s9], $0x2800  }
0x121: {  	[sflag:s9] =	ssyncset.done $0x0  }
0x122: {  	s18 =	smov.u32 s20;
	s20 =	rddreg [dreg:$0x8];
	[sflag:s9] =	ssyncadd.s32 $0xFFFFD800  }
0x123: {  	[hbm4b:s20+s3] =	stream.linear.scatter [tilespmem:s8], [sflag:$0x7], $0x2800, $0x38;
	[tilespmem:$0x1BB00] =	vst v63  }
0x124: {  	_ =	swait.ge [sflag:s9], $0x2800  }
0x125: {  	[sflag:s9] =	ssyncset.done $0x0  }
0x126: {  	[sflag:s9] =	ssyncadd.s32 $0xFFFFD800  }
0x127: {  	[tilespmem:s8], [sflag:$0x7] =	stream.linear.gather [spmem:s21], $0x2800, $0x38;
	[tilespmem:$0x1BB00] =	vst v63  }
0x128: {  	_ =	swait.ge [sflag:s9], $0x2800  }
0x129: {  	[sflag:s9] =	ssyncset.done $0x0  }
0x12a: {  	s19 =	smov.u32 s21;
	s21 =	rddreg [dreg:$0x9];
	[sflag:s9] =	ssyncadd.s32 $0xFFFFD800  }
0x12b: {  	[hbm4b:s21+s3] =	stream.linear.scatter [tilespmem:s8], [sflag:$0x7], $0x2800, $0x38;
	[tilespmem:$0x1BB00] =	vst v63  }
0x12c: {  	_ =	swait.ge [sflag:s9], $0x2800  }
0x12d: {  	[sflag:s9] =	ssyncset.done $0x0  }
0x12e: {  	s16 =	rddreg [dreg:$0x10];
	[sflag:s9] =	ssyncadd.s32 $0xFFFFD800  }
0x12f: {  	[tilespmem:s8], [sflag:$0x7] =	stream.linear.gather [spmem:s16], $0x2800, $0x38;
	[tilespmem:$0x1BB00] =	vst v63  }
0x130: {  	_ =	swait.ge [sflag:s9], $0x2800  }
0x131: {  	[sflag:s9] =	ssyncset.done $0x0  }
0x132: {  	s17 =	rddreg [dreg:$0xa];
	[sflag:s9] =	ssyncadd.s32 $0xFFFFD800  }
0x133: {  	[hbm4b:s17+s3] =	stream.linear.scatter [tilespmem:s8], [sflag:$0x7], $0x2800, $0x38;
	[tilespmem:$0x1BB00] =	vst v63  }
0x134: {  	_ =	swait.ge [sflag:s9], $0x2800  }
0x135: {  	[sflag:s9] =	ssyncset.done $0x0  }
0x136: {  	s20 =	rddreg [dreg:$0x11];
	[sflag:s9] =	ssyncadd.s32 $0xFFFFD800  }
0x137: {  	[tilespmem:s8], [sflag:$0x7] =	stream.linear.gather [spmem:s20], $0x2800, $0x38;
	[tilespmem:$0x1BB00] =	vst v63  }
0x138: {  	_ =	swait.ge [sflag:s9], $0x2800  }
0x139: {  	[sflag:s9] =	ssyncset.done $0x0  }
0x13a: {  	s21 =	rddreg [dreg:$0xb];
	[sflag:s9] =	ssyncadd.s32 $0xFFFFD800  }
0x13b: {  	[hbm4b:s21+s3] =	stream.linear.scatter [tilespmem:s8], [sflag:$0x7], $0x2800, $0x38;
	[tilespmem:$0x1BB00] =	vst v63  }
0x13c: {  	_ =	swait.ge [sflag:s9], $0x2800  }
0x13d: {  	[sflag:s9] =	ssyncset.done $0x0  }
0x13e: {  	s16 =	rddreg [dreg:$0x12];
	[sflag:s9] =	ssyncadd.s32 $0xFFFFD800  }
0x13f: {  	[tilespmem:s8], [sflag:$0x7] =	stream.linear.gather [spmem:s16], $0x2800, $0x38;
	[tilespmem:$0x1BB00] =	vst v63  }
0x140: {  	_ =	swait.ge [sflag:s9], $0x2800  }
0x141: {  	[sflag:s9] =	ssyncset.done $0x0  }
0x142: {  	s17 =	rddreg [dreg:$0xc];
	[sflag:s9] =	ssyncadd.s32 $0xFFFFD800  }
0x143: {  	[hbm4b:s17+s3] =	stream.linear.scatter [tilespmem:s8], [sflag:$0x7], $0x2800, $0x38;
	[tilespmem:$0x1BB00] =	vst v63  }
0x144: {  	_ =	swait.ge [sflag:s9], $0x2800  }
0x145: {  	[sflag:s9] =	ssyncset.done $0x0  }
0x146: {  	s20 =	rddreg [dreg:$0x13];
	[sflag:s9] =	ssyncadd.s32 $0xFFFFD800  }
0x147: {  	[tilespmem:s8], [sflag:$0x7] =	stream.linear.gather [spmem:s20], $0x2800, $0x38;
	[tilespmem:$0x1BB00] =	vst v63  }
0x148: {  	_ =	swait.ge [sflag:s9], $0x2800  }
0x149: {  	[sflag:s9] =	ssyncset.done $0x0  }
0x14a: {  	s21 =	rddreg [dreg:$0xd];
	[sflag:s9] =	ssyncadd.s32 $0xFFFFD800  }
0x14b: {  	[hbm4b:s21+s3] =	stream.linear.scatter [tilespmem:s8], [sflag:$0x7], $0x2800, $0x38;
	[tilespmem:$0x1BB00] =	vst v63  }
0x14c: {  	_ =	swait.ge [sflag:s9], $0x2800  }
0x14d: {  	[sflag:s9] =	ssyncset.done $0x0  }
0x14e: {  	[sflag:s9] =	ssyncadd.s32 $0xFFFFD800  }
0x14f: {  	[tilespmem:s8], [sflag:$0x7] =	stream.linear.gather [spmem:s22], $0x2800, $0x38;
	[tilespmem:$0x1BB00] =	vst v63  }
0x150: {  	_ =	swait.ge [sflag:s9], $0x2800  }
0x151: {  	[sflag:s9] =	ssyncset.done $0x0  }
0x152: {  	s16 =	rddreg [dreg:$0xe];
	[sflag:s9] =	ssyncadd.s32 $0xFFFFD800  }
0x153: {  	[hbm4b:s16+s3] =	stream.linear.scatter [tilespmem:s8], [sflag:$0x7], $0x2800, $0x38;
	[tilespmem:$0x1BB00] =	vst v63  }
0x154: {  	_ =	swait.ge [sflag:s9], $0x2800  }
0x155: {  	[sflag:s9] =	ssyncset.done $0x0  }
0x156: {  	s20 =	rddreg [dreg:$0x14];
	[sflag:s9] =	ssyncadd.s32 $0xFFFFD800  }
0x157: {  	[tilespmem:s8], [sflag:$0x7] =	stream.linear.gather [spmem:s20], $0x2800, $0x38;
	[tilespmem:$0x1BB00] =	vst v63  }
0x158: {  	_ =	swait.ge [sflag:s9], $0x2800  }
0x159: {  	[sflag:s9] =	ssyncset.done $0x0  }
0x15a: {  	s21 =	rddreg [dreg:$0xf];
	[sflag:s9] =	ssyncadd.s32 $0xFFFFD800  }
0x15b: {  	[hbm4b:s21+s3] =	stream.linear.scatter [tilespmem:s8], [sflag:$0x7], $0x2800, $0x38;
	[tilespmem:$0x1BB00] =	vst v63  }
0x15c: {  	_ =	swait.ge [sflag:s9], $0x2800  }
0x15d: {  	s5 =	sadd.s32 $0x1, s5;
	s17 =	smov.u32 s22;
	s22 =	rddreg [dreg:$0x1f]  }
0x15e: {  	p0 =	sne.s32 s5, s22  }
.Ltmp2:
0x15f: {  	_ = 	snop;
	(pc) =	sbr.rel @p0 .LBB2_1-.Ltmp2, $3  }
0x160: {  	_ =	sdelay $0x1  }
0x161: {  	[sflag:s9] =	ssyncset.done $0x0  }
0x162: {  	[sflag:s9] =	ssyncadd.s32 $0xFFFFD800  }
0x163: {  	_ =	sfence.sel $0x180000  }
0x164: {  	[bflag:$0x0] =	sbarrier.arrive $0xFFFF  }
0x165: {  	_ =	strace $0x9000004A  }
0x166: {  	s0 =	stileid.u32;
	[bflag:$0x2] =	sbarrier.arrive $0xFFFF  }
0x167: {  	p0 =	sne.s32 s0, $0x0;
	s0 =	rddreg [dreg:$0x3]  }
0x168: {  	s0 =	sadd.s32 @!p0 $0x100000, s0  }
0x169: {  	[sflag:s0] =	ssyncadd.tile.s32 @!p0 $0x1;
	_ =	shalt  }
.Lfunc_end2:
_tile_overlayer_lowered:
.L_overlay_start_2:
0x16a: {  	(tag) =	ssettag $0x2  }
0x16b: {  	s0 =	rddreg [dreg:$0x0];
	s2 =	stileid.u32  }
0x16c: {  	s1 =	rddreg [dreg:$0x1];
	p0 =	sne.s32 s2, $0x0  }
0x16d: {  	s3 =	rddreg [dreg:$0x2];
	[bflag:$0x3] =	sbarrier.arrive $0xFFFF;
	s2 =	simm.s32 @!p0 $0x1C07  }
0x16e: {  	[timem:s3], [sflag:s2] =	dma.local @!p0 [hbm:s0], s1  }
0x16f: {  	s0 =	simm.s32 @!p0 $0x7  }
0x170: {  	_ =	swait.ge @!p0 [sflag:s0], s1  }
0x171: {  	s1 =	ssub.s32 @!p0 $0x0, s1;
	[sflag:s0] =	ssyncset.done @!p0 $0x0  }
0x172: {  	[sflag:s0] =	ssyncadd.s32 @!p0 s1  }
0x173: {  	[bflag:$0x3] =	sbarrier.arrive $0xFFFF  }
0x174: {  	_ =	shalt  }

// kernel: kernel.14.cloned.1.call-start
scs
__scs_entry_jumppad:
0x0: {  	(pc) =	sbr.rel $0x88, $3  }
0x1: {  	(tag) =	ssettag $0x0;
	lr =	simm.s32 $0x1  }
0x2: {  	[smem:$0x3F96] =	sst lr;
	_ =	strace $0xD0000000  }
0x3: {  	_ = 	snop  }
0x4: {  	_ = 	snop  }
0x5: {  	_ = 	snop  }
0x6: {  	_ = 	snop  }
0x7: {  	_ = 	snop  }
__scs_overlays_trampoline_lowered:
0x8: {  	[smem:$0x3FA5] =	sst s0  }
0x9: {  	[smem:$0x3FA6] =	sst s1  }
0xa: {  	[smem:$0x3FA7] =	sst s2  }
0xb: {  	[smem:$0x3FA8] =	sst s3  }
0xc: {  	[smem:$0x3FA9] =	sst s4  }
0xd: {  	[smem:$0x3FAA] =	sst s5  }
0xe: {  	[smem:$0x3FAB] =	sst s6  }
0xf: {  	[smem:$0x3FAC] =	sst s7  }
0x10: {  	[smem:$0x3FAD] =	sst s8  }
0x11: {  	[smem:$0x3FAE] =	sst s9;
	s0 =	simm.s32 @!p0 $0x0  }
0x12: {  	s1 =	sld [smem:$0x3F94];
	s0 =	simm.s32 @p0 $0x1  }
0x13: {  	[smem:$0x3FAF] =	sst s0;
	s0 =	simm.s32 @!p1 $0x0  }
0x14: {  	s2 =	sld [smem:$0x3F93];
	s0 =	simm.s32 @p1 $0x1  }
0x15: {  	[smem:$0x3FB0] =	sst s0;
	s0 =	simm.s32 @!p2 $0x0  }
0x16: {  	s3 =	sld [smem:$0x3FDB];
	s0 =	simm.s32 @p2 $0x1  }
0x17: {  	s4 =	simm.s32 $0x1BF5;
	[smem:$0x3FB2] =	sst s0  }
0x18: {  	s0 =	sld [smem:$0x3F95];
	_ =	swait.ge [sflag:s4], $0x0  }
0x19: {  	s7 =	sld [smem:$0x3F96]  }
0x1a: {  	s8 =	sadd.s32 $0xFFFFE003, lr  }
0x1b: {  	s9 =	sadd.s32 $0xFFFFFEF7, lr;
	s5 =	simm.s32 $0xFFFFFFFF;
	p2 =	slt.u32 s8, $0xFFFFF086  }
0x1c: {  	p1 =	slt.u32 s9, $0xF7A;
	s5 =	simm.s32 @!p2 $0x0  }
0x1d: {  	s5 =	simm.s32 @p1 $0x1;
	p0 =	seq.s32 s7, s2  }
0x1e: {  	s7 =	smul.u32 @!p0 $0xF7A, s2;
	p2 =	seq.s32 @!p0 s5, $0x0  }
0x1f: {  	s9 =	smul.u32 $0xF7A, s1;
	s8 =	simm.s32 @!p0 $0x1BF5;
	p2 =	por !p2, p0  }
0x20: {  	[sflag:s8] =	ssyncset.s32 @!p0 $0xFFFFF086;
	s6 =	sadd.s32 @!p0 s3, s7;
	s7 =	simm.s32 @!p0 $0x108  }
0x21: {  	s3 =	sadd.s32 s3, s9;
	s6 =	sadd.s32 @!p0 $0x88, s6;
	s7 =	simm.s32 @p2 $0x1082  }
0x22: {  	[simem:s7], [sflag:s8] =	dma.local @!p0 [hbm:s6], $0xF7A  }
0x23: {  	s9 =	sor.u32 $0xD0000000, s2;
	s6 =	simm.s32 $0x108;
	_ =	swait.ge @!p0 [sflag:s8], $0x0  }
0x24: {  	s3 =	sadd.s32 $0x88, s3;
	s6 =	simm.s32 @!p1 $0x1082;
	[sflag:s4] =	ssyncset.s32 $0xFFFFF086  }
0x25: {  	[simem:s6], [sflag:s4] =	dma.local [hbm:s3], $0xF7A  }
0x26: {  	[smem:$0x3F96] =	sst s1;
	(tag) =	ssettag s2;
	_ =	strace s9  }
0x27: {  	s1 =	sld [smem:$0x3FA6]  }
0x28: {  	s2 =	sld [smem:$0x3FA7]  }
0x29: {  	s4 =	sld [smem:$0x3FA9]  }
0x2a: {  	p0 =	seq.s32 s5, $0x0;
	s5 =	sld [smem:$0x3FAA]  }
0x2b: {  	s6 =	sld [smem:$0x3FAB]  }
0x2c: {  	s7 =	sld [smem:$0x3FAC]  }
0x2d: {  	s3 =	simm.s32 $0x108;
	s8 =	sld [smem:$0x3FAD]  }
0x2e: {  	s3 =	simm.s32 @!p0 $0x1082;
	s9 =	sld [smem:$0x3FAE]  }
0x2f: {  	lr =	sadd.s32 s0, s3;
	s0 =	sld [smem:$0x3FA5]  }
0x30: {  	s3 =	sld [smem:$0x3FA8]  }
0x31: {  	[smem:$0x3FB1] =	sst s10  }
0x32: {  	s10 =	sld [smem:$0x3FAF];
	_ =	sdelay $0x3  }
0x33: {  	p0 =	seq.s32 s10, $0x1;
	s10 =	sld [smem:$0x3FB1];
	_ =	sdelay $0x3  }
0x34: {  	[smem:$0x3FB1] =	sst s10  }
0x35: {  	s10 =	sld [smem:$0x3FB0];
	_ =	sdelay $0x3  }
0x36: {  	p1 =	seq.s32 s10, $0x1;
	s10 =	sld [smem:$0x3FB1];
	_ =	sdelay $0x3  }
0x37: {  	[smem:$0x3FB1] =	sst s10  }
0x38: {  	s10 =	sld [smem:$0x3FB2]  }
0x39: {  	_ = 	snop;
	(pc) =	sbr.ind lr, $3  }
0x3a: {  	_ = 	snop  }
0x3b: {  	_ = 	snop  }
0x3c: {  	p2 =	seq.s32 s10, $0x1;
	s10 =	sld [smem:$0x3FB1]  }
0x3d: {  	_ =	shalt  }
0x3e: {  	_ =	shalt  }
0x3f: {  	_ =	shalt  }
0x40: {  	_ =	shalt  }
0x41: {  	_ =	shalt  }
0x42: {  	_ =	shalt  }
0x43: {  	_ =	shalt  }
0x44: {  	_ =	shalt  }
0x45: {  	_ =	shalt  }
0x46: {  	_ =	shalt  }
0x47: {  	_ =	shalt  }
0x48: {  	_ =	shalt  }
0x49: {  	_ =	shalt  }
0x4a: {  	_ =	shalt  }
0x4b: {  	_ =	shalt  }
0x4c: {  	_ =	shalt  }
0x4d: {  	_ =	shalt  }
0x4e: {  	_ =	shalt  }
0x4f: {  	_ =	shalt  }
0x50: {  	_ =	shalt  }
0x51: {  	_ =	shalt  }
0x52: {  	_ =	shalt  }
0x53: {  	_ =	shalt  }
0x54: {  	_ =	shalt  }
0x55: {  	_ =	shalt  }
0x56: {  	_ =	shalt  }
0x57: {  	_ =	shalt  }
0x58: {  	_ =	shalt  }
0x59: {  	_ =	shalt  }
0x5a: {  	_ =	shalt  }
0x5b: {  	_ =	shalt  }
0x5c: {  	_ =	shalt  }
0x5d: {  	_ =	shalt  }
0x5e: {  	_ =	shalt  }
0x5f: {  	_ =	shalt  }
0x60: {  	_ =	shalt  }
0x61: {  	_ =	shalt  }
0x62: {  	_ =	shalt  }
0x63: {  	_ =	shalt  }
0x64: {  	_ =	shalt  }
0x65: {  	_ =	shalt  }
0x66: {  	_ =	shalt  }
0x67: {  	_ =	shalt  }
0x68: {  	_ =	shalt  }
0x69: {  	_ =	shalt  }
0x6a: {  	_ =	shalt  }
0x6b: {  	_ =	shalt  }
0x6c: {  	_ =	shalt  }
0x6d: {  	_ =	shalt  }
0x6e: {  	_ =	shalt  }
0x6f: {  	_ =	shalt  }
0x70: {  	_ =	shalt  }
0x71: {  	_ =	shalt  }
0x72: {  	_ =	shalt  }
0x73: {  	_ =	shalt  }
0x74: {  	_ =	shalt  }
0x75: {  	_ =	shalt  }
0x76: {  	_ =	shalt  }
0x77: {  	_ =	shalt  }
0x78: {  	_ =	shalt  }
0x79: {  	_ =	shalt  }
0x7a: {  	_ =	shalt  }
0x7b: {  	_ =	shalt  }
0x7c: {  	_ =	shalt  }
0x7d: {  	_ =	shalt  }
0x7e: {  	_ =	shalt  }
0x7f: {  	_ =	shalt  }
0x80: {  	_ =	shalt  }
0x81: {  	_ =	shalt  }
0x82: {  	_ =	shalt  }
0x83: {  	_ =	shalt  }
0x84: {  	_ =	shalt  }
0x85: {  	_ =	shalt  }
0x86: {  	_ =	shalt  }
0x87: {  	_ =	shalt  }
.Lfunc_end0:
.L_simem_size_0:
called_computation.2_lowered:
.L_overlay_start_0:
0x88: {  	s2 =	sld [smem:$0x3FD9]  }
0x89: {  	s3 =	sld [smem:$0x3FFE];
	_ =	sdelay $0x1  }
0x8a: {  	s1 =	srdreg.scid  }
0x8b: {  	s0 =	sand.u32 $0x1, s1  }
0x8c: {  	s17 =	sshll.u32 s0, $0xA;
	s2 =	sadd.s32 s3, s2  }
0x8d: {  	s2 =	sadd.s32 s2, s17  }
0x8e: {  	[smem:$0x3FBD] =	sst s2  }
0x8f: {  	_ = 	snop  }
0x90: {  	s2 =	sld [smem:$0x3FD0];
	(tm) =	ssettm $0x1  }
0x91: {  	s18 =	sld [smem:$0x3FFB];
	_ =	sdelay $0x3  }
0x92: {  	_ =	strace s18  }
0x93: {  	s3 =	sld [smem:$0x3FFC];
	_ =	sdelay $0x3  }
0x94: {  	_ =	strace s3  }
0x95: {  	s3 =	sld [smem:$0x3FFD];
	_ =	sdelay $0x3  }
0x96: {  	_ =	strace s3  }
0x97: {  	_ =	strace $0x8FFFFFFF  }
0x98: {  	s19 =	sld [smem:$0x3FDB];
	_ =	sdelay $0x1  }
0x99: {  	s4 =	simm.s32 $_scs_section_size  }
0x9a: {  	s5 =	simm.s32 $_size__tile_overlayer_lowered;
	s6 =	simm.s32 $_tile_overlayer_lowered  }
0x9b: {  	s22 =	simm.s32 $0x1BFF;
	s21 =	sshll.u32 s6, $0x1;
	s3 =	sadd.s32 s4, s19  }
0x9c: {  	s7 =	simm.s32 $0x0;
	s20 =	sshll.u32 s5, $0x1;
	s5 =	sadd.s32 s21, s3  }
0x9d: {  	[timem:s7], [sflag:s22] =	dma.local [hbm:s5], s20  }
0x9e: {  	_ =	swait.ge [sflag:s22], s20  }
0x9f: {  	s4 =	ssub.s32 $0x0, s20;
	[sflag:s22] =	ssyncset.done $0x0  }
0xa0: {  	[sflag:s22] =	ssyncadd.s32 s4;
	_ =	sdelay $0x1  }
0xa1: {  	s23 =	simm.s32 $0x1B8B  }
0xa2: {  	_ =	swait.ge [sflag:s23], $0x1  }
0xa3: {  	[sflag:s23] =	ssyncset.done $0x0  }
0xa4: {  	s25 =	simm.s32 $0x1B8E;
	s24 =	sld [smem:$0x3FFE];
	[sflag:s23] =	ssyncadd.s32 $0xFFFFFFFF  }
0xa5: {  	s26 =	simm.s32 $execute0_lowered;
	[smem:$0x3FD2] =	sst s25  }
0xa6: {  	s5 =	sshll.u32 s26, $0x1;
	_ =	strace $0x8000004C;
	[dreg:$0x1] =	wrdreg $0xFFFFFFFF  }
0xa7: {  	s28 =	simm.s32 $_size_execute0_lowered;
	s3 =	sadd.s32 s3, s5;
	[dreg:$0x0] =	wrdreg $0x0  }
0xa8: {  	s5 =	sshll.u32 s28, $0x1;
	[dreg:$0x2] =	wrdreg s3  }
0xa9: {  	[dreg:$0x3] =	wrdreg s5  }
0xaa: {  	[dreg:$0x4] =	wrdreg $0xC0  }
0xab: {  	_ =	task [dreg:s7], $0x5FFFF  }
0xac: {  	[dreg:$0x1] =	wrdreg $0xFFFFFFFF  }
0xad: {  	[dreg:$0x0] =	wrdreg $0x60  }
0xae: {  	[dreg:$0x2] =	wrdreg s24  }
0xaf: {  	[dreg:$0x3] =	wrdreg s2  }
0xb0: {  	[dreg:$0x4] =	wrdreg $0x7B000  }
0xb1: {  	[dreg:$0x5] =	wrdreg $0x9  }
0xb2: {  	_ =	task.clear_ibuf [dreg:s7], $0x6FFFF;
	_ =	strace $0x9000004C  }
0xb3: {  	s29 =	simm.s32 $0x9;
	_ =	strace $0x8000004E  }
0xb4: {  	_ =	swait.ge [sflag:s29], $0x1  }
0xb5: {  	[sflag:s29] =	ssyncadd.s32 $0xFFFFFFFF  }
0xb6: {  	_ =	strace $0x9000004E  }
0xb7: {  	_ =	sfence  }
0xb8: {  	s30 =	sld [smem:$0x0];
	_ =	sdelay $0x2  }
0xb9: {  	s31 =	sshll.u32 s1, $0xD;
	s1 =	sshrl.u32 s1, $0x2  }
0xba: {  	s3 =	sand.u32 $0x4000, s31;
	s1 =	sadd.s32 s1, s30  }
0xbb: {  	s0 =	sor.u32 s3, s0;
	s1 =	sshll.u32 s1, $0x11  }
0xbc: {  	s0 =	sor.u32 s1, s0  }
0xbd: {  	s0 =	sadd.s32 $0x8F2B, s0  }
0xbe: {  	[sflag:s0] =	ssyncadd.remote.s32 $0x1  }
0xbf: {  	_ =	sfence.sel $0xFFFF  }
0xc0: {  	[dreg:$0x0] =	wrdreg $0xFFFFFFFF;
	(pc) =	sbr.abs _section_cstart, $3  }
0xc1: {  	[dreg:$0x1] =	wrdreg $0xFFFFFFFF  }
0xc2: {  	_ =	task.clear_ibuf [dreg:s7], $0x2FFFF;
	_ =	strace $0x9FFFFFFF  }
0xc3: {  	(tm) =	ssettm $0x7FFFFFFF  }
tec
execute0_lowered:
.L_overlay_start_1:
0x0: {  	(tag) =	ssettag $0x1  }
0x1: {  	s4 =	rddreg [dreg:$0x0]  }
0x2: {  	s1 =	rddreg [dreg:$0x1]  }
0x3: {  	s2 =	rddreg [dreg:$0x2];
	s3 =	simm.s32 $0x0;
	s0 =	srdreg.scid  }
0x4: {  	s20 =	stileid.u32;
	s28 =	simm.s32 $0x280;
	s29 =	simm.s32 $0x6  }
0x5: {  	s30 =	simm.s32 $0x5300;
	s31 =	simm.s32 $0x1;
	[smem:$0x7FF] =	sst s3  }
0x6: {  	s5 =	sand.u32 $0x1, s0;
	s6 =	sadd.s32 $0xACC00, s4;
	s9 =	smul.u32 $0x14000, s20  }
0x7: {  	s8 =	sshll.u32 s20, $0x1;
	_ =	strace $0x8000004D;
	s0 =	ssub.s32 $0x2, s5  }
0x8: {  	s7 =	sshrl.u32 s0, $0x1;
	s10 =	sor.u32 $0x2800, s9;
	s11 =	sadd.s32 $0x5000, s9  }
0x9: {  	s0 =	ssub.s32 s0, s7;
	s7 =	sor.u32 s5, s8;
	s8 =	smul.u32 $0x140000, s5  }
0xa: {  	s12 =	sadd.s32 $0x7800, s9;
	s15 =	sadd.s32 $0xA000, s9;
	s5 =	smul.u32 $0x2710, s5  }
0xb: {  	s16 =	sadd.s32 $0xC800, s9;
	s17 =	sadd.s32 $0xF000, s9;
	s7 =	smul.u32 $0x2710, s7  }
0xc: {  	s0 =	smax.u32 s0, $0x1;
	s13 =	sadd.s32 s9, s8;
	s9 =	sadd.s32 $0x11800, s9  }
0xd: {  	s19 =	sadd.s32 s8, s10;
	s14 =	sadd.s32 s8, s11;
	s18 =	sadd.s32 s8, s12  }
0xe: {  	s23 =	sadd.s32 s8, s15;
	s24 =	sadd.s32 s8, s16;
	[dreg:$0x1f] =	wrdreg s0  }
0xf: {  	s0 =	simm.s32 $0x2;
	s13 =	sshrl.u32 s13, $0x3;
	s14 =	sshrl.u32 s14, $0x3  }
0x10: {  	s22 =	sshrl.u32 s18, $0x3;
	s18 =	sshrl.u32 s24, $0x3;
	s24 =	smul.u32 $0x50000, s20  }
0x11: {  	s13 =	sadd.s32 s6, s13;
	s21 =	sadd.s32 s6, s14;
	s14 =	sshrl.u32 s23, $0x3  }
0x12: {  	s26 =	sadd.s32 s6, s18;
	[dreg:$0x8] =	wrdreg s13;
	s13 =	sshrl.u32 s19, $0x3  }
0x13: {  	[dreg:$0xa] =	wrdreg s21;
	s19 =	smul.u32 $0x4E20, s20;
	s25 =	sadd.s32 s6, s14  }
0x14: {  	[dreg:$0xd] =	wrdreg s26;
	s14 =	sadd.s32 s8, s17;
	s8 =	sadd.s32 s8, s9  }
0x15: {  	s26 =	sshrl.u32 s7, $0x3;
	s7 =	sadd.s32 s11, s2;
	[dreg:$0xc] =	wrdreg s25  }
0x16: {  	s11 =	sadd.s32 s16, s2;
	s17 =	sadd.s32 s17, s2;
	[dreg:$0x10] =	wrdreg s7  }
0x17: {  	s13 =	sadd.s32 s6, s13;
	s8 =	sshrl.u32 s8, $0x3;
	[dreg:$0x13] =	wrdreg s11  }
0x18: {  	s25 =	sshrl.u32 s24, $0x2;
	s20 =	sadd.s32 $0x14, s26;
	[dreg:$0x9] =	wrdreg s13  }
0x19: {  	s13 =	sadd.s32 s6, s22;
	s5 =	sadd.s32 s5, s19;
	s7 =	sadd.s32 s1, s20  }
0x1a: {  	[dreg:$0xb] =	wrdreg s13;
	s13 =	sshrl.u32 s14, $0x3;
	s18 =	sadd.s32 $0x190, s5  }
0x1b: {  	s22 =	sadd.s32 $0x140, s5;
	[dreg:$0x18] =	wrdreg s7;
	s13 =	sadd.s32 s6, s13  }
0x1c: {  	s6 =	sadd.s32 s6, s8;
	s19 =	sshrl.u32 s18, $0x3;
	[dreg:$0xe] =	wrdreg s13  }
0x1d: {  	s18 =	sadd.s32 s25, s2;
	s25 =	sadd.s32 s1, s26;
	[dreg:$0xf] =	wrdreg s6  }
0x1e: {  	s23 =	sshrl.u32 s22, $0x3;
	s21 =	sadd.s32 s19, s1;
	[dreg:$0x1c] =	wrdreg s25  }
0x1f: {  	s13 =	sadd.s32 $0x4000, s4;
	s14 =	sadd.s32 s23, s1;
	[dreg:$0x4] =	wrdreg s21  }
0x20: {  	s11 =	simm.s32 $0x50;
	s6 =	sadd.s32 s19, s13;
	[dreg:$0x6] =	wrdreg s14  }
0x21: {  	s7 =	simm.s32 $0x180;
	s8 =	sadd.s32 s23, s13;
	[dreg:$0x5] =	wrdreg s6  }
0x22: {  	s19 =	sadd.s32 s10, s2;
	s10 =	sadd.s32 s15, s2;
	[dreg:$0x7] =	wrdreg s8  }
0x23: {  	s22 =	sadd.s32 $0x4CE, s26;
	s15 =	sadd.s32 s9, s2;
	[dreg:$0x12] =	wrdreg s10  }
0x24: {  	s25 =	simm.s32 $0x2B00;
	s21 =	sadd.s32 s13, s20;
	[dreg:$0x14] =	wrdreg s15  }
0x25: {  	s14 =	sadd.s32 $0xDE00, s4;
	s23 =	sadd.s32 s13, s22;
	[dreg:$0x17] =	wrdreg s21  }
0x26: {  	s24 =	sadd.s32 s13, s26;
	s9 =	simm.s32 $0x7;
	[dreg:$0x19] =	wrdreg s23  }
0x27: {  	s8 =	sadd.s32 s12, s2;
	s12 =	sadd.s32 $0xA, s26;
	[dreg:$0x1b] =	wrdreg s24  }
0x28: {  	s26 =	sadd.s32 $0x4D8, s26;
	s10 =	simm.s32 $0x4;
	s23 =	simm.s32 $0x200  }
0x29: {  	s24 =	simm.s32 $0x5;
	[dreg:$0x11] =	wrdreg s8;
	s16 =	sadd.s32 s13, s12  }
0x2a: {  	s4 =	sadd.s32 s1, s12;
	s6 =	sadd.s32 s13, s26;
	[dreg:$0x15] =	wrdreg s16  }
0x2b: {  	s8 =	simm.s32 $0x300;
	s12 =	simm.s32 $0x80;
	[dreg:$0x16] =	wrdreg s4  }
0x2c: {  	s4 =	sadd.s32 s1, s22;
	[dreg:$0x1d] =	wrdreg s6;
	s6 =	sadd.s32 $0xF0, s5  }
0x2d: {  	s5 =	simm.s32 $0x0;
	[dreg:$0x1a] =	wrdreg s4;
	s4 =	sadd.s32 s1, s26  }
0x2e: {  	v0 =	vimm.f32 $0.0e+00;
	s26 =	simm.s32 $0x100;
	[dreg:$0x1e] =	wrdreg s4;
	s4 =	simm.s32 $0x3  }
.LBB2_1:
0x2f: {  	s15 =	rddreg [dreg:$0x1b]  }
0x30: {  	[tilespmem:s3], [sflag:$0x4] =	stream.linear.gather [hbm4b:s15+s3], $0x50, $0x38;
	[tilespmem:$0x1BB00] =	vst v63  }
0x31: {  	s22 =	rddreg [dreg:$0x1c];
	s16 =	simm.s32 $0x200;
	s15 =	simm.s32 $0x0  }
0x32: {  	[tilespmem:s7], [sflag:$0x4] =	stream.linear.gather [hbm4b:s22+s3], $0x50, $0x38;
	[tilespmem:$0x1BB00] =	vst v63  }
.LBB2_2:
0x33: {  	p0 =	sne.s32 s16, $0x9E00;
	[tilespmem:s15+$0x370] =	vst v0  }
0x34: {  	[tilespmem:s15+$0x300] =	vst v0  }
0x35: {  	[tilespmem:s15+$0x310] =	vst v0  }
.Ltmp0:
0x36: {  	[tilespmem:s15+$0x320] =	vst v0;
	(pc) =	sbr.rel @p0 .LBB2_2-.Ltmp0, $4  }
0x37: {  	[tilespmem:s15+$0x330] =	vst v0  }
0x38: {  	[tilespmem:s15+$0x340] =	vst v0  }
0x39: {  	[tilespmem:s15+$0x350] =	vst v0  }
0x3a: {  	[tilespmem:s15+$0x360] =	vst v0;
	s15 =	sshra.s32 s16, $0x2;
	s16 =	sadd.s32 $0x200, s16  }
0x3b: {  	[tilespmem:s15+$0x370] =	vst v0  }
0x3c: {  	[tilespmem:s15+$0x300] =	vst v0  }
0x3d: {  	[tilespmem:s15+$0x310] =	vst v0  }
0x3e: {  	[tilespmem:s15+$0x320] =	vst v0  }
0x3f: {  	[tilespmem:s15+$0x330] =	vst v0  }
0x40: {  	[tilespmem:s15+$0x340] =	vst v0  }
0x41: {  	[tilespmem:s15+$0x350] =	vst v0  }
0x42: {  	[tilespmem:s15+$0x360] =	vst v0  }
0x43: {  	[spmem:s18] =	stream.linear.scatter [tilespmem:s8], [sflag:$0x7], $0x2800, $0x38;
	[tilespmem:$0x1BB00] =	vst v63  }
0x44: {  	_ =	swait.ge [sflag:s9], $0x2800  }
0x45: {  	[sflag:s9] =	ssyncset.done $0x0  }
0x46: {  	[sflag:s9] =	ssyncadd.s32 $0xFFFFD800  }
0x47: {  	[spmem:s19] =	stream.linear.scatter [tilespmem:s8], [sflag:$0x7], $0x2800, $0x38;
	[tilespmem:$0x1BB00] =	vst v63  }
0x48: {  	_ =	swait.ge [sflag:s9], $0x2800  }
0x49: {  	[sflag:s9] =	ssyncset.done $0x0  }
0x4a: {  	s20 =	smov.u32 s18;
	s18 =	rddreg [dreg:$0x10];
	[sflag:s9] =	ssyncadd.s32 $0xFFFFD800  }
0x4b: {  	[spmem:s18] =	stream.linear.scatter [tilespmem:s8], [sflag:$0x7], $0x2800, $0x38;
	[tilespmem:$0x1BB00] =	vst v63  }
0x4c: {  	_ =	swait.ge [sflag:s9], $0x2800  }
0x4d: {  	[sflag:s9] =	ssyncset.done $0x0  }
0x4e: {  	s21 =	smov.u32 s19;
	s19 =	rddreg [dreg:$0x11];
	[sflag:s9] =	ssyncadd.s32 $0xFFFFD800  }
0x4f: {  	[spmem:s19] =	stream.linear.scatter [tilespmem:s8], [sflag:$0x7], $0x2800, $0x38;
	[tilespmem:$0x1BB00] =	vst v63  }
0x50: {  	_ =	swait.ge [sflag:s9], $0x2800  }
0x51: {  	[sflag:s9] =	ssyncset.done $0x0  }
0x52: {  	s22 =	rddreg [dreg:$0x12];
	[sflag:s9] =	ssyncadd.s32 $0xFFFFD800  }
0x53: {  	[spmem:s22] =	stream.linear.scatter [tilespmem:s8], [sflag:$0x7], $0x2800, $0x38;
	[tilespmem:$0x1BB00] =	vst v63  }
0x54: {  	_ =	swait.ge [sflag:s9], $0x2800  }
0x55: {  	[sflag:s9] =	ssyncset.done $0x0  }
0x56: {  	s16 =	rddreg [dreg:$0x13];
	[sflag:s9] =	ssyncadd.s32 $0xFFFFD800  }
0x57: {  	[spmem:s16] =	stream.linear.scatter [tilespmem:s8], [sflag:$0x7], $0x2800, $0x38;
	[tilespmem:$0x1BB00] =	vst v63  }
0x58: {  	_ =	swait.ge [sflag:s9], $0x2800  }
0x59: {  	[sflag:s9] =	ssyncset.done $0x0  }
0x5a: {  	[sflag:s9] =	ssyncadd.s32 $0xFFFFD800  }
0x5b: {  	[spmem:s17] =	stream.linear.scatter [tilespmem:s8], [sflag:$0x7], $0x2800, $0x38;
	[tilespmem:$0x1BB00] =	vst v63  }
0x5c: {  	_ =	swait.ge [sflag:s9], $0x2800  }
0x5d: {  	[sflag:s9] =	ssyncset.done $0x0  }
0x5e: {  	s18 =	rddreg [dreg:$0x14];
	[sflag:s9] =	ssyncadd.s32 $0xFFFFD800  }
0x5f: {  	[spmem:s18] =	stream.linear.scatter [tilespmem:s8], [sflag:$0x7], $0x2800, $0x38;
	[tilespmem:$0x1BB00] =	vst v63  }
0x60: {  	_ =	swait.ge [sflag:s9], $0x2800  }
0x61: {  	[sflag:s9] =	ssyncset.done $0x0  }
0x62: {  	[sflag:s9] =	ssyncadd.s32 $0xFFFFD800  }
0x63: {  	[bflag:$0x0] =	sbarrier.arrive $0xFFFF  }
0x64: {  	_ =	swait.ge [sflag:s10], $0x50  }
0x65: {  	[sflag:s10] =	ssyncset.done $0x0  }
0x66: {  	[sflag:s10] =	ssyncadd.s32 $0xFFFFFFB0  }
0x67: {  	_ =	swait.ge [sflag:s10], $0x50  }
0x68: {  	[sflag:s10] =	ssyncset.done $0x0  }
0x69: {  	s15 =	simm.s32 $0x0;
	[sflag:s10] =	ssyncadd.s32 $0xFFFFFFB0  }
0x6a: {  	[tilespmem:s8], [sflag:$0x1] =	stream.indirect.gather [hbm4b:s14+s11], $0x80, s15, s11, $0xb8;
	[tilespmem:$0x1BB00] =	vst v63  }
0x6b: {  	s16 =	rddreg [dreg:$0x15]  }
0x6c: {  	[tilespmem:s12], [sflag:$0x5] =	stream.linear.gather [hbm4b:s16+s15], $0x50, $0x38;
	[tilespmem:$0x1BB00] =	vst v63  }
0x6d: {  	s19 =	rddreg [dreg:$0x16]  }
0x6e: {  	[tilespmem:s23], [sflag:$0x5] =	stream.linear.gather [hbm4b:s19+s15], $0x50, $0x38;
	[tilespmem:$0x1BB00] =	vst v63  }
0x6f: {  	_ =	swait.ge [sflag:s24], $0x50  }
0x70: {  	[sflag:s24] =	ssyncset.done $0x0  }
0x71: {  	[sflag:s24] =	ssyncadd.s32 $0xFFFFFFB0  }
0x72: {  	_ =	swait.ge [sflag:s24], $0x50  }
0x73: {  	[sflag:s24] =	ssyncset.done $0x0  }
0x74: {  	[sflag:s24] =	ssyncadd.s32 $0xFFFFFFB0  }
0x75: {  	[tilespmem:s25], [sflag:$0x2] =	stream.indirect.gather [hbm4b:s14+s11], $0x80, s12, s11, $0xb8;
	[tilespmem:$0x1BB00] =	vst v63  }
0x76: {  	s22 =	smov.u32 s17;
	s17 =	rddreg [dreg:$0x17]  }
0x77: {  	[tilespmem:s26], [sflag:$0x6] =	stream.linear.gather [hbm4b:s17+s15], $0x50, $0x38;
	[tilespmem:$0x1BB00] =	vst v63  }
0x78: {  	s18 =	rddreg [dreg:$0x18]  }
0x79: {  	[tilespmem:s28], [sflag:$0x6] =	stream.linear.gather [hbm4b:s18+s15], $0x50, $0x38;
	[tilespmem:$0x1BB00] =	vst v63  }
0x7a: {  	_ =	swait.ge [sflag:s29], $0x50  }
0x7b: {  	[sflag:s29] =	ssyncset.done $0x0  }
0x7c: {  	[sflag:s29] =	ssyncadd.s32 $0xFFFFFFB0  }
0x7d: {  	_ =	swait.ge [sflag:s29], $0x50  }
0x7e: {  	[sflag:s29] =	ssyncset.done $0x0  }
0x7f: {  	[sflag:s29] =	ssyncadd.s32 $0xFFFFFFB0  }
0x80: {  	[tilespmem:s30], [sflag:$0x3] =	stream.indirect.gather [hbm4b:s14+s11], $0x80, s26, s11, $0xb8;
	[tilespmem:$0x1BB00] =	vst v63  }
0x81: {  	_ =	swait.ge [sflag:s31], $0x2800  }
0x82: {  	[sflag:s31] =	ssyncset.done $0x0  }
0x83: {  	[sflag:s31] =	ssyncadd.s32 $0xFFFFD800  }
0x84: {  	[spmem:s2] =	stream.indirect.scatter.add.f32 [tilespmem:s8], [sflag:$0x7], $0x80, s7, s11, $0xb8;
	[tilespmem:$0x1BB00] =	vst v63  }
0x85: {  	_ =	swait.ge [sflag:s9], $0x2800  }
0x86: {  	s19 =	sshrl.u32 s6, $0x3;
	[sflag:s9] =	ssyncset.done $0x0  }
0x87: {  	s17 =	sadd.s32 s13, s19;
	[sflag:s9] =	ssyncadd.s32 $0xFFFFD800  }
0x88: {  	[tilespmem:s3], [sflag:$0x4] =	stream.linear.gather [hbm4b:s17+s3], $0x50, $0x38;
	[tilespmem:$0x1BB00] =	vst v63  }
0x89: {  	s15 =	sadd.s32 s1, s19  }
0x8a: {  	[tilespmem:s7], [sflag:$0x4] =	stream.linear.gather [hbm4b:s15+s3], $0x50, $0x38;
	[tilespmem:$0x1BB00] =	vst v63  }
0x8b: {  	_ =	swait.ge [sflag:s10], $0x50  }
0x8c: {  	[sflag:s10] =	ssyncset.done $0x0  }
0x8d: {  	[sflag:s10] =	ssyncadd.s32 $0xFFFFFFB0  }
0x8e: {  	_ =	swait.ge [sflag:s10], $0x50  }
0x8f: {  	[sflag:s10] =	ssyncset.done $0x0  }
0x90: {  	[sflag:s10] =	ssyncadd.s32 $0xFFFFFFB0  }
0x91: {  	[tilespmem:s8], [sflag:$0x1] =	stream.indirect.gather [hbm4b:s14+s11], $0x80, s3, s11, $0xb8;
	[tilespmem:$0x1BB00] =	vst v63  }
0x92: {  	_ =	swait.ge [sflag:s0], $0x2800  }
0x93: {  	[sflag:s0] =	ssyncset.done $0x0  }
0x94: {  	[sflag:s0] =	ssyncadd.s32 $0xFFFFD800  }
0x95: {  	[spmem:s2] =	stream.indirect.scatter.add.f32 [tilespmem:s25], [sflag:$0x7], $0x80, s23, s11, $0xb8;
	[tilespmem:$0x1BB00] =	vst v63  }
0x96: {  	_ =	swait.ge [sflag:s9], $0x2800  }
0x97: {  	s18 =	rddreg [dreg:$0x7];
	[sflag:s9] =	ssyncset.done $0x0  }
0x98: {  	s19 =	rddreg [dreg:$0x6];
	[sflag:s9] =	ssyncadd.s32 $0xFFFFD800;
	s15 =	sadd.s32 $0x0, s18  }
0x99: {  	[tilespmem:s12], [sflag:$0x5] =	stream.linear.gather [hbm4b:s15+s3], $0x50, $0x38;
	[tilespmem:$0x1BB00] =	vst v63  }
0x9a: {  	s17 =	sadd.s32 $0x0, s19  }
0x9b: {  	[tilespmem:s23], [sflag:$0x5] =	stream.linear.gather [hbm4b:s17+s3], $0x50, $0x38;
	[tilespmem:$0x1BB00] =	vst v63  }
0x9c: {  	_ =	swait.ge [sflag:s24], $0x50  }
0x9d: {  	[sflag:s24] =	ssyncset.done $0x0  }
0x9e: {  	[sflag:s24] =	ssyncadd.s32 $0xFFFFFFB0  }
0x9f: {  	_ =	swait.ge [sflag:s24], $0x50  }
0xa0: {  	[sflag:s24] =	ssyncset.done $0x0  }
0xa1: {  	[sflag:s24] =	ssyncadd.s32 $0xFFFFFFB0  }
0xa2: {  	[tilespmem:s25], [sflag:$0x2] =	stream.indirect.gather [hbm4b:s14+s11], $0x80, s12, s11, $0xb8;
	[tilespmem:$0x1BB00] =	vst v63  }
0xa3: {  	_ =	swait.ge [sflag:s4], $0x2800  }
0xa4: {  	[sflag:s4] =	ssyncset.done $0x0  }
0xa5: {  	[sflag:s4] =	ssyncadd.s32 $0xFFFFD800  }
0xa6: {  	[spmem:s2] =	stream.indirect.scatter.add.f32 [tilespmem:s30], [sflag:$0x7], $0x80, s28, s11, $0xb8;
	[tilespmem:$0x1BB00] =	vst v63  }
0xa7: {  	_ =	swait.ge [sflag:s9], $0x2800  }
0xa8: {  	s18 =	rddreg [dreg:$0x5];
	[sflag:s9] =	ssyncset.done $0x0  }
0xa9: {  	s19 =	rddreg [dreg:$0x4];
	[sflag:s9] =	ssyncadd.s32 $0xFFFFD800;
	s15 =	sadd.s32 $0x0, s18  }
0xaa: {  	[tilespmem:s26], [sflag:$0x6] =	stream.linear.gather [hbm4b:s15+s3], $0x50, $0x38;
	[tilespmem:$0x1BB00] =	vst v63  }
0xab: {  	s16 =	sadd.s32 $0xF0, s6;
	s17 =	sadd.s32 $0x0, s19;
	s15 =	simm.s32 $0x1E  }
.LBB2_4:
0xac: {  	[tilespmem:s28], [sflag:$0x6] =	stream.linear.gather [hbm4b:s17+s3], $0x50, $0x38;
	[tilespmem:$0x1BB00] =	vst v63  }
0xad: {  	_ =	swait.ge [sflag:s29], $0x50  }
0xae: {  	[sflag:s29] =	ssyncset.done $0x0  }
0xaf: {  	[sflag:s29] =	ssyncadd.s32 $0xFFFFFFB0  }
0xb0: {  	_ =	swait.ge [sflag:s29], $0x50  }
0xb1: {  	[sflag:s29] =	ssyncset.done $0x0  }
0xb2: {  	[sflag:s29] =	ssyncadd.s32 $0xFFFFFFB0  }
0xb3: {  	[tilespmem:s30], [sflag:$0x3] =	stream.indirect.gather [hbm4b:s14+s11], $0x80, s26, s11, $0xb8;
	[tilespmem:$0x1BB00] =	vst v63  }
0xb4: {  	_ =	swait.ge [sflag:s31], $0x2800  }
0xb5: {  	[sflag:s31] =	ssyncset.done $0x0  }
0xb6: {  	[sflag:s31] =	ssyncadd.s32 $0xFFFFD800  }
0xb7: {  	[spmem:s2] =	stream.indirect.scatter.add.f32 [tilespmem:s8], [sflag:$0x7], $0x80, s7, s11, $0xb8;
	[tilespmem:$0x1BB00] =	vst v63  }
0xb8: {  	_ =	swait.ge [sflag:s9], $0x2800  }
0xb9: {  	s18 =	sshrl.u32 s16, $0x3;
	[sflag:s9] =	ssyncset.done $0x0  }
0xba: {  	s19 =	sadd.s32 s13, s18;
	[sflag:s9] =	ssyncadd.s32 $0xFFFFD800  }
0xbb: {  	[tilespmem:s3], [sflag:$0x4] =	stream.linear.gather [hbm4b:s19+s3], $0x50, $0x38;
	[tilespmem:$0x1BB00] =	vst v63  }
0xbc: {  	s18 =	sadd.s32 s1, s18  }
0xbd: {  	[tilespmem:s7], [sflag:$0x4] =	stream.linear.gather [hbm4b:s18+s3], $0x50, $0x38;
	[tilespmem:$0x1BB00] =	vst v63  }
0xbe: {  	_ =	swait.ge [sflag:s10], $0x50  }
0xbf: {  	[sflag:s10] =	ssyncset.done $0x0  }
0xc0: {  	[sflag:s10] =	ssyncadd.s32 $0xFFFFFFB0  }
0xc1: {  	_ =	swait.ge [sflag:s10], $0x50  }
0xc2: {  	[sflag:s10] =	ssyncset.done $0x0  }
0xc3: {  	[sflag:s10] =	ssyncadd.s32 $0xFFFFFFB0  }
0xc4: {  	[tilespmem:s8], [sflag:$0x1] =	stream.indirect.gather [hbm4b:s14+s11], $0x80, s3, s11, $0xb8;
	[tilespmem:$0x1BB00] =	vst v63  }
0xc5: {  	_ =	swait.ge [sflag:s0], $0x2800  }
0xc6: {  	[sflag:s0] =	ssyncset.done $0x0  }
0xc7: {  	[sflag:s0] =	ssyncadd.s32 $0xFFFFD800  }
0xc8: {  	[spmem:s2] =	stream.indirect.scatter.add.f32 [tilespmem:s25], [sflag:$0x7], $0x80, s23, s11, $0xb8;
	[tilespmem:$0x1BB00] =	vst v63  }
0xc9: {  	_ =	swait.ge [sflag:s9], $0x2800  }
0xca: {  	s17 =	smov.u32 s15;
	s18 =	rddreg [dreg:$0x7];
	[sflag:s9] =	ssyncset.done $0x0  }
0xcb: {  	s19 =	rddreg [dreg:$0x6];
	[sflag:s9] =	ssyncadd.s32 $0xFFFFD800;
	s18 =	sadd.s32 s17, s18  }
0xcc: {  	[tilespmem:s12], [sflag:$0x5] =	stream.linear.gather [hbm4b:s18+s3], $0x50, $0x38;
	[tilespmem:$0x1BB00] =	vst v63  }
0xcd: {  	s19 =	sadd.s32 s17, s19  }
0xce: {  	[tilespmem:s23], [sflag:$0x5] =	stream.linear.gather [hbm4b:s19+s3], $0x50, $0x38;
	[tilespmem:$0x1BB00] =	vst v63  }
0xcf: {  	_ =	swait.ge [sflag:s24], $0x50  }
0xd0: {  	[sflag:s24] =	ssyncset.done $0x0  }
0xd1: {  	[sflag:s24] =	ssyncadd.s32 $0xFFFFFFB0  }
0xd2: {  	_ =	swait.ge [sflag:s24], $0x50  }
0xd3: {  	[sflag:s24] =	ssyncset.done $0x0  }
0xd4: {  	[sflag:s24] =	ssyncadd.s32 $0xFFFFFFB0  }
0xd5: {  	[tilespmem:s25], [sflag:$0x2] =	stream.indirect.gather [hbm4b:s14+s11], $0x80, s12, s11, $0xb8;
	[tilespmem:$0x1BB00] =	vst v63  }
0xd6: {  	_ =	swait.ge [sflag:s4], $0x2800  }
0xd7: {  	[sflag:s4] =	ssyncset.done $0x0  }
0xd8: {  	p0 =	sne.s32 s15, $0x492;
	[sflag:s4] =	ssyncadd.s32 $0xFFFFD800  }
0xd9: {  	[spmem:s2] =	stream.indirect.scatter.add.f32 [tilespmem:s30], [sflag:$0x7], $0x80, s28, s11, $0xb8;
	[tilespmem:$0x1BB00] =	vst v63  }
.Ltmp1:
0xda: {  	_ =	swait.ge [sflag:s9], $0x2800;
	(pc) =	sbr.rel @p0 .LBB2_4-.Ltmp1, $4  }
0xdb: {  	s15 =	sadd.s32 $0x1E, s15;
	s18 =	rddreg [dreg:$0x5]  }
0xdc: {  	s16 =	sadd.s32 $0xF0, s16;
	s19 =	rddreg [dreg:$0x4];
	[sflag:s9] =	ssyncset.done $0x0  }
0xdd: {  	[sflag:s9] =	ssyncadd.s32 $0xFFFFD800;
	s18 =	sadd.s32 s17, s18;
	s17 =	sadd.s32 s17, s19  }
0xde: {  	[tilespmem:s26], [sflag:$0x6] =	stream.linear.gather [hbm4b:s18+s3], $0x50, $0x38;
	[tilespmem:$0x1BB00] =	vst v63  }
0xdf: {  	[tilespmem:s28], [sflag:$0x6] =	stream.linear.gather [hbm4b:s17+s3], $0x50, $0x38;
	[tilespmem:$0x1BB00] =	vst v63  }
0xe0: {  	_ =	swait.ge [sflag:s29], $0x50  }
0xe1: {  	[sflag:s29] =	ssyncset.done $0x0  }
0xe2: {  	[sflag:s29] =	ssyncadd.s32 $0xFFFFFFB0  }
0xe3: {  	_ =	swait.ge [sflag:s29], $0x50  }
0xe4: {  	[sflag:s29] =	ssyncset.done $0x0  }
0xe5: {  	[sflag:s29] =	ssyncadd.s32 $0xFFFFFFB0  }
0xe6: {  	[tilespmem:s30], [sflag:$0x3] =	stream.indirect.gather [hbm4b:s14+s11], $0x80, s26, s11, $0xb8;
	[tilespmem:$0x1BB00] =	vst v63  }
0xe7: {  	_ =	swait.ge [sflag:s31], $0x2800  }
0xe8: {  	[sflag:s31] =	ssyncset.done $0x0  }
0xe9: {  	[sflag:s31] =	ssyncadd.s32 $0xFFFFD800  }
0xea: {  	[spmem:s2] =	stream.indirect.scatter.add.f32 [tilespmem:s8], [sflag:$0x7], $0x80, s7, s11, $0xb8;
	[tilespmem:$0x1BB00] =	vst v63  }
0xeb: {  	_ =	swait.ge [sflag:s9], $0x2800  }
0xec: {  	[sflag:s9] =	ssyncset.done $0x0  }
0xed: {  	s15 =	rddreg [dreg:$0x19];
	[sflag:s9] =	ssyncadd.s32 $0xFFFFD800  }
0xee: {  	[tilespmem:s3], [sflag:$0x4] =	stream.linear.gather [hbm4b:s15+s3], $0x50, $0x38;
	[tilespmem:$0x1BB00] =	vst v63  }
0xef: {  	s17 =	rddreg [dreg:$0x1a]  }
0xf0: {  	[tilespmem:s7], [sflag:$0x4] =	stream.linear.gather [hbm4b:s17+s3], $0x50, $0x38;
	[tilespmem:$0x1BB00] =	vst v63  }
0xf1: {  	_ =	swait.ge [sflag:s10], $0x50  }
0xf2: {  	[sflag:s10] =	ssyncset.done $0x0  }
0xf3: {  	[sflag:s10] =	ssyncadd.s32 $0xFFFFFFB0  }
0xf4: {  	_ =	swait.ge [sflag:s10], $0x50  }
0xf5: {  	[sflag:s10] =	ssyncset.done $0x0  }
0xf6: {  	[sflag:s10] =	ssyncadd.s32 $0xFFFFFFB0  }
0xf7: {  	[tilespmem:s8], [sflag:$0x1] =	stream.indirect.gather [hbm4b:s14+s11], $0x80, s3, s11, $0xb8;
	[tilespmem:$0x1BB00] =	vst v63  }
0xf8: {  	_ =	swait.ge [sflag:s0], $0x2800  }
0xf9: {  	[sflag:s0] =	ssyncset.done $0x0  }
0xfa: {  	[sflag:s0] =	ssyncadd.s32 $0xFFFFD800  }
0xfb: {  	[spmem:s2] =	stream.indirect.scatter.add.f32 [tilespmem:s25], [sflag:$0x7], $0x80, s23, s11, $0xb8;
	[tilespmem:$0x1BB00] =	vst v63  }
0xfc: {  	_ =	swait.ge [sflag:s9], $0x2800  }
0xfd: {  	[sflag:s9] =	ssyncset.done $0x0  }
0xfe: {  	s18 =	rddreg [dreg:$0x1d];
	[sflag:s9] =	ssyncadd.s32 $0xFFFFD800  }
0xff: {  	[tilespmem:s12], [sflag:$0x5] =	stream.linear.gather [hbm4b:s18+s3], $0x50, $0x38;
	[tilespmem:$0x1BB00] =	vst v63  }
0x100: {  	s19 =	rddreg [dreg:$0x1e]  }
0x101: {  	[tilespmem:s23], [sflag:$0x5] =	stream.linear.gather [hbm4b:s19+s3], $0x50, $0x38;
	[tilespmem:$0x1BB00] =	vst v63  }
0x102: {  	_ =	swait.ge [sflag:s24], $0x50  }
0x103: {  	[sflag:s24] =	ssyncset.done $0x0  }
0x104: {  	[sflag:s24] =	ssyncadd.s32 $0xFFFFFFB0  }
0x105: {  	_ =	swait.ge [sflag:s24], $0x50  }
0x106: {  	[sflag:s24] =	ssyncset.done $0x0  }
0x107: {  	[sflag:s24] =	ssyncadd.s32 $0xFFFFFFB0  }
0x108: {  	[tilespmem:s25], [sflag:$0x2] =	stream.indirect.gather [hbm4b:s14+s11], $0x80, s12, s11, $0xb8;
	[tilespmem:$0x1BB00] =	vst v63  }
0x109: {  	_ =	swait.ge [sflag:s4], $0x2800  }
0x10a: {  	[sflag:s4] =	ssyncset.done $0x0  }
0x10b: {  	[sflag:s4] =	ssyncadd.s32 $0xFFFFD800  }
0x10c: {  	[spmem:s2] =	stream.indirect.scatter.add.f32 [tilespmem:s30], [sflag:$0x7], $0x80, s28, s11, $0xb8;
	[tilespmem:$0x1BB00] =	vst v63  }
0x10d: {  	_ =	swait.ge [sflag:s9], $0x2800  }
0x10e: {  	[sflag:s9] =	ssyncset.done $0x0  }
0x10f: {  	[sflag:s9] =	ssyncadd.s32 $0xFFFFD800  }
0x110: {  	_ =	swait.ge [sflag:s31], $0x2800  }
0x111: {  	[sflag:s31] =	ssyncset.done $0x0  }
0x112: {  	[sflag:s31] =	ssyncadd.s32 $0xFFFFD800  }
0x113: {  	[spmem:s2] =	stream.indirect.scatter.add.f32 [tilespmem:s8], [sflag:$0x7], $0x80, s7, s11, $0xb8;
	[tilespmem:$0x1BB00] =	vst v63  }
0x114: {  	_ =	swait.ge [sflag:s9], $0x2800  }
0x115: {  	[sflag:s9] =	ssyncset.done $0x0  }
0x116: {  	[sflag:s9] =	ssyncadd.s32 $0xFFFFD800  }
0x117: {  	_ =	swait.ge [sflag:s0], $0x2800  }
0x118: {  	[sflag:s0] =	ssyncset.done $0x0  }
0x119: {  	[sflag:s0] =	ssyncadd.s32 $0xFFFFD800  }
0x11a: {  	[spmem:s2] =	stream.indirect.scatter.add.f32 [tilespmem:s25], [sflag:$0x7], $0x80, s23, s11, $0xb8;
	[tilespmem:$0x1BB00] =	vst v63  }
0x11b: {  	_ =	swait.ge [sflag:s9], $0x2800  }
0x11c: {  	[sflag:s9] =	ssyncset.done $0x0  }
0x11d: {  	[sflag:s9] =	ssyncadd.s32 $0xFFFFD800  }
0x11e: {  	[bflag:$0x0] =	sbarrier.arrive $0xFFFF  }
0x11f: {  	[tilespmem:s8], [sflag:$0x7] =	stream.linear.gather [spmem:s20], $0x2800, $0x38;
	[tilespmem:$0x1BB00] =	vst v63  }
0x120: {  	_ =	swait.ge [sflag:s9], $0x2800  }
0x121: {  	[sflag:s9] =	ssyncset.done $0x0  }
0x122: {  	s18 =	smov.u32 s20;
	s20 =	rddreg [dreg:$0x8];
	[sflag:s9] =	ssyncadd.s32 $0xFFFFD800  }
0x123: {  	[hbm4b:s20+s3] =	stream.linear.scatter [tilespmem:s8], [sflag:$0x7], $0x2800, $0x38;
	[tilespmem:$0x1BB00] =	vst v63  }
0x124: {  	_ =	swait.ge [sflag:s9], $0x2800  }
0x125: {  	[sflag:s9] =	ssyncset.done $0x0  }
0x126: {  	[sflag:s9] =	ssyncadd.s32 $0xFFFFD800  }
0x127: {  	[tilespmem:s8], [sflag:$0x7] =	stream.linear.gather [spmem:s21], $0x2800, $0x38;
	[tilespmem:$0x1BB00] =	vst v63  }
0x128: {  	_ =	swait.ge [sflag:s9], $0x2800  }
0x129: {  	[sflag:s9] =	ssyncset.done $0x0  }
0x12a: {  	s19 =	smov.u32 s21;
	s21 =	rddreg [dreg:$0x9];
	[sflag:s9] =	ssyncadd.s32 $0xFFFFD800  }
0x12b: {  	[hbm4b:s21+s3] =	stream.linear.scatter [tilespmem:s8], [sflag:$0x7], $0x2800, $0x38;
	[tilespmem:$0x1BB00] =	vst v63  }
0x12c: {  	_ =	swait.ge [sflag:s9], $0x2800  }
0x12d: {  	[sflag:s9] =	ssyncset.done $0x0  }
0x12e: {  	s16 =	rddreg [dreg:$0x10];
	[sflag:s9] =	ssyncadd.s32 $0xFFFFD800  }
0x12f: {  	[tilespmem:s8], [sflag:$0x7] =	stream.linear.gather [spmem:s16], $0x2800, $0x38;
	[tilespmem:$0x1BB00] =	vst v63  }
0x130: {  	_ =	swait.ge [sflag:s9], $0x2800  }
0x131: {  	[sflag:s9] =	ssyncset.done $0x0  }
0x132: {  	s17 =	rddreg [dreg:$0xa];
	[sflag:s9] =	ssyncadd.s32 $0xFFFFD800  }
0x133: {  	[hbm4b:s17+s3] =	stream.linear.scatter [tilespmem:s8], [sflag:$0x7], $0x2800, $0x38;
	[tilespmem:$0x1BB00] =	vst v63  }
0x134: {  	_ =	swait.ge [sflag:s9], $0x2800  }
0x135: {  	[sflag:s9] =	ssyncset.done $0x0  }
0x136: {  	s20 =	rddreg [dreg:$0x11];
	[sflag:s9] =	ssyncadd.s32 $0xFFFFD800  }
0x137: {  	[tilespmem:s8], [sflag:$0x7] =	stream.linear.gather [spmem:s20], $0x2800, $0x38;
	[tilespmem:$0x1BB00] =	vst v63  }
0x138: {  	_ =	swait.ge [sflag:s9], $0x2800  }
0x139: {  	[sflag:s9] =	ssyncset.done $0x0  }
0x13a: {  	s21 =	rddreg [dreg:$0xb];
	[sflag:s9] =	ssyncadd.s32 $0xFFFFD800  }
0x13b: {  	[hbm4b:s21+s3] =	stream.linear.scatter [tilespmem:s8], [sflag:$0x7], $0x2800, $0x38;
	[tilespmem:$0x1BB00] =	vst v63  }
0x13c: {  	_ =	swait.ge [sflag:s9], $0x2800  }
0x13d: {  	[sflag:s9] =	ssyncset.done $0x0  }
0x13e: {  	s16 =	rddreg [dreg:$0x12];
	[sflag:s9] =	ssyncadd.s32 $0xFFFFD800  }
0x13f: {  	[tilespmem:s8], [sflag:$0x7] =	stream.linear.gather [spmem:s16], $0x2800, $0x38;
	[tilespmem:$0x1BB00] =	vst v63  }
0x140: {  	_ =	swait.ge [sflag:s9], $0x2800  }
0x141: {  	[sflag:s9] =	ssyncset.done $0x0  }
0x142: {  	s17 =	rddreg [dreg:$0xc];
	[sflag:s9] =	ssyncadd.s32 $0xFFFFD800  }
0x143: {  	[hbm4b:s17+s3] =	stream.linear.scatter [tilespmem:s8], [sflag:$0x7], $0x2800, $0x38;
	[tilespmem:$0x1BB00] =	vst v63  }
0x144: {  	_ =	swait.ge [sflag:s9], $0x2800  }
0x145: {  	[sflag:s9] =	ssyncset.done $0x0  }
0x146: {  	s20 =	rddreg [dreg:$0x13];
	[sflag:s9] =	ssyncadd.s32 $0xFFFFD800  }
0x147: {  	[tilespmem:s8], [sflag:$0x7] =	stream.linear.gather [spmem:s20], $0x2800, $0x38;
	[tilespmem:$0x1BB00] =	vst v63  }
0x148: {  	_ =	swait.ge [sflag:s9], $0x2800  }
0x149: {  	[sflag:s9] =	ssyncset.done $0x0  }
0x14a: {  	s21 =	rddreg [dreg:$0xd];
	[sflag:s9] =	ssyncadd.s32 $0xFFFFD800  }
0x14b: {  	[hbm4b:s21+s3] =	stream.linear.scatter [tilespmem:s8], [sflag:$0x7], $0x2800, $0x38;
	[tilespmem:$0x1BB00] =	vst v63  }
0x14c: {  	_ =	swait.ge [sflag:s9], $0x2800  }
0x14d: {  	[sflag:s9] =	ssyncset.done $0x0  }
0x14e: {  	[sflag:s9] =	ssyncadd.s32 $0xFFFFD800  }
0x14f: {  	[tilespmem:s8], [sflag:$0x7] =	stream.linear.gather [spmem:s22], $0x2800, $0x38;
	[tilespmem:$0x1BB00] =	vst v63  }
0x150: {  	_ =	swait.ge [sflag:s9], $0x2800  }
0x151: {  	[sflag:s9] =	ssyncset.done $0x0  }
0x152: {  	s16 =	rddreg [dreg:$0xe];
	[sflag:s9] =	ssyncadd.s32 $0xFFFFD800  }
0x153: {  	[hbm4b:s16+s3] =	stream.linear.scatter [tilespmem:s8], [sflag:$0x7], $0x2800, $0x38;
	[tilespmem:$0x1BB00] =	vst v63  }
0x154: {  	_ =	swait.ge [sflag:s9], $0x2800  }
0x155: {  	[sflag:s9] =	ssyncset.done $0x0  }
0x156: {  	s20 =	rddreg [dreg:$0x14];
	[sflag:s9] =	ssyncadd.s32 $0xFFFFD800  }
0x157: {  	[tilespmem:s8], [sflag:$0x7] =	stream.linear.gather [spmem:s20], $0x2800, $0x38;
	[tilespmem:$0x1BB00] =	vst v63  }
0x158: {  	_ =	swait.ge [sflag:s9], $0x2800  }
0x159: {  	[sflag:s9] =	ssyncset.done $0x0  }
0x15a: {  	s21 =	rddreg [dreg:$0xf];
	[sflag:s9] =	ssyncadd.s32 $0xFFFFD800  }
0x15b: {  	[hbm4b:s21+s3] =	stream.linear.scatter [tilespmem:s8], [sflag:$0x7], $0x2800, $0x38;
	[tilespmem:$0x1BB00] =	vst v63  }
0x15c: {  	_ =	swait.ge [sflag:s9], $0x2800  }
0x15d: {  	s5 =	sadd.s32 $0x1, s5;
	s17 =	smov.u32 s22;
	s22 =	rddreg [dreg:$0x1f]  }
0x15e: {  	p0 =	sne.s32 s5, s22  }
.Ltmp2:
0x15f: {  	_ = 	snop;
	(pc) =	sbr.rel @p0 .LBB2_1-.Ltmp2, $3  }
0x160: {  	_ =	sdelay $0x1  }
0x161: {  	[sflag:s9] =	ssyncset.done $0x0  }
0x162: {  	[sflag:s9] =	ssyncadd.s32 $0xFFFFD800  }
0x163: {  	_ =	sfence.sel $0x180000  }
0x164: {  	[bflag:$0x0] =	sbarrier.arrive $0xFFFF  }
0x165: {  	_ =	strace $0x9000004D  }
0x166: {  	s0 =	stileid.u32;
	[bflag:$0x2] =	sbarrier.arrive $0xFFFF  }
0x167: {  	p0 =	sne.s32 s0, $0x0;
	s0 =	rddreg [dreg:$0x3]  }
0x168: {  	s0 =	sadd.s32 @!p0 $0x100000, s0  }
0x169: {  	[sflag:s0] =	ssyncadd.tile.s32 @!p0 $0x1;
	_ =	shalt  }
.Lfunc_end2:
_tile_overlayer_lowered:
.L_overlay_start_2:
0x16a: {  	(tag) =	ssettag $0x2  }
0x16b: {  	s0 =	rddreg [dreg:$0x0];
	s2 =	stileid.u32  }
0x16c: {  	s1 =	rddreg [dreg:$0x1];
	p0 =	sne.s32 s2, $0x0  }
0x16d: {  	s3 =	rddreg [dreg:$0x2];
	[bflag:$0x3] =	sbarrier.arrive $0xFFFF;
	s2 =	simm.s32 @!p0 $0x1C07  }
0x16e: {  	[timem:s3], [sflag:s2] =	dma.local @!p0 [hbm:s0], s1  }
0x16f: {  	s0 =	simm.s32 @!p0 $0x7  }
0x170: {  	_ =	swait.ge @!p0 [sflag:s0], s1  }
0x171: {  	s1 =	ssub.s32 @!p0 $0x0, s1;
	[sflag:s0] =	ssyncset.done @!p0 $0x0  }
0x172: {  	[sflag:s0] =	ssyncadd.s32 @!p0 s1  }
0x173: {  	[bflag:$0x3] =	sbarrier.arrive $0xFFFF  }
0x174: {  	_ =	shalt  }

// kernel: kernel.8.cloned.1.call-start
scs
__scs_entry_jumppad:
0x0: {  	(pc) =	sbr.rel $0x88, $3  }
0x1: {  	(tag) =	ssettag $0x0;
	lr =	simm.s32 $0x1  }
0x2: {  	[smem:$0x3F96] =	sst lr;
	_ =	strace $0xD0000000  }
0x3: {  	_ = 	snop  }
0x4: {  	_ = 	snop  }
0x5: {  	_ = 	snop  }
0x6: {  	_ = 	snop  }
0x7: {  	_ = 	snop  }
__scs_overlays_trampoline_lowered:
0x8: {  	[smem:$0x3FA5] =	sst s0  }
0x9: {  	[smem:$0x3FA6] =	sst s1  }
0xa: {  	[smem:$0x3FA7] =	sst s2  }
0xb: {  	[smem:$0x3FA8] =	sst s3  }
0xc: {  	[smem:$0x3FA9] =	sst s4  }
0xd: {  	[smem:$0x3FAA] =	sst s5  }
0xe: {  	[smem:$0x3FAB] =	sst s6  }
0xf: {  	[smem:$0x3FAC] =	sst s7  }
0x10: {  	[smem:$0x3FAD] =	sst s8  }
0x11: {  	[smem:$0x3FAE] =	sst s9;
	s0 =	simm.s32 @!p0 $0x0  }
0x12: {  	s1 =	sld [smem:$0x3F94];
	s0 =	simm.s32 @p0 $0x1  }
0x13: {  	[smem:$0x3FAF] =	sst s0;
	s0 =	simm.s32 @!p1 $0x0  }
0x14: {  	s2 =	sld [smem:$0x3F93];
	s0 =	simm.s32 @p1 $0x1  }
0x15: {  	[smem:$0x3FB0] =	sst s0;
	s0 =	simm.s32 @!p2 $0x0  }
0x16: {  	s3 =	sld [smem:$0x3FDB];
	s0 =	simm.s32 @p2 $0x1  }
0x17: {  	s4 =	simm.s32 $0x1BF5;
	[smem:$0x3FB2] =	sst s0  }
0x18: {  	s0 =	sld [smem:$0x3F95];
	_ =	swait.ge [sflag:s4], $0x0  }
0x19: {  	s7 =	sld [smem:$0x3F96]  }
0x1a: {  	s8 =	sadd.s32 $0xFFFFE003, lr  }
0x1b: {  	s9 =	sadd.s32 $0xFFFFFEF7, lr;
	s5 =	simm.s32 $0xFFFFFFFF;
	p2 =	slt.u32 s8, $0xFFFFF086  }
0x1c: {  	p1 =	slt.u32 s9, $0xF7A;
	s5 =	simm.s32 @!p2 $0x0  }
0x1d: {  	s5 =	simm.s32 @p1 $0x1;
	p0 =	seq.s32 s7, s2  }
0x1e: {  	s7 =	smul.u32 @!p0 $0xF7A, s2;
	p2 =	seq.s32 @!p0 s5, $0x0  }
0x1f: {  	s9 =	smul.u32 $0xF7A, s1;
	s8 =	simm.s32 @!p0 $0x1BF5;
	p2 =	por !p2, p0  }
0x20: {  	[sflag:s8] =	ssyncset.s32 @!p0 $0xFFFFF086;
	s6 =	sadd.s32 @!p0 s3, s7;
	s7 =	simm.s32 @!p0 $0x108  }
0x21: {  	s3 =	sadd.s32 s3, s9;
	s6 =	sadd.s32 @!p0 $0x88, s6;
	s7 =	simm.s32 @p2 $0x1082  }
0x22: {  	[simem:s7], [sflag:s8] =	dma.local @!p0 [hbm:s6], $0xF7A  }
0x23: {  	s9 =	sor.u32 $0xD0000000, s2;
	s6 =	simm.s32 $0x108;
	_ =	swait.ge @!p0 [sflag:s8], $0x0  }
0x24: {  	s3 =	sadd.s32 $0x88, s3;
	s6 =	simm.s32 @!p1 $0x1082;
	[sflag:s4] =	ssyncset.s32 $0xFFFFF086  }
0x25: {  	[simem:s6], [sflag:s4] =	dma.local [hbm:s3], $0xF7A  }
0x26: {  	[smem:$0x3F96] =	sst s1;
	(tag) =	ssettag s2;
	_ =	strace s9  }
0x27: {  	s1 =	sld [smem:$0x3FA6]  }
0x28: {  	s2 =	sld [smem:$0x3FA7]  }
0x29: {  	s4 =	sld [smem:$0x3FA9]  }
0x2a: {  	p0 =	seq.s32 s5, $0x0;
	s5 =	sld [smem:$0x3FAA]  }
0x2b: {  	s6 =	sld [smem:$0x3FAB]  }
0x2c: {  	s7 =	sld [smem:$0x3FAC]  }
0x2d: {  	s3 =	simm.s32 $0x108;
	s8 =	sld [smem:$0x3FAD]  }
0x2e: {  	s3 =	simm.s32 @!p0 $0x1082;
	s9 =	sld [smem:$0x3FAE]  }
0x2f: {  	lr =	sadd.s32 s0, s3;
	s0 =	sld [smem:$0x3FA5]  }
0x30: {  	s3 =	sld [smem:$0x3FA8]  }
0x31: {  	[smem:$0x3FB1] =	sst s10  }
0x32: {  	s10 =	sld [smem:$0x3FAF];
	_ =	sdelay $0x3  }
0x33: {  	p0 =	seq.s32 s10, $0x1;
	s10 =	sld [smem:$0x3FB1];
	_ =	sdelay $0x3  }
0x34: {  	[smem:$0x3FB1] =	sst s10  }
0x35: {  	s10 =	sld [smem:$0x3FB0];
	_ =	sdelay $0x3  }
0x36: {  	p1 =	seq.s32 s10, $0x1;
	s10 =	sld [smem:$0x3FB1];
	_ =	sdelay $0x3  }
0x37: {  	[smem:$0x3FB1] =	sst s10  }
0x38: {  	s10 =	sld [smem:$0x3FB2]  }
0x39: {  	_ = 	snop;
	(pc) =	sbr.ind lr, $3  }
0x3a: {  	_ = 	snop  }
0x3b: {  	_ = 	snop  }
0x3c: {  	p2 =	seq.s32 s10, $0x1;
	s10 =	sld [smem:$0x3FB1]  }
0x3d: {  	_ =	shalt  }
0x3e: {  	_ =	shalt  }
0x3f: {  	_ =	shalt  }
0x40: {  	_ =	shalt  }
0x41: {  	_ =	shalt  }
0x42: {  	_ =	shalt  }
0x43: {  	_ =	shalt  }
0x44: {  	_ =	shalt  }
0x45: {  	_ =	shalt  }
0x46: {  	_ =	shalt  }
0x47: {  	_ =	shalt  }
0x48: {  	_ =	shalt  }
0x49: {  	_ =	shalt  }
0x4a: {  	_ =	shalt  }
0x4b: {  	_ =	shalt  }
0x4c: {  	_ =	shalt  }
0x4d: {  	_ =	shalt  }
0x4e: {  	_ =	shalt  }
0x4f: {  	_ =	shalt  }
0x50: {  	_ =	shalt  }
0x51: {  	_ =	shalt  }
0x52: {  	_ =	shalt  }
0x53: {  	_ =	shalt  }
0x54: {  	_ =	shalt  }
0x55: {  	_ =	shalt  }
0x56: {  	_ =	shalt  }
0x57: {  	_ =	shalt  }
0x58: {  	_ =	shalt  }
0x59: {  	_ =	shalt  }
0x5a: {  	_ =	shalt  }
0x5b: {  	_ =	shalt  }
0x5c: {  	_ =	shalt  }
0x5d: {  	_ =	shalt  }
0x5e: {  	_ =	shalt  }
0x5f: {  	_ =	shalt  }
0x60: {  	_ =	shalt  }
0x61: {  	_ =	shalt  }
0x62: {  	_ =	shalt  }
0x63: {  	_ =	shalt  }
0x64: {  	_ =	shalt  }
0x65: {  	_ =	shalt  }
0x66: {  	_ =	shalt  }
0x67: {  	_ =	shalt  }
0x68: {  	_ =	shalt  }
0x69: {  	_ =	shalt  }
0x6a: {  	_ =	shalt  }
0x6b: {  	_ =	shalt  }
0x6c: {  	_ =	shalt  }
0x6d: {  	_ =	shalt  }
0x6e: {  	_ =	shalt  }
0x6f: {  	_ =	shalt  }
0x70: {  	_ =	shalt  }
0x71: {  	_ =	shalt  }
0x72: {  	_ =	shalt  }
0x73: {  	_ =	shalt  }
0x74: {  	_ =	shalt  }
0x75: {  	_ =	shalt  }
0x76: {  	_ =	shalt  }
0x77: {  	_ =	shalt  }
0x78: {  	_ =	shalt  }
0x79: {  	_ =	shalt  }
0x7a: {  	_ =	shalt  }
0x7b: {  	_ =	shalt  }
0x7c: {  	_ =	shalt  }
0x7d: {  	_ =	shalt  }
0x7e: {  	_ =	shalt  }
0x7f: {  	_ =	shalt  }
0x80: {  	_ =	shalt  }
0x81: {  	_ =	shalt  }
0x82: {  	_ =	shalt  }
0x83: {  	_ =	shalt  }
0x84: {  	_ =	shalt  }
0x85: {  	_ =	shalt  }
0x86: {  	_ =	shalt  }
0x87: {  	_ =	shalt  }
.Lfunc_end0:
.L_simem_size_0:
called_computation_lowered:
.L_overlay_start_0:
0x88: {  	s2 =	sld [smem:$0x3FD9]  }
0x89: {  	s3 =	sld [smem:$0x3FFE];
	_ =	sdelay $0x1  }
0x8a: {  	s1 =	srdreg.scid  }
0x8b: {  	s0 =	sand.u32 $0x1, s1  }
0x8c: {  	s17 =	sshll.u32 s0, $0xA;
	s2 =	sadd.s32 s3, s2  }
0x8d: {  	s2 =	sadd.s32 s2, s17  }
0x8e: {  	[smem:$0x3FBD] =	sst s2  }
0x8f: {  	_ = 	snop  }
0x90: {  	s2 =	sld [smem:$0x3FC9]  }
0x91: {  	s18 =	sld [smem:$0x3FD0];
	(tm) =	ssettm $0x1  }
0x92: {  	s4 =	sld [smem:$0x3FFB];
	_ =	sdelay $0x3  }
0x93: {  	_ =	strace s4  }
0x94: {  	s4 =	sld [smem:$0x3FFC];
	_ =	sdelay $0x3  }
0x95: {  	_ =	strace s4  }
0x96: {  	s4 =	sld [smem:$0x3FFD];
	_ =	sdelay $0x3  }
0x97: {  	_ =	strace s4  }
0x98: {  	_ =	strace $0x8FFFFFFF  }
0x99: {  	s19 =	sld [smem:$0x3FDB];
	_ =	sdelay $0x1  }
0x9a: {  	s5 =	simm.s32 $_scs_section_size  }
0x9b: {  	s6 =	simm.s32 $_size__tile_overlayer_lowered;
	s7 =	simm.s32 $_tile_overlayer_lowered  }
0x9c: {  	s22 =	simm.s32 $0x1BFF;
	s21 =	sshll.u32 s7, $0x1;
	s4 =	sadd.s32 s5, s19  }
0x9d: {  	s8 =	simm.s32 $0x0;
	s20 =	sshll.u32 s6, $0x1;
	s6 =	sadd.s32 s21, s4  }
0x9e: {  	[timem:s8], [sflag:s22] =	dma.local [hbm:s6], s20  }
0x9f: {  	_ =	swait.ge [sflag:s22], s20  }
0xa0: {  	s5 =	ssub.s32 $0x0, s20;
	[sflag:s22] =	ssyncset.done $0x0  }
0xa1: {  	[sflag:s22] =	ssyncadd.s32 s5;
	_ =	sdelay $0x1  }
0xa2: {  	s23 =	simm.s32 $0x1B8B  }
0xa3: {  	_ =	swait.ge [sflag:s23], $0x1  }
0xa4: {  	[sflag:s23] =	ssyncset.done $0x0  }
0xa5: {  	s25 =	simm.s32 $0x1B8E;
	s24 =	sld [smem:$0x3FFE];
	[sflag:s23] =	ssyncadd.s32 $0xFFFFFFFF  }
0xa6: {  	s26 =	simm.s32 $execute0_lowered;
	[smem:$0x3FD2] =	sst s25  }
0xa7: {  	s6 =	sshll.u32 s26, $0x1;
	_ =	strace $0x80000046;
	[dreg:$0x1] =	wrdreg $0xFFFFFFFF  }
0xa8: {  	s28 =	simm.s32 $_size_execute0_lowered;
	s4 =	sadd.s32 s4, s6;
	[dreg:$0x0] =	wrdreg $0x0  }
0xa9: {  	s6 =	sshll.u32 s28, $0x1;
	[dreg:$0x2] =	wrdreg s4  }
0xaa: {  	[dreg:$0x3] =	wrdreg s6  }
0xab: {  	[dreg:$0x4] =	wrdreg $0xC0  }
0xac: {  	_ =	task [dreg:s8], $0x5FFFF  }
0xad: {  	[dreg:$0x1] =	wrdreg $0xFFFFFFFF  }
0xae: {  	[dreg:$0x0] =	wrdreg $0x60  }
0xaf: {  	[dreg:$0x2] =	wrdreg s2  }
0xb0: {  	[dreg:$0x3] =	wrdreg s24  }
0xb1: {  	[dreg:$0x4] =	wrdreg s18  }
0xb2: {  	[dreg:$0x5] =	wrdreg $0x7B000  }
0xb3: {  	[dreg:$0x6] =	wrdreg $0x1E3000  }
0xb4: {  	[dreg:$0x7] =	wrdreg $0x9  }
0xb5: {  	_ =	task.clear_ibuf [dreg:s8], $0x8FFFF;
	_ =	strace $0x90000046  }
0xb6: {  	s29 =	simm.s32 $0x9;
	_ =	strace $0x80000048  }
0xb7: {  	_ =	swait.ge [sflag:s29], $0x1  }
0xb8: {  	[sflag:s29] =	ssyncadd.s32 $0xFFFFFFFF  }
0xb9: {  	_ =	strace $0x90000048  }
0xba: {  	_ =	sfence  }
0xbb: {  	s30 =	sld [smem:$0x0];
	_ =	sdelay $0x2  }
0xbc: {  	s31 =	sshll.u32 s1, $0xD;
	s1 =	sshrl.u32 s1, $0x2  }
0xbd: {  	s3 =	sand.u32 $0x4000, s31;
	s1 =	sadd.s32 s1, s30  }
0xbe: {  	s0 =	sor.u32 s3, s0;
	s1 =	sshll.u32 s1, $0x11  }
0xbf: {  	s0 =	sor.u32 s1, s0  }
0xc0: {  	s0 =	sadd.s32 $0x8F2B, s0  }
0xc1: {  	[sflag:s0] =	ssyncadd.remote.s32 $0x1  }
0xc2: {  	_ =	sfence.sel $0xFFFF  }
0xc3: {  	[dreg:$0x0] =	wrdreg $0xFFFFFFFF;
	(pc) =	sbr.abs _section_cstart, $3  }
0xc4: {  	[dreg:$0x1] =	wrdreg $0xFFFFFFFF  }
0xc5: {  	_ =	task.clear_ibuf [dreg:s8], $0x2FFFF;
	_ =	strace $0x9FFFFFFF  }
0xc6: {  	(tm) =	ssettm $0x7FFFFFFF  }
0xc7: {  	_ =	shalt  }
tec
execute0_lowered:
.L_overlay_start_1:
0x0: {  	(tag) =	ssettag $0x1  }
0x1: {  	s1 =	rddreg [dreg:$0x0]  }
0x2: {  	s5 =	rddreg [dreg:$0x1]  }
0x3: {  	s2 =	rddreg [dreg:$0x2]  }
0x4: {  	s3 =	rddreg [dreg:$0x3]  }
0x5: {  	s24 =	rddreg [dreg:$0x4]  }
0x6: {  	s6 =	simm.s32 $0x0;
	s0 =	srdreg.scid;
	s25 =	stileid.u32  }
0x7: {  	s28 =	simm.s32 $0x200;
	s29 =	simm.s32 $0x5;
	s30 =	simm.s32 $0x2B00  }
0x8: {  	s31 =	simm.s32 $0x100;
	[smem:$0x7FF] =	sst s6;
	s7 =	sand.u32 $0x1, s0  }
0x9: {  	s4 =	sshll.u32 s25, $0xA;
	s8 =	sadd.s32 $0xE800, s5;
	s12 =	smul.u32 $0x14000, s25  }
0xa: {  	s11 =	sshll.u32 s25, $0x1;
	s22 =	smul.u32 $0x4E20, s25;
	p0 =	sgt.u32 s25, $0x9  }
0xb: {  	s0 =	smul.u32 $0x2800, s7;
	_ =	strace $0x80000047;
	s19 =	ssub.s32 $0x2, s7  }
0xc: {  	s24 =	sadd.s32 s4, s24;
	s10 =	sshrl.u32 s19, $0x1;
	s13 =	sor.u32 $0x2800, s12  }
0xd: {  	s14 =	sadd.s32 $0x5000, s12;
	s16 =	sadd.s32 $0x7800, s12;
	s17 =	sadd.s32 $0xA000, s12  }
0xe: {  	s18 =	sadd.s32 $0xC800, s12;
	s9 =	sadd.s32 s4, s0;
	s0 =	ssub.s32 s19, s10  }
0xf: {  	s10 =	sor.u32 s7, s11;
	s11 =	smul.u32 $0x140000, s7;
	s19 =	sadd.s32 $0xF000, s12  }
0x10: {  	s7 =	smul.u32 $0x2710, s7;
	s9 =	sshrl.u32 s9, $0x3;
	s0 =	smax.u32 s0, $0x1  }
0x11: {  	s15 =	sadd.s32 s12, s11;
	s12 =	sadd.s32 $0x11800, s12;
	s20 =	sadd.s32 s11, s13  }
0x12: {  	s21 =	sadd.s32 s11, s14;
	s7 =	sadd.s32 s7, s22;
	s22 =	sadd.s32 s11, s16  }
0x13: {  	s23 =	sadd.s32 s11, s17;
	s13 =	sadd.s32 s13, s3;
	[smem:$0x7FC] =	sst s0  }
0x14: {  	s14 =	sadd.s32 s14, s3;
	s15 =	sshrl.u32 s15, $0x3;
	[dreg:$0x12] =	wrdreg s13  }
0x15: {  	s20 =	sshrl.u32 s20, $0x3;
	[dreg:$0x13] =	wrdreg s14;
	s15 =	sadd.s32 s8, s15  }
0x16: {  	s21 =	sshrl.u32 s21, $0x3;
	s20 =	sadd.s32 s8, s20;
	[dreg:$0xa] =	wrdreg s15  }
0x17: {  	s26 =	sadd.s32 s11, s18;
	s21 =	sadd.s32 s8, s21;
	[dreg:$0xb] =	wrdreg s20  }
0x18: {  	s0 =	simm.s32 $0x280;
	[dreg:$0xc] =	wrdreg s21;
	s15 =	sshrl.u32 s22, $0x3  }
0x19: {  	s20 =	sshrl.u32 s23, $0x3;
	s21 =	sshrl.u32 s26, $0x3;
	s22 =	sadd.s32 s11, s19  }
0x1a: {  	s23 =	sadd.s32 $0x190, s7;
	s11 =	sadd.s32 s11, s12;
	s15 =	sadd.s32 s8, s15  }
0x1b: {  	s20 =	sadd.s32 s8, s20;
	s11 =	sshrl.u32 s11, $0x3;
	[dreg:$0xd] =	wrdreg s15  }
0x1c: {  	[dreg:$0xe] =	wrdreg s20;
	s15 =	sadd.s32 s8, s21;
	s20 =	sshrl.u32 s23, $0x3  }
0x1d: {  	[dreg:$0xf] =	wrdreg s15;
	s15 =	sshrl.u32 s22, $0x3;
	s26 =	sadd.s32 s20, s2  }
0x1e: {  	s22 =	smul.u32 $0x50000, s25;
	s15 =	sadd.s32 s8, s15;
	[dreg:$0x6] =	wrdreg s26  }
0x1f: {  	s8 =	sadd.s32 s8, s11;
	s11 =	sadd.s32 $0x140, s7;
	[dreg:$0x10] =	wrdreg s15  }
0x20: {  	[dreg:$0x11] =	wrdreg s8;
	s8 =	sadd.s32 s9, s5;
	s15 =	sadd.s32 $0x4000, s5  }
0x21: {  	s5 =	sshrl.u32 s11, $0x3;
	s11 =	sshrl.u32 s22, $0x2;
	s22 =	sadd.s32 s17, s3  }
0x22: {  	s23 =	smul.u32 $0x2710, s10;
	s21 =	sadd.s32 s20, s15;
	[dreg:$0x15] =	wrdreg s22  }
0x23: {  	s25 =	simm.s32 $0x50;
	s26 =	sadd.s32 s5, s2;
	[dreg:$0x7] =	wrdreg s21  }
0x24: {  	s9 =	simm.s32 $0x2;
	s5 =	sadd.s32 s5, s15;
	[dreg:$0x8] =	wrdreg s26  }
0x25: {  	s20 =	sadd.s32 s11, s3;
	[dreg:$0x9] =	wrdreg s5;
	s21 =	sadd.s32 s16, s3  }
0x26: {  	s5 =	sshrl.u32 s23, $0x3;
	s23 =	sadd.s32 s18, s3;
	[dreg:$0x14] =	wrdreg s21  }
0x27: {  	s22 =	sadd.s32 s19, s3;
	[dreg:$0x16] =	wrdreg s23;
	s13 =	sadd.s32 s15, s5  }
0x28: {  	s23 =	sadd.s32 s12, s3;
	s14 =	sadd.s32 s2, s5;
	[dreg:$0x1b] =	wrdreg s13  }
0x29: {  	s26 =	sadd.s32 $0xA, s5;
	s21 =	sadd.s32 $0xDE00, s8;
	[dreg:$0x1c] =	wrdreg s14  }
0x2a: {  	s11 =	sadd.s32 $0x14, s5;
	s10 =	sadd.s32 s15, s26;
	[smem:$0x7FB] =	sst s21  }
0x2b: {  	s16 =	sadd.s32 $0x4CE, s5;
	s4 =	sadd.s32 s2, s26;
	[dreg:$0x17] =	wrdreg s10  }
0x2c: {  	s5 =	sadd.s32 $0x4D8, s5;
	s12 =	sadd.s32 s15, s11;
	[dreg:$0x18] =	wrdreg s4  }
0x2d: {  	s8 =	simm.s32 $0x1BB00;
	s17 =	sadd.s32 s15, s16;
	[dreg:$0x19] =	wrdreg s12  }
0x2e: {  	s18 =	sadd.s32 s15, s5;
	s19 =	sadd.s32 s2, s5;
	[dreg:$0x1d] =	wrdreg s17  }
0x2f: {  	s26 =	sadd.s32 $0xF0, s7;
	s13 =	simm.s32 $0x7;
	[dreg:$0x1f] =	wrdreg s18  }
0x30: {  	s14 =	simm.s32 $0x4;
	s5 =	simm.s32 $0x6;
	[smem:$0x7FA] =	sst s19  }
0x31: {  	s7 =	simm.s32 $0x1;
	s4 =	sadd.s32 s2, s11;
	[smem:$0x7FD] =	sst s26  }
0x32: {  	v0 =	vlaneseq.u32;
	s11 =	simm.s32 $0x180;
	s12 =	simm.s32 $0x300;
	s26 =	simm.s32 $0x80  }
0x33: {  	v1 =	vimm.f32 $0.0e+00;
	v6 =	vimm.f32 $1.000000000e+00;
	v2 =	vor.u32 $0x10, v0;
	s10 =	simm.s32 $0x3;
	[dreg:$0x1a] =	wrdreg s4;
	s4 =	sadd.s32 s2, s16  }
0x34: {  	v3 =	vor.u32 $0x20, v0;
	v4 =	vor.u32 $0x30, v0;
	v5 =	vor.u32 $0x40, v0;
	s16 =	simm.s32 $0x0;
	[dreg:$0x1e] =	wrdreg s4;
	s4 =	simm.s32 $0x5300  }
.LBB2_1:
0x35: {  	s17 =	rddreg [dreg:$0x1b]  }
0x36: {  	[tilespmem:s6], [sflag:$0x4] =	stream.linear.gather [hbm4b:s17+s6], $0x50, $0x38;
	[tilespmem:$0x1E600] =	vst v63  }
0x37: {  	s21 =	rddreg [dreg:$0x1c];
	s18 =	simm.s32 $0x200;
	s17 =	simm.s32 $0x0  }
0x38: {  	[tilespmem:s11], [sflag:$0x4] =	stream.linear.gather [hbm4b:s21+s6], $0x50, $0x38;
	[tilespmem:$0x1E600] =	vst v63  }
.LBB2_2:
0x39: {  	p1 =	sne.s32 s18, $0x9E00;
	[tilespmem:s17+$0x370] =	vst v1  }
0x3a: {  	[tilespmem:s17+$0x300] =	vst v1  }
0x3b: {  	[tilespmem:s17+$0x310] =	vst v1  }
.Ltmp0:
0x3c: {  	[tilespmem:s17+$0x320] =	vst v1;
	(pc) =	sbr.rel @p1 .LBB2_2-.Ltmp0, $4  }
0x3d: {  	[tilespmem:s17+$0x330] =	vst v1  }
0x3e: {  	[tilespmem:s17+$0x340] =	vst v1  }
0x3f: {  	[tilespmem:s17+$0x350] =	vst v1  }
0x40: {  	[tilespmem:s17+$0x360] =	vst v1;
	s17 =	sshra.s32 s18, $0x2;
	s18 =	sadd.s32 $0x200, s18  }
0x41: {  	[tilespmem:s17+$0x370] =	vst v1  }
0x42: {  	[tilespmem:s17+$0x300] =	vst v1  }
0x43: {  	[tilespmem:s17+$0x310] =	vst v1  }
0x44: {  	[tilespmem:s17+$0x320] =	vst v1  }
0x45: {  	[tilespmem:s17+$0x330] =	vst v1  }
0x46: {  	[tilespmem:s17+$0x340] =	vst v1  }
0x47: {  	[tilespmem:s17+$0x350] =	vst v1  }
0x48: {  	[tilespmem:s17+$0x360] =	vst v1  }
0x49: {  	[spmem:s20] =	stream.linear.scatter [tilespmem:s12], [sflag:$0x7], $0x2800, $0x38;
	[tilespmem:$0x1E600] =	vst v63  }
0x4a: {  	_ =	swait.ge [sflag:s13], $0x2800  }
0x4b: {  	[sflag:s13] =	ssyncset.done $0x0  }
0x4c: {  	s19 =	rddreg [dreg:$0x12];
	[sflag:s13] =	ssyncadd.s32 $0xFFFFD800  }
0x4d: {  	[spmem:s19] =	stream.linear.scatter [tilespmem:s12], [sflag:$0x7], $0x2800, $0x38;
	[tilespmem:$0x1E600] =	vst v63  }
0x4e: {  	_ =	swait.ge [sflag:s13], $0x2800  }
0x4f: {  	[sflag:s13] =	ssyncset.done $0x0  }
0x50: {  	s21 =	smov.u32 s20;
	s20 =	rddreg [dreg:$0x13];
	[sflag:s13] =	ssyncadd.s32 $0xFFFFD800  }
0x51: {  	[spmem:s20] =	stream.linear.scatter [tilespmem:s12], [sflag:$0x7], $0x2800, $0x38;
	[tilespmem:$0x1E600] =	vst v63  }
0x52: {  	_ =	swait.ge [sflag:s13], $0x2800  }
0x53: {  	[sflag:s13] =	ssyncset.done $0x0  }
0x54: {  	s18 =	rddreg [dreg:$0x14];
	[sflag:s13] =	ssyncadd.s32 $0xFFFFD800  }
0x55: {  	[spmem:s18] =	stream.linear.scatter [tilespmem:s12], [sflag:$0x7], $0x2800, $0x38;
	[tilespmem:$0x1E600] =	vst v63  }
0x56: {  	_ =	swait.ge [sflag:s13], $0x2800  }
0x57: {  	[sflag:s13] =	ssyncset.done $0x0  }
0x58: {  	s19 =	rddreg [dreg:$0x15];
	[sflag:s13] =	ssyncadd.s32 $0xFFFFD800  }
0x59: {  	[spmem:s19] =	stream.linear.scatter [tilespmem:s12], [sflag:$0x7], $0x2800, $0x38;
	[tilespmem:$0x1E600] =	vst v63  }
0x5a: {  	_ =	swait.ge [sflag:s13], $0x2800  }
0x5b: {  	[sflag:s13] =	ssyncset.done $0x0  }
0x5c: {  	s20 =	rddreg [dreg:$0x16];
	[sflag:s13] =	ssyncadd.s32 $0xFFFFD800  }
0x5d: {  	[spmem:s20] =	stream.linear.scatter [tilespmem:s12], [sflag:$0x7], $0x2800, $0x38;
	[tilespmem:$0x1E600] =	vst v63  }
0x5e: {  	_ =	swait.ge [sflag:s13], $0x2800  }
0x5f: {  	[sflag:s13] =	ssyncset.done $0x0  }
0x60: {  	[sflag:s13] =	ssyncadd.s32 $0xFFFFD800  }
0x61: {  	[spmem:s22] =	stream.linear.scatter [tilespmem:s12], [sflag:$0x7], $0x2800, $0x38;
	[tilespmem:$0x1E600] =	vst v63  }
0x62: {  	_ =	swait.ge [sflag:s13], $0x2800  }
0x63: {  	[sflag:s13] =	ssyncset.done $0x0  }
0x64: {  	[sflag:s13] =	ssyncadd.s32 $0xFFFFD800  }
0x65: {  	[spmem:s23] =	stream.linear.scatter [tilespmem:s12], [sflag:$0x7], $0x2800, $0x38;
	[tilespmem:$0x1E600] =	vst v63  }
0x66: {  	_ =	swait.ge [sflag:s13], $0x2800  }
0x67: {  	[sflag:s13] =	ssyncset.done $0x0  }
0x68: {  	s17 =	simm.s32 $0x40;
	s18 =	simm.s32 $0x0;
	[sflag:s13] =	ssyncadd.s32 $0xFFFFD800  }
.LBB2_4:
0x69: {  	p1 =	sne.s32 s17, $0x9FC0;
	[tilespmem:s18+$0x1BB00] =	vst v1;
	s18 =	smov.u32 s17;
	s17 =	sadd.s32 $0x40, s17  }
.Ltmp1:
0x6a: {  	(pc) =	sbr.rel @p1 .LBB2_4-.Ltmp1, $2  }
0x6b: {  	_ =	sdelay $0x2  }
0x6c: {  	s18 =	sshra.s32 s18, $0x2  }
0x6d: {  	[tilespmem:s18+$0x1BB00] =	vst v1  }
0x6e: {  	[tilespmem:$0x1E580] =	vst v0  }
0x6f: {  	[tilespmem:$0x1E590] =	vst v2  }
0x70: {  	[tilespmem:$0x1E5A0] =	vst v3  }
0x71: {  	[tilespmem:$0x1E5B0] =	vst v4  }
0x72: {  	s17 =	simm.s32 @!p0 $0x300;
	[tilespmem:$0x1E5C0] =	vst v5  }
0x73: {  	[spmem:s24] =	stream.linear.scatter @!p0 [tilespmem:s17], [sflag:$0x7], $0x400, $0x38;
	[tilespmem:$0x1E600] =	vst v63  }
0x74: {  	s17 =	simm.s32 @!p0 $0x7  }
0x75: {  	_ =	swait.ge @!p0 [sflag:s17], $0x400  }
0x76: {  	[sflag:s17] =	ssyncset.done @!p0 $0x0  }
0x77: {  	[sflag:s17] =	ssyncadd.s32 @!p0 $0xFFFFFC00  }
0x78: {  	[bflag:$0x0] =	sbarrier.arrive $0xFFFF  }
0x79: {  	_ =	swait.ge [sflag:s14], $0x50  }
0x7a: {  	[sflag:s14] =	ssyncset.done $0x0  }
0x7b: {  	[sflag:s14] =	ssyncadd.s32 $0xFFFFFFB0  }
0x7c: {  	_ =	swait.ge [sflag:s14], $0x50  }
0x7d: {  	[sflag:s14] =	ssyncset.done $0x0  }
0x7e: {  	s17 =	simm.s32 $0x0;
	[sflag:s14] =	ssyncadd.s32 $0xFFFFFFB0  }
0x7f: {  	[tilespmem:s12], [sflag:$0x1] =	stream.indirect.gather [hbm4b:s1+s25], $0x80, s17, s25, $0xb8;
	[tilespmem:$0x1E600] =	vst v63  }
0x80: {  	s19 =	rddreg [dreg:$0x17]  }
0x81: {  	[tilespmem:s26], [sflag:$0x5] =	stream.linear.gather [hbm4b:s19+s17], $0x50, $0x38;
	[tilespmem:$0x1E600] =	vst v63  }
0x82: {  	s20 =	rddreg [dreg:$0x18]  }
0x83: {  	[tilespmem:s28], [sflag:$0x5] =	stream.linear.gather [hbm4b:s20+s17], $0x50, $0x38;
	[tilespmem:$0x1E600] =	vst v63  }
0x84: {  	_ =	swait.ge [sflag:s29], $0x50  }
0x85: {  	[sflag:s29] =	ssyncset.done $0x0  }
0x86: {  	[sflag:s29] =	ssyncadd.s32 $0xFFFFFFB0  }
0x87: {  	_ =	swait.ge [sflag:s29], $0x50  }
0x88: {  	[sflag:s29] =	ssyncset.done $0x0  }
0x89: {  	s19 =	rddreg [dreg:$0x19];
	[sflag:s29] =	ssyncadd.s32 $0xFFFFFFB0  }
0x8a: {  	[tilespmem:s30], [sflag:$0x2] =	stream.indirect.gather [hbm4b:s1+s25], $0x80, s26, s25, $0xb8;
	[tilespmem:$0x1E600] =	vst v63  }
0x8b: {  	s20 =	rddreg [dreg:$0x1a]  }
0x8c: {  	[tilespmem:s31], [sflag:$0x6] =	stream.linear.gather [hbm4b:s19+s17], $0x50, $0x38;
	[tilespmem:$0x1E600] =	vst v63  }
0x8d: {  	s18 =	sld [smem:$0x7FD]  }
0x8e: {  	[tilespmem:s0], [sflag:$0x6] =	stream.linear.gather [hbm4b:s20+s17], $0x50, $0x38;
	[tilespmem:$0x1E600] =	vst v63  }
.LBB2_6:
0x8f: {  	_ =	swait.ge [sflag:s5], $0x50  }
0x90: {  	[sflag:s5] =	ssyncset.done $0x0  }
0x91: {  	[sflag:s5] =	ssyncadd.s32 $0xFFFFFFB0  }
0x92: {  	_ =	swait.ge [sflag:s5], $0x50  }
0x93: {  	[sflag:s5] =	ssyncset.done $0x0  }
0x94: {  	[sflag:s5] =	ssyncadd.s32 $0xFFFFFFB0  }
0x95: {  	[tilespmem:s4], [sflag:$0x3] =	stream.indirect.gather [hbm4b:s1+s25], $0x80, s31, s25, $0xb8;
	[tilespmem:$0x1E600] =	vst v63  }
0x96: {  	_ =	swait.ge [sflag:s7], $0x2800  }
0x97: {  	[sflag:s7] =	ssyncset.done $0x0  }
0x98: {  	[sflag:s7] =	ssyncadd.s32 $0xFFFFD800  }
0x99: {  	v7 =	vld [tilespmem:$0x180];
	_ =	sdelay $0x7  }
0x9a: {  	[tilespmem:v7+s8+$0x0] =	vst.idx.add.f32.msk $0xffff, v6  }
0x9b: {  	v7 =	vld [tilespmem:$0x190];
	_ =	sdelay $0x7  }
0x9c: {  	[tilespmem:v7+s8+$0x0] =	vst.idx.add.f32.msk $0xffff, v6  }
0x9d: {  	v7 =	vld [tilespmem:$0x1A0];
	_ =	sdelay $0x7  }
0x9e: {  	[tilespmem:v7+s8+$0x0] =	vst.idx.add.f32.msk $0xffff, v6  }
0x9f: {  	v7 =	vld [tilespmem:$0x1B0];
	_ =	sdelay $0x7  }
0xa0: {  	[tilespmem:v7+s8+$0x0] =	vst.idx.add.f32.msk $0xffff, v6  }
0xa1: {  	v7 =	vld [tilespmem:$0x1C0];
	_ =	sdelay $0x7  }
0xa2: {  	[tilespmem:v7+s8+$0x0] =	vst.idx.add.f32.msk $0xffff, v6  }
0xa3: {  	[spmem:s3] =	stream.indirect.scatter.add.f32 [tilespmem:s12], [sflag:$0x7], $0x80, s11, s25, $0xb8;
	[tilespmem:$0x1E600] =	vst v63  }
0xa4: {  	_ =	swait.ge [sflag:s13], $0x2800  }
0xa5: {  	s19 =	sshrl.u32 s18, $0x3;
	[sflag:s13] =	ssyncset.done $0x0  }
0xa6: {  	s20 =	sadd.s32 s15, s19;
	[sflag:s13] =	ssyncadd.s32 $0xFFFFD800  }
0xa7: {  	[tilespmem:s6], [sflag:$0x4] =	stream.linear.gather [hbm4b:s20+s6], $0x50, $0x38;
	[tilespmem:$0x1E600] =	vst v63  }
0xa8: {  	s19 =	sadd.s32 s2, s19  }
0xa9: {  	[tilespmem:s11], [sflag:$0x4] =	stream.linear.gather [hbm4b:s19+s6], $0x50, $0x38;
	[tilespmem:$0x1E600] =	vst v63  }
0xaa: {  	_ =	swait.ge [sflag:s14], $0x50  }
0xab: {  	[sflag:s14] =	ssyncset.done $0x0  }
0xac: {  	[sflag:s14] =	ssyncadd.s32 $0xFFFFFFB0  }
0xad: {  	_ =	swait.ge [sflag:s14], $0x50  }
0xae: {  	[sflag:s14] =	ssyncset.done $0x0  }
0xaf: {  	[sflag:s14] =	ssyncadd.s32 $0xFFFFFFB0  }
0xb0: {  	[tilespmem:s12], [sflag:$0x1] =	stream.indirect.gather [hbm4b:s1+s25], $0x80, s6, s25, $0xb8;
	[tilespmem:$0x1E600] =	vst v63  }
0xb1: {  	_ =	swait.ge [sflag:s9], $0x2800  }
0xb2: {  	[sflag:s9] =	ssyncset.done $0x0  }
0xb3: {  	[sflag:s9] =	ssyncadd.s32 $0xFFFFD800  }
0xb4: {  	v7 =	vld [tilespmem:$0x200];
	_ =	sdelay $0x7  }
0xb5: {  	[tilespmem:v7+s8+$0x0] =	vst.idx.add.f32.msk $0xffff, v6  }
0xb6: {  	v7 =	vld [tilespmem:$0x210];
	_ =	sdelay $0x7  }
0xb7: {  	[tilespmem:v7+s8+$0x0] =	vst.idx.add.f32.msk $0xffff, v6  }
0xb8: {  	v7 =	vld [tilespmem:$0x220];
	_ =	sdelay $0x7  }
0xb9: {  	[tilespmem:v7+s8+$0x0] =	vst.idx.add.f32.msk $0xffff, v6  }
0xba: {  	v7 =	vld [tilespmem:$0x230];
	_ =	sdelay $0x7  }
0xbb: {  	[tilespmem:v7+s8+$0x0] =	vst.idx.add.f32.msk $0xffff, v6  }
0xbc: {  	v7 =	vld [tilespmem:$0x240];
	_ =	sdelay $0x7  }
0xbd: {  	[tilespmem:v7+s8+$0x0] =	vst.idx.add.f32.msk $0xffff, v6  }
0xbe: {  	[spmem:s3] =	stream.indirect.scatter.add.f32 [tilespmem:s30], [sflag:$0x7], $0x80, s28, s25, $0xb8;
	[tilespmem:$0x1E600] =	vst v63  }
0xbf: {  	_ =	swait.ge [sflag:s13], $0x2800  }
0xc0: {  	s19 =	rddreg [dreg:$0x9];
	[sflag:s13] =	ssyncset.done $0x0  }
0xc1: {  	s20 =	rddreg [dreg:$0x8];
	[sflag:s13] =	ssyncadd.s32 $0xFFFFD800;
	s19 =	sadd.s32 s17, s19  }
0xc2: {  	[tilespmem:s26], [sflag:$0x5] =	stream.linear.gather [hbm4b:s19+s6], $0x50, $0x38;
	[tilespmem:$0x1E600] =	vst v63  }
0xc3: {  	s20 =	sadd.s32 s17, s20  }
0xc4: {  	[tilespmem:s28], [sflag:$0x5] =	stream.linear.gather [hbm4b:s20+s6], $0x50, $0x38;
	[tilespmem:$0x1E600] =	vst v63  }
0xc5: {  	_ =	swait.ge [sflag:s29], $0x50  }
0xc6: {  	[sflag:s29] =	ssyncset.done $0x0  }
0xc7: {  	[sflag:s29] =	ssyncadd.s32 $0xFFFFFFB0  }
0xc8: {  	_ =	swait.ge [sflag:s29], $0x50  }
0xc9: {  	[sflag:s29] =	ssyncset.done $0x0  }
0xca: {  	[sflag:s29] =	ssyncadd.s32 $0xFFFFFFB0  }
0xcb: {  	[tilespmem:s30], [sflag:$0x2] =	stream.indirect.gather [hbm4b:s1+s25], $0x80, s26, s25, $0xb8;
	[tilespmem:$0x1E600] =	vst v63  }
0xcc: {  	_ =	swait.ge [sflag:s10], $0x2800  }
0xcd: {  	[sflag:s10] =	ssyncset.done $0x0  }
0xce: {  	[sflag:s10] =	ssyncadd.s32 $0xFFFFD800  }
0xcf: {  	v7 =	vld [tilespmem:$0x280];
	_ =	sdelay $0x7  }
0xd0: {  	[tilespmem:v7+s8+$0x0] =	vst.idx.add.f32.msk $0xffff, v6  }
0xd1: {  	v7 =	vld [tilespmem:$0x290];
	_ =	sdelay $0x7  }
0xd2: {  	[tilespmem:v7+s8+$0x0] =	vst.idx.add.f32.msk $0xffff, v6  }
0xd3: {  	v7 =	vld [tilespmem:$0x2A0];
	_ =	sdelay $0x7  }
0xd4: {  	[tilespmem:v7+s8+$0x0] =	vst.idx.add.f32.msk $0xffff, v6  }
0xd5: {  	v7 =	vld [tilespmem:$0x2B0];
	_ =	sdelay $0x7  }
0xd6: {  	[tilespmem:v7+s8+$0x0] =	vst.idx.add.f32.msk $0xffff, v6  }
0xd7: {  	v7 =	vld [tilespmem:$0x2C0];
	_ =	sdelay $0x7  }
0xd8: {  	[tilespmem:v7+s8+$0x0] =	vst.idx.add.f32.msk $0xffff, v6  }
0xd9: {  	[spmem:s3] =	stream.indirect.scatter.add.f32 [tilespmem:s4], [sflag:$0x7], $0x80, s0, s25, $0xb8;
	[tilespmem:$0x1E600] =	vst v63  }
0xda: {  	p1 =	sne.s32 s17, $0x492;
	_ =	swait.ge [sflag:s13], $0x2800  }
.Ltmp2:
0xdb: {  	s19 =	rddreg [dreg:$0x7];
	[sflag:s13] =	ssyncset.done $0x0;
	(pc) =	sbr.rel @p1 .LBB2_6-.Ltmp2, $4  }
0xdc: {  	s20 =	rddreg [dreg:$0x6];
	[sflag:s13] =	ssyncadd.s32 $0xFFFFD800;
	s19 =	sadd.s32 s17, s19  }
0xdd: {  	[tilespmem:s31], [sflag:$0x6] =	stream.linear.gather [hbm4b:s19+s6], $0x50, $0x38;
	[tilespmem:$0x1E600] =	vst v63  }
0xde: {  	s18 =	sadd.s32 $0xF0, s18;
	s20 =	sadd.s32 s17, s20;
	s17 =	sadd.s32 $0x1E, s17  }
0xdf: {  	[tilespmem:s0], [sflag:$0x6] =	stream.linear.gather [hbm4b:s20+s6], $0x50, $0x38;
	[tilespmem:$0x1E600] =	vst v63  }
0xe0: {  	_ =	swait.ge [sflag:s5], $0x50  }
0xe1: {  	[sflag:s5] =	ssyncset.done $0x0  }
0xe2: {  	[sflag:s5] =	ssyncadd.s32 $0xFFFFFFB0  }
0xe3: {  	_ =	swait.ge [sflag:s5], $0x50  }
0xe4: {  	[sflag:s5] =	ssyncset.done $0x0  }
0xe5: {  	[sflag:s5] =	ssyncadd.s32 $0xFFFFFFB0  }
0xe6: {  	[tilespmem:s4], [sflag:$0x3] =	stream.indirect.gather [hbm4b:s1+s25], $0x80, s31, s25, $0xb8;
	[tilespmem:$0x1E600] =	vst v63  }
0xe7: {  	_ =	swait.ge [sflag:s7], $0x2800  }
0xe8: {  	[sflag:s7] =	ssyncset.done $0x0  }
0xe9: {  	[sflag:s7] =	ssyncadd.s32 $0xFFFFD800  }
0xea: {  	v7 =	vld [tilespmem:$0x180];
	_ =	sdelay $0x7  }
0xeb: {  	[tilespmem:v7+s8+$0x0] =	vst.idx.add.f32.msk $0xffff, v6  }
0xec: {  	v7 =	vld [tilespmem:$0x190];
	_ =	sdelay $0x7  }
0xed: {  	[tilespmem:v7+s8+$0x0] =	vst.idx.add.f32.msk $0xffff, v6  }
0xee: {  	v7 =	vld [tilespmem:$0x1A0];
	_ =	sdelay $0x7  }
0xef: {  	[tilespmem:v7+s8+$0x0] =	vst.idx.add.f32.msk $0xffff, v6  }
0xf0: {  	v7 =	vld [tilespmem:$0x1B0];
	_ =	sdelay $0x7  }
0xf1: {  	[tilespmem:v7+s8+$0x0] =	vst.idx.add.f32.msk $0xffff, v6  }
0xf2: {  	v7 =	vld [tilespmem:$0x1C0];
	_ =	sdelay $0x7  }
0xf3: {  	[tilespmem:v7+s8+$0x0] =	vst.idx.add.f32.msk $0xffff, v6  }
0xf4: {  	[spmem:s3] =	stream.indirect.scatter.add.f32 [tilespmem:s12], [sflag:$0x7], $0x80, s11, s25, $0xb8;
	[tilespmem:$0x1E600] =	vst v63  }
0xf5: {  	_ =	swait.ge [sflag:s13], $0x2800  }
0xf6: {  	[sflag:s13] =	ssyncset.done $0x0  }
0xf7: {  	s17 =	simm.s32 $0x0;
	s18 =	rddreg [dreg:$0x1d];
	[sflag:s13] =	ssyncadd.s32 $0xFFFFD800  }
0xf8: {  	[tilespmem:s17], [sflag:$0x4] =	stream.linear.gather [hbm4b:s18+s17], $0x50, $0x38;
	[tilespmem:$0x1E600] =	vst v63  }
0xf9: {  	s20 =	rddreg [dreg:$0x1e]  }
0xfa: {  	[tilespmem:s11], [sflag:$0x4] =	stream.linear.gather [hbm4b:s20+s17], $0x50, $0x38;
	[tilespmem:$0x1E600] =	vst v63  }
0xfb: {  	_ =	swait.ge [sflag:s14], $0x50  }
0xfc: {  	[sflag:s14] =	ssyncset.done $0x0  }
0xfd: {  	[sflag:s14] =	ssyncadd.s32 $0xFFFFFFB0  }
0xfe: {  	_ =	swait.ge [sflag:s14], $0x50  }
0xff: {  	[sflag:s14] =	ssyncset.done $0x0  }
0x100: {  	[sflag:s14] =	ssyncadd.s32 $0xFFFFFFB0  }
0x101: {  	[tilespmem:s12], [sflag:$0x1] =	stream.indirect.gather [hbm4b:s1+s25], $0x80, s17, s25, $0xb8;
	[tilespmem:$0x1E600] =	vst v63  }
0x102: {  	_ =	swait.ge [sflag:s9], $0x2800  }
0x103: {  	[sflag:s9] =	ssyncset.done $0x0  }
0x104: {  	[sflag:s9] =	ssyncadd.s32 $0xFFFFD800  }
0x105: {  	v7 =	vld [tilespmem:$0x200];
	_ =	sdelay $0x7  }
0x106: {  	[tilespmem:v7+s8+$0x0] =	vst.idx.add.f32.msk $0xffff, v6  }
0x107: {  	v7 =	vld [tilespmem:$0x210];
	_ =	sdelay $0x7  }
0x108: {  	[tilespmem:v7+s8+$0x0] =	vst.idx.add.f32.msk $0xffff, v6  }
0x109: {  	v7 =	vld [tilespmem:$0x220];
	_ =	sdelay $0x7  }
0x10a: {  	[tilespmem:v7+s8+$0x0] =	vst.idx.add.f32.msk $0xffff, v6  }
0x10b: {  	v7 =	vld [tilespmem:$0x230];
	_ =	sdelay $0x7  }
0x10c: {  	[tilespmem:v7+s8+$0x0] =	vst.idx.add.f32.msk $0xffff, v6  }
0x10d: {  	v7 =	vld [tilespmem:$0x240];
	_ =	sdelay $0x7  }
0x10e: {  	[tilespmem:v7+s8+$0x0] =	vst.idx.add.f32.msk $0xffff, v6  }
0x10f: {  	[spmem:s3] =	stream.indirect.scatter.add.f32 [tilespmem:s30], [sflag:$0x7], $0x80, s28, s25, $0xb8;
	[tilespmem:$0x1E600] =	vst v63  }
0x110: {  	_ =	swait.ge [sflag:s13], $0x2800  }
0x111: {  	[sflag:s13] =	ssyncset.done $0x0;
	s19 =	rddreg [dreg:$0x1f]  }
0x112: {  	s20 =	sld [smem:$0x7FA];
	[sflag:s13] =	ssyncadd.s32 $0xFFFFD800  }
0x113: {  	[tilespmem:s26], [sflag:$0x5] =	stream.linear.gather [hbm4b:s19+s17], $0x50, $0x38;
	[tilespmem:$0x1E600] =	vst v63  }
0x114: {  	_ = 	snop  }
0x115: {  	[tilespmem:s28], [sflag:$0x5] =	stream.linear.gather [hbm4b:s20+s17], $0x50, $0x38;
	[tilespmem:$0x1E600] =	vst v63  }
0x116: {  	_ =	swait.ge [sflag:s29], $0x50  }
0x117: {  	[sflag:s29] =	ssyncset.done $0x0  }
0x118: {  	[sflag:s29] =	ssyncadd.s32 $0xFFFFFFB0  }
0x119: {  	_ =	swait.ge [sflag:s29], $0x50  }
0x11a: {  	[sflag:s29] =	ssyncset.done $0x0  }
0x11b: {  	[sflag:s29] =	ssyncadd.s32 $0xFFFFFFB0  }
0x11c: {  	[tilespmem:s30], [sflag:$0x2] =	stream.indirect.gather [hbm4b:s1+s25], $0x80, s26, s25, $0xb8;
	[tilespmem:$0x1E600] =	vst v63  }
0x11d: {  	_ =	swait.ge [sflag:s10], $0x2800  }
0x11e: {  	[sflag:s10] =	ssyncset.done $0x0  }
0x11f: {  	[sflag:s10] =	ssyncadd.s32 $0xFFFFD800  }
0x120: {  	v7 =	vld [tilespmem:$0x280];
	_ =	sdelay $0x7  }
0x121: {  	[tilespmem:v7+s8+$0x0] =	vst.idx.add.f32.msk $0xffff, v6  }
0x122: {  	v7 =	vld [tilespmem:$0x290];
	_ =	sdelay $0x7  }
0x123: {  	[tilespmem:v7+s8+$0x0] =	vst.idx.add.f32.msk $0xffff, v6  }
0x124: {  	v7 =	vld [tilespmem:$0x2A0];
	_ =	sdelay $0x7  }
0x125: {  	[tilespmem:v7+s8+$0x0] =	vst.idx.add.f32.msk $0xffff, v6  }
0x126: {  	v7 =	vld [tilespmem:$0x2B0];
	_ =	sdelay $0x7  }
0x127: {  	[tilespmem:v7+s8+$0x0] =	vst.idx.add.f32.msk $0xffff, v6  }
0x128: {  	v7 =	vld [tilespmem:$0x2C0];
	_ =	sdelay $0x7  }
0x129: {  	[tilespmem:v7+s8+$0x0] =	vst.idx.add.f32.msk $0xffff, v6  }
0x12a: {  	[spmem:s3] =	stream.indirect.scatter.add.f32 [tilespmem:s4], [sflag:$0x7], $0x80, s0, s25, $0xb8;
	[tilespmem:$0x1E600] =	vst v63  }
0x12b: {  	_ =	swait.ge [sflag:s13], $0x2800  }
0x12c: {  	[sflag:s13] =	ssyncset.done $0x0  }
0x12d: {  	[sflag:s13] =	ssyncadd.s32 $0xFFFFD800  }
0x12e: {  	_ =	swait.ge [sflag:s7], $0x2800  }
0x12f: {  	[sflag:s7] =	ssyncset.done $0x0  }
0x130: {  	[sflag:s7] =	ssyncadd.s32 $0xFFFFD800  }
0x131: {  	v7 =	vld [tilespmem:$0x180];
	_ =	sdelay $0x7  }
0x132: {  	[tilespmem:v7+s8+$0x0] =	vst.idx.add.f32.msk $0xffff, v6  }
0x133: {  	v7 =	vld [tilespmem:$0x190];
	_ =	sdelay $0x7  }
0x134: {  	[tilespmem:v7+s8+$0x0] =	vst.idx.add.f32.msk $0xffff, v6  }
0x135: {  	v7 =	vld [tilespmem:$0x1A0];
	_ =	sdelay $0x7  }
0x136: {  	[tilespmem:v7+s8+$0x0] =	vst.idx.add.f32.msk $0xffff, v6  }
0x137: {  	v7 =	vld [tilespmem:$0x1B0];
	_ =	sdelay $0x7  }
0x138: {  	[tilespmem:v7+s8+$0x0] =	vst.idx.add.f32.msk $0xffff, v6  }
0x139: {  	v7 =	vld [tilespmem:$0x1C0];
	_ =	sdelay $0x7  }
0x13a: {  	[tilespmem:v7+s8+$0x0] =	vst.idx.add.f32.msk $0xffff, v6  }
0x13b: {  	[spmem:s3] =	stream.indirect.scatter.add.f32 [tilespmem:s12], [sflag:$0x7], $0x80, s11, s25, $0xb8;
	[tilespmem:$0x1E600] =	vst v63  }
0x13c: {  	_ =	swait.ge [sflag:s13], $0x2800  }
0x13d: {  	[sflag:s13] =	ssyncset.done $0x0  }
0x13e: {  	[sflag:s13] =	ssyncadd.s32 $0xFFFFD800  }
0x13f: {  	_ =	swait.ge [sflag:s9], $0x2800  }
0x140: {  	[sflag:s9] =	ssyncset.done $0x0  }
0x141: {  	[sflag:s9] =	ssyncadd.s32 $0xFFFFD800  }
0x142: {  	v7 =	vld [tilespmem:$0x200];
	_ =	sdelay $0x7  }
0x143: {  	[tilespmem:v7+s8+$0x0] =	vst.idx.add.f32.msk $0xffff, v6  }
0x144: {  	v7 =	vld [tilespmem:$0x210];
	_ =	sdelay $0x7  }
0x145: {  	[tilespmem:v7+s8+$0x0] =	vst.idx.add.f32.msk $0xffff, v6  }
0x146: {  	v7 =	vld [tilespmem:$0x220];
	_ =	sdelay $0x7  }
0x147: {  	[tilespmem:v7+s8+$0x0] =	vst.idx.add.f32.msk $0xffff, v6  }
0x148: {  	v7 =	vld [tilespmem:$0x230];
	_ =	sdelay $0x7  }
0x149: {  	[tilespmem:v7+s8+$0x0] =	vst.idx.add.f32.msk $0xffff, v6  }
0x14a: {  	v7 =	vld [tilespmem:$0x240];
	_ =	sdelay $0x7  }
0x14b: {  	[tilespmem:v7+s8+$0x0] =	vst.idx.add.f32.msk $0xffff, v6  }
0x14c: {  	[spmem:s3] =	stream.indirect.scatter.add.f32 [tilespmem:s30], [sflag:$0x7], $0x80, s28, s25, $0xb8;
	[tilespmem:$0x1E600] =	vst v63  }
0x14d: {  	_ =	swait.ge [sflag:s13], $0x2800  }
0x14e: {  	[sflag:s13] =	ssyncset.done $0x0  }
0x14f: {  	[sflag:s13] =	ssyncadd.s32 $0xFFFFD800  }
0x150: {  	s17 =	simm.s32 $0x0;
	[bflag:$0x0] =	sbarrier.arrive $0xFFFF  }
0x151: {  	v10 =	vld [tilespmem:s17+$0x1BB70]  }
0x152: {  	v11 =	vld [tilespmem:s17+$0x1BB00]  }
0x153: {  	v12 =	vld [tilespmem:s17+$0x1BB10]  }
0x154: {  	v9 =	vld [tilespmem:s17+$0x1BB20]  }
0x155: {  	v7 =	vld [tilespmem:s17+$0x1BB30]  }
0x156: {  	v8 =	vld [tilespmem:s17+$0x1BB40];
	[tilespmem:s17+$0x2B70] =	vst v10  }
0x157: {  	[tilespmem:s17+$0x2B00] =	vst v11;
	v10 =	vld [tilespmem:s17+$0x1BB50]  }
0x158: {  	s18 =	simm.s32 $0x80;
	s19 =	simm.s32 $0x400;
	[tilespmem:s17+$0x2B10] =	vst v12;
	v11 =	vld [tilespmem:s17+$0x1BB60]  }
.LBB2_8:
0x159: {  	p1 =	sne.s32 s19, $0x9E00;
	v12 =	vld [tilespmem:s18+$0x1BB70];
	[tilespmem:s17+$0x2B20] =	vst v9  }
0x15a: {  	v13 =	vld [tilespmem:s18+$0x1BB00];
	[tilespmem:s17+$0x2B30] =	vst v7  }
0x15b: {  	v14 =	vld [tilespmem:s18+$0x1BB10];
	[tilespmem:s17+$0x2B40] =	vst v8  }
.Ltmp3:
0x15c: {  	v9 =	vld [tilespmem:s18+$0x1BB20];
	[tilespmem:s17+$0x2B50] =	vst v10;
	(pc) =	sbr.rel @p1 .LBB2_8-.Ltmp3, $4  }
0x15d: {  	v7 =	vld [tilespmem:s18+$0x1BB30];
	[tilespmem:s17+$0x2B60] =	vst v11;
	s17 =	smov.u32 s18  }
0x15e: {  	v8 =	vld [tilespmem:s17+$0x1BB40];
	[tilespmem:s17+$0x2B70] =	vst v12  }
0x15f: {  	[tilespmem:s17+$0x2B00] =	vst v13;
	v10 =	vld [tilespmem:s17+$0x1BB50]  }
0x160: {  	s18 =	sshra.s32 s19, $0x2;
	s19 =	sadd.s32 $0x200, s19;
	[tilespmem:s17+$0x2B10] =	vst v14;
	v11 =	vld [tilespmem:s17+$0x1BB60]  }
0x161: {  	v12 =	vld [tilespmem:s18+$0x1BB70];
	[tilespmem:s17+$0x2B20] =	vst v9  }
0x162: {  	v9 =	vld [tilespmem:s18+$0x1BB00];
	[tilespmem:s17+$0x2B30] =	vst v7  }
0x163: {  	v7 =	vld [tilespmem:s18+$0x1BB10];
	[tilespmem:s17+$0x2B40] =	vst v8  }
0x164: {  	v8 =	vld [tilespmem:s18+$0x1BB20];
	[tilespmem:s17+$0x2B50] =	vst v10  }
0x165: {  	v10 =	vld [tilespmem:s18+$0x1BB30];
	[tilespmem:s17+$0x2B60] =	vst v11  }
0x166: {  	v11 =	vld [tilespmem:s18+$0x1BB40];
	[tilespmem:s18+$0x2B70] =	vst v12  }
0x167: {  	v63 =	vld [tilespmem:s18+$0x1BB50];
	[tilespmem:s18+$0x2B00] =	vst v9  }
0x168: {  	[tilespmem:s18+$0x2B10] =	vst v7;
	v7 =	vld [tilespmem:s18+$0x1BB60]  }
0x169: {  	[tilespmem:s18+$0x2B20] =	vst v8  }
0x16a: {  	[tilespmem:s18+$0x2B30] =	vst v10  }
0x16b: {  	[tilespmem:s18+$0x2B40] =	vst v11  }
0x16c: {  	[tilespmem:s18+$0x2B50] =	vst v63  }
0x16d: {  	s19 =	rddreg [dreg:$0x4];
	s20 =	simm.s32 $0x1E580;
	[tilespmem:s18+$0x2B60] =	vst v7  }
0x16e: {  	[spmem:s19] =	stream.indirect.scatter.add.f32 [tilespmem:s30], [sflag:$0x7], $0x80, s20, s25, $0xb8;
	[tilespmem:$0x1E600] =	vst v63  }
0x16f: {  	_ =	swait.ge [sflag:s13], $0x2800  }
0x170: {  	[sflag:s13] =	ssyncset.done $0x0  }
0x171: {  	[sflag:s13] =	ssyncadd.s32 $0xFFFFD800  }
0x172: {  	[bflag:$0x0] =	sbarrier.arrive $0xFFFF  }
0x173: {  	[tilespmem:s12], [sflag:$0x7] =	stream.linear.gather [spmem:s21], $0x2800, $0x38;
	[tilespmem:$0x1E600] =	vst v63  }
0x174: {  	_ =	swait.ge [sflag:s13], $0x2800  }
0x175: {  	[sflag:s13] =	ssyncset.done $0x0  }
0x176: {  	s19 =	rddreg [dreg:$0xa];
	[sflag:s13] =	ssyncadd.s32 $0xFFFFD800  }
0x177: {  	[hbm4b:s19+s6] =	stream.linear.scatter [tilespmem:s12], [sflag:$0x7], $0x2800, $0x38;
	[tilespmem:$0x1E600] =	vst v63  }
0x178: {  	_ =	swait.ge [sflag:s13], $0x2800  }
0x179: {  	[sflag:s13] =	ssyncset.done $0x0  }
0x17a: {  	s20 =	smov.u32 s21;
	s21 =	rddreg [dreg:$0x12];
	[sflag:s13] =	ssyncadd.s32 $0xFFFFD800  }
0x17b: {  	[tilespmem:s12], [sflag:$0x7] =	stream.linear.gather [spmem:s21], $0x2800, $0x38;
	[tilespmem:$0x1E600] =	vst v63  }
0x17c: {  	_ =	swait.ge [sflag:s13], $0x2800  }
0x17d: {  	[sflag:s13] =	ssyncset.done $0x0  }
0x17e: {  	s18 =	rddreg [dreg:$0xb];
	[sflag:s13] =	ssyncadd.s32 $0xFFFFD800  }
0x17f: {  	[hbm4b:s18+s6] =	stream.linear.scatter [tilespmem:s12], [sflag:$0x7], $0x2800, $0x38;
	[tilespmem:$0x1E600] =	vst v63  }
0x180: {  	_ =	swait.ge [sflag:s13], $0x2800  }
0x181: {  	[sflag:s13] =	ssyncset.done $0x0  }
0x182: {  	s19 =	rddreg [dreg:$0x13];
	[sflag:s13] =	ssyncadd.s32 $0xFFFFD800  }
0x183: {  	[tilespmem:s12], [sflag:$0x7] =	stream.linear.gather [spmem:s19], $0x2800, $0x38;
	[tilespmem:$0x1E600] =	vst v63  }
0x184: {  	_ =	swait.ge [sflag:s13], $0x2800  }
0x185: {  	[sflag:s13] =	ssyncset.done $0x0  }
0x186: {  	s21 =	rddreg [dreg:$0xc];
	[sflag:s13] =	ssyncadd.s32 $0xFFFFD800  }
0x187: {  	[hbm4b:s21+s6] =	stream.linear.scatter [tilespmem:s12], [sflag:$0x7], $0x2800, $0x38;
	[tilespmem:$0x1E600] =	vst v63  }
0x188: {  	_ =	swait.ge [sflag:s13], $0x2800  }
0x189: {  	[sflag:s13] =	ssyncset.done $0x0  }
0x18a: {  	s18 =	rddreg [dreg:$0x14];
	[sflag:s13] =	ssyncadd.s32 $0xFFFFD800  }
0x18b: {  	[tilespmem:s12], [sflag:$0x7] =	stream.linear.gather [spmem:s18], $0x2800, $0x38;
	[tilespmem:$0x1E600] =	vst v63  }
0x18c: {  	_ =	swait.ge [sflag:s13], $0x2800  }
0x18d: {  	[sflag:s13] =	ssyncset.done $0x0  }
0x18e: {  	s19 =	rddreg [dreg:$0xd];
	[sflag:s13] =	ssyncadd.s32 $0xFFFFD800  }
0x18f: {  	[hbm4b:s19+s6] =	stream.linear.scatter [tilespmem:s12], [sflag:$0x7], $0x2800, $0x38;
	[tilespmem:$0x1E600] =	vst v63  }
0x190: {  	_ =	swait.ge [sflag:s13], $0x2800  }
0x191: {  	[sflag:s13] =	ssyncset.done $0x0  }
0x192: {  	s21 =	rddreg [dreg:$0x15];
	[sflag:s13] =	ssyncadd.s32 $0xFFFFD800  }
0x193: {  	[tilespmem:s12], [sflag:$0x7] =	stream.linear.gather [spmem:s21], $0x2800, $0x38;
	[tilespmem:$0x1E600] =	vst v63  }
0x194: {  	_ =	swait.ge [sflag:s13], $0x2800  }
0x195: {  	[sflag:s13] =	ssyncset.done $0x0  }
0x196: {  	s18 =	rddreg [dreg:$0xe];
	[sflag:s13] =	ssyncadd.s32 $0xFFFFD800  }
0x197: {  	[hbm4b:s18+s6] =	stream.linear.scatter [tilespmem:s12], [sflag:$0x7], $0x2800, $0x38;
	[tilespmem:$0x1E600] =	vst v63  }
0x198: {  	_ =	swait.ge [sflag:s13], $0x2800  }
0x199: {  	[sflag:s13] =	ssyncset.done $0x0  }
0x19a: {  	s19 =	rddreg [dreg:$0x16];
	[sflag:s13] =	ssyncadd.s32 $0xFFFFD800  }
0x19b: {  	[tilespmem:s12], [sflag:$0x7] =	stream.linear.gather [spmem:s19], $0x2800, $0x38;
	[tilespmem:$0x1E600] =	vst v63  }
0x19c: {  	_ =	swait.ge [sflag:s13], $0x2800  }
0x19d: {  	[sflag:s13] =	ssyncset.done $0x0  }
0x19e: {  	s21 =	rddreg [dreg:$0xf];
	[sflag:s13] =	ssyncadd.s32 $0xFFFFD800  }
0x19f: {  	[hbm4b:s21+s6] =	stream.linear.scatter [tilespmem:s12], [sflag:$0x7], $0x2800, $0x38;
	[tilespmem:$0x1E600] =	vst v63  }
0x1a0: {  	_ =	swait.ge [sflag:s13], $0x2800  }
0x1a1: {  	[sflag:s13] =	ssyncset.done $0x0  }
0x1a2: {  	[sflag:s13] =	ssyncadd.s32 $0xFFFFD800  }
0x1a3: {  	[tilespmem:s12], [sflag:$0x7] =	stream.linear.gather [spmem:s22], $0x2800, $0x38;
	[tilespmem:$0x1E600] =	vst v63  }
0x1a4: {  	_ =	swait.ge [sflag:s13], $0x2800  }
0x1a5: {  	[sflag:s13] =	ssyncset.done $0x0  }
0x1a6: {  	s18 =	rddreg [dreg:$0x10];
	[sflag:s13] =	ssyncadd.s32 $0xFFFFD800  }
0x1a7: {  	[hbm4b:s18+s6] =	stream.linear.scatter [tilespmem:s12], [sflag:$0x7], $0x2800, $0x38;
	[tilespmem:$0x1E600] =	vst v63  }
0x1a8: {  	_ =	swait.ge [sflag:s13], $0x2800  }
0x1a9: {  	[sflag:s13] =	ssyncset.done $0x0  }
0x1aa: {  	[sflag:s13] =	ssyncadd.s32 $0xFFFFD800  }
0x1ab: {  	[tilespmem:s12], [sflag:$0x7] =	stream.linear.gather [spmem:s23], $0x2800, $0x38;
	[tilespmem:$0x1E600] =	vst v63  }
0x1ac: {  	_ =	swait.ge [sflag:s13], $0x2800  }
0x1ad: {  	[sflag:s13] =	ssyncset.done $0x0  }
0x1ae: {  	s19 =	rddreg [dreg:$0x11];
	[sflag:s13] =	ssyncadd.s32 $0xFFFFD800  }
0x1af: {  	[hbm4b:s19+s6] =	stream.linear.scatter [tilespmem:s12], [sflag:$0x7], $0x2800, $0x38;
	[tilespmem:$0x1E600] =	vst v63  }
0x1b0: {  	_ =	swait.ge [sflag:s13], $0x2800  }
0x1b1: {  	[sflag:s13] =	ssyncset.done $0x0  }
0x1b2: {  	s17 =	simm.s32 @!p0 $0x2B00;
	s18 =	simm.s32 @!p0 $0x7;
	[sflag:s13] =	ssyncadd.s32 $0xFFFFD800  }
0x1b3: {  	[tilespmem:s17], [sflag:$0x7] =	stream.linear.gather @!p0 [spmem:s24], $0x400, $0x38;
	[tilespmem:$0x1E600] =	vst v63  }
0x1b4: {  	_ =	swait.ge @!p0 [sflag:s18], $0x400  }
0x1b5: {  	s21 =	sld [smem:$0x7FB]  }
0x1b6: {  	[sflag:s18] =	ssyncset.done @!p0 $0x0  }
0x1b7: {  	s19 =	simm.s32 @!p0 $0x0;
	[sflag:s18] =	ssyncadd.s32 @!p0 $0xFFFFFC00  }
0x1b8: {  	[hbm4b:s21+s19] =	stream.linear.scatter @!p0 [tilespmem:s17], [sflag:$0x7], $0x400, $0x38;
	[tilespmem:$0x1E600] =	vst v63  }
0x1b9: {  	_ =	swait.ge @!p0 [sflag:s18], $0x400  }
0x1ba: {  	s21 =	sld [smem:$0x7FC];
	_ =	sdelay $0x1  }
0x1bb: {  	s16 =	sadd.s32 $0x1, s16  }
0x1bc: {  	p1 =	sne.s32 s16, s21  }
.Ltmp4:
0x1bd: {  	_ = 	snop;
	(pc) =	sbr.rel @p1 .LBB2_1-.Ltmp4, $3  }
0x1be: {  	_ =	sdelay $0x1  }
0x1bf: {  	[sflag:s18] =	ssyncset.done @!p0 $0x0  }
0x1c0: {  	[sflag:s18] =	ssyncadd.s32 @!p0 $0xFFFFFC00  }
0x1c1: {  	_ =	sfence.sel $0x180000  }
0x1c2: {  	[bflag:$0x0] =	sbarrier.arrive $0xFFFF  }
0x1c3: {  	_ =	strace $0x90000047  }
0x1c4: {  	s0 =	stileid.u32;
	[bflag:$0x2] =	sbarrier.arrive $0xFFFF  }
0x1c5: {  	p0 =	sne.s32 s0, $0x0;
	s0 =	rddreg [dreg:$0x5]  }
0x1c6: {  	s0 =	sadd.s32 @!p0 $0x100000, s0  }
0x1c7: {  	[sflag:s0] =	ssyncadd.tile.s32 @!p0 $0x1;
	_ =	shalt  }
.Lfunc_end2:
_tile_overlayer_lowered:
.L_overlay_start_2:
0x1c8: {  	(tag) =	ssettag $0x2  }
0x1c9: {  	s0 =	rddreg [dreg:$0x0];
	s2 =	stileid.u32  }
0x1ca: {  	s1 =	rddreg [dreg:$0x1];
	p0 =	sne.s32 s2, $0x0  }
0x1cb: {  	s3 =	rddreg [dreg:$0x2];
	[bflag:$0x3] =	sbarrier.arrive $0xFFFF;
	s2 =	simm.s32 @!p0 $0x1C07  }
0x1cc: {  	[timem:s3], [sflag:s2] =	dma.local @!p0 [hbm:s0], s1  }
0x1cd: {  	s0 =	simm.s32 @!p0 $0x7  }
0x1ce: {  	_ =	swait.ge @!p0 [sflag:s0], s1  }
0x1cf: {  	s1 =	ssub.s32 @!p0 $0x0, s1;
	[sflag:s0] =	ssyncset.done @!p0 $0x0  }
0x1d0: {  	[sflag:s0] =	ssyncadd.s32 @!p0 s1  }
0x1d1: {  	[bflag:$0x3] =	sbarrier.arrive $0xFFFF  }
0x1d2: {  	_ =	shalt  }

</sc_bundles>
